<compile_context>
chip_gen: v7x
topology: tpu7x:2x2x1
jax: 0.10.2.dev20260603
libtpu: 0.0.44.dev20260713+nightly
codegen_flags: <defaults>
</compile_context>

<pallas_src>
import functools

import jax
import jax.numpy as jnp
from jax import lax
from jax.experimental import pallas as pl
from jax.experimental.pallas import tpu as pltpu
from jax.experimental.pallas import tpu_sc as plsc

B, L, V, E, H, OUT = 64, 200, 100000, 128, 512, 2
G4 = 4 * H
TS = 10
NB = L // TS


def _sc_gather(table, idx):
    n = idx.shape[0]
    d = table.shape[1]
    info = plsc.get_sparse_core_info()
    nw = info.num_cores * info.num_subcores
    n_per_w = n // nw

    mesh = plsc.VectorSubcoreMesh(core_axis_name="c", subcore_axis_name="s")

    @functools.partial(
        pl.kernel,
        mesh=mesh,
        out_type=jax.ShapeDtypeStruct((n, d), jnp.float32),
        scratch_types=[
            pltpu.VMEM((n_per_w,), jnp.int32),
            pltpu.VMEM((n_per_w, d), jnp.float32),
            pltpu.SemaphoreType.DMA,
        ],
    )
    def gath(table_hbm, idx_hbm, out_hbm, idx_v, rows_v, sem):
        wid = lax.axis_index("s") * info.num_cores + lax.axis_index("c")
        base = wid * n_per_w
        pltpu.sync_copy(idx_hbm.at[pl.ds(base, n_per_w)], idx_v)
        pltpu.async_copy(table_hbm.at[idx_v], rows_v, sem).wait()
        pltpu.sync_copy(rows_v, out_hbm.at[pl.ds(base, n_per_w)])

    return gath(table, idx)


def _lstm_step(g_ref, wh_ref, h_s, c_s, o_ref):
    hb = h_s[...].astype(jnp.bfloat16)

    def gate(k):
        return g_ref[:, k * H:(k + 1) * H].astype(jnp.float32) + (
            lax.dot_general(hb, wh_ref[k * H:(k + 1) * H, :],
                            (((1,), (1,)), ((), ())),
                            preferred_element_type=jnp.float32))

    i = jax.nn.sigmoid(gate(0))
    f = jax.nn.sigmoid(gate(1))
    gg = jnp.tanh(gate(2))
    o = jax.nn.sigmoid(gate(3))
    c = f * c_s[...] + i * gg
    h = o * jnp.tanh(c)
    c_s[...] = c
    h_s[...] = h
    o_ref[...] = h.astype(o_ref.dtype)


def _rec0_body(xf_ref, xr_ref, wi_f_ref, wi_r_ref, whf_ref, whr_ref,
               bf_ref, br_ref, of_ref, or_ref, gf, gr, hf, cf, hr, cr):
    t = pl.program_id(0)

    @pl.when(t == 0)
    def _():
        hf[...] = jnp.zeros_like(hf)
        cf[...] = jnp.zeros_like(cf)
        hr[...] = jnp.zeros_like(hr)
        cr[...] = jnp.zeros_like(cr)

    gf[...] = (jnp.dot(xf_ref[...].reshape(TS * B, E), wi_f_ref[...],
                       preferred_element_type=jnp.float32)
               + bf_ref[...]).astype(gf.dtype)
    gr[...] = (jnp.dot(xr_ref[...].reshape(TS * B, E), wi_r_ref[...],
                       preferred_element_type=jnp.float32)
               + br_ref[...]).astype(gr.dtype)

    for j in range(TS):
        _lstm_step(gf.at[pl.ds(j * B, B)], whf_ref, hf, cf, of_ref.at[j])
        jr = TS - 1 - j
        _lstm_step(gr.at[pl.ds(jr * B, B)], whr_ref, hr, cr,
                   or_ref.at[jr])


def _rec0(x, wi_f, wi_r, whh_f, whh_r, bias_f, bias_r):
    return pl.pallas_call(
        _rec0_body,
        grid=(NB,),
        in_specs=[
            pl.BlockSpec((TS, B, E), lambda t: (t, 0, 0)),
            pl.BlockSpec((TS, B, E), lambda t: (NB - 1 - t, 0, 0)),
            pl.BlockSpec((E, G4), lambda t: (0, 0)),
            pl.BlockSpec((E, G4), lambda t: (0, 0)),
            pl.BlockSpec((G4, H), lambda t: (0, 0)),
            pl.BlockSpec((G4, H), lambda t: (0, 0)),
            pl.BlockSpec((1, G4), lambda t: (0, 0)),
            pl.BlockSpec((1, G4), lambda t: (0, 0)),
        ],
        out_specs=[
            pl.BlockSpec((TS, B, H), lambda t: (t, 0, 0)),
            pl.BlockSpec((TS, B, H), lambda t: (NB - 1 - t, 0, 0)),
        ],
        out_shape=[
            jax.ShapeDtypeStruct((L, B, H), jnp.bfloat16),
            jax.ShapeDtypeStruct((L, B, H), jnp.bfloat16),
        ],
        scratch_shapes=[
            pltpu.VMEM((TS * B, G4), jnp.bfloat16),
            pltpu.VMEM((TS * B, G4), jnp.bfloat16),
            pltpu.VMEM((B, H), jnp.float32),
            pltpu.VMEM((B, H), jnp.float32),
            pltpu.VMEM((B, H), jnp.float32),
            pltpu.VMEM((B, H), jnp.float32),
        ],
        compiler_params=pltpu.CompilerParams(
            dimension_semantics=("arbitrary",),
        ),
    )(x, x, wi_f, wi_r, whh_f, whh_r, bias_f, bias_r)


def _rec1_body(af_ref, bf2_ref, ar_ref, br2_ref,
               wia_f_ref, wib_f_ref, wia_r_ref, wib_r_ref,
               whf_ref, whr_ref, bf_ref, br_ref,
               of_ref, or_ref, gf, gr, hf, cf, hr, cr):
    t = pl.program_id(0)

    @pl.when(t == 0)
    def _():
        hf[...] = jnp.zeros_like(hf)
        cf[...] = jnp.zeros_like(cf)
        hr[...] = jnp.zeros_like(hr)
        cr[...] = jnp.zeros_like(cr)

    gf[...] = (
        jnp.dot(af_ref[...].reshape(TS * B, H), wia_f_ref[...],
                preferred_element_type=jnp.float32)
        + jnp.dot(bf2_ref[...].reshape(TS * B, H), wib_f_ref[...],
                  preferred_element_type=jnp.float32)
        + bf_ref[...]).astype(gf.dtype)
    gr[...] = (
        jnp.dot(ar_ref[...].reshape(TS * B, H), wia_r_ref[...],
                preferred_element_type=jnp.float32)
        + jnp.dot(br2_ref[...].reshape(TS * B, H), wib_r_ref[...],
                  preferred_element_type=jnp.float32)
        + br_ref[...]).astype(gr.dtype)

    for j in range(TS):
        _lstm_step(gf.at[pl.ds(j * B, B)], whf_ref, hf, cf, of_ref.at[j])
        jr = TS - 1 - j
        _lstm_step(gr.at[pl.ds(jr * B, B)], whr_ref, hr, cr,
                   or_ref.at[jr])


def _rec1(h0f, h0r, wia_f, wib_f, wia_r, wib_r, whh_f, whh_r,
          bias_f, bias_r):
    blk = pl.BlockSpec((TS, B, H), lambda t: (t, 0, 0))
    blk_rev = pl.BlockSpec((TS, B, H), lambda t: (NB - 1 - t, 0, 0))
    wspec = pl.BlockSpec((H, G4), lambda t: (0, 0))
    return pl.pallas_call(
        _rec1_body,
        grid=(NB,),
        in_specs=[
            blk, blk, blk_rev, blk_rev,
            wspec, wspec, wspec, wspec,
            pl.BlockSpec((G4, H), lambda t: (0, 0)),
            pl.BlockSpec((G4, H), lambda t: (0, 0)),
            pl.BlockSpec((1, G4), lambda t: (0, 0)),
            pl.BlockSpec((1, G4), lambda t: (0, 0)),
        ],
        out_specs=[blk, blk_rev],
        out_shape=[
            jax.ShapeDtypeStruct((L, B, H), jnp.bfloat16),
            jax.ShapeDtypeStruct((L, B, H), jnp.bfloat16),
        ],
        scratch_shapes=[
            pltpu.VMEM((TS * B, G4), jnp.bfloat16),
            pltpu.VMEM((TS * B, G4), jnp.bfloat16),
            pltpu.VMEM((B, H), jnp.float32),
            pltpu.VMEM((B, H), jnp.float32),
            pltpu.VMEM((B, H), jnp.float32),
            pltpu.VMEM((B, H), jnp.float32),
        ],
        compiler_params=pltpu.CompilerParams(
            dimension_semantics=("arbitrary",),
        ),
    )(h0f, h0r, h0f, h0r, wia_f, wib_f, wia_r, wib_r,
      whh_f, whh_r, bias_f, bias_r)


def _attn_body(xf_ref, xr_ref, wa_ref, ba_ref, wf_ref, bf_ref,
               out_ref, aw_ref):
    bb = xf_ref.shape[1]
    xf = xf_ref[...].astype(jnp.float32)
    xr = xr_ref[...].astype(jnp.float32)
    wa = wa_ref[...]
    lg = (
        jnp.dot(xf.reshape(L * bb, H), wa[:, :H].T,
                preferred_element_type=jnp.float32)
        + jnp.dot(xr.reshape(L * bb, H), wa[:, H:].T,
                  preferred_element_type=jnp.float32)
    ).reshape(L, bb) + ba_ref[0, 0]
    m = jnp.max(lg, axis=0, keepdims=True)
    e = jnp.exp(lg - m)
    w = e / jnp.sum(e, axis=0, keepdims=True)
    aw_ref[...] = w.T
    ctx_f = jnp.sum(w[:, :, None] * xf, axis=0)
    ctx_r = jnp.sum(w[:, :, None] * xr, axis=0)
    wf = wf_ref[...]
    out_ref[...] = (
        jnp.dot(ctx_f, wf[:, :H].T, preferred_element_type=jnp.float32)
        + jnp.dot(ctx_r, wf[:, H:].T, preferred_element_type=jnp.float32)
        + bf_ref[...]
    )


def _attn(h_f, h_r, wa, ba, wf, bf, bb=16):
    return pl.pallas_call(
        _attn_body,
        grid=(B // bb,),
        in_specs=[
            pl.BlockSpec((L, bb, H), lambda b: (0, b, 0)),
            pl.BlockSpec((L, bb, H), lambda b: (0, b, 0)),
            pl.BlockSpec((1, 2 * H), lambda b: (0, 0)),
            pl.BlockSpec((1, 1), lambda b: (0, 0)),
            pl.BlockSpec((OUT, 2 * H), lambda b: (0, 0)),
            pl.BlockSpec((1, OUT), lambda b: (0, 0)),
        ],
        out_specs=[
            pl.BlockSpec((bb, OUT), lambda b: (b, 0)),
            pl.BlockSpec((bb, L), lambda b: (b, 0)),
        ],
        out_shape=[
            jax.ShapeDtypeStruct((B, OUT), jnp.float32),
            jax.ShapeDtypeStruct((B, L), jnp.float32),
        ],
        compiler_params=pltpu.CompilerParams(
            dimension_semantics=("parallel",),
        ),
    )(h_f, h_r, wa, ba.reshape(1, 1), wf, bf.reshape(1, OUT))


def kernel(text, wih_0f, whh_0f, bih_0f, bhh_0f, wih_0r, whh_0r, bih_0r,
           bhh_0r, wih_1f, whh_1f, bih_1f, bhh_1f, wih_1r, whh_1r, bih_1r,
           bhh_1r, emb, wa, ba, wf, bf):
    bf16 = jnp.bfloat16
    idx = text.T.reshape(-1).astype(jnp.int32)
    x0 = _sc_gather(emb, idx)

    hf0, hr0 = _rec0(
        x0.astype(bf16).reshape(L, B, E),
        wih_0f.T.astype(bf16), wih_0r.T.astype(bf16),
        whh_0f.astype(bf16), whh_0r.astype(bf16),
        (bih_0f + bhh_0f)[None, :], (bih_0r + bhh_0r)[None, :])

    hf1, hr1 = _rec1(
        hf0, hr0,
        wih_1f[:, :H].T.astype(bf16), wih_1f[:, H:].T.astype(bf16),
        wih_1r[:, :H].T.astype(bf16), wih_1r[:, H:].T.astype(bf16),
        whh_1f.astype(bf16), whh_1r.astype(bf16),
        (bih_1f + bhh_1f)[None, :], (bih_1r + bhh_1r)[None, :])

    out, aw = _attn(hf1, hr1, wa, ba, wf, bf)
    return out, aw.reshape(B, L, 1)

# --- scband reference (transcript-rebuilt; emitter-appended) ---
"""Pipeline reference for scband-attention-bi-lstm-28475633173094 (READ-ONLY COPY).

The authoritative reference and input builder live on the scoring server;
editing this copy changes nothing except your own understanding.
"""

import jax, jax.numpy as jnp
import numpy as np

B, L, V, E, H, OUT = 64, 200, 100000, 128, 512, 2


def setup_inputs(seed: int = 0):
    key = jax.random.key(seed)
    ks = jax.random.split(key, 16)
    s = 0.02
    inp = {}
    inp['text'] = jax.random.randint(ks[0], (B, L), 0, V)
    k = 1
    for l, din in enumerate([E, 2 * H]):
        for d in ('f', 'r'):
            inp['wih_%d%s' % (l, d)] = jax.random.normal(ks[k], (4 * H, din), jnp.float32) * s; k += 1
            inp['whh_%d%s' % (l, d)] = jax.random.normal(ks[k], (4 * H, H), jnp.float32) * s; k += 1
            inp['bih_%d%s' % (l, d)] = jnp.zeros((4 * H,), jnp.float32)
            inp['bhh_%d%s' % (l, d)] = jnp.zeros((4 * H,), jnp.float32)
    emb = jax.random.normal(ks[k], (V, E), jnp.float32) * s; k += 1
    inp['emb'] = emb.at[0].set(0.0)  # padding_idx=0
    inp['wa'] = jax.random.normal(ks[k], (1, 2 * H), jnp.float32) * s; k += 1
    inp['ba'] = jnp.zeros((1,), jnp.float32)
    inp['wf'] = jax.random.normal(ks[k], (OUT, 2 * H), jnp.float32) * s; k += 1
    inp['bf'] = jnp.zeros((OUT,), jnp.float32)
    return inp


def _lstm_dir(x, wih, whh, bih, bhh, reverse):
    Bsz = x.shape[0]
    h = whh.shape[1]
    xs = jnp.swapaxes(x, 0, 1)  # [L, B, D]
    if reverse:
        xs = xs[::-1]

    def step(carry, xt):
        hp, cp = carry
        g = xt @ wih.T + hp @ whh.T + bih + bhh
        i_, f_, g_, o_ = jnp.split(g, 4, axis=-1)  # PyTorch gate order i, f, g, o
        i_ = jax.nn.sigmoid(i_)
        f_ = jax.nn.sigmoid(f_)
        g_ = jnp.tanh(g_)
        o_ = jax.nn.sigmoid(o_)
        c = f_ * cp + i_ * g_
        hh = o_ * jnp.tanh(c)
        return (hh, c), hh

    init = (jnp.zeros((Bsz, h), x.dtype), jnp.zeros((Bsz, h), x.dtype))
    _, hs = jax.lax.scan(step, init, xs)
    if reverse:
        hs = hs[::-1]
    return jnp.swapaxes(hs, 0, 1)


def _model(text, p):
    x = jnp.take(p['emb'], text, axis=0)  # dropout is identity at inference
    for l in range(2):
        f = _lstm_dir(x, p['wih_%df' % l], p['whh_%df' % l], p['bih_%df' % l], p['bhh_%df' % l], False)
        r = _lstm_dir(x, p['wih_%dr' % l], p['whh_%dr' % l], p['bih_%dr' % l], p['bhh_%dr' % l], True)
        x = jnp.concatenate([f, r], axis=-1)
    att_logits = x @ p['wa'].T + p['ba']  # [B, L, 1]
    att_w = jax.nn.softmax(att_logits, axis=1)
    ctx = jnp.sum(att_w * x, axis=1)  # [B, 2H]
    out = ctx @ p['wf'].T + p['bf']
    return out, att_w


def reference(text, wih_0f, whh_0f, bih_0f, bhh_0f, wih_0r, whh_0r, bih_0r, bhh_0r,
              wih_1f, whh_1f, bih_1f, bhh_1f, wih_1r, whh_1r, bih_1r, bhh_1r,
              emb, wa, ba, wf, bf):
    p = {
        'wih_0f': wih_0f, 'whh_0f': whh_0f, 'bih_0f': bih_0f, 'bhh_0f': bhh_0f,
        'wih_0r': wih_0r, 'whh_0r': whh_0r, 'bih_0r': bih_0r, 'bhh_0r': bhh_0r,
        'wih_1f': wih_1f, 'whh_1f': whh_1f, 'bih_1f': bih_1f, 'bhh_1f': bhh_1f,
        'wih_1r': wih_1r, 'whh_1r': whh_1r, 'bih_1r': bih_1r, 'bhh_1r': bhh_1r,
        'emb': emb, 'wa': wa, 'ba': ba, 'wf': wf, 'bf': bf,
    }
    return _model(text, p)

if __name__ == "__main__":
    import jax
    _d = setup_inputs()
    print(jax.jit(kernel)(*tuple(_d.values())))

</pallas_src>

<mosaic_0001>
#map = affine_map<(d0, d1) -> (0, 0)>
#map1 = affine_map<(d0, d1) -> (0)>
module attributes {stable_mosaic.version = 14 : i64} {
  func.func @gath(%arg0: i32, %arg1: i32, %arg2: memref<100000x128xf32, #tpu.memory_space<hbm>>, %arg3: memref<12800xi32, #tpu.memory_space<hbm>>, %arg4: memref<12800x128xf32, #tpu.memory_space<hbm>>, %arg5: memref<400xi32, #tpu.memory_space<vmem>>, %arg6: memref<400x128xf32, #tpu.memory_space<vmem>>, %arg7: memref<!tpu.dma_semaphore, #tpu.memory_space<semaphore_mem>>) attributes {dimension_semantics = [#tpu.dimension_semantics<core_parallel>, #tpu.dimension_semantics<subcore_parallel>], iteration_bounds = array<i64: 2, 16>, scalar_prefetch = 0 : i64, scratch_operands = 3 : i64, tpu.core_type = #tpu.core_type<sc_vector_subcore>, window_params = [{transform_indices = #map}, {transform_indices = #map1}, {transform_indices = #map}]} {
    %mul3A = arith.constant 2 : i32
    %mul3A_0 = arith.muli %arg1, %mul3A : i32
    %add3A = arith.addi %mul3A_0, %arg0 : i32
    %mul3A_1 = arith.constant 400 : i32
    %mul3A_2 = arith.muli %add3A, %mul3A_1 : i32
    "tpu.region"() ({
      %run_scoped3A = tpu.sem_alloc : memref<!tpu.dma_semaphore, #tpu.memory_space<semaphore_mem>>
      %dma_start3A_7 = tpu.memref_slice %arg3[%mul3A_2] : memref<12800xi32, #tpu.memory_space<hbm>> -> memref<400xi32, #tpu.memory_space<hbm>>
      %dma_start3A_8 = tpu.memref_slice %arg3[%mul3A_2] : memref<12800xi32, #tpu.memory_space<hbm>> -> memref<400xi32, #tpu.memory_space<hbm>>
      tpu.enqueue_dma source(%dma_start3A_8 : memref<400xi32, #tpu.memory_space<hbm>>) target(%arg5 : memref<400xi32, #tpu.memory_space<vmem>>) target_semaphore(%run_scoped3A : memref<!tpu.dma_semaphore, #tpu.memory_space<semaphore_mem>>)
      %dma_wait3A_9 = tpu.memref_slice %arg3[%mul3A_2] : memref<12800xi32, #tpu.memory_space<hbm>> -> memref<400xi32, #tpu.memory_space<hbm>>
      %dma_wait3A_10 = tpu.memref_slice %arg3[%mul3A_2] : memref<12800xi32, #tpu.memory_space<hbm>> -> memref<400xi32, #tpu.memory_space<hbm>>
      tpu.wait_dma2 semaphore(%run_scoped3A : memref<!tpu.dma_semaphore, #tpu.memory_space<semaphore_mem>>) src(%dma_wait3A_10 : memref<400xi32, #tpu.memory_space<hbm>>) dst(%arg5 : memref<400xi32, #tpu.memory_space<vmem>>)
      tpu.yield
    }) : () -> ()
    %dma_start3A = arith.constant 0 : i32
    %dma_start3A_3 = arith.constant 0 : i32
    %dma_start3A_4 = tpu.memref_slice %arg2[%dma_start3A, %dma_start3A_3] : memref<100000x128xf32, #tpu.memory_space<hbm>> -> memref<100000x128xf32, #tpu.memory_space<hbm>>
    tpu.enqueue_indirect_dma source(%dma_start3A_4 : memref<100000x128xf32, #tpu.memory_space<hbm>>) target(%arg6 : memref<400x128xf32, #tpu.memory_space<vmem>>) offsets(%arg5 : memref<400xi32, #tpu.memory_space<vmem>>) semaphore(%arg7 : memref<!tpu.dma_semaphore, #tpu.memory_space<semaphore_mem>>)
    %dma_wait3A = arith.constant 0 : i32
    %dma_wait3A_5 = arith.constant 0 : i32
    %dma_wait3A_6 = tpu.memref_slice %arg2[%dma_wait3A, %dma_wait3A_5] : memref<100000x128xf32, #tpu.memory_space<hbm>> -> memref<100000x128xf32, #tpu.memory_space<hbm>>
    tpu.wait_indirect_dma semaphore(%arg7 : memref<!tpu.dma_semaphore, #tpu.memory_space<semaphore_mem>>) src(%dma_wait3A_6 : memref<100000x128xf32, #tpu.memory_space<hbm>>) dst(%arg6 : memref<400x128xf32, #tpu.memory_space<vmem>>)
    "tpu.region"() ({
      %run_scoped3A = tpu.sem_alloc : memref<!tpu.dma_semaphore, #tpu.memory_space<semaphore_mem>>
      %dma_start3A_7 = arith.constant 0 : i32
      %dma_start3A_8 = tpu.memref_slice %arg4[%mul3A_2, %dma_start3A_7] : memref<12800x128xf32, #tpu.memory_space<hbm>> -> memref<400x128xf32, #tpu.memory_space<hbm>>
      %dma_start3A_9 = arith.constant 0 : i32
      %dma_start3A_10 = tpu.memref_slice %arg4[%mul3A_2, %dma_start3A_9] : memref<12800x128xf32, #tpu.memory_space<hbm>> -> memref<400x128xf32, #tpu.memory_space<hbm>>
      tpu.enqueue_dma source(%arg6 : memref<400x128xf32, #tpu.memory_space<vmem>>) target(%dma_start3A_10 : memref<400x128xf32, #tpu.memory_space<hbm>>) target_semaphore(%run_scoped3A : memref<!tpu.dma_semaphore, #tpu.memory_space<semaphore_mem>>)
      %dma_wait3A_11 = arith.constant 0 : i32
      %dma_wait3A_12 = tpu.memref_slice %arg4[%mul3A_2, %dma_wait3A_11] : memref<12800x128xf32, #tpu.memory_space<hbm>> -> memref<400x128xf32, #tpu.memory_space<hbm>>
      %dma_wait3A_13 = arith.constant 0 : i32
      %dma_wait3A_14 = tpu.memref_slice %arg4[%mul3A_2, %dma_wait3A_13] : memref<12800x128xf32, #tpu.memory_space<hbm>> -> memref<400x128xf32, #tpu.memory_space<hbm>>
      tpu.wait_dma2 semaphore(%run_scoped3A : memref<!tpu.dma_semaphore, #tpu.memory_space<semaphore_mem>>) src(%arg6 : memref<400x128xf32, #tpu.memory_space<vmem>>) dst(%dma_wait3A_14 : memref<400x128xf32, #tpu.memory_space<hbm>>)
      tpu.yield
    }) : () -> ()
    return
  }
}

module attributes {stable_mosaic.version = 14 : i64} {
  func.func @_rec0_body(%arg0: i32, %arg1: memref<10x64x128xbf16, #tpu.memory_space<vmem>>, %arg2: memref<10x64x128xbf16, #tpu.memory_space<vmem>>, %arg3: memref<128x2048xbf16, #tpu.memory_space<vmem>>, %arg4: memref<128x2048xbf16, #tpu.memory_space<vmem>>, %arg5: memref<2048x512xbf16, #tpu.memory_space<vmem>>, %arg6: memref<2048x512xbf16, #tpu.memory_space<vmem>>, %arg7: memref<1x2048xf32, #tpu.memory_space<vmem>>, %arg8: memref<1x2048xf32, #tpu.memory_space<vmem>>, %arg9: memref<10x64x512xbf16, #tpu.memory_space<vmem>>, %arg10: memref<10x64x512xbf16, #tpu.memory_space<vmem>>, %arg11: memref<640x2048xbf16, #tpu.memory_space<vmem>>, %arg12: memref<640x2048xbf16, #tpu.memory_space<vmem>>, %arg13: memref<64x512xf32, #tpu.memory_space<vmem>>, %arg14: memref<64x512xf32, #tpu.memory_space<vmem>>, %arg15: memref<64x512xf32, #tpu.memory_space<vmem>>, %arg16: memref<64x512xf32, #tpu.memory_space<vmem>>) attributes {dimension_semantics = [#tpu.dimension_semantics<arbitrary>], iteration_bounds = array<i64: 20>, scalar_prefetch = 0 : i64, scratch_operands = 6 : i64, tpu.core_type = #tpu.core_type<tc>, window_params = [{transform_indices = @transform_0, window_bounds = array<i64: 10, 64, 128>}, {transform_indices = @transform_1, window_bounds = array<i64: 10, 64, 128>}, {pipeline_mode = #tpu.pipeline_mode<synchronous>, transform_indices = @transform_2, window_bounds = array<i64: 128, 2048>}, {pipeline_mode = #tpu.pipeline_mode<synchronous>, transform_indices = @transform_3, window_bounds = array<i64: 128, 2048>}, {pipeline_mode = #tpu.pipeline_mode<synchronous>, transform_indices = @transform_4, window_bounds = array<i64: 2048, 512>}, {pipeline_mode = #tpu.pipeline_mode<synchronous>, transform_indices = @transform_5, window_bounds = array<i64: 2048, 512>}, {pipeline_mode = #tpu.pipeline_mode<synchronous>, transform_indices = @transform_6, window_bounds = array<i64: 1, 2048>}, {pipeline_mode = #tpu.pipeline_mode<synchronous>, transform_indices = @transform_7, window_bounds = array<i64: 1, 2048>}, {transform_indices = @transform_8, window_bounds = array<i64: 10, 64, 512>}, {transform_indices = @transform_9, window_bounds = array<i64: 10, 64, 512>}]} {
    %eq3A = arith.constant 0 : i32
    %eq3A_0 = arith.cmpi eq, %arg0, %eq3A : i32
    %convert_element_type3A = arith.extui %eq3A_0 : i1 to i32
    %cond3A = arith.constant 0 : i32
    %cond3A_1 = arith.cmpi ne, %convert_element_type3A, %cond3A : i32
    scf.if %cond3A_1 {
      %broadcast_in_dim3A = arith.constant 0.000000e+00 : f32
      %broadcast_in_dim3A_1952 = vector.broadcast %broadcast_in_dim3A : f32 to vector<64x512xf32>
      %swap3A_1953 = arith.constant 0 : index
      %swap3A_1954 = arith.constant 0 : index
      %swap3A_1955 = vector.load %arg13[%swap3A_1953, %swap3A_1954] : memref<64x512xf32, #tpu.memory_space<vmem>>, vector<64x512xf32>
      tpu.vector_store %arg13[%swap3A_1953, %swap3A_1954], %broadcast_in_dim3A_1952 {strides = array<i32>} : memref<64x512xf32, #tpu.memory_space<vmem>>, vector<64x512xf32>,
      %broadcast_in_dim3A_1956 = arith.constant 0.000000e+00 : f32
      %broadcast_in_dim3A_1957 = vector.broadcast %broadcast_in_dim3A_1956 : f32 to vector<64x512xf32>
      %swap3A_1958 = arith.constant 0 : index
      %swap3A_1959 = arith.constant 0 : index
      %swap3A_1960 = vector.load %arg14[%swap3A_1958, %swap3A_1959] : memref<64x512xf32, #tpu.memory_space<vmem>>, vector<64x512xf32>
      tpu.vector_store %arg14[%swap3A_1958, %swap3A_1959], %broadcast_in_dim3A_1957 {strides = array<i32>} : memref<64x512xf32, #tpu.memory_space<vmem>>, vector<64x512xf32>,
      %broadcast_in_dim3A_1961 = arith.constant 0.000000e+00 : f32
      %broadcast_in_dim3A_1962 = vector.broadcast %broadcast_in_dim3A_1961 : f32 to vector<64x512xf32>
      %swap3A_1963 = arith.constant 0 : index
      %swap3A_1964 = arith.constant 0 : index
      %swap3A_1965 = vector.load %arg15[%swap3A_1963, %swap3A_1964] : memref<64x512xf32, #tpu.memory_space<vmem>>, vector<64x512xf32>
      tpu.vector_store %arg15[%swap3A_1963, %swap3A_1964], %broadcast_in_dim3A_1962 {strides = array<i32>} : memref<64x512xf32, #tpu.memory_space<vmem>>, vector<64x512xf32>,
      %broadcast_in_dim3A_1966 = arith.constant 0.000000e+00 : f32
      %broadcast_in_dim3A_1967 = vector.broadcast %broadcast_in_dim3A_1966 : f32 to vector<64x512xf32>
      %swap3A_1968 = arith.constant 0 : index
      %swap3A_1969 = arith.constant 0 : index
      %swap3A_1970 = vector.load %arg16[%swap3A_1968, %swap3A_1969] : memref<64x512xf32, #tpu.memory_space<vmem>>, vector<64x512xf32>
      tpu.vector_store %arg16[%swap3A_1968, %swap3A_1969], %broadcast_in_dim3A_1967 {strides = array<i32>} : memref<64x512xf32, #tpu.memory_space<vmem>>, vector<64x512xf32>,
    } else {
    }
    %get3A = arith.constant 0 : index
    %get3A_2 = arith.constant 0 : index
    %get3A_3 = arith.constant 0 : index
    %get3A_4 = vector.load %arg1[%get3A, %get3A_2, %get3A_3] : memref<10x64x128xbf16, #tpu.memory_space<vmem>>, vector<10x64x128xbf16>
    %reshape3A = vector.shape_cast %get3A_4 : vector<10x64x128xbf16> to vector<640x128xbf16>
    %get3A_5 = arith.constant 0 : index
    %get3A_6 = arith.constant 0 : index
    %get3A_7 = vector.load %arg3[%get3A_5, %get3A_6] : memref<128x2048xbf16, #tpu.memory_space<vmem>>, vector<128x2048xbf16>
    %dot_general3A = arith.constant dense<0.000000e+00> : vector<640x2048xf32>
    %dot_general3A_8 = tpu.matmul %reshape3A, %get3A_7, %dot_general3A {dimension_numbers = #tpu.dot_dimension_numbers<[1], [0], [0], [1], [0, 0, 1, 1], [], []>, transpose_lhs_hint = false} : vector<640x128xbf16>, vector<128x2048xbf16>, vector<640x2048xf32> -> vector<640x2048xf32>
    %get3A_9 = arith.constant 0 : index
    %get3A_10 = arith.constant 0 : index
    %get3A_11 = vector.load %arg7[%get3A_9, %get3A_10] : memref<1x2048xf32, #tpu.memory_space<vmem>>, vector<1x2048xf32>
    %add3A = vector.broadcast %get3A_11 : vector<1x2048xf32> to vector<640x2048xf32>
    %add3A_12 = arith.addf %dot_general3A_8, %add3A : vector<640x2048xf32>
    %convert_element_type3A_13 = arith.truncf %add3A_12 : vector<640x2048xf32> to vector<640x2048xbf16>
    %swap3A = arith.constant 0 : index
    %swap3A_14 = arith.constant 0 : index
    %swap3A_15 = vector.load %arg11[%swap3A, %swap3A_14] : memref<640x2048xbf16, #tpu.memory_space<vmem>>, vector<640x2048xbf16>
    tpu.vector_store %arg11[%swap3A, %swap3A_14], %convert_element_type3A_13 {strides = array<i32>} : memref<640x2048xbf16, #tpu.memory_space<vmem>>, vector<640x2048xbf16>,
    %get3A_16 = arith.constant 0 : index
    %get3A_17 = arith.constant 0 : index
    %get3A_18 = arith.constant 0 : index
    %get3A_19 = vector.load %arg2[%get3A_16, %get3A_17, %get3A_18] : memref<10x64x128xbf16, #tpu.memory_space<vmem>>, vector<10x64x128xbf16>
    %reshape3A_20 = vector.shape_cast %get3A_19 : vector<10x64x128xbf16> to vector<640x128xbf16>
    %get3A_21 = arith.constant 0 : index
    %get3A_22 = arith.constant 0 : index
    %get3A_23 = vector.load %arg4[%get3A_21, %get3A_22] : memref<128x2048xbf16, #tpu.memory_space<vmem>>, vector<128x2048xbf16>
    %dot_general3A_24 = arith.constant dense<0.000000e+00> : vector<640x2048xf32>
    %dot_general3A_25 = tpu.matmul %reshape3A_20, %get3A_23, %dot_general3A_24 {dimension_numbers = #tpu.dot_dimension_numbers<[1], [0], [0], [1], [0, 0, 1, 1], [], []>, transpose_lhs_hint = false} : vector<640x128xbf16>, vector<128x2048xbf16>, vector<640x2048xf32> -> vector<640x2048xf32>
    %get3A_26 = arith.constant 0 : index
    %get3A_27 = arith.constant 0 : index
    %get3A_28 = vector.load %arg8[%get3A_26, %get3A_27] : memref<1x2048xf32, #tpu.memory_space<vmem>>, vector<1x2048xf32>
    %add3A_29 = vector.broadcast %get3A_28 : vector<1x2048xf32> to vector<640x2048xf32>
    %add3A_30 = arith.addf %dot_general3A_25, %add3A_29 : vector<640x2048xf32>
    %convert_element_type3A_31 = arith.truncf %add3A_30 : vector<640x2048xf32> to vector<640x2048xbf16>
    %swap3A_32 = arith.constant 0 : index
    %swap3A_33 = arith.constant 0 : index
    %swap3A_34 = vector.load %arg12[%swap3A_32, %swap3A_33] : memref<640x2048xbf16, #tpu.memory_space<vmem>>, vector<640x2048xbf16>
    tpu.vector_store %arg12[%swap3A_32, %swap3A_33], %convert_element_type3A_31 {strides = array<i32>} : memref<640x2048xbf16, #tpu.memory_space<vmem>>, vector<640x2048xbf16>,
    %get3A_35 = arith.constant 0 : index
    %get3A_36 = arith.constant 0 : index
    %get3A_37 = vector.load %arg13[%get3A_35, %get3A_36] : memref<64x512xf32, #tpu.memory_space<vmem>>, vector<64x512xf32>
    %convert_element_type3A_38 = arith.truncf %get3A_37 : vector<64x512xf32> to vector<64x512xbf16>
    %get3A_39 = arith.constant 0 : i32
    %get3A_40 = arith.constant 0 : i32
    %get3A_41 = tpu.memref_slice %arg11[%get3A_39, %get3A_40] : memref<640x2048xbf16, #tpu.memory_space<vmem>> -> memref<64x2048xbf16, #tpu.memory_space<vmem>>
    %get3A_42 = arith.constant 0 : index
    %get3A_43 = arith.constant 0 : index
    %get3A_44 = vector.load %get3A_41[%get3A_42, %get3A_43] : memref<64x2048xbf16, #tpu.memory_space<vmem>>, vector<64x512xbf16>
    %convert_element_type3A_45 = arith.extf %get3A_44 : vector<64x512xbf16> to vector<64x512xf32>
    %get3A_46 = arith.constant 0 : index
    %get3A_47 = arith.constant 0 : index
    %get3A_48 = vector.load %arg5[%get3A_46, %get3A_47] : memref<2048x512xbf16, #tpu.memory_space<vmem>>, vector<512x512xbf16>
    %dot_general3A_49 = arith.constant dense<0.000000e+00> : vector<64x512xf32>
    %dot_general3A_50 = tpu.matmul %convert_element_type3A_38, %get3A_48, %dot_general3A_49 {dimension_numbers = #tpu.dot_dimension_numbers<[1], [1], [0], [0], [0, 0, 1, 0], [], []>, transpose_lhs_hint = false} : vector<64x512xbf16>, vector<512x512xbf16>, vector<64x512xf32> -> vector<64x512xf32>
    %add3A_51 = arith.addf %convert_element_type3A_45, %dot_general3A_50 : vector<64x512xf32>
    %logistic3A = arith.negf %add3A_51 : vector<64x512xf32>
    %logistic3A_52 = math.exp %logistic3A : vector<64x512xf32>
    %logistic3A_53 = arith.constant 1.000000e+00 : f32
    %logistic3A_54 = vector.broadcast %logistic3A_53 : f32 to vector<64x512xf32>
    %logistic3A_55 = arith.addf %logistic3A_54, %logistic3A_52 : vector<64x512xf32>
    %logistic3A_56 = arith.divf %logistic3A_54, %logistic3A_55 : vector<64x512xf32>
    %get3A_57 = arith.constant 0 : i32
    %get3A_58 = arith.constant 0 : i32
    %get3A_59 = tpu.memref_slice %arg11[%get3A_57, %get3A_58] : memref<640x2048xbf16, #tpu.memory_space<vmem>> -> memref<64x2048xbf16, #tpu.memory_space<vmem>>
    %get3A_60 = arith.constant 0 : index
    %get3A_61 = arith.constant 512 : index
    %get3A_62 = vector.load %get3A_59[%get3A_60, %get3A_61] : memref<64x2048xbf16, #tpu.memory_space<vmem>>, vector<64x512xbf16>
    %convert_element_type3A_63 = arith.extf %get3A_62 : vector<64x512xbf16> to vector<64x512xf32>
    %get3A_64 = arith.constant 512 : index
    %get3A_65 = arith.constant 0 : index
    %get3A_66 = vector.load %arg5[%get3A_64, %get3A_65] : memref<2048x512xbf16, #tpu.memory_space<vmem>>, vector<512x512xbf16>
    %dot_general3A_67 = arith.constant dense<0.000000e+00> : vector<64x512xf32>
    %dot_general3A_68 = tpu.matmul %convert_element_type3A_38, %get3A_66, %dot_general3A_67 {dimension_numbers = #tpu.dot_dimension_numbers<[1], [1], [0], [0], [0, 0, 1, 0], [], []>, transpose_lhs_hint = false} : vector<64x512xbf16>, vector<512x512xbf16>, vector<64x512xf32> -> vector<64x512xf32>
    %add3A_69 = arith.addf %convert_element_type3A_63, %dot_general3A_68 : vector<64x512xf32>
    %logistic3A_70 = arith.negf %add3A_69 : vector<64x512xf32>
    %logistic3A_71 = math.exp %logistic3A_70 : vector<64x512xf32>
    %logistic3A_72 = arith.constant 1.000000e+00 : f32
    %logistic3A_73 = vector.broadcast %logistic3A_72 : f32 to vector<64x512xf32>
    %logistic3A_74 = arith.addf %logistic3A_73, %logistic3A_71 : vector<64x512xf32>
    %logistic3A_75 = arith.divf %logistic3A_73, %logistic3A_74 : vector<64x512xf32>
    %get3A_76 = arith.constant 0 : i32
    %get3A_77 = arith.constant 0 : i32
    %get3A_78 = tpu.memref_slice %arg11[%get3A_76, %get3A_77] : memref<640x2048xbf16, #tpu.memory_space<vmem>> -> memref<64x2048xbf16, #tpu.memory_space<vmem>>
    %get3A_79 = arith.constant 0 : index
    %get3A_80 = arith.constant 1024 : index
    %get3A_81 = vector.load %get3A_78[%get3A_79, %get3A_80] : memref<64x2048xbf16, #tpu.memory_space<vmem>>, vector<64x512xbf16>
    %convert_element_type3A_82 = arith.extf %get3A_81 : vector<64x512xbf16> to vector<64x512xf32>
    %get3A_83 = arith.constant 1024 : index
    %get3A_84 = arith.constant 0 : index
    %get3A_85 = vector.load %arg5[%get3A_83, %get3A_84] : memref<2048x512xbf16, #tpu.memory_space<vmem>>, vector<512x512xbf16>
    %dot_general3A_86 = arith.constant dense<0.000000e+00> : vector<64x512xf32>
    %dot_general3A_87 = tpu.matmul %convert_element_type3A_38, %get3A_85, %dot_general3A_86 {dimension_numbers = #tpu.dot_dimension_numbers<[1], [1], [0], [0], [0, 0, 1, 0], [], []>, transpose_lhs_hint = false} : vector<64x512xbf16>, vector<512x512xbf16>, vector<64x512xf32> -> vector<64x512xf32>
    %add3A_88 = arith.addf %convert_element_type3A_82, %dot_general3A_87 : vector<64x512xf32>
    %tanh3A = math.tanh %add3A_88 : vector<64x512xf32>
    %get3A_89 = arith.constant 0 : i32
    %get3A_90 = arith.constant 0 : i32
    %get3A_91 = tpu.memref_slice %arg11[%get3A_89, %get3A_90] : memref<640x2048xbf16, #tpu.memory_space<vmem>> -> memref<64x2048xbf16, #tpu.memory_space<vmem>>
    %get3A_92 = arith.constant 0 : index
    %get3A_93 = arith.constant 1536 : index
    %get3A_94 = vector.load %get3A_91[%get3A_92, %get3A_93] : memref<64x2048xbf16, #tpu.memory_space<vmem>>, vector<64x512xbf16>
    %convert_element_type3A_95 = arith.extf %get3A_94 : vector<64x512xbf16> to vector<64x512xf32>
    %get3A_96 = arith.constant 1536 : index
    %get3A_97 = arith.constant 0 : index
    %get3A_98 = vector.load %arg5[%get3A_96, %get3A_97] : memref<2048x512xbf16, #tpu.memory_space<vmem>>, vector<512x512xbf16>
    %dot_general3A_99 = arith.constant dense<0.000000e+00> : vector<64x512xf32>
    %dot_general3A_100 = tpu.matmul %convert_element_type3A_38, %get3A_98, %dot_general3A_99 {dimension_numbers = #tpu.dot_dimension_numbers<[1], [1], [0], [0], [0, 0, 1, 0], [], []>, transpose_lhs_hint = false} : vector<64x512xbf16>, vector<512x512xbf16>, vector<64x512xf32> -> vector<64x512xf32>
    %add3A_101 = arith.addf %convert_element_type3A_95, %dot_general3A_100 : vector<64x512xf32>
    %logistic3A_102 = arith.negf %add3A_101 : vector<64x512xf32>
    %logistic3A_103 = math.exp %logistic3A_102 : vector<64x512xf32>
    %logistic3A_104 = arith.constant 1.000000e+00 : f32
    %logistic3A_105 = vector.broadcast %logistic3A_104 : f32 to vector<64x512xf32>
    %logistic3A_106 = arith.addf %logistic3A_105, %logistic3A_103 : vector<64x512xf32>
    %logistic3A_107 = arith.divf %logistic3A_105, %logistic3A_106 : vector<64x512xf32>
    %get3A_108 = arith.constant 0 : index
    %get3A_109 = arith.constant 0 : index
    %get3A_110 = vector.load %arg14[%get3A_108, %get3A_109] : memref<64x512xf32, #tpu.memory_space<vmem>>, vector<64x512xf32>
    %mul3A = arith.mulf %logistic3A_75, %get3A_110 : vector<64x512xf32>
    %mul3A_111 = arith.mulf %logistic3A_56, %tanh3A : vector<64x512xf32>
    %add3A_112 = arith.addf %mul3A, %mul3A_111 : vector<64x512xf32>
    %tanh3A_113 = math.tanh %add3A_112 : vector<64x512xf32>
    %mul3A_114 = arith.mulf %logistic3A_107, %tanh3A_113 : vector<64x512xf32>
    %swap3A_115 = arith.constant 0 : index
    %swap3A_116 = arith.constant 0 : index
    %swap3A_117 = vector.load %arg14[%swap3A_115, %swap3A_116] : memref<64x512xf32, #tpu.memory_space<vmem>>, vector<64x512xf32>
    tpu.vector_store %arg14[%swap3A_115, %swap3A_116], %add3A_112 {strides = array<i32>} : memref<64x512xf32, #tpu.memory_space<vmem>>, vector<64x512xf32>,
    %swap3A_118 = arith.constant 0 : index
    %swap3A_119 = arith.constant 0 : index
    %swap3A_120 = vector.load %arg13[%swap3A_118, %swap3A_119] : memref<64x512xf32, #tpu.memory_space<vmem>>, vector<64x512xf32>
    tpu.vector_store %arg13[%swap3A_118, %swap3A_119], %mul3A_114 {strides = array<i32>} : memref<64x512xf32, #tpu.memory_space<vmem>>, vector<64x512xf32>,
    %convert_element_type3A_121 = arith.truncf %mul3A_114 : vector<64x512xf32> to vector<64x512xbf16>
    %swap3A_122 = arith.constant 0 : index
    %swap3A_123 = arith.constant 0 : index
    %swap3A_124 = arith.constant 0 : index
    %swap3A_125 = vector.load %arg9[%swap3A_122, %swap3A_123, %swap3A_124] : memref<10x64x512xbf16, #tpu.memory_space<vmem>>, vector<1x64x512xbf16>
    %swap3A_126 = vector.shape_cast %swap3A_125 : vector<1x64x512xbf16> to vector<64x512xbf16>
    %swap3A_127 = vector.shape_cast %convert_element_type3A_121 : vector<64x512xbf16> to vector<1x64x512xbf16>
    tpu.vector_store %arg9[%swap3A_122, %swap3A_123, %swap3A_124], %swap3A_127 {strides = array<i32>} : memref<10x64x512xbf16, #tpu.memory_space<vmem>>, vector<1x64x512xbf16>,
    %get3A_128 = arith.constant 0 : index
    %get3A_129 = arith.constant 0 : index
    %get3A_130 = vector.load %arg15[%get3A_128, %get3A_129] : memref<64x512xf32, #tpu.memory_space<vmem>>, vector<64x512xf32>
    %convert_element_type3A_131 = arith.truncf %get3A_130 : vector<64x512xf32> to vector<64x512xbf16>
    %get3A_132 = arith.constant 576 : i32
    %get3A_133 = arith.constant 0 : i32
    %get3A_134 = tpu.memref_slice %arg12[%get3A_132, %get3A_133] : memref<640x2048xbf16, #tpu.memory_space<vmem>> -> memref<64x2048xbf16, #tpu.memory_space<vmem>>
    %get3A_135 = arith.constant 0 : index
    %get3A_136 = arith.constant 0 : index
    %get3A_137 = vector.load %get3A_134[%get3A_135, %get3A_136] : memref<64x2048xbf16, #tpu.memory_space<vmem>>, vector<64x512xbf16>
    %convert_element_type3A_138 = arith.extf %get3A_137 : vector<64x512xbf16> to vector<64x512xf32>
    %get3A_139 = arith.constant 0 : index
    %get3A_140 = arith.constant 0 : index
    %get3A_141 = vector.load %arg6[%get3A_139, %get3A_140] : memref<2048x512xbf16, #tpu.memory_space<vmem>>, vector<512x512xbf16>
    %dot_general3A_142 = arith.constant dense<0.000000e+00> : vector<64x512xf32>
    %dot_general3A_143 = tpu.matmul %convert_element_type3A_131, %get3A_141, %dot_general3A_142 {dimension_numbers = #tpu.dot_dimension_numbers<[1], [1], [0], [0], [0, 0, 1, 0], [], []>, transpose_lhs_hint = false} : vector<64x512xbf16>, vector<512x512xbf16>, vector<64x512xf32> -> vector<64x512xf32>
    %add3A_144 = arith.addf %convert_element_type3A_138, %dot_general3A_143 : vector<64x512xf32>
    %logistic3A_145 = arith.negf %add3A_144 : vector<64x512xf32>
    %logistic3A_146 = math.exp %logistic3A_145 : vector<64x512xf32>
    %logistic3A_147 = arith.constant 1.000000e+00 : f32
    %logistic3A_148 = vector.broadcast %logistic3A_147 : f32 to vector<64x512xf32>
    %logistic3A_149 = arith.addf %logistic3A_148, %logistic3A_146 : vector<64x512xf32>
    %logistic3A_150 = arith.divf %logistic3A_148, %logistic3A_149 : vector<64x512xf32>
    %get3A_151 = arith.constant 576 : i32
    %get3A_152 = arith.constant 0 : i32
    %get3A_153 = tpu.memref_slice %arg12[%get3A_151, %get3A_152] : memref<640x2048xbf16, #tpu.memory_space<vmem>> -> memref<64x2048xbf16, #tpu.memory_space<vmem>>
    %get3A_154 = arith.constant 0 : index
    %get3A_155 = arith.constant 512 : index
    %get3A_156 = vector.load %get3A_153[%get3A_154, %get3A_155] : memref<64x2048xbf16, #tpu.memory_space<vmem>>, vector<64x512xbf16>
    %convert_element_type3A_157 = arith.extf %get3A_156 : vector<64x512xbf16> to vector<64x512xf32>
    %get3A_158 = arith.constant 512 : index
    %get3A_159 = arith.constant 0 : index
    %get3A_160 = vector.load %arg6[%get3A_158, %get3A_159] : memref<2048x512xbf16, #tpu.memory_space<vmem>>, vector<512x512xbf16>
    %dot_general3A_161 = arith.constant dense<0.000000e+00> : vector<64x512xf32>
    %dot_general3A_162 = tpu.matmul %convert_element_type3A_131, %get3A_160, %dot_general3A_161 {dimension_numbers = #tpu.dot_dimension_numbers<[1], [1], [0], [0], [0, 0, 1, 0], [], []>, transpose_lhs_hint = false} : vector<64x512xbf16>, vector<512x512xbf16>, vector<64x512xf32> -> vector<64x512xf32>
    %add3A_163 = arith.addf %convert_element_type3A_157, %dot_general3A_162 : vector<64x512xf32>
    %logistic3A_164 = arith.negf %add3A_163 : vector<64x512xf32>
    %logistic3A_165 = math.exp %logistic3A_164 : vector<64x512xf32>
    %logistic3A_166 = arith.constant 1.000000e+00 : f32
    %logistic3A_167 = vector.broadcast %logistic3A_166 : f32 to vector<64x512xf32>
    %logistic3A_168 = arith.addf %logistic3A_167, %logistic3A_165 : vector<64x512xf32>
    %logistic3A_169 = arith.divf %logistic3A_167, %logistic3A_168 : vector<64x512xf32>
    %get3A_170 = arith.constant 576 : i32
    %get3A_171 = arith.constant 0 : i32
    %get3A_172 = tpu.memref_slice %arg12[%get3A_170, %get3A_171] : memref<640x2048xbf16, #tpu.memory_space<vmem>> -> memref<64x2048xbf16, #tpu.memory_space<vmem>>
    %get3A_173 = arith.constant 0 : index
    %get3A_174 = arith.constant 1024 : index
    %get3A_175 = vector.load %get3A_172[%get3A_173, %get3A_174] : memref<64x2048xbf16, #tpu.memory_space<vmem>>, vector<64x512xbf16>
    %convert_element_type3A_176 = arith.extf %get3A_175 : vector<64x512xbf16> to vector<64x512xf32>
    %get3A_177 = arith.constant 1024 : index
    %get3A_178 = arith.constant 0 : index
    %get3A_179 = vector.load %arg6[%get3A_177, %get3A_178] : memref<2048x512xbf16, #tpu.memory_space<vmem>>, vector<512x512xbf16>
    %dot_general3A_180 = arith.constant dense<0.000000e+00> : vector<64x512xf32>
    %dot_general3A_181 = tpu.matmul %convert_element_type3A_131, %get3A_179, %dot_general3A_180 {dimension_numbers = #tpu.dot_dimension_numbers<[1], [1], [0], [0], [0, 0, 1, 0], [], []>, transpose_lhs_hint = false} : vector<64x512xbf16>, vector<512x512xbf16>, vector<64x512xf32> -> vector<64x512xf32>
    %add3A_182 = arith.addf %convert_element_type3A_176, %dot_general3A_181 : vector<64x512xf32>
    %tanh3A_183 = math.tanh %add3A_182 : vector<64x512xf32>
    %get3A_184 = arith.constant 576 : i32
    %get3A_185 = arith.constant 0 : i32
    %get3A_186 = tpu.memref_slice %arg12[%get3A_184, %get3A_185] : memref<640x2048xbf16, #tpu.memory_space<vmem>> -> memref<64x2048xbf16, #tpu.memory_space<vmem>>
    %get3A_187 = arith.constant 0 : index
    %get3A_188 = arith.constant 1536 : index
    %get3A_189 = vector.load %get3A_186[%get3A_187, %get3A_188] : memref<64x2048xbf16, #tpu.memory_space<vmem>>, vector<64x512xbf16>
    %convert_element_type3A_190 = arith.extf %get3A_189 : vector<64x512xbf16> to vector<64x512xf32>
    %get3A_191 = arith.constant 1536 : index
    %get3A_192 = arith.constant 0 : index
    %get3A_193 = vector.load %arg6[%get3A_191, %get3A_192] : memref<2048x512xbf16, #tpu.memory_space<vmem>>, vector<512x512xbf16>
    %dot_general3A_194 = arith.constant dense<0.000000e+00> : vector<64x512xf32>
    %dot_general3A_195 = tpu.matmul %convert_element_type3A_131, %get3A_193, %dot_general3A_194 {dimension_numbers = #tpu.dot_dimension_numbers<[1], [1], [0], [0], [0, 0, 1, 0], [], []>, transpose_lhs_hint = false} : vector<64x512xbf16>, vector<512x512xbf16>, vector<64x512xf32> -> vector<64x512xf32>
    %add3A_196 = arith.addf %convert_element_type3A_190, %dot_general3A_195 : vector<64x512xf32>
    %logistic3A_197 = arith.negf %add3A_196 : vector<64x512xf32>
    %logistic3A_198 = math.exp %logistic3A_197 : vector<64x512xf32>
    %logistic3A_199 = arith.constant 1.000000e+00 : f32
    %logistic3A_200 = vector.broadcast %logistic3A_199 : f32 to vector<64x512xf32>
    %logistic3A_201 = arith.addf %logistic3A_200, %logistic3A_198 : vector<64x512xf32>
    %logistic3A_202 = arith.divf %logistic3A_200, %logistic3A_201 : vector<64x512xf32>
    %get3A_203 = arith.constant 0 : index
    %get3A_204 = arith.constant 0 : index
    %get3A_205 = vector.load %arg16[%get3A_203, %get3A_204] : memref<64x512xf32, #tpu.memory_space<vmem>>, vector<64x512xf32>
    %mul3A_206 = arith.mulf %logistic3A_169, %get3A_205 : vector<64x512xf32>
    %mul3A_207 = arith.mulf %logistic3A_150, %tanh3A_183 : vector<64x512xf32>
    %add3A_208 = arith.addf %mul3A_206, %mul3A_207 : vector<64x512xf32>
    %tanh3A_209 = math.tanh %add3A_208 : vector<64x512xf32>
    %mul3A_210 = arith.mulf %logistic3A_202, %tanh3A_209 : vector<64x512xf32>
    %swap3A_211 = arith.constant 0 : index
    %swap3A_212 = arith.constant 0 : index
    %swap3A_213 = vector.load %arg16[%swap3A_211, %swap3A_212] : memref<64x512xf32, #tpu.memory_space<vmem>>, vector<64x512xf32>
    tpu.vector_store %arg16[%swap3A_211, %swap3A_212], %add3A_208 {strides = array<i32>} : memref<64x512xf32, #tpu.memory_space<vmem>>, vector<64x512xf32>,
    %swap3A_214 = arith.constant 0 : index
    %swap3A_215 = arith.constant 0 : index
    %swap3A_216 = vector.load %arg15[%swap3A_214, %swap3A_215] : memref<64x512xf32, #tpu.memory_space<vmem>>, vector<64x512xf32>
    tpu.vector_store %arg15[%swap3A_214, %swap3A_215], %mul3A_210 {strides = array<i32>} : memref<64x512xf32, #tpu.memory_space<vmem>>, vector<64x512xf32>,
    %convert_element_type3A_217 = arith.truncf %mul3A_210 : vector<64x512xf32> to vector<64x512xbf16>
    %swap3A_218 = arith.constant 9 : index
    %swap3A_219 = arith.constant 0 : index
    %swap3A_220 = arith.constant 0 : index
    %swap3A_221 = vector.load %arg10[%swap3A_218, %swap3A_219, %swap3A_220] : memref<10x64x512xbf16, #tpu.memory_space<vmem>>, vector<1x64x512xbf16>
    %swap3A_222 = vector.shape_cast %swap3A_221 : vector<1x64x512xbf16> to vector<64x512xbf16>
    %swap3A_223 = vector.shape_cast %convert_element_type3A_217 : vector<64x512xbf16> to vector<1x64x512xbf16>
    tpu.vector_store %arg10[%swap3A_218, %swap3A_219, %swap3A_220], %swap3A_223 {strides = array<i32>} : memref<10x64x512xbf16, #tpu.memory_space<vmem>>, vector<1x64x512xbf16>,
    %get3A_224 = arith.constant 0 : index
    %get3A_225 = arith.constant 0 : index
    %get3A_226 = vector.load %arg13[%get3A_224, %get3A_225] : memref<64x512xf32, #tpu.memory_space<vmem>>, vector<64x512xf32>
    %convert_element_type3A_227 = arith.truncf %get3A_226 : vector<64x512xf32> to vector<64x512xbf16>
    %get3A_228 = arith.constant 64 : i32
    %get3A_229 = arith.constant 0 : i32
    %get3A_230 = tpu.memref_slice %arg11[%get3A_228, %get3A_229] : memref<640x2048xbf16, #tpu.memory_space<vmem>> -> memref<64x2048xbf16, #tpu.memory_space<vmem>>
    %get3A_231 = arith.constant 0 : index
    %get3A_232 = arith.constant 0 : index
    %get3A_233 = vector.load %get3A_230[%get3A_231, %get3A_232] : memref<64x2048xbf16, #tpu.memory_space<vmem>>, vector<64x512xbf16>
    %convert_element_type3A_234 = arith.extf %get3A_233 : vector<64x512xbf16> to vector<64x512xf32>
    %get3A_235 = arith.constant 0 : index
    %get3A_236 = arith.constant 0 : index
    %get3A_237 = vector.load %arg5[%get3A_235, %get3A_236] : memref<2048x512xbf16, #tpu.memory_space<vmem>>, vector<512x512xbf16>
    %dot_general3A_238 = arith.constant dense<0.000000e+00> : vector<64x512xf32>
    %dot_general3A_239 = tpu.matmul %convert_element_type3A_227, %get3A_237, %dot_general3A_238 {dimension_numbers = #tpu.dot_dimension_numbers<[1], [1], [0], [0], [0, 0, 1, 0], [], []>, transpose_lhs_hint = false} : vector<64x512xbf16>, vector<512x512xbf16>, vector<64x512xf32> -> vector<64x512xf32>
    %add3A_240 = arith.addf %convert_element_type3A_234, %dot_general3A_239 : vector<64x512xf32>
    %logistic3A_241 = arith.negf %add3A_240 : vector<64x512xf32>
    %logistic3A_242 = math.exp %logistic3A_241 : vector<64x512xf32>
    %logistic3A_243 = arith.constant 1.000000e+00 : f32
    %logistic3A_244 = vector.broadcast %logistic3A_243 : f32 to vector<64x512xf32>
    %logistic3A_245 = arith.addf %logistic3A_244, %logistic3A_242 : vector<64x512xf32>
    %logistic3A_246 = arith.divf %logistic3A_244, %logistic3A_245 : vector<64x512xf32>
    %get3A_247 = arith.constant 64 : i32
    %get3A_248 = arith.constant 0 : i32
    %get3A_249 = tpu.memref_slice %arg11[%get3A_247, %get3A_248] : memref<640x2048xbf16, #tpu.memory_space<vmem>> -> memref<64x2048xbf16, #tpu.memory_space<vmem>>
    %get3A_250 = arith.constant 0 : index
    %get3A_251 = arith.constant 512 : index
    %get3A_252 = vector.load %get3A_249[%get3A_250, %get3A_251] : memref<64x2048xbf16, #tpu.memory_space<vmem>>, vector<64x512xbf16>
    %convert_element_type3A_253 = arith.extf %get3A_252 : vector<64x512xbf16> to vector<64x512xf32>
    %get3A_254 = arith.constant 512 : index
    %get3A_255 = arith.constant 0 : index
    %get3A_256 = vector.load %arg5[%get3A_254, %get3A_255] : memref<2048x512xbf16, #tpu.memory_space<vmem>>, vector<512x512xbf16>
    %dot_general3A_257 = arith.constant dense<0.000000e+00> : vector<64x512xf32>
    %dot_general3A_258 = tpu.matmul %convert_element_type3A_227, %get3A_256, %dot_general3A_257 {dimension_numbers = #tpu.dot_dimension_numbers<[1], [1], [0], [0], [0, 0, 1, 0], [], []>, transpose_lhs_hint = false} : vector<64x512xbf16>, vector<512x512xbf16>, vector<64x512xf32> -> vector<64x512xf32>
    %add3A_259 = arith.addf %convert_element_type3A_253, %dot_general3A_258 : vector<64x512xf32>
    %logistic3A_260 = arith.negf %add3A_259 : vector<64x512xf32>
    %logistic3A_261 = math.exp %logistic3A_260 : vector<64x512xf32>
    %logistic3A_262 = arith.constant 1.000000e+00 : f32
    %logistic3A_263 = vector.broadcast %logistic3A_262 : f32 to vector<64x512xf32>
    %logistic3A_264 = arith.addf %logistic3A_263, %logistic3A_261 : vector<64x512xf32>
    %logistic3A_265 = arith.divf %logistic3A_263, %logistic3A_264 : vector<64x512xf32>
    %get3A_266 = arith.constant 64 : i32
    %get3A_267 = arith.constant 0 : i32
    %get3A_268 = tpu.memref_slice %arg11[%get3A_266, %get3A_267] : memref<640x2048xbf16, #tpu.memory_space<vmem>> -> memref<64x2048xbf16, #tpu.memory_space<vmem>>
    %get3A_269 = arith.constant 0 : index
    %get3A_270 = arith.constant 1024 : index
    %get3A_271 = vector.load %get3A_268[%get3A_269, %get3A_270] : memref<64x2048xbf16, #tpu.memory_space<vmem>>, vector<64x512xbf16>
    %convert_element_type3A_272 = arith.extf %get3A_271 : vector<64x512xbf16> to vector<64x512xf32>
    %get3A_273 = arith.constant 1024 : index
    %get3A_274 = arith.constant 0 : index
    %get3A_275 = vector.load %arg5[%get3A_273, %get3A_274] : memref<2048x512xbf16, #tpu.memory_space<vmem>>, vector<512x512xbf16>
    %dot_general3A_276 = arith.constant dense<0.000000e+00> : vector<64x512xf32>
    %dot_general3A_277 = tpu.matmul %convert_element_type3A_227, %get3A_275, %dot_general3A_276 {dimension_numbers = #tpu.dot_dimension_numbers<[1], [1], [0], [0], [0, 0, 1, 0], [], []>, transpose_lhs_hint = false} : vector<64x512xbf16>, vector<512x512xbf16>, vector<64x512xf32> -> vector<64x512xf32>
    %add3A_278 = arith.addf %convert_element_type3A_272, %dot_general3A_277 : vector<64x512xf32>
    %tanh3A_279 = math.tanh %add3A_278 : vector<64x512xf32>
    %get3A_280 = arith.constant 64 : i32
    %get3A_281 = arith.constant 0 : i32
    %get3A_282 = tpu.memref_slice %arg11[%get3A_280, %get3A_281] : memref<640x2048xbf16, #tpu.memory_space<vmem>> -> memref<64x2048xbf16, #tpu.memory_space<vmem>>
    %get3A_283 = arith.constant 0 : index
    %get3A_284 = arith.constant 1536 : index
    %get3A_285 = vector.load %get3A_282[%get3A_283, %get3A_284] : memref<64x2048xbf16, #tpu.memory_space<vmem>>, vector<64x512xbf16>
    %convert_element_type3A_286 = arith.extf %get3A_285 : vector<64x512xbf16> to vector<64x512xf32>
    %get3A_287 = arith.constant 1536 : index
    %get3A_288 = arith.constant 0 : index
    %get3A_289 = vector.load %arg5[%get3A_287, %get3A_288] : memref<2048x512xbf16, #tpu.memory_space<vmem>>, vector<512x512xbf16>
    %dot_general3A_290 = arith.constant dense<0.000000e+00> : vector<64x512xf32>
    %dot_general3A_291 = tpu.matmul %convert_element_type3A_227, %get3A_289, %dot_general3A_290 {dimension_numbers = #tpu.dot_dimension_numbers<[1], [1], [0], [0], [0, 0, 1, 0], [], []>, transpose_lhs_hint = false} : vector<64x512xbf16>, vector<512x512xbf16>, vector<64x512xf32> -> vector<64x512xf32>
    %add3A_292 = arith.addf %convert_element_type3A_286, %dot_general3A_291 : vector<64x512xf32>
    %logistic3A_293 = arith.negf %add3A_292 : vector<64x512xf32>
    %logistic3A_294 = math.exp %logistic3A_293 : vector<64x512xf32>
    %logistic3A_295 = arith.constant 1.000000e+00 : f32
    %logistic3A_296 = vector.broadcast %logistic3A_295 : f32 to vector<64x512xf32>
    %logistic3A_297 = arith.addf %logistic3A_296, %logistic3A_294 : vector<64x512xf32>
    %logistic3A_298 = arith.divf %logistic3A_296, %logistic3A_297 : vector<64x512xf32>
    %get3A_299 = arith.constant 0 : index
    %get3A_300 = arith.constant 0 : index
    %get3A_301 = vector.load %arg14[%get3A_299, %get3A_300] : memref<64x512xf32, #tpu.memory_space<vmem>>, vector<64x512xf32>
    %mul3A_302 = arith.mulf %logistic3A_265, %get3A_301 : vector<64x512xf32>
    %mul3A_303 = arith.mulf %logistic3A_246, %tanh3A_279 : vector<64x512xf32>
    %add3A_304 = arith.addf %mul3A_302, %mul3A_303 : vector<64x512xf32>
    %tanh3A_305 = math.tanh %add3A_304 : vector<64x512xf32>
    %mul3A_306 = arith.mulf %logistic3A_298, %tanh3A_305 : vector<64x512xf32>
    %swap3A_307 = arith.constant 0 : index
    %swap3A_308 = arith.constant 0 : index
    %swap3A_309 = vector.load %arg14[%swap3A_307, %swap3A_308] : memref<64x512xf32, #tpu.memory_space<vmem>>, vector<64x512xf32>
    tpu.vector_store %arg14[%swap3A_307, %swap3A_308], %add3A_304 {strides = array<i32>} : memref<64x512xf32, #tpu.memory_space<vmem>>, vector<64x512xf32>,
    %swap3A_310 = arith.constant 0 : index
    %swap3A_311 = arith.constant 0 : index
    %swap3A_312 = vector.load %arg13[%swap3A_310, %swap3A_311] : memref<64x512xf32, #tpu.memory_space<vmem>>, vector<64x512xf32>
    tpu.vector_store %arg13[%swap3A_310, %swap3A_311], %mul3A_306 {strides = array<i32>} : memref<64x512xf32, #tpu.memory_space<vmem>>, vector<64x512xf32>,
    %convert_element_type3A_313 = arith.truncf %mul3A_306 : vector<64x512xf32> to vector<64x512xbf16>
    %swap3A_314 = arith.constant 1 : index
    %swap3A_315 = arith.constant 0 : index
    %swap3A_316 = arith.constant 0 : index
    %swap3A_317 = vector.load %arg9[%swap3A_314, %swap3A_315, %swap3A_316] : memref<10x64x512xbf16, #tpu.memory_space<vmem>>, vector<1x64x512xbf16>
    %swap3A_318 = vector.shape_cast %swap3A_317 : vector<1x64x512xbf16> to vector<64x512xbf16>
    %swap3A_319 = vector.shape_cast %convert_element_type3A_313 : vector<64x512xbf16> to vector<1x64x512xbf16>
    tpu.vector_store %arg9[%swap3A_314, %swap3A_315, %swap3A_316], %swap3A_319 {strides = array<i32>} : memref<10x64x512xbf16, #tpu.memory_space<vmem>>, vector<1x64x512xbf16>,
    %get3A_320 = arith.constant 0 : index
    %get3A_321 = arith.constant 0 : index
    %get3A_322 = vector.load %arg15[%get3A_320, %get3A_321] : memref<64x512xf32, #tpu.memory_space<vmem>>, vector<64x512xf32>
    %convert_element_type3A_323 = arith.truncf %get3A_322 : vector<64x512xf32> to vector<64x512xbf16>
    %get3A_324 = arith.constant 512 : i32
    %get3A_325 = arith.constant 0 : i32
    %get3A_326 = tpu.memref_slice %arg12[%get3A_324, %get3A_325] : memref<640x2048xbf16, #tpu.memory_space<vmem>> -> memref<64x2048xbf16, #tpu.memory_space<vmem>>
    %get3A_327 = arith.constant 0 : index
    %get3A_328 = arith.constant 0 : index
    %get3A_329 = vector.load %get3A_326[%get3A_327, %get3A_328] : memref<64x2048xbf16, #tpu.memory_space<vmem>>, vector<64x512xbf16>
    %convert_element_type3A_330 = arith.extf %get3A_329 : vector<64x512xbf16> to vector<64x512xf32>
    %get3A_331 = arith.constant 0 : index
    %get3A_332 = arith.constant 0 : index
    %get3A_333 = vector.load %arg6[%get3A_331, %get3A_332] : memref<2048x512xbf16, #tpu.memory_space<vmem>>, vector<512x512xbf16>
    %dot_general3A_334 = arith.constant dense<0.000000e+00> : vector<64x512xf32>
    %dot_general3A_335 = tpu.matmul %convert_element_type3A_323, %get3A_333, %dot_general3A_334 {dimension_numbers = #tpu.dot_dimension_numbers<[1], [1], [0], [0], [0, 0, 1, 0], [], []>, transpose_lhs_hint = false} : vector<64x512xbf16>, vector<512x512xbf16>, vector<64x512xf32> -> vector<64x512xf32>
    %add3A_336 = arith.addf %convert_element_type3A_330, %dot_general3A_335 : vector<64x512xf32>
    %logistic3A_337 = arith.negf %add3A_336 : vector<64x512xf32>
    %logistic3A_338 = math.exp %logistic3A_337 : vector<64x512xf32>
    %logistic3A_339 = arith.constant 1.000000e+00 : f32
    %logistic3A_340 = vector.broadcast %logistic3A_339 : f32 to vector<64x512xf32>
    %logistic3A_341 = arith.addf %logistic3A_340, %logistic3A_338 : vector<64x512xf32>
    %logistic3A_342 = arith.divf %logistic3A_340, %logistic3A_341 : vector<64x512xf32>
    %get3A_343 = arith.constant 512 : i32
    %get3A_344 = arith.constant 0 : i32
    %get3A_345 = tpu.memref_slice %arg12[%get3A_343, %get3A_344] : memref<640x2048xbf16, #tpu.memory_space<vmem>> -> memref<64x2048xbf16, #tpu.memory_space<vmem>>
    %get3A_346 = arith.constant 0 : index
    %get3A_347 = arith.constant 512 : index
    %get3A_348 = vector.load %get3A_345[%get3A_346, %get3A_347] : memref<64x2048xbf16, #tpu.memory_space<vmem>>, vector<64x512xbf16>
    %convert_element_type3A_349 = arith.extf %get3A_348 : vector<64x512xbf16> to vector<64x512xf32>
    %get3A_350 = arith.constant 512 : index
    %get3A_351 = arith.constant 0 : index
    %get3A_352 = vector.load %arg6[%get3A_350, %get3A_351] : memref<2048x512xbf16, #tpu.memory_space<vmem>>, vector<512x512xbf16>
    %dot_general3A_353 = arith.constant dense<0.000000e+00> : vector<64x512xf32>
    %dot_general3A_354 = tpu.matmul %convert_element_type3A_323, %get3A_352, %dot_general3A_353 {dimension_numbers = #tpu.dot_dimension_numbers<[1], [1], [0], [0], [0, 0, 1, 0], [], []>, transpose_lhs_hint = false} : vector<64x512xbf16>, vector<512x512xbf16>, vector<64x512xf32> -> vector<64x512xf32>
    %add3A_355 = arith.addf %convert_element_type3A_349, %dot_general3A_354 : vector<64x512xf32>
    %logistic3A_356 = arith.negf %add3A_355 : vector<64x512xf32>
    %logistic3A_357 = math.exp %logistic3A_356 : vector<64x512xf32>
    %logistic3A_358 = arith.constant 1.000000e+00 : f32
    %logistic3A_359 = vector.broadcast %logistic3A_358 : f32 to vector<64x512xf32>
    %logistic3A_360 = arith.addf %logistic3A_359, %logistic3A_357 : vector<64x512xf32>
    %logistic3A_361 = arith.divf %logistic3A_359, %logistic3A_360 : vector<64x512xf32>
    %get3A_362 = arith.constant 512 : i32
    %get3A_363 = arith.constant 0 : i32
    %get3A_364 = tpu.memref_slice %arg12[%get3A_362, %get3A_363] : memref<640x2048xbf16, #tpu.memory_space<vmem>> -> memref<64x2048xbf16, #tpu.memory_space<vmem>>
    %get3A_365 = arith.constant 0 : index
    %get3A_366 = arith.constant 1024 : index
    %get3A_367 = vector.load %get3A_364[%get3A_365, %get3A_366] : memref<64x2048xbf16, #tpu.memory_space<vmem>>, vector<64x512xbf16>
    %convert_element_type3A_368 = arith.extf %get3A_367 : vector<64x512xbf16> to vector<64x512xf32>
    %get3A_369 = arith.constant 1024 : index
    %get3A_370 = arith.constant 0 : index
    %get3A_371 = vector.load %arg6[%get3A_369, %get3A_370] : memref<2048x512xbf16, #tpu.memory_space<vmem>>, vector<512x512xbf16>
    %dot_general3A_372 = arith.constant dense<0.000000e+00> : vector<64x512xf32>
    %dot_general3A_373 = tpu.matmul %convert_element_type3A_323, %get3A_371, %dot_general3A_372 {dimension_numbers = #tpu.dot_dimension_numbers<[1], [1], [0], [0], [0, 0, 1, 0], [], []>, transpose_lhs_hint = false} : vector<64x512xbf16>, vector<512x512xbf16>, vector<64x512xf32> -> vector<64x512xf32>
    %add3A_374 = arith.addf %convert_element_type3A_368, %dot_general3A_373 : vector<64x512xf32>
    %tanh3A_375 = math.tanh %add3A_374 : vector<64x512xf32>
    %get3A_376 = arith.constant 512 : i32
    %get3A_377 = arith.constant 0 : i32
    %get3A_378 = tpu.memref_slice %arg12[%get3A_376, %get3A_377] : memref<640x2048xbf16, #tpu.memory_space<vmem>> -> memref<64x2048xbf16, #tpu.memory_space<vmem>>
    %get3A_379 = arith.constant 0 : index
    %get3A_380 = arith.constant 1536 : index
    %get3A_381 = vector.load %get3A_378[%get3A_379, %get3A_380] : memref<64x2048xbf16, #tpu.memory_space<vmem>>, vector<64x512xbf16>
    %convert_element_type3A_382 = arith.extf %get3A_381 : vector<64x512xbf16> to vector<64x512xf32>
    %get3A_383 = arith.constant 1536 : index
    %get3A_384 = arith.constant 0 : index
    %get3A_385 = vector.load %arg6[%get3A_383, %get3A_384] : memref<2048x512xbf16, #tpu.memory_space<vmem>>, vector<512x512xbf16>
    %dot_general3A_386 = arith.constant dense<0.000000e+00> : vector<64x512xf32>
    %dot_general3A_387 = tpu.matmul %convert_element_type3A_323, %get3A_385, %dot_general3A_386 {dimension_numbers = #tpu.dot_dimension_numbers<[1], [1], [0], [0], [0, 0, 1, 0], [], []>, transpose_lhs_hint = false} : vector<64x512xbf16>, vector<512x512xbf16>, vector<64x512xf32> -> vector<64x512xf32>
    %add3A_388 = arith.addf %convert_element_type3A_382, %dot_general3A_387 : vector<64x512xf32>
    %logistic3A_389 = arith.negf %add3A_388 : vector<64x512xf32>
    %logistic3A_390 = math.exp %logistic3A_389 : vector<64x512xf32>
    %logistic3A_391 = arith.constant 1.000000e+00 : f32
    %logistic3A_392 = vector.broadcast %logistic3A_391 : f32 to vector<64x512xf32>
    %logistic3A_393 = arith.addf %logistic3A_392, %logistic3A_390 : vector<64x512xf32>
    %logistic3A_394 = arith.divf %logistic3A_392, %logistic3A_393 : vector<64x512xf32>
    %get3A_395 = arith.constant 0 : index
    %get3A_396 = arith.constant 0 : index
    %get3A_397 = vector.load %arg16[%get3A_395, %get3A_396] : memref<64x512xf32, #tpu.memory_space<vmem>>, vector<64x512xf32>
    %mul3A_398 = arith.mulf %logistic3A_361, %get3A_397 : vector<64x512xf32>
    %mul3A_399 = arith.mulf %logistic3A_342, %tanh3A_375 : vector<64x512xf32>
    %add3A_400 = arith.addf %mul3A_398, %mul3A_399 : vector<64x512xf32>
    %tanh3A_401 = math.tanh %add3A_400 : vector<64x512xf32>
    %mul3A_402 = arith.mulf %logistic3A_394, %tanh3A_401 : vector<64x512xf32>
    %swap3A_403 = arith.constant 0 : index
    %swap3A_404 = arith.constant 0 : index
    %swap3A_405 = vector.load %arg16[%swap3A_403, %swap3A_404] : memref<64x512xf32, #tpu.memory_space<vmem>>, vector<64x512xf32>
    tpu.vector_store %arg16[%swap3A_403, %swap3A_404], %add3A_400 {strides = array<i32>} : memref<64x512xf32, #tpu.memory_space<vmem>>, vector<64x512xf32>,
    %swap3A_406 = arith.constant 0 : index
    %swap3A_407 = arith.constant 0 : index
    %swap3A_408 = vector.load %arg15[%swap3A_406, %swap3A_407] : memref<64x512xf32, #tpu.memory_space<vmem>>, vector<64x512xf32>
    tpu.vector_store %arg15[%swap3A_406, %swap3A_407], %mul3A_402 {strides = array<i32>} : memref<64x512xf32, #tpu.memory_space<vmem>>, vector<64x512xf32>,
    %convert_element_type3A_409 = arith.truncf %mul3A_402 : vector<64x512xf32> to vector<64x512xbf16>
    %swap3A_410 = arith.constant 8 : index
    %swap3A_411 = arith.constant 0 : index
    %swap3A_412 = arith.constant 0 : index
    %swap3A_413 = vector.load %arg10[%swap3A_410, %swap3A_411, %swap3A_412] : memref<10x64x512xbf16, #tpu.memory_space<vmem>>, vector<1x64x512xbf16>
    %swap3A_414 = vector.shape_cast %swap3A_413 : vector<1x64x512xbf16> to vector<64x512xbf16>
    %swap3A_415 = vector.shape_cast %convert_element_type3A_409 : vector<64x512xbf16> to vector<1x64x512xbf16>
    tpu.vector_store %arg10[%swap3A_410, %swap3A_411, %swap3A_412], %swap3A_415 {strides = array<i32>} : memref<10x64x512xbf16, #tpu.memory_space<vmem>>, vector<1x64x512xbf16>,
    %get3A_416 = arith.constant 0 : index
    %get3A_417 = arith.constant 0 : index
    %get3A_418 = vector.load %arg13[%get3A_416, %get3A_417] : memref<64x512xf32, #tpu.memory_space<vmem>>, vector<64x512xf32>
    %convert_element_type3A_419 = arith.truncf %get3A_418 : vector<64x512xf32> to vector<64x512xbf16>
    %get3A_420 = arith.constant 128 : i32
    %get3A_421 = arith.constant 0 : i32
    %get3A_422 = tpu.memref_slice %arg11[%get3A_420, %get3A_421] : memref<640x2048xbf16, #tpu.memory_space<vmem>> -> memref<64x2048xbf16, #tpu.memory_space<vmem>>
    %get3A_423 = arith.constant 0 : index
    %get3A_424 = arith.constant 0 : index
    %get3A_425 = vector.load %get3A_422[%get3A_423, %get3A_424] : memref<64x2048xbf16, #tpu.memory_space<vmem>>, vector<64x512xbf16>
    %convert_element_type3A_426 = arith.extf %get3A_425 : vector<64x512xbf16> to vector<64x512xf32>
    %get3A_427 = arith.constant 0 : index
    %get3A_428 = arith.constant 0 : index
    %get3A_429 = vector.load %arg5[%get3A_427, %get3A_428] : memref<2048x512xbf16, #tpu.memory_space<vmem>>, vector<512x512xbf16>
    %dot_general3A_430 = arith.constant dense<0.000000e+00> : vector<64x512xf32>
    %dot_general3A_431 = tpu.matmul %convert_element_type3A_419, %get3A_429, %dot_general3A_430 {dimension_numbers = #tpu.dot_dimension_numbers<[1], [1], [0], [0], [0, 0, 1, 0], [], []>, transpose_lhs_hint = false} : vector<64x512xbf16>, vector<512x512xbf16>, vector<64x512xf32> -> vector<64x512xf32>
    %add3A_432 = arith.addf %convert_element_type3A_426, %dot_general3A_431 : vector<64x512xf32>
    %logistic3A_433 = arith.negf %add3A_432 : vector<64x512xf32>
    %logistic3A_434 = math.exp %logistic3A_433 : vector<64x512xf32>
    %logistic3A_435 = arith.constant 1.000000e+00 : f32
    %logistic3A_436 = vector.broadcast %logistic3A_435 : f32 to vector<64x512xf32>
    %logistic3A_437 = arith.addf %logistic3A_436, %logistic3A_434 : vector<64x512xf32>
    %logistic3A_438 = arith.divf %logistic3A_436, %logistic3A_437 : vector<64x512xf32>
    %get3A_439 = arith.constant 128 : i32
    %get3A_440 = arith.constant 0 : i32
    %get3A_441 = tpu.memref_slice %arg11[%get3A_439, %get3A_440] : memref<640x2048xbf16, #tpu.memory_space<vmem>> -> memref<64x2048xbf16, #tpu.memory_space<vmem>>
    %get3A_442 = arith.constant 0 : index
    %get3A_443 = arith.constant 512 : index
    %get3A_444 = vector.load %get3A_441[%get3A_442, %get3A_443] : memref<64x2048xbf16, #tpu.memory_space<vmem>>, vector<64x512xbf16>
    %convert_element_type3A_445 = arith.extf %get3A_444 : vector<64x512xbf16> to vector<64x512xf32>
    %get3A_446 = arith.constant 512 : index
    %get3A_447 = arith.constant 0 : index
    %get3A_448 = vector.load %arg5[%get3A_446, %get3A_447] : memref<2048x512xbf16, #tpu.memory_space<vmem>>, vector<512x512xbf16>
    %dot_general3A_449 = arith.constant dense<0.000000e+00> : vector<64x512xf32>
    %dot_general3A_450 = tpu.matmul %convert_element_type3A_419, %get3A_448, %dot_general3A_449 {dimension_numbers = #tpu.dot_dimension_numbers<[1], [1], [0], [0], [0, 0, 1, 0], [], []>, transpose_lhs_hint = false} : vector<64x512xbf16>, vector<512x512xbf16>, vector<64x512xf32> -> vector<64x512xf32>
    %add3A_451 = arith.addf %convert_element_type3A_445, %dot_general3A_450 : vector<64x512xf32>
    %logistic3A_452 = arith.negf %add3A_451 : vector<64x512xf32>
    %logistic3A_453 = math.exp %logistic3A_452 : vector<64x512xf32>
    %logistic3A_454 = arith.constant 1.000000e+00 : f32
    %logistic3A_455 = vector.broadcast %logistic3A_454 : f32 to vector<64x512xf32>
    %logistic3A_456 = arith.addf %logistic3A_455, %logistic3A_453 : vector<64x512xf32>
    %logistic3A_457 = arith.divf %logistic3A_455, %logistic3A_456 : vector<64x512xf32>
    %get3A_458 = arith.constant 128 : i32
    %get3A_459 = arith.constant 0 : i32
    %get3A_460 = tpu.memref_slice %arg11[%get3A_458, %get3A_459] : memref<640x2048xbf16, #tpu.memory_space<vmem>> -> memref<64x2048xbf16, #tpu.memory_space<vmem>>
    %get3A_461 = arith.constant 0 : index
    %get3A_462 = arith.constant 1024 : index
    %get3A_463 = vector.load %get3A_460[%get3A_461, %get3A_462] : memref<64x2048xbf16, #tpu.memory_space<vmem>>, vector<64x512xbf16>
    %convert_element_type3A_464 = arith.extf %get3A_463 : vector<64x512xbf16> to vector<64x512xf32>
    %get3A_465 = arith.constant 1024 : index
    %get3A_466 = arith.constant 0 : index
    %get3A_467 = vector.load %arg5[%get3A_465, %get3A_466] : memref<2048x512xbf16, #tpu.memory_space<vmem>>, vector<512x512xbf16>
    %dot_general3A_468 = arith.constant dense<0.000000e+00> : vector<64x512xf32>
    %dot_general3A_469 = tpu.matmul %convert_element_type3A_419, %get3A_467, %dot_general3A_468 {dimension_numbers = #tpu.dot_dimension_numbers<[1], [1], [0], [0], [0, 0, 1, 0], [], []>, transpose_lhs_hint = false} : vector<64x512xbf16>, vector<512x512xbf16>, vector<64x512xf32> -> vector<64x512xf32>
    %add3A_470 = arith.addf %convert_element_type3A_464, %dot_general3A_469 : vector<64x512xf32>
    %tanh3A_471 = math.tanh %add3A_470 : vector<64x512xf32>
    %get3A_472 = arith.constant 128 : i32
    %get3A_473 = arith.constant 0 : i32
    %get3A_474 = tpu.memref_slice %arg11[%get3A_472, %get3A_473] : memref<640x2048xbf16, #tpu.memory_space<vmem>> -> memref<64x2048xbf16, #tpu.memory_space<vmem>>
    %get3A_475 = arith.constant 0 : index
    %get3A_476 = arith.constant 1536 : index
    %get3A_477 = vector.load %get3A_474[%get3A_475, %get3A_476] : memref<64x2048xbf16, #tpu.memory_space<vmem>>, vector<64x512xbf16>
    %convert_element_type3A_478 = arith.extf %get3A_477 : vector<64x512xbf16> to vector<64x512xf32>
    %get3A_479 = arith.constant 1536 : index
    %get3A_480 = arith.constant 0 : index
    %get3A_481 = vector.load %arg5[%get3A_479, %get3A_480] : memref<2048x512xbf16, #tpu.memory_space<vmem>>, vector<512x512xbf16>
    %dot_general3A_482 = arith.constant dense<0.000000e+00> : vector<64x512xf32>
    %dot_general3A_483 = tpu.matmul %convert_element_type3A_419, %get3A_481, %dot_general3A_482 {dimension_numbers = #tpu.dot_dimension_numbers<[1], [1], [0], [0], [0, 0, 1, 0], [], []>, transpose_lhs_hint = false} : vector<64x512xbf16>, vector<512x512xbf16>, vector<64x512xf32> -> vector<64x512xf32>
    %add3A_484 = arith.addf %convert_element_type3A_478, %dot_general3A_483 : vector<64x512xf32>
    %logistic3A_485 = arith.negf %add3A_484 : vector<64x512xf32>
    %logistic3A_486 = math.exp %logistic3A_485 : vector<64x512xf32>
    %logistic3A_487 = arith.constant 1.000000e+00 : f32
    %logistic3A_488 = vector.broadcast %logistic3A_487 : f32 to vector<64x512xf32>
    %logistic3A_489 = arith.addf %logistic3A_488, %logistic3A_486 : vector<64x512xf32>
    %logistic3A_490 = arith.divf %logistic3A_488, %logistic3A_489 : vector<64x512xf32>
    %get3A_491 = arith.constant 0 : index
    %get3A_492 = arith.constant 0 : index
    %get3A_493 = vector.load %arg14[%get3A_491, %get3A_492] : memref<64x512xf32, #tpu.memory_space<vmem>>, vector<64x512xf32>
    %mul3A_494 = arith.mulf %logistic3A_457, %get3A_493 : vector<64x512xf32>
    %mul3A_495 = arith.mulf %logistic3A_438, %tanh3A_471 : vector<64x512xf32>
    %add3A_496 = arith.addf %mul3A_494, %mul3A_495 : vector<64x512xf32>
    %tanh3A_497 = math.tanh %add3A_496 : vector<64x512xf32>
    %mul3A_498 = arith.mulf %logistic3A_490, %tanh3A_497 : vector<64x512xf32>
    %swap3A_499 = arith.constant 0 : index
    %swap3A_500 = arith.constant 0 : index
    %swap3A_501 = vector.load %arg14[%swap3A_499, %swap3A_500] : memref<64x512xf32, #tpu.memory_space<vmem>>, vector<64x512xf32>
    tpu.vector_store %arg14[%swap3A_499, %swap3A_500], %add3A_496 {strides = array<i32>} : memref<64x512xf32, #tpu.memory_space<vmem>>, vector<64x512xf32>,
    %swap3A_502 = arith.constant 0 : index
    %swap3A_503 = arith.constant 0 : index
    %swap3A_504 = vector.load %arg13[%swap3A_502, %swap3A_503] : memref<64x512xf32, #tpu.memory_space<vmem>>, vector<64x512xf32>
    tpu.vector_store %arg13[%swap3A_502, %swap3A_503], %mul3A_498 {strides = array<i32>} : memref<64x512xf32, #tpu.memory_space<vmem>>, vector<64x512xf32>,
    %convert_element_type3A_505 = arith.truncf %mul3A_498 : vector<64x512xf32> to vector<64x512xbf16>
    %swap3A_506 = arith.constant 2 : index
    %swap3A_507 = arith.constant 0 : index
    %swap3A_508 = arith.constant 0 : index
    %swap3A_509 = vector.load %arg9[%swap3A_506, %swap3A_507, %swap3A_508] : memref<10x64x512xbf16, #tpu.memory_space<vmem>>, vector<1x64x512xbf16>
    %swap3A_510 = vector.shape_cast %swap3A_509 : vector<1x64x512xbf16> to vector<64x512xbf16>
    %swap3A_511 = vector.shape_cast %convert_element_type3A_505 : vector<64x512xbf16> to vector<1x64x512xbf16>
    tpu.vector_store %arg9[%swap3A_506, %swap3A_507, %swap3A_508], %swap3A_511 {strides = array<i32>} : memref<10x64x512xbf16, #tpu.memory_space<vmem>>, vector<1x64x512xbf16>,
    %get3A_512 = arith.constant 0 : index
    %get3A_513 = arith.constant 0 : index
    %get3A_514 = vector.load %arg15[%get3A_512, %get3A_513] : memref<64x512xf32, #tpu.memory_space<vmem>>, vector<64x512xf32>
    %convert_element_type3A_515 = arith.truncf %get3A_514 : vector<64x512xf32> to vector<64x512xbf16>
    %get3A_516 = arith.constant 448 : i32
    %get3A_517 = arith.constant 0 : i32
    %get3A_518 = tpu.memref_slice %arg12[%get3A_516, %get3A_517] : memref<640x2048xbf16, #tpu.memory_space<vmem>> -> memref<64x2048xbf16, #tpu.memory_space<vmem>>
    %get3A_519 = arith.constant 0 : index
    %get3A_520 = arith.constant 0 : index
    %get3A_521 = vector.load %get3A_518[%get3A_519, %get3A_520] : memref<64x2048xbf16, #tpu.memory_space<vmem>>, vector<64x512xbf16>
    %convert_element_type3A_522 = arith.extf %get3A_521 : vector<64x512xbf16> to vector<64x512xf32>
    %get3A_523 = arith.constant 0 : index
    %get3A_524 = arith.constant 0 : index
    %get3A_525 = vector.load %arg6[%get3A_523, %get3A_524] : memref<2048x512xbf16, #tpu.memory_space<vmem>>, vector<512x512xbf16>
    %dot_general3A_526 = arith.constant dense<0.000000e+00> : vector<64x512xf32>
    %dot_general3A_527 = tpu.matmul %convert_element_type3A_515, %get3A_525, %dot_general3A_526 {dimension_numbers = #tpu.dot_dimension_numbers<[1], [1], [0], [0], [0, 0, 1, 0], [], []>, transpose_lhs_hint = false} : vector<64x512xbf16>, vector<512x512xbf16>, vector<64x512xf32> -> vector<64x512xf32>
    %add3A_528 = arith.addf %convert_element_type3A_522, %dot_general3A_527 : vector<64x512xf32>
    %logistic3A_529 = arith.negf %add3A_528 : vector<64x512xf32>
    %logistic3A_530 = math.exp %logistic3A_529 : vector<64x512xf32>
    %logistic3A_531 = arith.constant 1.000000e+00 : f32
    %logistic3A_532 = vector.broadcast %logistic3A_531 : f32 to vector<64x512xf32>
    %logistic3A_533 = arith.addf %logistic3A_532, %logistic3A_530 : vector<64x512xf32>
    %logistic3A_534 = arith.divf %logistic3A_532, %logistic3A_533 : vector<64x512xf32>
    %get3A_535 = arith.constant 448 : i32
    %get3A_536 = arith.constant 0 : i32
    %get3A_537 = tpu.memref_slice %arg12[%get3A_535, %get3A_536] : memref<640x2048xbf16, #tpu.memory_space<vmem>> -> memref<64x2048xbf16, #tpu.memory_space<vmem>>
    %get3A_538 = arith.constant 0 : index
    %get3A_539 = arith.constant 512 : index
    %get3A_540 = vector.load %get3A_537[%get3A_538, %get3A_539] : memref<64x2048xbf16, #tpu.memory_space<vmem>>, vector<64x512xbf16>
    %convert_element_type3A_541 = arith.extf %get3A_540 : vector<64x512xbf16> to vector<64x512xf32>
    %get3A_542 = arith.constant 512 : index
    %get3A_543 = arith.constant 0 : index
    %get3A_544 = vector.load %arg6[%get3A_542, %get3A_543] : memref<2048x512xbf16, #tpu.memory_space<vmem>>, vector<512x512xbf16>
    %dot_general3A_545 = arith.constant dense<0.000000e+00> : vector<64x512xf32>
    %dot_general3A_546 = tpu.matmul %convert_element_type3A_515, %get3A_544, %dot_general3A_545 {dimension_numbers = #tpu.dot_dimension_numbers<[1], [1], [0], [0], [0, 0, 1, 0], [], []>, transpose_lhs_hint = false} : vector<64x512xbf16>, vector<512x512xbf16>, vector<64x512xf32> -> vector<64x512xf32>
    %add3A_547 = arith.addf %convert_element_type3A_541, %dot_general3A_546 : vector<64x512xf32>
    %logistic3A_548 = arith.negf %add3A_547 : vector<64x512xf32>
    %logistic3A_549 = math.exp %logistic3A_548 : vector<64x512xf32>
    %logistic3A_550 = arith.constant 1.000000e+00 : f32
    %logistic3A_551 = vector.broadcast %logistic3A_550 : f32 to vector<64x512xf32>
    %logistic3A_552 = arith.addf %logistic3A_551, %logistic3A_549 : vector<64x512xf32>
    %logistic3A_553 = arith.divf %logistic3A_551, %logistic3A_552 : vector<64x512xf32>
    %get3A_554 = arith.constant 448 : i32
    %get3A_555 = arith.constant 0 : i32
    %get3A_556 = tpu.memref_slice %arg12[%get3A_554, %get3A_555] : memref<640x2048xbf16, #tpu.memory_space<vmem>> -> memref<64x2048xbf16, #tpu.memory_space<vmem>>
    %get3A_557 = arith.constant 0 : index
    %get3A_558 = arith.constant 1024 : index
    %get3A_559 = vector.load %get3A_556[%get3A_557, %get3A_558] : memref<64x2048xbf16, #tpu.memory_space<vmem>>, vector<64x512xbf16>
    %convert_element_type3A_560 = arith.extf %get3A_559 : vector<64x512xbf16> to vector<64x512xf32>
    %get3A_561 = arith.constant 1024 : index
    %get3A_562 = arith.constant 0 : index
    %get3A_563 = vector.load %arg6[%get3A_561, %get3A_562] : memref<2048x512xbf16, #tpu.memory_space<vmem>>, vector<512x512xbf16>
    %dot_general3A_564 = arith.constant dense<0.000000e+00> : vector<64x512xf32>
    %dot_general3A_565 = tpu.matmul %convert_element_type3A_515, %get3A_563, %dot_general3A_564 {dimension_numbers = #tpu.dot_dimension_numbers<[1], [1], [0], [0], [0, 0, 1, 0], [], []>, transpose_lhs_hint = false} : vector<64x512xbf16>, vector<512x512xbf16>, vector<64x512xf32> -> vector<64x512xf32>
    %add3A_566 = arith.addf %convert_element_type3A_560, %dot_general3A_565 : vector<64x512xf32>
    %tanh3A_567 = math.tanh %add3A_566 : vector<64x512xf32>
    %get3A_568 = arith.constant 448 : i32
    %get3A_569 = arith.constant 0 : i32
    %get3A_570 = tpu.memref_slice %arg12[%get3A_568, %get3A_569] : memref<640x2048xbf16, #tpu.memory_space<vmem>> -> memref<64x2048xbf16, #tpu.memory_space<vmem>>
    %get3A_571 = arith.constant 0 : index
    %get3A_572 = arith.constant 1536 : index
    %get3A_573 = vector.load %get3A_570[%get3A_571, %get3A_572] : memref<64x2048xbf16, #tpu.memory_space<vmem>>, vector<64x512xbf16>
    %convert_element_type3A_574 = arith.extf %get3A_573 : vector<64x512xbf16> to vector<64x512xf32>
    %get3A_575 = arith.constant 1536 : index
    %get3A_576 = arith.constant 0 : index
    %get3A_577 = vector.load %arg6[%get3A_575, %get3A_576] : memref<2048x512xbf16, #tpu.memory_space<vmem>>, vector<512x512xbf16>
    %dot_general3A_578 = arith.constant dense<0.000000e+00> : vector<64x512xf32>
    %dot_general3A_579 = tpu.matmul %convert_element_type3A_515, %get3A_577, %dot_general3A_578 {dimension_numbers = #tpu.dot_dimension_numbers<[1], [1], [0], [0], [0, 0, 1, 0], [], []>, transpose_lhs_hint = false} : vector<64x512xbf16>, vector<512x512xbf16>, vector<64x512xf32> -> vector<64x512xf32>
    %add3A_580 = arith.addf %convert_element_type3A_574, %dot_general3A_579 : vector<64x512xf32>
    %logistic3A_581 = arith.negf %add3A_580 : vector<64x512xf32>
    %logistic3A_582 = math.exp %logistic3A_581 : vector<64x512xf32>
    %logistic3A_583 = arith.constant 1.000000e+00 : f32
    %logistic3A_584 = vector.broadcast %logistic3A_583 : f32 to vector<64x512xf32>
    %logistic3A_585 = arith.addf %logistic3A_584, %logistic3A_582 : vector<64x512xf32>
    %logistic3A_586 = arith.divf %logistic3A_584, %logistic3A_585 : vector<64x512xf32>
    %get3A_587 = arith.constant 0 : index
    %get3A_588 = arith.constant 0 : index
    %get3A_589 = vector.load %arg16[%get3A_587, %get3A_588] : memref<64x512xf32, #tpu.memory_space<vmem>>, vector<64x512xf32>
    %mul3A_590 = arith.mulf %logistic3A_553, %get3A_589 : vector<64x512xf32>
    %mul3A_591 = arith.mulf %logistic3A_534, %tanh3A_567 : vector<64x512xf32>
    %add3A_592 = arith.addf %mul3A_590, %mul3A_591 : vector<64x512xf32>
    %tanh3A_593 = math.tanh %add3A_592 : vector<64x512xf32>
    %mul3A_594 = arith.mulf %logistic3A_586, %tanh3A_593 : vector<64x512xf32>
    %swap3A_595 = arith.constant 0 : index
    %swap3A_596 = arith.constant 0 : index
    %swap3A_597 = vector.load %arg16[%swap3A_595, %swap3A_596] : memref<64x512xf32, #tpu.memory_space<vmem>>, vector<64x512xf32>
    tpu.vector_store %arg16[%swap3A_595, %swap3A_596], %add3A_592 {strides = array<i32>} : memref<64x512xf32, #tpu.memory_space<vmem>>, vector<64x512xf32>,
    %swap3A_598 = arith.constant 0 : index
    %swap3A_599 = arith.constant 0 : index
    %swap3A_600 = vector.load %arg15[%swap3A_598, %swap3A_599] : memref<64x512xf32, #tpu.memory_space<vmem>>, vector<64x512xf32>
    tpu.vector_store %arg15[%swap3A_598, %swap3A_599], %mul3A_594 {strides = array<i32>} : memref<64x512xf32, #tpu.memory_space<vmem>>, vector<64x512xf32>,
    %convert_element_type3A_601 = arith.truncf %mul3A_594 : vector<64x512xf32> to vector<64x512xbf16>
    %swap3A_602 = arith.constant 7 : index
    %swap3A_603 = arith.constant 0 : index
    %swap3A_604 = arith.constant 0 : index
    %swap3A_605 = vector.load %arg10[%swap3A_602, %swap3A_603, %swap3A_604] : memref<10x64x512xbf16, #tpu.memory_space<vmem>>, vector<1x64x512xbf16>
    %swap3A_606 = vector.shape_cast %swap3A_605 : vector<1x64x512xbf16> to vector<64x512xbf16>
    %swap3A_607 = vector.shape_cast %convert_element_type3A_601 : vector<64x512xbf16> to vector<1x64x512xbf16>
    tpu.vector_store %arg10[%swap3A_602, %swap3A_603, %swap3A_604], %swap3A_607 {strides = array<i32>} : memref<10x64x512xbf16, #tpu.memory_space<vmem>>, vector<1x64x512xbf16>,
    %get3A_608 = arith.constant 0 : index
    %get3A_609 = arith.constant 0 : index
    %get3A_610 = vector.load %arg13[%get3A_608, %get3A_609] : memref<64x512xf32, #tpu.memory_space<vmem>>, vector<64x512xf32>
    %convert_element_type3A_611 = arith.truncf %get3A_610 : vector<64x512xf32> to vector<64x512xbf16>
    %get3A_612 = arith.constant 192 : i32
    %get3A_613 = arith.constant 0 : i32
    %get3A_614 = tpu.memref_slice %arg11[%get3A_612, %get3A_613] : memref<640x2048xbf16, #tpu.memory_space<vmem>> -> memref<64x2048xbf16, #tpu.memory_space<vmem>>
    %get3A_615 = arith.constant 0 : index
    %get3A_616 = arith.constant 0 : index
    %get3A_617 = vector.load %get3A_614[%get3A_615, %get3A_616] : memref<64x2048xbf16, #tpu.memory_space<vmem>>, vector<64x512xbf16>
    %convert_element_type3A_618 = arith.extf %get3A_617 : vector<64x512xbf16> to vector<64x512xf32>
    %get3A_619 = arith.constant 0 : index
    %get3A_620 = arith.constant 0 : index
    %get3A_621 = vector.load %arg5[%get3A_619, %get3A_620] : memref<2048x512xbf16, #tpu.memory_space<vmem>>, vector<512x512xbf16>
    %dot_general3A_622 = arith.constant dense<0.000000e+00> : vector<64x512xf32>
    %dot_general3A_623 = tpu.matmul %convert_element_type3A_611, %get3A_621, %dot_general3A_622 {dimension_numbers = #tpu.dot_dimension_numbers<[1], [1], [0], [0], [0, 0, 1, 0], [], []>, transpose_lhs_hint = false} : vector<64x512xbf16>, vector<512x512xbf16>, vector<64x512xf32> -> vector<64x512xf32>
    %add3A_624 = arith.addf %convert_element_type3A_618, %dot_general3A_623 : vector<64x512xf32>
    %logistic3A_625 = arith.negf %add3A_624 : vector<64x512xf32>
    %logistic3A_626 = math.exp %logistic3A_625 : vector<64x512xf32>
    %logistic3A_627 = arith.constant 1.000000e+00 : f32
    %logistic3A_628 = vector.broadcast %logistic3A_627 : f32 to vector<64x512xf32>
    %logistic3A_629 = arith.addf %logistic3A_628, %logistic3A_626 : vector<64x512xf32>
    %logistic3A_630 = arith.divf %logistic3A_628, %logistic3A_629 : vector<64x512xf32>
    %get3A_631 = arith.constant 192 : i32
    %get3A_632 = arith.constant 0 : i32
    %get3A_633 = tpu.memref_slice %arg11[%get3A_631, %get3A_632] : memref<640x2048xbf16, #tpu.memory_space<vmem>> -> memref<64x2048xbf16, #tpu.memory_space<vmem>>
    %get3A_634 = arith.constant 0 : index
    %get3A_635 = arith.constant 512 : index
    %get3A_636 = vector.load %get3A_633[%get3A_634, %get3A_635] : memref<64x2048xbf16, #tpu.memory_space<vmem>>, vector<64x512xbf16>
    %convert_element_type3A_637 = arith.extf %get3A_636 : vector<64x512xbf16> to vector<64x512xf32>
    %get3A_638 = arith.constant 512 : index
    %get3A_639 = arith.constant 0 : index
    %get3A_640 = vector.load %arg5[%get3A_638, %get3A_639] : memref<2048x512xbf16, #tpu.memory_space<vmem>>, vector<512x512xbf16>
    %dot_general3A_641 = arith.constant dense<0.000000e+00> : vector<64x512xf32>
    %dot_general3A_642 = tpu.matmul %convert_element_type3A_611, %get3A_640, %dot_general3A_641 {dimension_numbers = #tpu.dot_dimension_numbers<[1], [1], [0], [0], [0, 0, 1, 0], [], []>, transpose_lhs_hint = false} : vector<64x512xbf16>, vector<512x512xbf16>, vector<64x512xf32> -> vector<64x512xf32>
    %add3A_643 = arith.addf %convert_element_type3A_637, %dot_general3A_642 : vector<64x512xf32>
    %logistic3A_644 = arith.negf %add3A_643 : vector<64x512xf32>
    %logistic3A_645 = math.exp %logistic3A_644 : vector<64x512xf32>
    %logistic3A_646 = arith.constant 1.000000e+00 : f32
    %logistic3A_647 = vector.broadcast %logistic3A_646 : f32 to vector<64x512xf32>
    %logistic3A_648 = arith.addf %logistic3A_647, %logistic3A_645 : vector<64x512xf32>
    %logistic3A_649 = arith.divf %logistic3A_647, %logistic3A_648 : vector<64x512xf32>
    %get3A_650 = arith.constant 192 : i32
    %get3A_651 = arith.constant 0 : i32
    %get3A_652 = tpu.memref_slice %arg11[%get3A_650, %get3A_651] : memref<640x2048xbf16, #tpu.memory_space<vmem>> -> memref<64x2048xbf16, #tpu.memory_space<vmem>>
    %get3A_653 = arith.constant 0 : index
    %get3A_654 = arith.constant 1024 : index
    %get3A_655 = vector.load %get3A_652[%get3A_653, %get3A_654] : memref<64x2048xbf16, #tpu.memory_space<vmem>>, vector<64x512xbf16>
    %convert_element_type3A_656 = arith.extf %get3A_655 : vector<64x512xbf16> to vector<64x512xf32>
    %get3A_657 = arith.constant 1024 : index
    %get3A_658 = arith.constant 0 : index
    %get3A_659 = vector.load %arg5[%get3A_657, %get3A_658] : memref<2048x512xbf16, #tpu.memory_space<vmem>>, vector<512x512xbf16>
    %dot_general3A_660 = arith.constant dense<0.000000e+00> : vector<64x512xf32>
    %dot_general3A_661 = tpu.matmul %convert_element_type3A_611, %get3A_659, %dot_general3A_660 {dimension_numbers = #tpu.dot_dimension_numbers<[1], [1], [0], [0], [0, 0, 1, 0], [], []>, transpose_lhs_hint = false} : vector<64x512xbf16>, vector<512x512xbf16>, vector<64x512xf32> -> vector<64x512xf32>
    %add3A_662 = arith.addf %convert_element_type3A_656, %dot_general3A_661 : vector<64x512xf32>
    %tanh3A_663 = math.tanh %add3A_662 : vector<64x512xf32>
    %get3A_664 = arith.constant 192 : i32
    %get3A_665 = arith.constant 0 : i32
    %get3A_666 = tpu.memref_slice %arg11[%get3A_664, %get3A_665] : memref<640x2048xbf16, #tpu.memory_space<vmem>> -> memref<64x2048xbf16, #tpu.memory_space<vmem>>
    %get3A_667 = arith.constant 0 : index
    %get3A_668 = arith.constant 1536 : index
    %get3A_669 = vector.load %get3A_666[%get3A_667, %get3A_668] : memref<64x2048xbf16, #tpu.memory_space<vmem>>, vector<64x512xbf16>
    %convert_element_type3A_670 = arith.extf %get3A_669 : vector<64x512xbf16> to vector<64x512xf32>
    %get3A_671 = arith.constant 1536 : index
    %get3A_672 = arith.constant 0 : index
    %get3A_673 = vector.load %arg5[%get3A_671, %get3A_672] : memref<2048x512xbf16, #tpu.memory_space<vmem>>, vector<512x512xbf16>
    %dot_general3A_674 = arith.constant dense<0.000000e+00> : vector<64x512xf32>
    %dot_general3A_675 = tpu.matmul %convert_element_type3A_611, %get3A_673, %dot_general3A_674 {dimension_numbers = #tpu.dot_dimension_numbers<[1], [1], [0], [0], [0, 0, 1, 0], [], []>, transpose_lhs_hint = false} : vector<64x512xbf16>, vector<512x512xbf16>, vector<64x512xf32> -> vector<64x512xf32>
    %add3A_676 = arith.addf %convert_element_type3A_670, %dot_general3A_675 : vector<64x512xf32>
    %logistic3A_677 = arith.negf %add3A_676 : vector<64x512xf32>
    %logistic3A_678 = math.exp %logistic3A_677 : vector<64x512xf32>
    %logistic3A_679 = arith.constant 1.000000e+00 : f32
    %logistic3A_680 = vector.broadcast %logistic3A_679 : f32 to vector<64x512xf32>
    %logistic3A_681 = arith.addf %logistic3A_680, %logistic3A_678 : vector<64x512xf32>
    %logistic3A_682 = arith.divf %logistic3A_680, %logistic3A_681 : vector<64x512xf32>
    %get3A_683 = arith.constant 0 : index
    %get3A_684 = arith.constant 0 : index
    %get3A_685 = vector.load %arg14[%get3A_683, %get3A_684] : memref<64x512xf32, #tpu.memory_space<vmem>>, vector<64x512xf32>
    %mul3A_686 = arith.mulf %logistic3A_649, %get3A_685 : vector<64x512xf32>
    %mul3A_687 = arith.mulf %logistic3A_630, %tanh3A_663 : vector<64x512xf32>
    %add3A_688 = arith.addf %mul3A_686, %mul3A_687 : vector<64x512xf32>
    %tanh3A_689 = math.tanh %add3A_688 : vector<64x512xf32>
    %mul3A_690 = arith.mulf %logistic3A_682, %tanh3A_689 : vector<64x512xf32>
    %swap3A_691 = arith.constant 0 : index
    %swap3A_692 = arith.constant 0 : index
    %swap3A_693 = vector.load %arg14[%swap3A_691, %swap3A_692] : memref<64x512xf32, #tpu.memory_space<vmem>>, vector<64x512xf32>
    tpu.vector_store %arg14[%swap3A_691, %swap3A_692], %add3A_688 {strides = array<i32>} : memref<64x512xf32, #tpu.memory_space<vmem>>, vector<64x512xf32>,
    %swap3A_694 = arith.constant 0 : index
    %swap3A_695 = arith.constant 0 : index
    %swap3A_696 = vector.load %arg13[%swap3A_694, %swap3A_695] : memref<64x512xf32, #tpu.memory_space<vmem>>, vector<64x512xf32>
    tpu.vector_store %arg13[%swap3A_694, %swap3A_695], %mul3A_690 {strides = array<i32>} : memref<64x512xf32, #tpu.memory_space<vmem>>, vector<64x512xf32>,
    %convert_element_type3A_697 = arith.truncf %mul3A_690 : vector<64x512xf32> to vector<64x512xbf16>
    %swap3A_698 = arith.constant 3 : index
    %swap3A_699 = arith.constant 0 : index
    %swap3A_700 = arith.constant 0 : index
    %swap3A_701 = vector.load %arg9[%swap3A_698, %swap3A_699, %swap3A_700] : memref<10x64x512xbf16, #tpu.memory_space<vmem>>, vector<1x64x512xbf16>
    %swap3A_702 = vector.shape_cast %swap3A_701 : vector<1x64x512xbf16> to vector<64x512xbf16>
    %swap3A_703 = vector.shape_cast %convert_element_type3A_697 : vector<64x512xbf16> to vector<1x64x512xbf16>
    tpu.vector_store %arg9[%swap3A_698, %swap3A_699, %swap3A_700], %swap3A_703 {strides = array<i32>} : memref<10x64x512xbf16, #tpu.memory_space<vmem>>, vector<1x64x512xbf16>,
    %get3A_704 = arith.constant 0 : index
    %get3A_705 = arith.constant 0 : index
    %get3A_706 = vector.load %arg15[%get3A_704, %get3A_705] : memref<64x512xf32, #tpu.memory_space<vmem>>, vector<64x512xf32>
    %convert_element_type3A_707 = arith.truncf %get3A_706 : vector<64x512xf32> to vector<64x512xbf16>
    %get3A_708 = arith.constant 384 : i32
    %get3A_709 = arith.constant 0 : i32
    %get3A_710 = tpu.memref_slice %arg12[%get3A_708, %get3A_709] : memref<640x2048xbf16, #tpu.memory_space<vmem>> -> memref<64x2048xbf16, #tpu.memory_space<vmem>>
    %get3A_711 = arith.constant 0 : index
    %get3A_712 = arith.constant 0 : index
    %get3A_713 = vector.load %get3A_710[%get3A_711, %get3A_712] : memref<64x2048xbf16, #tpu.memory_space<vmem>>, vector<64x512xbf16>
    %convert_element_type3A_714 = arith.extf %get3A_713 : vector<64x512xbf16> to vector<64x512xf32>
    %get3A_715 = arith.constant 0 : index
    %get3A_716 = arith.constant 0 : index
    %get3A_717 = vector.load %arg6[%get3A_715, %get3A_716] : memref<2048x512xbf16, #tpu.memory_space<vmem>>, vector<512x512xbf16>
    %dot_general3A_718 = arith.constant dense<0.000000e+00> : vector<64x512xf32>
    %dot_general3A_719 = tpu.matmul %convert_element_type3A_707, %get3A_717, %dot_general3A_718 {dimension_numbers = #tpu.dot_dimension_numbers<[1], [1], [0], [0], [0, 0, 1, 0], [], []>, transpose_lhs_hint = false} : vector<64x512xbf16>, vector<512x512xbf16>, vector<64x512xf32> -> vector<64x512xf32>
    %add3A_720 = arith.addf %convert_element_type3A_714, %dot_general3A_719 : vector<64x512xf32>
    %logistic3A_721 = arith.negf %add3A_720 : vector<64x512xf32>
    %logistic3A_722 = math.exp %logistic3A_721 : vector<64x512xf32>
    %logistic3A_723 = arith.constant 1.000000e+00 : f32
    %logistic3A_724 = vector.broadcast %logistic3A_723 : f32 to vector<64x512xf32>
    %logistic3A_725 = arith.addf %logistic3A_724, %logistic3A_722 : vector<64x512xf32>
    %logistic3A_726 = arith.divf %logistic3A_724, %logistic3A_725 : vector<64x512xf32>
    %get3A_727 = arith.constant 384 : i32
    %get3A_728 = arith.constant 0 : i32
    %get3A_729 = tpu.memref_slice %arg12[%get3A_727, %get3A_728] : memref<640x2048xbf16, #tpu.memory_space<vmem>> -> memref<64x2048xbf16, #tpu.memory_space<vmem>>
    %get3A_730 = arith.constant 0 : index
    %get3A_731 = arith.constant 512 : index
    %get3A_732 = vector.load %get3A_729[%get3A_730, %get3A_731] : memref<64x2048xbf16, #tpu.memory_space<vmem>>, vector<64x512xbf16>
    %convert_element_type3A_733 = arith.extf %get3A_732 : vector<64x512xbf16> to vector<64x512xf32>
    %get3A_734 = arith.constant 512 : index
    %get3A_735 = arith.constant 0 : index
    %get3A_736 = vector.load %arg6[%get3A_734, %get3A_735] : memref<2048x512xbf16, #tpu.memory_space<vmem>>, vector<512x512xbf16>
    %dot_general3A_737 = arith.constant dense<0.000000e+00> : vector<64x512xf32>
    %dot_general3A_738 = tpu.matmul %convert_element_type3A_707, %get3A_736, %dot_general3A_737 {dimension_numbers = #tpu.dot_dimension_numbers<[1], [1], [0], [0], [0, 0, 1, 0], [], []>, transpose_lhs_hint = false} : vector<64x512xbf16>, vector<512x512xbf16>, vector<64x512xf32> -> vector<64x512xf32>
    %add3A_739 = arith.addf %convert_element_type3A_733, %dot_general3A_738 : vector<64x512xf32>
    %logistic3A_740 = arith.negf %add3A_739 : vector<64x512xf32>
    %logistic3A_741 = math.exp %logistic3A_740 : vector<64x512xf32>
    %logistic3A_742 = arith.constant 1.000000e+00 : f32
    %logistic3A_743 = vector.broadcast %logistic3A_742 : f32 to vector<64x512xf32>
    %logistic3A_744 = arith.addf %logistic3A_743, %logistic3A_741 : vector<64x512xf32>
    %logistic3A_745 = arith.divf %logistic3A_743, %logistic3A_744 : vector<64x512xf32>
    %get3A_746 = arith.constant 384 : i32
    %get3A_747 = arith.constant 0 : i32
    %get3A_748 = tpu.memref_slice %arg12[%get3A_746, %get3A_747] : memref<640x2048xbf16, #tpu.memory_space<vmem>> -> memref<64x2048xbf16, #tpu.memory_space<vmem>>
    %get3A_749 = arith.constant 0 : index
    %get3A_750 = arith.constant 1024 : index
    %get3A_751 = vector.load %get3A_748[%get3A_749, %get3A_750] : memref<64x2048xbf16, #tpu.memory_space<vmem>>, vector<64x512xbf16>
    %convert_element_type3A_752 = arith.extf %get3A_751 : vector<64x512xbf16> to vector<64x512xf32>
    %get3A_753 = arith.constant 1024 : index
    %get3A_754 = arith.constant 0 : index
    %get3A_755 = vector.load %arg6[%get3A_753, %get3A_754] : memref<2048x512xbf16, #tpu.memory_space<vmem>>, vector<512x512xbf16>
    %dot_general3A_756 = arith.constant dense<0.000000e+00> : vector<64x512xf32>
    %dot_general3A_757 = tpu.matmul %convert_element_type3A_707, %get3A_755, %dot_general3A_756 {dimension_numbers = #tpu.dot_dimension_numbers<[1], [1], [0], [0], [0, 0, 1, 0], [], []>, transpose_lhs_hint = false} : vector<64x512xbf16>, vector<512x512xbf16>, vector<64x512xf32> -> vector<64x512xf32>
    %add3A_758 = arith.addf %convert_element_type3A_752, %dot_general3A_757 : vector<64x512xf32>
    %tanh3A_759 = math.tanh %add3A_758 : vector<64x512xf32>
    %get3A_760 = arith.constant 384 : i32
    %get3A_761 = arith.constant 0 : i32
    %get3A_762 = tpu.memref_slice %arg12[%get3A_760, %get3A_761] : memref<640x2048xbf16, #tpu.memory_space<vmem>> -> memref<64x2048xbf16, #tpu.memory_space<vmem>>
    %get3A_763 = arith.constant 0 : index
    %get3A_764 = arith.constant 1536 : index
    %get3A_765 = vector.load %get3A_762[%get3A_763, %get3A_764] : memref<64x2048xbf16, #tpu.memory_space<vmem>>, vector<64x512xbf16>
    %convert_element_type3A_766 = arith.extf %get3A_765 : vector<64x512xbf16> to vector<64x512xf32>
    %get3A_767 = arith.constant 1536 : index
    %get3A_768 = arith.constant 0 : index
    %get3A_769 = vector.load %arg6[%get3A_767, %get3A_768] : memref<2048x512xbf16, #tpu.memory_space<vmem>>, vector<512x512xbf16>
    %dot_general3A_770 = arith.constant dense<0.000000e+00> : vector<64x512xf32>
    %dot_general3A_771 = tpu.matmul %convert_element_type3A_707, %get3A_769, %dot_general3A_770 {dimension_numbers = #tpu.dot_dimension_numbers<[1], [1], [0], [0], [0, 0, 1, 0], [], []>, transpose_lhs_hint = false} : vector<64x512xbf16>, vector<512x512xbf16>, vector<64x512xf32> -> vector<64x512xf32>
    %add3A_772 = arith.addf %convert_element_type3A_766, %dot_general3A_771 : vector<64x512xf32>
    %logistic3A_773 = arith.negf %add3A_772 : vector<64x512xf32>
    %logistic3A_774 = math.exp %logistic3A_773 : vector<64x512xf32>
    %logistic3A_775 = arith.constant 1.000000e+00 : f32
    %logistic3A_776 = vector.broadcast %logistic3A_775 : f32 to vector<64x512xf32>
    %logistic3A_777 = arith.addf %logistic3A_776, %logistic3A_774 : vector<64x512xf32>
    %logistic3A_778 = arith.divf %logistic3A_776, %logistic3A_777 : vector<64x512xf32>
    %get3A_779 = arith.constant 0 : index
    %get3A_780 = arith.constant 0 : index
    %get3A_781 = vector.load %arg16[%get3A_779, %get3A_780] : memref<64x512xf32, #tpu.memory_space<vmem>>, vector<64x512xf32>
    %mul3A_782 = arith.mulf %logistic3A_745, %get3A_781 : vector<64x512xf32>
    %mul3A_783 = arith.mulf %logistic3A_726, %tanh3A_759 : vector<64x512xf32>
    %add3A_784 = arith.addf %mul3A_782, %mul3A_783 : vector<64x512xf32>
    %tanh3A_785 = math.tanh %add3A_784 : vector<64x512xf32>
    %mul3A_786 = arith.mulf %logistic3A_778, %tanh3A_785 : vector<64x512xf32>
    %swap3A_787 = arith.constant 0 : index
    %swap3A_788 = arith.constant 0 : index
    %swap3A_789 = vector.load %arg16[%swap3A_787, %swap3A_788] : memref<64x512xf32, #tpu.memory_space<vmem>>, vector<64x512xf32>
    tpu.vector_store %arg16[%swap3A_787, %swap3A_788], %add3A_784 {strides = array<i32>} : memref<64x512xf32, #tpu.memory_space<vmem>>, vector<64x512xf32>,
    %swap3A_790 = arith.constant 0 : index
    %swap3A_791 = arith.constant 0 : index
    %swap3A_792 = vector.load %arg15[%swap3A_790, %swap3A_791] : memref<64x512xf32, #tpu.memory_space<vmem>>, vector<64x512xf32>
    tpu.vector_store %arg15[%swap3A_790, %swap3A_791], %mul3A_786 {strides = array<i32>} : memref<64x512xf32, #tpu.memory_space<vmem>>, vector<64x512xf32>,
    %convert_element_type3A_793 = arith.truncf %mul3A_786 : vector<64x512xf32> to vector<64x512xbf16>
    %swap3A_794 = arith.constant 6 : index
    %swap3A_795 = arith.constant 0 : index
    %swap3A_796 = arith.constant 0 : index
    %swap3A_797 = vector.load %arg10[%swap3A_794, %swap3A_795, %swap3A_796] : memref<10x64x512xbf16, #tpu.memory_space<vmem>>, vector<1x64x512xbf16>
    %swap3A_798 = vector.shape_cast %swap3A_797 : vector<1x64x512xbf16> to vector<64x512xbf16>
    %swap3A_799 = vector.shape_cast %convert_element_type3A_793 : vector<64x512xbf16> to vector<1x64x512xbf16>
    tpu.vector_store %arg10[%swap3A_794, %swap3A_795, %swap3A_796], %swap3A_799 {strides = array<i32>} : memref<10x64x512xbf16, #tpu.memory_space<vmem>>, vector<1x64x512xbf16>,
    %get3A_800 = arith.constant 0 : index
    %get3A_801 = arith.constant 0 : index
    %get3A_802 = vector.load %arg13[%get3A_800, %get3A_801] : memref<64x512xf32, #tpu.memory_space<vmem>>, vector<64x512xf32>
    %convert_element_type3A_803 = arith.truncf %get3A_802 : vector<64x512xf32> to vector<64x512xbf16>
    %get3A_804 = arith.constant 256 : i32
    %get3A_805 = arith.constant 0 : i32
    %get3A_806 = tpu.memref_slice %arg11[%get3A_804, %get3A_805] : memref<640x2048xbf16, #tpu.memory_space<vmem>> -> memref<64x2048xbf16, #tpu.memory_space<vmem>>
    %get3A_807 = arith.constant 0 : index
    %get3A_808 = arith.constant 0 : index
    %get3A_809 = vector.load %get3A_806[%get3A_807, %get3A_808] : memref<64x2048xbf16, #tpu.memory_space<vmem>>, vector<64x512xbf16>
    %convert_element_type3A_810 = arith.extf %get3A_809 : vector<64x512xbf16> to vector<64x512xf32>
    %get3A_811 = arith.constant 0 : index
    %get3A_812 = arith.constant 0 : index
    %get3A_813 = vector.load %arg5[%get3A_811, %get3A_812] : memref<2048x512xbf16, #tpu.memory_space<vmem>>, vector<512x512xbf16>
    %dot_general3A_814 = arith.constant dense<0.000000e+00> : vector<64x512xf32>
    %dot_general3A_815 = tpu.matmul %convert_element_type3A_803, %get3A_813, %dot_general3A_814 {dimension_numbers = #tpu.dot_dimension_numbers<[1], [1], [0], [0], [0, 0, 1, 0], [], []>, transpose_lhs_hint = false} : vector<64x512xbf16>, vector<512x512xbf16>, vector<64x512xf32> -> vector<64x512xf32>
    %add3A_816 = arith.addf %convert_element_type3A_810, %dot_general3A_815 : vector<64x512xf32>
    %logistic3A_817 = arith.negf %add3A_816 : vector<64x512xf32>
    %logistic3A_818 = math.exp %logistic3A_817 : vector<64x512xf32>
    %logistic3A_819 = arith.constant 1.000000e+00 : f32
    %logistic3A_820 = vector.broadcast %logistic3A_819 : f32 to vector<64x512xf32>
    %logistic3A_821 = arith.addf %logistic3A_820, %logistic3A_818 : vector<64x512xf32>
    %logistic3A_822 = arith.divf %logistic3A_820, %logistic3A_821 : vector<64x512xf32>
    %get3A_823 = arith.constant 256 : i32
    %get3A_824 = arith.constant 0 : i32
    %get3A_825 = tpu.memref_slice %arg11[%get3A_823, %get3A_824] : memref<640x2048xbf16, #tpu.memory_space<vmem>> -> memref<64x2048xbf16, #tpu.memory_space<vmem>>
    %get3A_826 = arith.constant 0 : index
    %get3A_827 = arith.constant 512 : index
    %get3A_828 = vector.load %get3A_825[%get3A_826, %get3A_827] : memref<64x2048xbf16, #tpu.memory_space<vmem>>, vector<64x512xbf16>
    %convert_element_type3A_829 = arith.extf %get3A_828 : vector<64x512xbf16> to vector<64x512xf32>
    %get3A_830 = arith.constant 512 : index
    %get3A_831 = arith.constant 0 : index
    %get3A_832 = vector.load %arg5[%get3A_830, %get3A_831] : memref<2048x512xbf16, #tpu.memory_space<vmem>>, vector<512x512xbf16>
    %dot_general3A_833 = arith.constant dense<0.000000e+00> : vector<64x512xf32>
    %dot_general3A_834 = tpu.matmul %convert_element_type3A_803, %get3A_832, %dot_general3A_833 {dimension_numbers = #tpu.dot_dimension_numbers<[1], [1], [0], [0], [0, 0, 1, 0], [], []>, transpose_lhs_hint = false} : vector<64x512xbf16>, vector<512x512xbf16>, vector<64x512xf32> -> vector<64x512xf32>
    %add3A_835 = arith.addf %convert_element_type3A_829, %dot_general3A_834 : vector<64x512xf32>
    %logistic3A_836 = arith.negf %add3A_835 : vector<64x512xf32>
    %logistic3A_837 = math.exp %logistic3A_836 : vector<64x512xf32>
    %logistic3A_838 = arith.constant 1.000000e+00 : f32
    %logistic3A_839 = vector.broadcast %logistic3A_838 : f32 to vector<64x512xf32>
    %logistic3A_840 = arith.addf %logistic3A_839, %logistic3A_837 : vector<64x512xf32>
    %logistic3A_841 = arith.divf %logistic3A_839, %logistic3A_840 : vector<64x512xf32>
    %get3A_842 = arith.constant 256 : i32
    %get3A_843 = arith.constant 0 : i32
    %get3A_844 = tpu.memref_slice %arg11[%get3A_842, %get3A_843] : memref<640x2048xbf16, #tpu.memory_space<vmem>> -> memref<64x2048xbf16, #tpu.memory_space<vmem>>
    %get3A_845 = arith.constant 0 : index
    %get3A_846 = arith.constant 1024 : index
    %get3A_847 = vector.load %get3A_844[%get3A_845, %get3A_846] : memref<64x2048xbf16, #tpu.memory_space<vmem>>, vector<64x512xbf16>
    %convert_element_type3A_848 = arith.extf %get3A_847 : vector<64x512xbf16> to vector<64x512xf32>
    %get3A_849 = arith.constant 1024 : index
    %get3A_850 = arith.constant 0 : index
    %get3A_851 = vector.load %arg5[%get3A_849, %get3A_850] : memref<2048x512xbf16, #tpu.memory_space<vmem>>, vector<512x512xbf16>
    %dot_general3A_852 = arith.constant dense<0.000000e+00> : vector<64x512xf32>
    %dot_general3A_853 = tpu.matmul %convert_element_type3A_803, %get3A_851, %dot_general3A_852 {dimension_numbers = #tpu.dot_dimension_numbers<[1], [1], [0], [0], [0, 0, 1, 0], [], []>, transpose_lhs_hint = false} : vector<64x512xbf16>, vector<512x512xbf16>, vector<64x512xf32> -> vector<64x512xf32>
    %add3A_854 = arith.addf %convert_element_type3A_848, %dot_general3A_853 : vector<64x512xf32>
    %tanh3A_855 = math.tanh %add3A_854 : vector<64x512xf32>
    %get3A_856 = arith.constant 256 : i32
    %get3A_857 = arith.constant 0 : i32
    %get3A_858 = tpu.memref_slice %arg11[%get3A_856, %get3A_857] : memref<640x2048xbf16, #tpu.memory_space<vmem>> -> memref<64x2048xbf16, #tpu.memory_space<vmem>>
    %get3A_859 = arith.constant 0 : index
    %get3A_860 = arith.constant 1536 : index
    %get3A_861 = vector.load %get3A_858[%get3A_859, %get3A_860] : memref<64x2048xbf16, #tpu.memory_space<vmem>>, vector<64x512xbf16>
    %convert_element_type3A_862 = arith.extf %get3A_861 : vector<64x512xbf16> to vector<64x512xf32>
    %get3A_863 = arith.constant 1536 : index
    %get3A_864 = arith.constant 0 : index
    %get3A_865 = vector.load %arg5[%get3A_863, %get3A_864] : memref<2048x512xbf16, #tpu.memory_space<vmem>>, vector<512x512xbf16>
    %dot_general3A_866 = arith.constant dense<0.000000e+00> : vector<64x512xf32>
    %dot_general3A_867 = tpu.matmul %convert_element_type3A_803, %get3A_865, %dot_general3A_866 {dimension_numbers = #tpu.dot_dimension_numbers<[1], [1], [0], [0], [0, 0, 1, 0], [], []>, transpose_lhs_hint = false} : vector<64x512xbf16>, vector<512x512xbf16>, vector<64x512xf32> -> vector<64x512xf32>
    %add3A_868 = arith.addf %convert_element_type3A_862, %dot_general3A_867 : vector<64x512xf32>
    %logistic3A_869 = arith.negf %add3A_868 : vector<64x512xf32>
    %logistic3A_870 = math.exp %logistic3A_869 : vector<64x512xf32>
    %logistic3A_871 = arith.constant 1.000000e+00 : f32
    %logistic3A_872 = vector.broadcast %logistic3A_871 : f32 to vector<64x512xf32>
    %logistic3A_873 = arith.addf %logistic3A_872, %logistic3A_870 : vector<64x512xf32>
    %logistic3A_874 = arith.divf %logistic3A_872, %logistic3A_873 : vector<64x512xf32>
    %get3A_875 = arith.constant 0 : index
    %get3A_876 = arith.constant 0 : index
    %get3A_877 = vector.load %arg14[%get3A_875, %get3A_876] : memref<64x512xf32, #tpu.memory_space<vmem>>, vector<64x512xf32>
    %mul3A_878 = arith.mulf %logistic3A_841, %get3A_877 : vector<64x512xf32>
    %mul3A_879 = arith.mulf %logistic3A_822, %tanh3A_855 : vector<64x512xf32>
    %add3A_880 = arith.addf %mul3A_878, %mul3A_879 : vector<64x512xf32>
    %tanh3A_881 = math.tanh %add3A_880 : vector<64x512xf32>
    %mul3A_882 = arith.mulf %logistic3A_874, %tanh3A_881 : vector<64x512xf32>
    %swap3A_883 = arith.constant 0 : index
    %swap3A_884 = arith.constant 0 : index
    %swap3A_885 = vector.load %arg14[%swap3A_883, %swap3A_884] : memref<64x512xf32, #tpu.memory_space<vmem>>, vector<64x512xf32>
    tpu.vector_store %arg14[%swap3A_883, %swap3A_884], %add3A_880 {strides = array<i32>} : memref<64x512xf32, #tpu.memory_space<vmem>>, vector<64x512xf32>,
    %swap3A_886 = arith.constant 0 : index
    %swap3A_887 = arith.constant 0 : index
    %swap3A_888 = vector.load %arg13[%swap3A_886, %swap3A_887] : memref<64x512xf32, #tpu.memory_space<vmem>>, vector<64x512xf32>
    tpu.vector_store %arg13[%swap3A_886, %swap3A_887], %mul3A_882 {strides = array<i32>} : memref<64x512xf32, #tpu.memory_space<vmem>>, vector<64x512xf32>,
    %convert_element_type3A_889 = arith.truncf %mul3A_882 : vector<64x512xf32> to vector<64x512xbf16>
    %swap3A_890 = arith.constant 4 : index
    %swap3A_891 = arith.constant 0 : index
    %swap3A_892 = arith.constant 0 : index
    %swap3A_893 = vector.load %arg9[%swap3A_890, %swap3A_891, %swap3A_892] : memref<10x64x512xbf16, #tpu.memory_space<vmem>>, vector<1x64x512xbf16>
    %swap3A_894 = vector.shape_cast %swap3A_893 : vector<1x64x512xbf16> to vector<64x512xbf16>
    %swap3A_895 = vector.shape_cast %convert_element_type3A_889 : vector<64x512xbf16> to vector<1x64x512xbf16>
    tpu.vector_store %arg9[%swap3A_890, %swap3A_891, %swap3A_892], %swap3A_895 {strides = array<i32>} : memref<10x64x512xbf16, #tpu.memory_space<vmem>>, vector<1x64x512xbf16>,
    %get3A_896 = arith.constant 0 : index
    %get3A_897 = arith.constant 0 : index
    %get3A_898 = vector.load %arg15[%get3A_896, %get3A_897] : memref<64x512xf32, #tpu.memory_space<vmem>>, vector<64x512xf32>
    %convert_element_type3A_899 = arith.truncf %get3A_898 : vector<64x512xf32> to vector<64x512xbf16>
    %get3A_900 = arith.constant 320 : i32
    %get3A_901 = arith.constant 0 : i32
    %get3A_902 = tpu.memref_slice %arg12[%get3A_900, %get3A_901] : memref<640x2048xbf16, #tpu.memory_space<vmem>> -> memref<64x2048xbf16, #tpu.memory_space<vmem>>
    %get3A_903 = arith.constant 0 : index
    %get3A_904 = arith.constant 0 : index
    %get3A_905 = vector.load %get3A_902[%get3A_903, %get3A_904] : memref<64x2048xbf16, #tpu.memory_space<vmem>>, vector<64x512xbf16>
    %convert_element_type3A_906 = arith.extf %get3A_905 : vector<64x512xbf16> to vector<64x512xf32>
    %get3A_907 = arith.constant 0 : index
    %get3A_908 = arith.constant 0 : index
    %get3A_909 = vector.load %arg6[%get3A_907, %get3A_908] : memref<2048x512xbf16, #tpu.memory_space<vmem>>, vector<512x512xbf16>
    %dot_general3A_910 = arith.constant dense<0.000000e+00> : vector<64x512xf32>
    %dot_general3A_911 = tpu.matmul %convert_element_type3A_899, %get3A_909, %dot_general3A_910 {dimension_numbers = #tpu.dot_dimension_numbers<[1], [1], [0], [0], [0, 0, 1, 0], [], []>, transpose_lhs_hint = false} : vector<64x512xbf16>, vector<512x512xbf16>, vector<64x512xf32> -> vector<64x512xf32>
    %add3A_912 = arith.addf %convert_element_type3A_906, %dot_general3A_911 : vector<64x512xf32>
    %logistic3A_913 = arith.negf %add3A_912 : vector<64x512xf32>
    %logistic3A_914 = math.exp %logistic3A_913 : vector<64x512xf32>
    %logistic3A_915 = arith.constant 1.000000e+00 : f32
    %logistic3A_916 = vector.broadcast %logistic3A_915 : f32 to vector<64x512xf32>
    %logistic3A_917 = arith.addf %logistic3A_916, %logistic3A_914 : vector<64x512xf32>
    %logistic3A_918 = arith.divf %logistic3A_916, %logistic3A_917 : vector<64x512xf32>
    %get3A_919 = arith.constant 320 : i32
    %get3A_920 = arith.constant 0 : i32
    %get3A_921 = tpu.memref_slice %arg12[%get3A_919, %get3A_920] : memref<640x2048xbf16, #tpu.memory_space<vmem>> -> memref<64x2048xbf16, #tpu.memory_space<vmem>>
    %get3A_922 = arith.constant 0 : index
    %get3A_923 = arith.constant 512 : index
    %get3A_924 = vector.load %get3A_921[%get3A_922, %get3A_923] : memref<64x2048xbf16, #tpu.memory_space<vmem>>, vector<64x512xbf16>
    %convert_element_type3A_925 = arith.extf %get3A_924 : vector<64x512xbf16> to vector<64x512xf32>
    %get3A_926 = arith.constant 512 : index
    %get3A_927 = arith.constant 0 : index
    %get3A_928 = vector.load %arg6[%get3A_926, %get3A_927] : memref<2048x512xbf16, #tpu.memory_space<vmem>>, vector<512x512xbf16>
    %dot_general3A_929 = arith.constant dense<0.000000e+00> : vector<64x512xf32>
    %dot_general3A_930 = tpu.matmul %convert_element_type3A_899, %get3A_928, %dot_general3A_929 {dimension_numbers = #tpu.dot_dimension_numbers<[1], [1], [0], [0], [0, 0, 1, 0], [], []>, transpose_lhs_hint = false} : vector<64x512xbf16>, vector<512x512xbf16>, vector<64x512xf32> -> vector<64x512xf32>
    %add3A_931 = arith.addf %convert_element_type3A_925, %dot_general3A_930 : vector<64x512xf32>
    %logistic3A_932 = arith.negf %add3A_931 : vector<64x512xf32>
    %logistic3A_933 = math.exp %logistic3A_932 : vector<64x512xf32>
    %logistic3A_934 = arith.constant 1.000000e+00 : f32
    %logistic3A_935 = vector.broadcast %logistic3A_934 : f32 to vector<64x512xf32>
    %logistic3A_936 = arith.addf %logistic3A_935, %logistic3A_933 : vector<64x512xf32>
    %logistic3A_937 = arith.divf %logistic3A_935, %logistic3A_936 : vector<64x512xf32>
    %get3A_938 = arith.constant 320 : i32
    %get3A_939 = arith.constant 0 : i32
    %get3A_940 = tpu.memref_slice %arg12[%get3A_938, %get3A_939] : memref<640x2048xbf16, #tpu.memory_space<vmem>> -> memref<64x2048xbf16, #tpu.memory_space<vmem>>
    %get3A_941 = arith.constant 0 : index
    %get3A_942 = arith.constant 1024 : index
    %get3A_943 = vector.load %get3A_940[%get3A_941, %get3A_942] : memref<64x2048xbf16, #tpu.memory_space<vmem>>, vector<64x512xbf16>
    %convert_element_type3A_944 = arith.extf %get3A_943 : vector<64x512xbf16> to vector<64x512xf32>
    %get3A_945 = arith.constant 1024 : index
    %get3A_946 = arith.constant 0 : index
    %get3A_947 = vector.load %arg6[%get3A_945, %get3A_946] : memref<2048x512xbf16, #tpu.memory_space<vmem>>, vector<512x512xbf16>
    %dot_general3A_948 = arith.constant dense<0.000000e+00> : vector<64x512xf32>
    %dot_general3A_949 = tpu.matmul %convert_element_type3A_899, %get3A_947, %dot_general3A_948 {dimension_numbers = #tpu.dot_dimension_numbers<[1], [1], [0], [0], [0, 0, 1, 0], [], []>, transpose_lhs_hint = false} : vector<64x512xbf16>, vector<512x512xbf16>, vector<64x512xf32> -> vector<64x512xf32>
    %add3A_950 = arith.addf %convert_element_type3A_944, %dot_general3A_949 : vector<64x512xf32>
    %tanh3A_951 = math.tanh %add3A_950 : vector<64x512xf32>
    %get3A_952 = arith.constant 320 : i32
    %get3A_953 = arith.constant 0 : i32
    %get3A_954 = tpu.memref_slice %arg12[%get3A_952, %get3A_953] : memref<640x2048xbf16, #tpu.memory_space<vmem>> -> memref<64x2048xbf16, #tpu.memory_space<vmem>>
    %get3A_955 = arith.constant 0 : index
    %get3A_956 = arith.constant 1536 : index
    %get3A_957 = vector.load %get3A_954[%get3A_955, %get3A_956] : memref<64x2048xbf16, #tpu.memory_space<vmem>>, vector<64x512xbf16>
    %convert_element_type3A_958 = arith.extf %get3A_957 : vector<64x512xbf16> to vector<64x512xf32>
    %get3A_959 = arith.constant 1536 : index
    %get3A_960 = arith.constant 0 : index
    %get3A_961 = vector.load %arg6[%get3A_959, %get3A_960] : memref<2048x512xbf16, #tpu.memory_space<vmem>>, vector<512x512xbf16>
    %dot_general3A_962 = arith.constant dense<0.000000e+00> : vector<64x512xf32>
    %dot_general3A_963 = tpu.matmul %convert_element_type3A_899, %get3A_961, %dot_general3A_962 {dimension_numbers = #tpu.dot_dimension_numbers<[1], [1], [0], [0], [0, 0, 1, 0], [], []>, transpose_lhs_hint = false} : vector<64x512xbf16>, vector<512x512xbf16>, vector<64x512xf32> -> vector<64x512xf32>
    %add3A_964 = arith.addf %convert_element_type3A_958, %dot_general3A_963 : vector<64x512xf32>
    %logistic3A_965 = arith.negf %add3A_964 : vector<64x512xf32>
    %logistic3A_966 = math.exp %logistic3A_965 : vector<64x512xf32>
    %logistic3A_967 = arith.constant 1.000000e+00 : f32
    %logistic3A_968 = vector.broadcast %logistic3A_967 : f32 to vector<64x512xf32>
    %logistic3A_969 = arith.addf %logistic3A_968, %logistic3A_966 : vector<64x512xf32>
    %logistic3A_970 = arith.divf %logistic3A_968, %logistic3A_969 : vector<64x512xf32>
    %get3A_971 = arith.constant 0 : index
    %get3A_972 = arith.constant 0 : index
    %get3A_973 = vector.load %arg16[%get3A_971, %get3A_972] : memref<64x512xf32, #tpu.memory_space<vmem>>, vector<64x512xf32>
    %mul3A_974 = arith.mulf %logistic3A_937, %get3A_973 : vector<64x512xf32>
    %mul3A_975 = arith.mulf %logistic3A_918, %tanh3A_951 : vector<64x512xf32>
    %add3A_976 = arith.addf %mul3A_974, %mul3A_975 : vector<64x512xf32>
    %tanh3A_977 = math.tanh %add3A_976 : vector<64x512xf32>
    %mul3A_978 = arith.mulf %logistic3A_970, %tanh3A_977 : vector<64x512xf32>
    %swap3A_979 = arith.constant 0 : index
    %swap3A_980 = arith.constant 0 : index
    %swap3A_981 = vector.load %arg16[%swap3A_979, %swap3A_980] : memref<64x512xf32, #tpu.memory_space<vmem>>, vector<64x512xf32>
    tpu.vector_store %arg16[%swap3A_979, %swap3A_980], %add3A_976 {strides = array<i32>} : memref<64x512xf32, #tpu.memory_space<vmem>>, vector<64x512xf32>,
    %swap3A_982 = arith.constant 0 : index
    %swap3A_983 = arith.constant 0 : index
    %swap3A_984 = vector.load %arg15[%swap3A_982, %swap3A_983] : memref<64x512xf32, #tpu.memory_space<vmem>>, vector<64x512xf32>
    tpu.vector_store %arg15[%swap3A_982, %swap3A_983], %mul3A_978 {strides = array<i32>} : memref<64x512xf32, #tpu.memory_space<vmem>>, vector<64x512xf32>,
    %convert_element_type3A_985 = arith.truncf %mul3A_978 : vector<64x512xf32> to vector<64x512xbf16>
    %swap3A_986 = arith.constant 5 : index
    %swap3A_987 = arith.constant 0 : index
    %swap3A_988 = arith.constant 0 : index
    %swap3A_989 = vector.load %arg10[%swap3A_986, %swap3A_987, %swap3A_988] : memref<10x64x512xbf16, #tpu.memory_space<vmem>>, vector<1x64x512xbf16>
    %swap3A_990 = vector.shape_cast %swap3A_989 : vector<1x64x512xbf16> to vector<64x512xbf16>
    %swap3A_991 = vector.shape_cast %convert_element_type3A_985 : vector<64x512xbf16> to vector<1x64x512xbf16>
    tpu.vector_store %arg10[%swap3A_986, %swap3A_987, %swap3A_988], %swap3A_991 {strides = array<i32>} : memref<10x64x512xbf16, #tpu.memory_space<vmem>>, vector<1x64x512xbf16>,
    %get3A_992 = arith.constant 0 : index
    %get3A_993 = arith.constant 0 : index
    %get3A_994 = vector.load %arg13[%get3A_992, %get3A_993] : memref<64x512xf32, #tpu.memory_space<vmem>>, vector<64x512xf32>
    %convert_element_type3A_995 = arith.truncf %get3A_994 : vector<64x512xf32> to vector<64x512xbf16>
    %get3A_996 = arith.constant 320 : i32
    %get3A_997 = arith.constant 0 : i32
    %get3A_998 = tpu.memref_slice %arg11[%get3A_996, %get3A_997] : memref<640x2048xbf16, #tpu.memory_space<vmem>> -> memref<64x2048xbf16, #tpu.memory_space<vmem>>
    %get3A_999 = arith.constant 0 : index
    %get3A_1000 = arith.constant 0 : index
    %get3A_1001 = vector.load %get3A_998[%get3A_999, %get3A_1000] : memref<64x2048xbf16, #tpu.memory_space<vmem>>, vector<64x512xbf16>
    %convert_element_type3A_1002 = arith.extf %get3A_1001 : vector<64x512xbf16> to vector<64x512xf32>
    %get3A_1003 = arith.constant 0 : index
    %get3A_1004 = arith.constant 0 : index
    %get3A_1005 = vector.load %arg5[%get3A_1003, %get3A_1004] : memref<2048x512xbf16, #tpu.memory_space<vmem>>, vector<512x512xbf16>
    %dot_general3A_1006 = arith.constant dense<0.000000e+00> : vector<64x512xf32>
    %dot_general3A_1007 = tpu.matmul %convert_element_type3A_995, %get3A_1005, %dot_general3A_1006 {dimension_numbers = #tpu.dot_dimension_numbers<[1], [1], [0], [0], [0, 0, 1, 0], [], []>, transpose_lhs_hint = false} : vector<64x512xbf16>, vector<512x512xbf16>, vector<64x512xf32> -> vector<64x512xf32>
    %add3A_1008 = arith.addf %convert_element_type3A_1002, %dot_general3A_1007 : vector<64x512xf32>
    %logistic3A_1009 = arith.negf %add3A_1008 : vector<64x512xf32>
    %logistic3A_1010 = math.exp %logistic3A_1009 : vector<64x512xf32>
    %logistic3A_1011 = arith.constant 1.000000e+00 : f32
    %logistic3A_1012 = vector.broadcast %logistic3A_1011 : f32 to vector<64x512xf32>
    %logistic3A_1013 = arith.addf %logistic3A_1012, %logistic3A_1010 : vector<64x512xf32>
    %logistic3A_1014 = arith.divf %logistic3A_1012, %logistic3A_1013 : vector<64x512xf32>
    %get3A_1015 = arith.constant 320 : i32
    %get3A_1016 = arith.constant 0 : i32
    %get3A_1017 = tpu.memref_slice %arg11[%get3A_1015, %get3A_1016] : memref<640x2048xbf16, #tpu.memory_space<vmem>> -> memref<64x2048xbf16, #tpu.memory_space<vmem>>
    %get3A_1018 = arith.constant 0 : index
    %get3A_1019 = arith.constant 512 : index
    %get3A_1020 = vector.load %get3A_1017[%get3A_1018, %get3A_1019] : memref<64x2048xbf16, #tpu.memory_space<vmem>>, vector<64x512xbf16>
    %convert_element_type3A_1021 = arith.extf %get3A_1020 : vector<64x512xbf16> to vector<64x512xf32>
    %get3A_1022 = arith.constant 512 : index
    %get3A_1023 = arith.constant 0 : index
    %get3A_1024 = vector.load %arg5[%get3A_1022, %get3A_1023] : memref<2048x512xbf16, #tpu.memory_space<vmem>>, vector<512x512xbf16>
    %dot_general3A_1025 = arith.constant dense<0.000000e+00> : vector<64x512xf32>
    %dot_general3A_1026 = tpu.matmul %convert_element_type3A_995, %get3A_1024, %dot_general3A_1025 {dimension_numbers = #tpu.dot_dimension_numbers<[1], [1], [0], [0], [0, 0, 1, 0], [], []>, transpose_lhs_hint = false} : vector<64x512xbf16>, vector<512x512xbf16>, vector<64x512xf32> -> vector<64x512xf32>
    %add3A_1027 = arith.addf %convert_element_type3A_1021, %dot_general3A_1026 : vector<64x512xf32>
    %logistic3A_1028 = arith.negf %add3A_1027 : vector<64x512xf32>
    %logistic3A_1029 = math.exp %logistic3A_1028 : vector<64x512xf32>
    %logistic3A_1030 = arith.constant 1.000000e+00 : f32
    %logistic3A_1031 = vector.broadcast %logistic3A_1030 : f32 to vector<64x512xf32>
    %logistic3A_1032 = arith.addf %logistic3A_1031, %logistic3A_1029 : vector<64x512xf32>
    %logistic3A_1033 = arith.divf %logistic3A_1031, %logistic3A_1032 : vector<64x512xf32>
    %get3A_1034 = arith.constant 320 : i32
    %get3A_1035 = arith.constant 0 : i32
    %get3A_1036 = tpu.memref_slice %arg11[%get3A_1034, %get3A_1035] : memref<640x2048xbf16, #tpu.memory_space<vmem>> -> memref<64x2048xbf16, #tpu.memory_space<vmem>>
    %get3A_1037 = arith.constant 0 : index
    %get3A_1038 = arith.constant 1024 : index
    %get3A_1039 = vector.load %get3A_1036[%get3A_1037, %get3A_1038] : memref<64x2048xbf16, #tpu.memory_space<vmem>>, vector<64x512xbf16>
    %convert_element_type3A_1040 = arith.extf %get3A_1039 : vector<64x512xbf16> to vector<64x512xf32>
    %get3A_1041 = arith.constant 1024 : index
    %get3A_1042 = arith.constant 0 : index
    %get3A_1043 = vector.load %arg5[%get3A_1041, %get3A_1042] : memref<2048x512xbf16, #tpu.memory_space<vmem>>, vector<512x512xbf16>
    %dot_general3A_1044 = arith.constant dense<0.000000e+00> : vector<64x512xf32>
    %dot_general3A_1045 = tpu.matmul %convert_element_type3A_995, %get3A_1043, %dot_general3A_1044 {dimension_numbers = #tpu.dot_dimension_numbers<[1], [1], [0], [0], [0, 0, 1, 0], [], []>, transpose_lhs_hint = false} : vector<64x512xbf16>, vector<512x512xbf16>, vector<64x512xf32> -> vector<64x512xf32>
    %add3A_1046 = arith.addf %convert_element_type3A_1040, %dot_general3A_1045 : vector<64x512xf32>
    %tanh3A_1047 = math.tanh %add3A_1046 : vector<64x512xf32>
    %get3A_1048 = arith.constant 320 : i32
    %get3A_1049 = arith.constant 0 : i32
    %get3A_1050 = tpu.memref_slice %arg11[%get3A_1048, %get3A_1049] : memref<640x2048xbf16, #tpu.memory_space<vmem>> -> memref<64x2048xbf16, #tpu.memory_space<vmem>>
    %get3A_1051 = arith.constant 0 : index
    %get3A_1052 = arith.constant 1536 : index
    %get3A_1053 = vector.load %get3A_1050[%get3A_1051, %get3A_1052] : memref<64x2048xbf16, #tpu.memory_space<vmem>>, vector<64x512xbf16>
    %convert_element_type3A_1054 = arith.extf %get3A_1053 : vector<64x512xbf16> to vector<64x512xf32>
    %get3A_1055 = arith.constant 1536 : index
    %get3A_1056 = arith.constant 0 : index
    %get3A_1057 = vector.load %arg5[%get3A_1055, %get3A_1056] : memref<2048x512xbf16, #tpu.memory_space<vmem>>, vector<512x512xbf16>
    %dot_general3A_1058 = arith.constant dense<0.000000e+00> : vector<64x512xf32>
    %dot_general3A_1059 = tpu.matmul %convert_element_type3A_995, %get3A_1057, %dot_general3A_1058 {dimension_numbers = #tpu.dot_dimension_numbers<[1], [1], [0], [0], [0, 0, 1, 0], [], []>, transpose_lhs_hint = false} : vector<64x512xbf16>, vector<512x512xbf16>, vector<64x512xf32> -> vector<64x512xf32>
    %add3A_1060 = arith.addf %convert_element_type3A_1054, %dot_general3A_1059 : vector<64x512xf32>
    %logistic3A_1061 = arith.negf %add3A_1060 : vector<64x512xf32>
    %logistic3A_1062 = math.exp %logistic3A_1061 : vector<64x512xf32>
    %logistic3A_1063 = arith.constant 1.000000e+00 : f32
    %logistic3A_1064 = vector.broadcast %logistic3A_1063 : f32 to vector<64x512xf32>
    %logistic3A_1065 = arith.addf %logistic3A_1064, %logistic3A_1062 : vector<64x512xf32>
    %logistic3A_1066 = arith.divf %logistic3A_1064, %logistic3A_1065 : vector<64x512xf32>
    %get3A_1067 = arith.constant 0 : index
    %get3A_1068 = arith.constant 0 : index
    %get3A_1069 = vector.load %arg14[%get3A_1067, %get3A_1068] : memref<64x512xf32, #tpu.memory_space<vmem>>, vector<64x512xf32>
    %mul3A_1070 = arith.mulf %logistic3A_1033, %get3A_1069 : vector<64x512xf32>
    %mul3A_1071 = arith.mulf %logistic3A_1014, %tanh3A_1047 : vector<64x512xf32>
    %add3A_1072 = arith.addf %mul3A_1070, %mul3A_1071 : vector<64x512xf32>
    %tanh3A_1073 = math.tanh %add3A_1072 : vector<64x512xf32>
    %mul3A_1074 = arith.mulf %logistic3A_1066, %tanh3A_1073 : vector<64x512xf32>
    %swap3A_1075 = arith.constant 0 : index
    %swap3A_1076 = arith.constant 0 : index
    %swap3A_1077 = vector.load %arg14[%swap3A_1075, %swap3A_1076] : memref<64x512xf32, #tpu.memory_space<vmem>>, vector<64x512xf32>
    tpu.vector_store %arg14[%swap3A_1075, %swap3A_1076], %add3A_1072 {strides = array<i32>} : memref<64x512xf32, #tpu.memory_space<vmem>>, vector<64x512xf32>,
    %swap3A_1078 = arith.constant 0 : index
    %swap3A_1079 = arith.constant 0 : index
    %swap3A_1080 = vector.load %arg13[%swap3A_1078, %swap3A_1079] : memref<64x512xf32, #tpu.memory_space<vmem>>, vector<64x512xf32>
    tpu.vector_store %arg13[%swap3A_1078, %swap3A_1079], %mul3A_1074 {strides = array<i32>} : memref<64x512xf32, #tpu.memory_space<vmem>>, vector<64x512xf32>,
    %convert_element_type3A_1081 = arith.truncf %mul3A_1074 : vector<64x512xf32> to vector<64x512xbf16>
    %swap3A_1082 = arith.constant 5 : index
    %swap3A_1083 = arith.constant 0 : index
    %swap3A_1084 = arith.constant 0 : index
    %swap3A_1085 = vector.load %arg9[%swap3A_1082, %swap3A_1083, %swap3A_1084] : memref<10x64x512xbf16, #tpu.memory_space<vmem>>, vector<1x64x512xbf16>
    %swap3A_1086 = vector.shape_cast %swap3A_1085 : vector<1x64x512xbf16> to vector<64x512xbf16>
    %swap3A_1087 = vector.shape_cast %convert_element_type3A_1081 : vector<64x512xbf16> to vector<1x64x512xbf16>
    tpu.vector_store %arg9[%swap3A_1082, %swap3A_1083, %swap3A_1084], %swap3A_1087 {strides = array<i32>} : memref<10x64x512xbf16, #tpu.memory_space<vmem>>, vector<1x64x512xbf16>,
    %get3A_1088 = arith.constant 0 : index
    %get3A_1089 = arith.constant 0 : index
    %get3A_1090 = vector.load %arg15[%get3A_1088, %get3A_1089] : memref<64x512xf32, #tpu.memory_space<vmem>>, vector<64x512xf32>
    %convert_element_type3A_1091 = arith.truncf %get3A_1090 : vector<64x512xf32> to vector<64x512xbf16>
    %get3A_1092 = arith.constant 256 : i32
    %get3A_1093 = arith.constant 0 : i32
    %get3A_1094 = tpu.memref_slice %arg12[%get3A_1092, %get3A_1093] : memref<640x2048xbf16, #tpu.memory_space<vmem>> -> memref<64x2048xbf16, #tpu.memory_space<vmem>>
    %get3A_1095 = arith.constant 0 : index
    %get3A_1096 = arith.constant 0 : index
    %get3A_1097 = vector.load %get3A_1094[%get3A_1095, %get3A_1096] : memref<64x2048xbf16, #tpu.memory_space<vmem>>, vector<64x512xbf16>
    %convert_element_type3A_1098 = arith.extf %get3A_1097 : vector<64x512xbf16> to vector<64x512xf32>
    %get3A_1099 = arith.constant 0 : index
    %get3A_1100 = arith.constant 0 : index
    %get3A_1101 = vector.load %arg6[%get3A_1099, %get3A_1100] : memref<2048x512xbf16, #tpu.memory_space<vmem>>, vector<512x512xbf16>
    %dot_general3A_1102 = arith.constant dense<0.000000e+00> : vector<64x512xf32>
    %dot_general3A_1103 = tpu.matmul %convert_element_type3A_1091, %get3A_1101, %dot_general3A_1102 {dimension_numbers = #tpu.dot_dimension_numbers<[1], [1], [0], [0], [0, 0, 1, 0], [], []>, transpose_lhs_hint = false} : vector<64x512xbf16>, vector<512x512xbf16>, vector<64x512xf32> -> vector<64x512xf32>
    %add3A_1104 = arith.addf %convert_element_type3A_1098, %dot_general3A_1103 : vector<64x512xf32>
    %logistic3A_1105 = arith.negf %add3A_1104 : vector<64x512xf32>
    %logistic3A_1106 = math.exp %logistic3A_1105 : vector<64x512xf32>
    %logistic3A_1107 = arith.constant 1.000000e+00 : f32
    %logistic3A_1108 = vector.broadcast %logistic3A_1107 : f32 to vector<64x512xf32>
    %logistic3A_1109 = arith.addf %logistic3A_1108, %logistic3A_1106 : vector<64x512xf32>
    %logistic3A_1110 = arith.divf %logistic3A_1108, %logistic3A_1109 : vector<64x512xf32>
    %get3A_1111 = arith.constant 256 : i32
    %get3A_1112 = arith.constant 0 : i32
    %get3A_1113 = tpu.memref_slice %arg12[%get3A_1111, %get3A_1112] : memref<640x2048xbf16, #tpu.memory_space<vmem>> -> memref<64x2048xbf16, #tpu.memory_space<vmem>>
    %get3A_1114 = arith.constant 0 : index
    %get3A_1115 = arith.constant 512 : index
    %get3A_1116 = vector.load %get3A_1113[%get3A_1114, %get3A_1115] : memref<64x2048xbf16, #tpu.memory_space<vmem>>, vector<64x512xbf16>
    %convert_element_type3A_1117 = arith.extf %get3A_1116 : vector<64x512xbf16> to vector<64x512xf32>
    %get3A_1118 = arith.constant 512 : index
    %get3A_1119 = arith.constant 0 : index
    %get3A_1120 = vector.load %arg6[%get3A_1118, %get3A_1119] : memref<2048x512xbf16, #tpu.memory_space<vmem>>, vector<512x512xbf16>
    %dot_general3A_1121 = arith.constant dense<0.000000e+00> : vector<64x512xf32>
    %dot_general3A_1122 = tpu.matmul %convert_element_type3A_1091, %get3A_1120, %dot_general3A_1121 {dimension_numbers = #tpu.dot_dimension_numbers<[1], [1], [0], [0], [0, 0, 1, 0], [], []>, transpose_lhs_hint = false} : vector<64x512xbf16>, vector<512x512xbf16>, vector<64x512xf32> -> vector<64x512xf32>
    %add3A_1123 = arith.addf %convert_element_type3A_1117, %dot_general3A_1122 : vector<64x512xf32>
    %logistic3A_1124 = arith.negf %add3A_1123 : vector<64x512xf32>
    %logistic3A_1125 = math.exp %logistic3A_1124 : vector<64x512xf32>
    %logistic3A_1126 = arith.constant 1.000000e+00 : f32
    %logistic3A_1127 = vector.broadcast %logistic3A_1126 : f32 to vector<64x512xf32>
    %logistic3A_1128 = arith.addf %logistic3A_1127, %logistic3A_1125 : vector<64x512xf32>
    %logistic3A_1129 = arith.divf %logistic3A_1127, %logistic3A_1128 : vector<64x512xf32>
    %get3A_1130 = arith.constant 256 : i32
    %get3A_1131 = arith.constant 0 : i32
    %get3A_1132 = tpu.memref_slice %arg12[%get3A_1130, %get3A_1131] : memref<640x2048xbf16, #tpu.memory_space<vmem>> -> memref<64x2048xbf16, #tpu.memory_space<vmem>>
    %get3A_1133 = arith.constant 0 : index
    %get3A_1134 = arith.constant 1024 : index
    %get3A_1135 = vector.load %get3A_1132[%get3A_1133, %get3A_1134] : memref<64x2048xbf16, #tpu.memory_space<vmem>>, vector<64x512xbf16>
    %convert_element_type3A_1136 = arith.extf %get3A_1135 : vector<64x512xbf16> to vector<64x512xf32>
    %get3A_1137 = arith.constant 1024 : index
    %get3A_1138 = arith.constant 0 : index
    %get3A_1139 = vector.load %arg6[%get3A_1137, %get3A_1138] : memref<2048x512xbf16, #tpu.memory_space<vmem>>, vector<512x512xbf16>
    %dot_general3A_1140 = arith.constant dense<0.000000e+00> : vector<64x512xf32>
    %dot_general3A_1141 = tpu.matmul %convert_element_type3A_1091, %get3A_1139, %dot_general3A_1140 {dimension_numbers = #tpu.dot_dimension_numbers<[1], [1], [0], [0], [0, 0, 1, 0], [], []>, transpose_lhs_hint = false} : vector<64x512xbf16>, vector<512x512xbf16>, vector<64x512xf32> -> vector<64x512xf32>
    %add3A_1142 = arith.addf %convert_element_type3A_1136, %dot_general3A_1141 : vector<64x512xf32>
    %tanh3A_1143 = math.tanh %add3A_1142 : vector<64x512xf32>
    %get3A_1144 = arith.constant 256 : i32
    %get3A_1145 = arith.constant 0 : i32
    %get3A_1146 = tpu.memref_slice %arg12[%get3A_1144, %get3A_1145] : memref<640x2048xbf16, #tpu.memory_space<vmem>> -> memref<64x2048xbf16, #tpu.memory_space<vmem>>
    %get3A_1147 = arith.constant 0 : index
    %get3A_1148 = arith.constant 1536 : index
    %get3A_1149 = vector.load %get3A_1146[%get3A_1147, %get3A_1148] : memref<64x2048xbf16, #tpu.memory_space<vmem>>, vector<64x512xbf16>
    %convert_element_type3A_1150 = arith.extf %get3A_1149 : vector<64x512xbf16> to vector<64x512xf32>
    %get3A_1151 = arith.constant 1536 : index
    %get3A_1152 = arith.constant 0 : index
    %get3A_1153 = vector.load %arg6[%get3A_1151, %get3A_1152] : memref<2048x512xbf16, #tpu.memory_space<vmem>>, vector<512x512xbf16>
    %dot_general3A_1154 = arith.constant dense<0.000000e+00> : vector<64x512xf32>
    %dot_general3A_1155 = tpu.matmul %convert_element_type3A_1091, %get3A_1153, %dot_general3A_1154 {dimension_numbers = #tpu.dot_dimension_numbers<[1], [1], [0], [0], [0, 0, 1, 0], [], []>, transpose_lhs_hint = false} : vector<64x512xbf16>, vector<512x512xbf16>, vector<64x512xf32> -> vector<64x512xf32>
    %add3A_1156 = arith.addf %convert_element_type3A_1150, %dot_general3A_1155 : vector<64x512xf32>
    %logistic3A_1157 = arith.negf %add3A_1156 : vector<64x512xf32>
    %logistic3A_1158 = math.exp %logistic3A_1157 : vector<64x512xf32>
    %logistic3A_1159 = arith.constant 1.000000e+00 : f32
    %logistic3A_1160 = vector.broadcast %logistic3A_1159 : f32 to vector<64x512xf32>
    %logistic3A_1161 = arith.addf %logistic3A_1160, %logistic3A_1158 : vector<64x512xf32>
    %logistic3A_1162 = arith.divf %logistic3A_1160, %logistic3A_1161 : vector<64x512xf32>
    %get3A_1163 = arith.constant 0 : index
    %get3A_1164 = arith.constant 0 : index
    %get3A_1165 = vector.load %arg16[%get3A_1163, %get3A_1164] : memref<64x512xf32, #tpu.memory_space<vmem>>, vector<64x512xf32>
    %mul3A_1166 = arith.mulf %logistic3A_1129, %get3A_1165 : vector<64x512xf32>
    %mul3A_1167 = arith.mulf %logistic3A_1110, %tanh3A_1143 : vector<64x512xf32>
    %add3A_1168 = arith.addf %mul3A_1166, %mul3A_1167 : vector<64x512xf32>
    %tanh3A_1169 = math.tanh %add3A_1168 : vector<64x512xf32>
    %mul3A_1170 = arith.mulf %logistic3A_1162, %tanh3A_1169 : vector<64x512xf32>
    %swap3A_1171 = arith.constant 0 : index
    %swap3A_1172 = arith.constant 0 : index
    %swap3A_1173 = vector.load %arg16[%swap3A_1171, %swap3A_1172] : memref<64x512xf32, #tpu.memory_space<vmem>>, vector<64x512xf32>
    tpu.vector_store %arg16[%swap3A_1171, %swap3A_1172], %add3A_1168 {strides = array<i32>} : memref<64x512xf32, #tpu.memory_space<vmem>>, vector<64x512xf32>,
    %swap3A_1174 = arith.constant 0 : index
    %swap3A_1175 = arith.constant 0 : index
    %swap3A_1176 = vector.load %arg15[%swap3A_1174, %swap3A_1175] : memref<64x512xf32, #tpu.memory_space<vmem>>, vector<64x512xf32>
    tpu.vector_store %arg15[%swap3A_1174, %swap3A_1175], %mul3A_1170 {strides = array<i32>} : memref<64x512xf32, #tpu.memory_space<vmem>>, vector<64x512xf32>,
    %convert_element_type3A_1177 = arith.truncf %mul3A_1170 : vector<64x512xf32> to vector<64x512xbf16>
    %swap3A_1178 = arith.constant 4 : index
    %swap3A_1179 = arith.constant 0 : index
    %swap3A_1180 = arith.constant 0 : index
    %swap3A_1181 = vector.load %arg10[%swap3A_1178, %swap3A_1179, %swap3A_1180] : memref<10x64x512xbf16, #tpu.memory_space<vmem>>, vector<1x64x512xbf16>
    %swap3A_1182 = vector.shape_cast %swap3A_1181 : vector<1x64x512xbf16> to vector<64x512xbf16>
    %swap3A_1183 = vector.shape_cast %convert_element_type3A_1177 : vector<64x512xbf16> to vector<1x64x512xbf16>
    tpu.vector_store %arg10[%swap3A_1178, %swap3A_1179, %swap3A_1180], %swap3A_1183 {strides = array<i32>} : memref<10x64x512xbf16, #tpu.memory_space<vmem>>, vector<1x64x512xbf16>,
    %get3A_1184 = arith.constant 0 : index
    %get3A_1185 = arith.constant 0 : index
    %get3A_1186 = vector.load %arg13[%get3A_1184, %get3A_1185] : memref<64x512xf32, #tpu.memory_space<vmem>>, vector<64x512xf32>
    %convert_element_type3A_1187 = arith.truncf %get3A_1186 : vector<64x512xf32> to vector<64x512xbf16>
    %get3A_1188 = arith.constant 384 : i32
    %get3A_1189 = arith.constant 0 : i32
    %get3A_1190 = tpu.memref_slice %arg11[%get3A_1188, %get3A_1189] : memref<640x2048xbf16, #tpu.memory_space<vmem>> -> memref<64x2048xbf16, #tpu.memory_space<vmem>>
    %get3A_1191 = arith.constant 0 : index
    %get3A_1192 = arith.constant 0 : index
    %get3A_1193 = vector.load %get3A_1190[%get3A_1191, %get3A_1192] : memref<64x2048xbf16, #tpu.memory_space<vmem>>, vector<64x512xbf16>
    %convert_element_type3A_1194 = arith.extf %get3A_1193 : vector<64x512xbf16> to vector<64x512xf32>
    %get3A_1195 = arith.constant 0 : index
    %get3A_1196 = arith.constant 0 : index
    %get3A_1197 = vector.load %arg5[%get3A_1195, %get3A_1196] : memref<2048x512xbf16, #tpu.memory_space<vmem>>, vector<512x512xbf16>
    %dot_general3A_1198 = arith.constant dense<0.000000e+00> : vector<64x512xf32>
    %dot_general3A_1199 = tpu.matmul %convert_element_type3A_1187, %get3A_1197, %dot_general3A_1198 {dimension_numbers = #tpu.dot_dimension_numbers<[1], [1], [0], [0], [0, 0, 1, 0], [], []>, transpose_lhs_hint = false} : vector<64x512xbf16>, vector<512x512xbf16>, vector<64x512xf32> -> vector<64x512xf32>
    %add3A_1200 = arith.addf %convert_element_type3A_1194, %dot_general3A_1199 : vector<64x512xf32>
    %logistic3A_1201 = arith.negf %add3A_1200 : vector<64x512xf32>
    %logistic3A_1202 = math.exp %logistic3A_1201 : vector<64x512xf32>
    %logistic3A_1203 = arith.constant 1.000000e+00 : f32
    %logistic3A_1204 = vector.broadcast %logistic3A_1203 : f32 to vector<64x512xf32>
    %logistic3A_1205 = arith.addf %logistic3A_1204, %logistic3A_1202 : vector<64x512xf32>
    %logistic3A_1206 = arith.divf %logistic3A_1204, %logistic3A_1205 : vector<64x512xf32>
    %get3A_1207 = arith.constant 384 : i32
    %get3A_1208 = arith.constant 0 : i32
    %get3A_1209 = tpu.memref_slice %arg11[%get3A_1207, %get3A_1208] : memref<640x2048xbf16, #tpu.memory_space<vmem>> -> memref<64x2048xbf16, #tpu.memory_space<vmem>>
    %get3A_1210 = arith.constant 0 : index
    %get3A_1211 = arith.constant 512 : index
    %get3A_1212 = vector.load %get3A_1209[%get3A_1210, %get3A_1211] : memref<64x2048xbf16, #tpu.memory_space<vmem>>, vector<64x512xbf16>
    %convert_element_type3A_1213 = arith.extf %get3A_1212 : vector<64x512xbf16> to vector<64x512xf32>
    %get3A_1214 = arith.constant 512 : index
    %get3A_1215 = arith.constant 0 : index
    %get3A_1216 = vector.load %arg5[%get3A_1214, %get3A_1215] : memref<2048x512xbf16, #tpu.memory_space<vmem>>, vector<512x512xbf16>
    %dot_general3A_1217 = arith.constant dense<0.000000e+00> : vector<64x512xf32>
    %dot_general3A_1218 = tpu.matmul %convert_element_type3A_1187, %get3A_1216, %dot_general3A_1217 {dimension_numbers = #tpu.dot_dimension_numbers<[1], [1], [0], [0], [0, 0, 1, 0], [], []>, transpose_lhs_hint = false} : vector<64x512xbf16>, vector<512x512xbf16>, vector<64x512xf32> -> vector<64x512xf32>
    %add3A_1219 = arith.addf %convert_element_type3A_1213, %dot_general3A_1218 : vector<64x512xf32>
    %logistic3A_1220 = arith.negf %add3A_1219 : vector<64x512xf32>
    %logistic3A_1221 = math.exp %logistic3A_1220 : vector<64x512xf32>
    %logistic3A_1222 = arith.constant 1.000000e+00 : f32
    %logistic3A_1223 = vector.broadcast %logistic3A_1222 : f32 to vector<64x512xf32>
    %logistic3A_1224 = arith.addf %logistic3A_1223, %logistic3A_1221 : vector<64x512xf32>
    %logistic3A_1225 = arith.divf %logistic3A_1223, %logistic3A_1224 : vector<64x512xf32>
    %get3A_1226 = arith.constant 384 : i32
    %get3A_1227 = arith.constant 0 : i32
    %get3A_1228 = tpu.memref_slice %arg11[%get3A_1226, %get3A_1227] : memref<640x2048xbf16, #tpu.memory_space<vmem>> -> memref<64x2048xbf16, #tpu.memory_space<vmem>>
    %get3A_1229 = arith.constant 0 : index
    %get3A_1230 = arith.constant 1024 : index
    %get3A_1231 = vector.load %get3A_1228[%get3A_1229, %get3A_1230] : memref<64x2048xbf16, #tpu.memory_space<vmem>>, vector<64x512xbf16>
    %convert_element_type3A_1232 = arith.extf %get3A_1231 : vector<64x512xbf16> to vector<64x512xf32>
    %get3A_1233 = arith.constant 1024 : index
    %get3A_1234 = arith.constant 0 : index
    %get3A_1235 = vector.load %arg5[%get3A_1233, %get3A_1234] : memref<2048x512xbf16, #tpu.memory_space<vmem>>, vector<512x512xbf16>
    %dot_general3A_1236 = arith.constant dense<0.000000e+00> : vector<64x512xf32>
    %dot_general3A_1237 = tpu.matmul %convert_element_type3A_1187, %get3A_1235, %dot_general3A_1236 {dimension_numbers = #tpu.dot_dimension_numbers<[1], [1], [0], [0], [0, 0, 1, 0], [], []>, transpose_lhs_hint = false} : vector<64x512xbf16>, vector<512x512xbf16>, vector<64x512xf32> -> vector<64x512xf32>
    %add3A_1238 = arith.addf %convert_element_type3A_1232, %dot_general3A_1237 : vector<64x512xf32>
    %tanh3A_1239 = math.tanh %add3A_1238 : vector<64x512xf32>
    %get3A_1240 = arith.constant 384 : i32
    %get3A_1241 = arith.constant 0 : i32
    %get3A_1242 = tpu.memref_slice %arg11[%get3A_1240, %get3A_1241] : memref<640x2048xbf16, #tpu.memory_space<vmem>> -> memref<64x2048xbf16, #tpu.memory_space<vmem>>
    %get3A_1243 = arith.constant 0 : index
    %get3A_1244 = arith.constant 1536 : index
    %get3A_1245 = vector.load %get3A_1242[%get3A_1243, %get3A_1244] : memref<64x2048xbf16, #tpu.memory_space<vmem>>, vector<64x512xbf16>
    %convert_element_type3A_1246 = arith.extf %get3A_1245 : vector<64x512xbf16> to vector<64x512xf32>
    %get3A_1247 = arith.constant 1536 : index
    %get3A_1248 = arith.constant 0 : index
    %get3A_1249 = vector.load %arg5[%get3A_1247, %get3A_1248] : memref<2048x512xbf16, #tpu.memory_space<vmem>>, vector<512x512xbf16>
    %dot_general3A_1250 = arith.constant dense<0.000000e+00> : vector<64x512xf32>
    %dot_general3A_1251 = tpu.matmul %convert_element_type3A_1187, %get3A_1249, %dot_general3A_1250 {dimension_numbers = #tpu.dot_dimension_numbers<[1], [1], [0], [0], [0, 0, 1, 0], [], []>, transpose_lhs_hint = false} : vector<64x512xbf16>, vector<512x512xbf16>, vector<64x512xf32> -> vector<64x512xf32>
    %add3A_1252 = arith.addf %convert_element_type3A_1246, %dot_general3A_1251 : vector<64x512xf32>
    %logistic3A_1253 = arith.negf %add3A_1252 : vector<64x512xf32>
    %logistic3A_1254 = math.exp %logistic3A_1253 : vector<64x512xf32>
    %logistic3A_1255 = arith.constant 1.000000e+00 : f32
    %logistic3A_1256 = vector.broadcast %logistic3A_1255 : f32 to vector<64x512xf32>
    %logistic3A_1257 = arith.addf %logistic3A_1256, %logistic3A_1254 : vector<64x512xf32>
    %logistic3A_1258 = arith.divf %logistic3A_1256, %logistic3A_1257 : vector<64x512xf32>
    %get3A_1259 = arith.constant 0 : index
    %get3A_1260 = arith.constant 0 : index
    %get3A_1261 = vector.load %arg14[%get3A_1259, %get3A_1260] : memref<64x512xf32, #tpu.memory_space<vmem>>, vector<64x512xf32>
    %mul3A_1262 = arith.mulf %logistic3A_1225, %get3A_1261 : vector<64x512xf32>
    %mul3A_1263 = arith.mulf %logistic3A_1206, %tanh3A_1239 : vector<64x512xf32>
    %add3A_1264 = arith.addf %mul3A_1262, %mul3A_1263 : vector<64x512xf32>
    %tanh3A_1265 = math.tanh %add3A_1264 : vector<64x512xf32>
    %mul3A_1266 = arith.mulf %logistic3A_1258, %tanh3A_1265 : vector<64x512xf32>
    %swap3A_1267 = arith.constant 0 : index
    %swap3A_1268 = arith.constant 0 : index
    %swap3A_1269 = vector.load %arg14[%swap3A_1267, %swap3A_1268] : memref<64x512xf32, #tpu.memory_space<vmem>>, vector<64x512xf32>
    tpu.vector_store %arg14[%swap3A_1267, %swap3A_1268], %add3A_1264 {strides = array<i32>} : memref<64x512xf32, #tpu.memory_space<vmem>>, vector<64x512xf32>,
    %swap3A_1270 = arith.constant 0 : index
    %swap3A_1271 = arith.constant 0 : index
    %swap3A_1272 = vector.load %arg13[%swap3A_1270, %swap3A_1271] : memref<64x512xf32, #tpu.memory_space<vmem>>, vector<64x512xf32>
    tpu.vector_store %arg13[%swap3A_1270, %swap3A_1271], %mul3A_1266 {strides = array<i32>} : memref<64x512xf32, #tpu.memory_space<vmem>>, vector<64x512xf32>,
    %convert_element_type3A_1273 = arith.truncf %mul3A_1266 : vector<64x512xf32> to vector<64x512xbf16>
    %swap3A_1274 = arith.constant 6 : index
    %swap3A_1275 = arith.constant 0 : index
    %swap3A_1276 = arith.constant 0 : index
    %swap3A_1277 = vector.load %arg9[%swap3A_1274, %swap3A_1275, %swap3A_1276] : memref<10x64x512xbf16, #tpu.memory_space<vmem>>, vector<1x64x512xbf16>
    %swap3A_1278 = vector.shape_cast %swap3A_1277 : vector<1x64x512xbf16> to vector<64x512xbf16>
    %swap3A_1279 = vector.shape_cast %convert_element_type3A_1273 : vector<64x512xbf16> to vector<1x64x512xbf16>
    tpu.vector_store %arg9[%swap3A_1274, %swap3A_1275, %swap3A_1276], %swap3A_1279 {strides = array<i32>} : memref<10x64x512xbf16, #tpu.memory_space<vmem>>, vector<1x64x512xbf16>,
    %get3A_1280 = arith.constant 0 : index
    %get3A_1281 = arith.constant 0 : index
    %get3A_1282 = vector.load %arg15[%get3A_1280, %get3A_1281] : memref<64x512xf32, #tpu.memory_space<vmem>>, vector<64x512xf32>
    %convert_element_type3A_1283 = arith.truncf %get3A_1282 : vector<64x512xf32> to vector<64x512xbf16>
    %get3A_1284 = arith.constant 192 : i32
    %get3A_1285 = arith.constant 0 : i32
    %get3A_1286 = tpu.memref_slice %arg12[%get3A_1284, %get3A_1285] : memref<640x2048xbf16, #tpu.memory_space<vmem>> -> memref<64x2048xbf16, #tpu.memory_space<vmem>>
    %get3A_1287 = arith.constant 0 : index
    %get3A_1288 = arith.constant 0 : index
    %get3A_1289 = vector.load %get3A_1286[%get3A_1287, %get3A_1288] : memref<64x2048xbf16, #tpu.memory_space<vmem>>, vector<64x512xbf16>
    %convert_element_type3A_1290 = arith.extf %get3A_1289 : vector<64x512xbf16> to vector<64x512xf32>
    %get3A_1291 = arith.constant 0 : index
    %get3A_1292 = arith.constant 0 : index
    %get3A_1293 = vector.load %arg6[%get3A_1291, %get3A_1292] : memref<2048x512xbf16, #tpu.memory_space<vmem>>, vector<512x512xbf16>
    %dot_general3A_1294 = arith.constant dense<0.000000e+00> : vector<64x512xf32>
    %dot_general3A_1295 = tpu.matmul %convert_element_type3A_1283, %get3A_1293, %dot_general3A_1294 {dimension_numbers = #tpu.dot_dimension_numbers<[1], [1], [0], [0], [0, 0, 1, 0], [], []>, transpose_lhs_hint = false} : vector<64x512xbf16>, vector<512x512xbf16>, vector<64x512xf32> -> vector<64x512xf32>
    %add3A_1296 = arith.addf %convert_element_type3A_1290, %dot_general3A_1295 : vector<64x512xf32>
    %logistic3A_1297 = arith.negf %add3A_1296 : vector<64x512xf32>
    %logistic3A_1298 = math.exp %logistic3A_1297 : vector<64x512xf32>
    %logistic3A_1299 = arith.constant 1.000000e+00 : f32
    %logistic3A_1300 = vector.broadcast %logistic3A_1299 : f32 to vector<64x512xf32>
    %logistic3A_1301 = arith.addf %logistic3A_1300, %logistic3A_1298 : vector<64x512xf32>
    %logistic3A_1302 = arith.divf %logistic3A_1300, %logistic3A_1301 : vector<64x512xf32>
    %get3A_1303 = arith.constant 192 : i32
    %get3A_1304 = arith.constant 0 : i32
    %get3A_1305 = tpu.memref_slice %arg12[%get3A_1303, %get3A_1304] : memref<640x2048xbf16, #tpu.memory_space<vmem>> -> memref<64x2048xbf16, #tpu.memory_space<vmem>>
    %get3A_1306 = arith.constant 0 : index
    %get3A_1307 = arith.constant 512 : index
    %get3A_1308 = vector.load %get3A_1305[%get3A_1306, %get3A_1307] : memref<64x2048xbf16, #tpu.memory_space<vmem>>, vector<64x512xbf16>
    %convert_element_type3A_1309 = arith.extf %get3A_1308 : vector<64x512xbf16> to vector<64x512xf32>
    %get3A_1310 = arith.constant 512 : index
    %get3A_1311 = arith.constant 0 : index
    %get3A_1312 = vector.load %arg6[%get3A_1310, %get3A_1311] : memref<2048x512xbf16, #tpu.memory_space<vmem>>, vector<512x512xbf16>
    %dot_general3A_1313 = arith.constant dense<0.000000e+00> : vector<64x512xf32>
    %dot_general3A_1314 = tpu.matmul %convert_element_type3A_1283, %get3A_1312, %dot_general3A_1313 {dimension_numbers = #tpu.dot_dimension_numbers<[1], [1], [0], [0], [0, 0, 1, 0], [], []>, transpose_lhs_hint = false} : vector<64x512xbf16>, vector<512x512xbf16>, vector<64x512xf32> -> vector<64x512xf32>
    %add3A_1315 = arith.addf %convert_element_type3A_1309, %dot_general3A_1314 : vector<64x512xf32>
    %logistic3A_1316 = arith.negf %add3A_1315 : vector<64x512xf32>
    %logistic3A_1317 = math.exp %logistic3A_1316 : vector<64x512xf32>
    %logistic3A_1318 = arith.constant 1.000000e+00 : f32
    %logistic3A_1319 = vector.broadcast %logistic3A_1318 : f32 to vector<64x512xf32>
    %logistic3A_1320 = arith.addf %logistic3A_1319, %logistic3A_1317 : vector<64x512xf32>
    %logistic3A_1321 = arith.divf %logistic3A_1319, %logistic3A_1320 : vector<64x512xf32>
    %get3A_1322 = arith.constant 192 : i32
    %get3A_1323 = arith.constant 0 : i32
    %get3A_1324 = tpu.memref_slice %arg12[%get3A_1322, %get3A_1323] : memref<640x2048xbf16, #tpu.memory_space<vmem>> -> memref<64x2048xbf16, #tpu.memory_space<vmem>>
    %get3A_1325 = arith.constant 0 : index
    %get3A_1326 = arith.constant 1024 : index
    %get3A_1327 = vector.load %get3A_1324[%get3A_1325, %get3A_1326] : memref<64x2048xbf16, #tpu.memory_space<vmem>>, vector<64x512xbf16>
    %convert_element_type3A_1328 = arith.extf %get3A_1327 : vector<64x512xbf16> to vector<64x512xf32>
    %get3A_1329 = arith.constant 1024 : index
    %get3A_1330 = arith.constant 0 : index
    %get3A_1331 = vector.load %arg6[%get3A_1329, %get3A_1330] : memref<2048x512xbf16, #tpu.memory_space<vmem>>, vector<512x512xbf16>
    %dot_general3A_1332 = arith.constant dense<0.000000e+00> : vector<64x512xf32>
    %dot_general3A_1333 = tpu.matmul %convert_element_type3A_1283, %get3A_1331, %dot_general3A_1332 {dimension_numbers = #tpu.dot_dimension_numbers<[1], [1], [0], [0], [0, 0, 1, 0], [], []>, transpose_lhs_hint = false} : vector<64x512xbf16>, vector<512x512xbf16>, vector<64x512xf32> -> vector<64x512xf32>
    %add3A_1334 = arith.addf %convert_element_type3A_1328, %dot_general3A_1333 : vector<64x512xf32>
    %tanh3A_1335 = math.tanh %add3A_1334 : vector<64x512xf32>
    %get3A_1336 = arith.constant 192 : i32
    %get3A_1337 = arith.constant 0 : i32
    %get3A_1338 = tpu.memref_slice %arg12[%get3A_1336, %get3A_1337] : memref<640x2048xbf16, #tpu.memory_space<vmem>> -> memref<64x2048xbf16, #tpu.memory_space<vmem>>
    %get3A_1339 = arith.constant 0 : index
    %get3A_1340 = arith.constant 1536 : index
    %get3A_1341 = vector.load %get3A_1338[%get3A_1339, %get3A_1340] : memref<64x2048xbf16, #tpu.memory_space<vmem>>, vector<64x512xbf16>
    %convert_element_type3A_1342 = arith.extf %get3A_1341 : vector<64x512xbf16> to vector<64x512xf32>
    %get3A_1343 = arith.constant 1536 : index
    %get3A_1344 = arith.constant 0 : index
    %get3A_1345 = vector.load %arg6[%get3A_1343, %get3A_1344] : memref<2048x512xbf16, #tpu.memory_space<vmem>>, vector<512x512xbf16>
    %dot_general3A_1346 = arith.constant dense<0.000000e+00> : vector<64x512xf32>
    %dot_general3A_1347 = tpu.matmul %convert_element_type3A_1283, %get3A_1345, %dot_general3A_1346 {dimension_numbers = #tpu.dot_dimension_numbers<[1], [1], [0], [0], [0, 0, 1, 0], [], []>, transpose_lhs_hint = false} : vector<64x512xbf16>, vector<512x512xbf16>, vector<64x512xf32> -> vector<64x512xf32>
    %add3A_1348 = arith.addf %convert_element_type3A_1342, %dot_general3A_1347 : vector<64x512xf32>
    %logistic3A_1349 = arith.negf %add3A_1348 : vector<64x512xf32>
    %logistic3A_1350 = math.exp %logistic3A_1349 : vector<64x512xf32>
    %logistic3A_1351 = arith.constant 1.000000e+00 : f32
    %logistic3A_1352 = vector.broadcast %logistic3A_1351 : f32 to vector<64x512xf32>
    %logistic3A_1353 = arith.addf %logistic3A_1352, %logistic3A_1350 : vector<64x512xf32>
    %logistic3A_1354 = arith.divf %logistic3A_1352, %logistic3A_1353 : vector<64x512xf32>
    %get3A_1355 = arith.constant 0 : index
    %get3A_1356 = arith.constant 0 : index
    %get3A_1357 = vector.load %arg16[%get3A_1355, %get3A_1356] : memref<64x512xf32, #tpu.memory_space<vmem>>, vector<64x512xf32>
    %mul3A_1358 = arith.mulf %logistic3A_1321, %get3A_1357 : vector<64x512xf32>
    %mul3A_1359 = arith.mulf %logistic3A_1302, %tanh3A_1335 : vector<64x512xf32>
    %add3A_1360 = arith.addf %mul3A_1358, %mul3A_1359 : vector<64x512xf32>
    %tanh3A_1361 = math.tanh %add3A_1360 : vector<64x512xf32>
    %mul3A_1362 = arith.mulf %logistic3A_1354, %tanh3A_1361 : vector<64x512xf32>
    %swap3A_1363 = arith.constant 0 : index
    %swap3A_1364 = arith.constant 0 : index
    %swap3A_1365 = vector.load %arg16[%swap3A_1363, %swap3A_1364] : memref<64x512xf32, #tpu.memory_space<vmem>>, vector<64x512xf32>
    tpu.vector_store %arg16[%swap3A_1363, %swap3A_1364], %add3A_1360 {strides = array<i32>} : memref<64x512xf32, #tpu.memory_space<vmem>>, vector<64x512xf32>,
    %swap3A_1366 = arith.constant 0 : index
    %swap3A_1367 = arith.constant 0 : index
    %swap3A_1368 = vector.load %arg15[%swap3A_1366, %swap3A_1367] : memref<64x512xf32, #tpu.memory_space<vmem>>, vector<64x512xf32>
    tpu.vector_store %arg15[%swap3A_1366, %swap3A_1367], %mul3A_1362 {strides = array<i32>} : memref<64x512xf32, #tpu.memory_space<vmem>>, vector<64x512xf32>,
    %convert_element_type3A_1369 = arith.truncf %mul3A_1362 : vector<64x512xf32> to vector<64x512xbf16>
    %swap3A_1370 = arith.constant 3 : index
    %swap3A_1371 = arith.constant 0 : index
    %swap3A_1372 = arith.constant 0 : index
    %swap3A_1373 = vector.load %arg10[%swap3A_1370, %swap3A_1371, %swap3A_1372] : memref<10x64x512xbf16, #tpu.memory_space<vmem>>, vector<1x64x512xbf16>
    %swap3A_1374 = vector.shape_cast %swap3A_1373 : vector<1x64x512xbf16> to vector<64x512xbf16>
    %swap3A_1375 = vector.shape_cast %convert_element_type3A_1369 : vector<64x512xbf16> to vector<1x64x512xbf16>
    tpu.vector_store %arg10[%swap3A_1370, %swap3A_1371, %swap3A_1372], %swap3A_1375 {strides = array<i32>} : memref<10x64x512xbf16, #tpu.memory_space<vmem>>, vector<1x64x512xbf16>,
    %get3A_1376 = arith.constant 0 : index
    %get3A_1377 = arith.constant 0 : index
    %get3A_1378 = vector.load %arg13[%get3A_1376, %get3A_1377] : memref<64x512xf32, #tpu.memory_space<vmem>>, vector<64x512xf32>
    %convert_element_type3A_1379 = arith.truncf %get3A_1378 : vector<64x512xf32> to vector<64x512xbf16>
    %get3A_1380 = arith.constant 448 : i32
    %get3A_1381 = arith.constant 0 : i32
    %get3A_1382 = tpu.memref_slice %arg11[%get3A_1380, %get3A_1381] : memref<640x2048xbf16, #tpu.memory_space<vmem>> -> memref<64x2048xbf16, #tpu.memory_space<vmem>>
    %get3A_1383 = arith.constant 0 : index
    %get3A_1384 = arith.constant 0 : index
    %get3A_1385 = vector.load %get3A_1382[%get3A_1383, %get3A_1384] : memref<64x2048xbf16, #tpu.memory_space<vmem>>, vector<64x512xbf16>
    %convert_element_type3A_1386 = arith.extf %get3A_1385 : vector<64x512xbf16> to vector<64x512xf32>
    %get3A_1387 = arith.constant 0 : index
    %get3A_1388 = arith.constant 0 : index
    %get3A_1389 = vector.load %arg5[%get3A_1387, %get3A_1388] : memref<2048x512xbf16, #tpu.memory_space<vmem>>, vector<512x512xbf16>
    %dot_general3A_1390 = arith.constant dense<0.000000e+00> : vector<64x512xf32>
    %dot_general3A_1391 = tpu.matmul %convert_element_type3A_1379, %get3A_1389, %dot_general3A_1390 {dimension_numbers = #tpu.dot_dimension_numbers<[1], [1], [0], [0], [0, 0, 1, 0], [], []>, transpose_lhs_hint = false} : vector<64x512xbf16>, vector<512x512xbf16>, vector<64x512xf32> -> vector<64x512xf32>
    %add3A_1392 = arith.addf %convert_element_type3A_1386, %dot_general3A_1391 : vector<64x512xf32>
    %logistic3A_1393 = arith.negf %add3A_1392 : vector<64x512xf32>
    %logistic3A_1394 = math.exp %logistic3A_1393 : vector<64x512xf32>
    %logistic3A_1395 = arith.constant 1.000000e+00 : f32
    %logistic3A_1396 = vector.broadcast %logistic3A_1395 : f32 to vector<64x512xf32>
    %logistic3A_1397 = arith.addf %logistic3A_1396, %logistic3A_1394 : vector<64x512xf32>
    %logistic3A_1398 = arith.divf %logistic3A_1396, %logistic3A_1397 : vector<64x512xf32>
    %get3A_1399 = arith.constant 448 : i32
    %get3A_1400 = arith.constant 0 : i32
    %get3A_1401 = tpu.memref_slice %arg11[%get3A_1399, %get3A_1400] : memref<640x2048xbf16, #tpu.memory_space<vmem>> -> memref<64x2048xbf16, #tpu.memory_space<vmem>>
    %get3A_1402 = arith.constant 0 : index
    %get3A_1403 = arith.constant 512 : index
    %get3A_1404 = vector.load %get3A_1401[%get3A_1402, %get3A_1403] : memref<64x2048xbf16, #tpu.memory_space<vmem>>, vector<64x512xbf16>
    %convert_element_type3A_1405 = arith.extf %get3A_1404 : vector<64x512xbf16> to vector<64x512xf32>
    %get3A_1406 = arith.constant 512 : index
    %get3A_1407 = arith.constant 0 : index
    %get3A_1408 = vector.load %arg5[%get3A_1406, %get3A_1407] : memref<2048x512xbf16, #tpu.memory_space<vmem>>, vector<512x512xbf16>
    %dot_general3A_1409 = arith.constant dense<0.000000e+00> : vector<64x512xf32>
    %dot_general3A_1410 = tpu.matmul %convert_element_type3A_1379, %get3A_1408, %dot_general3A_1409 {dimension_numbers = #tpu.dot_dimension_numbers<[1], [1], [0], [0], [0, 0, 1, 0], [], []>, transpose_lhs_hint = false} : vector<64x512xbf16>, vector<512x512xbf16>, vector<64x512xf32> -> vector<64x512xf32>
    %add3A_1411 = arith.addf %convert_element_type3A_1405, %dot_general3A_1410 : vector<64x512xf32>
    %logistic3A_1412 = arith.negf %add3A_1411 : vector<64x512xf32>
    %logistic3A_1413 = math.exp %logistic3A_1412 : vector<64x512xf32>
    %logistic3A_1414 = arith.constant 1.000000e+00 : f32
    %logistic3A_1415 = vector.broadcast %logistic3A_1414 : f32 to vector<64x512xf32>
    %logistic3A_1416 = arith.addf %logistic3A_1415, %logistic3A_1413 : vector<64x512xf32>
    %logistic3A_1417 = arith.divf %logistic3A_1415, %logistic3A_1416 : vector<64x512xf32>
    %get3A_1418 = arith.constant 448 : i32
    %get3A_1419 = arith.constant 0 : i32
    %get3A_1420 = tpu.memref_slice %arg11[%get3A_1418, %get3A_1419] : memref<640x2048xbf16, #tpu.memory_space<vmem>> -> memref<64x2048xbf16, #tpu.memory_space<vmem>>
    %get3A_1421 = arith.constant 0 : index
    %get3A_1422 = arith.constant 1024 : index
    %get3A_1423 = vector.load %get3A_1420[%get3A_1421, %get3A_1422] : memref<64x2048xbf16, #tpu.memory_space<vmem>>, vector<64x512xbf16>
    %convert_element_type3A_1424 = arith.extf %get3A_1423 : vector<64x512xbf16> to vector<64x512xf32>
    %get3A_1425 = arith.constant 1024 : index
    %get3A_1426 = arith.constant 0 : index
    %get3A_1427 = vector.load %arg5[%get3A_1425, %get3A_1426] : memref<2048x512xbf16, #tpu.memory_space<vmem>>, vector<512x512xbf16>
    %dot_general3A_1428 = arith.constant dense<0.000000e+00> : vector<64x512xf32>
    %dot_general3A_1429 = tpu.matmul %convert_element_type3A_1379, %get3A_1427, %dot_general3A_1428 {dimension_numbers = #tpu.dot_dimension_numbers<[1], [1], [0], [0], [0, 0, 1, 0], [], []>, transpose_lhs_hint = false} : vector<64x512xbf16>, vector<512x512xbf16>, vector<64x512xf32> -> vector<64x512xf32>
    %add3A_1430 = arith.addf %convert_element_type3A_1424, %dot_general3A_1429 : vector<64x512xf32>
    %tanh3A_1431 = math.tanh %add3A_1430 : vector<64x512xf32>
    %get3A_1432 = arith.constant 448 : i32
    %get3A_1433 = arith.constant 0 : i32
    %get3A_1434 = tpu.memref_slice %arg11[%get3A_1432, %get3A_1433] : memref<640x2048xbf16, #tpu.memory_space<vmem>> -> memref<64x2048xbf16, #tpu.memory_space<vmem>>
    %get3A_1435 = arith.constant 0 : index
    %get3A_1436 = arith.constant 1536 : index
    %get3A_1437 = vector.load %get3A_1434[%get3A_1435, %get3A_1436] : memref<64x2048xbf16, #tpu.memory_space<vmem>>, vector<64x512xbf16>
    %convert_element_type3A_1438 = arith.extf %get3A_1437 : vector<64x512xbf16> to vector<64x512xf32>
    %get3A_1439 = arith.constant 1536 : index
    %get3A_1440 = arith.constant 0 : index
    %get3A_1441 = vector.load %arg5[%get3A_1439, %get3A_1440] : memref<2048x512xbf16, #tpu.memory_space<vmem>>, vector<512x512xbf16>
    %dot_general3A_1442 = arith.constant dense<0.000000e+00> : vector<64x512xf32>
    %dot_general3A_1443 = tpu.matmul %convert_element_type3A_1379, %get3A_1441, %dot_general3A_1442 {dimension_numbers = #tpu.dot_dimension_numbers<[1], [1], [0], [0], [0, 0, 1, 0], [], []>, transpose_lhs_hint = false} : vector<64x512xbf16>, vector<512x512xbf16>, vector<64x512xf32> -> vector<64x512xf32>
    %add3A_1444 = arith.addf %convert_element_type3A_1438, %dot_general3A_1443 : vector<64x512xf32>
    %logistic3A_1445 = arith.negf %add3A_1444 : vector<64x512xf32>
    %logistic3A_1446 = math.exp %logistic3A_1445 : vector<64x512xf32>
    %logistic3A_1447 = arith.constant 1.000000e+00 : f32
    %logistic3A_1448 = vector.broadcast %logistic3A_1447 : f32 to vector<64x512xf32>
    %logistic3A_1449 = arith.addf %logistic3A_1448, %logistic3A_1446 : vector<64x512xf32>
    %logistic3A_1450 = arith.divf %logistic3A_1448, %logistic3A_1449 : vector<64x512xf32>
    %get3A_1451 = arith.constant 0 : index
    %get3A_1452 = arith.constant 0 : index
    %get3A_1453 = vector.load %arg14[%get3A_1451, %get3A_1452] : memref<64x512xf32, #tpu.memory_space<vmem>>, vector<64x512xf32>
    %mul3A_1454 = arith.mulf %logistic3A_1417, %get3A_1453 : vector<64x512xf32>
    %mul3A_1455 = arith.mulf %logistic3A_1398, %tanh3A_1431 : vector<64x512xf32>
    %add3A_1456 = arith.addf %mul3A_1454, %mul3A_1455 : vector<64x512xf32>
    %tanh3A_1457 = math.tanh %add3A_1456 : vector<64x512xf32>
    %mul3A_1458 = arith.mulf %logistic3A_1450, %tanh3A_1457 : vector<64x512xf32>
    %swap3A_1459 = arith.constant 0 : index
    %swap3A_1460 = arith.constant 0 : index
    %swap3A_1461 = vector.load %arg14[%swap3A_1459, %swap3A_1460] : memref<64x512xf32, #tpu.memory_space<vmem>>, vector<64x512xf32>
    tpu.vector_store %arg14[%swap3A_1459, %swap3A_1460], %add3A_1456 {strides = array<i32>} : memref<64x512xf32, #tpu.memory_space<vmem>>, vector<64x512xf32>,
    %swap3A_1462 = arith.constant 0 : index
    %swap3A_1463 = arith.constant 0 : index
    %swap3A_1464 = vector.load %arg13[%swap3A_1462, %swap3A_1463] : memref<64x512xf32, #tpu.memory_space<vmem>>, vector<64x512xf32>
    tpu.vector_store %arg13[%swap3A_1462, %swap3A_1463], %mul3A_1458 {strides = array<i32>} : memref<64x512xf32, #tpu.memory_space<vmem>>, vector<64x512xf32>,
    %convert_element_type3A_1465 = arith.truncf %mul3A_1458 : vector<64x512xf32> to vector<64x512xbf16>
    %swap3A_1466 = arith.constant 7 : index
    %swap3A_1467 = arith.constant 0 : index
    %swap3A_1468 = arith.constant 0 : index
    %swap3A_1469 = vector.load %arg9[%swap3A_1466, %swap3A_1467, %swap3A_1468] : memref<10x64x512xbf16, #tpu.memory_space<vmem>>, vector<1x64x512xbf16>
    %swap3A_1470 = vector.shape_cast %swap3A_1469 : vector<1x64x512xbf16> to vector<64x512xbf16>
    %swap3A_1471 = vector.shape_cast %convert_element_type3A_1465 : vector<64x512xbf16> to vector<1x64x512xbf16>
    tpu.vector_store %arg9[%swap3A_1466, %swap3A_1467, %swap3A_1468], %swap3A_1471 {strides = array<i32>} : memref<10x64x512xbf16, #tpu.memory_space<vmem>>, vector<1x64x512xbf16>,
    %get3A_1472 = arith.constant 0 : index
    %get3A_1473 = arith.constant 0 : index
    %get3A_1474 = vector.load %arg15[%get3A_1472, %get3A_1473] : memref<64x512xf32, #tpu.memory_space<vmem>>, vector<64x512xf32>
    %convert_element_type3A_1475 = arith.truncf %get3A_1474 : vector<64x512xf32> to vector<64x512xbf16>
    %get3A_1476 = arith.constant 128 : i32
    %get3A_1477 = arith.constant 0 : i32
    %get3A_1478 = tpu.memref_slice %arg12[%get3A_1476, %get3A_1477] : memref<640x2048xbf16, #tpu.memory_space<vmem>> -> memref<64x2048xbf16, #tpu.memory_space<vmem>>
    %get3A_1479 = arith.constant 0 : index
    %get3A_1480 = arith.constant 0 : index
    %get3A_1481 = vector.load %get3A_1478[%get3A_1479, %get3A_1480] : memref<64x2048xbf16, #tpu.memory_space<vmem>>, vector<64x512xbf16>
    %convert_element_type3A_1482 = arith.extf %get3A_1481 : vector<64x512xbf16> to vector<64x512xf32>
    %get3A_1483 = arith.constant 0 : index
    %get3A_1484 = arith.constant 0 : index
    %get3A_1485 = vector.load %arg6[%get3A_1483, %get3A_1484] : memref<2048x512xbf16, #tpu.memory_space<vmem>>, vector<512x512xbf16>
    %dot_general3A_1486 = arith.constant dense<0.000000e+00> : vector<64x512xf32>
    %dot_general3A_1487 = tpu.matmul %convert_element_type3A_1475, %get3A_1485, %dot_general3A_1486 {dimension_numbers = #tpu.dot_dimension_numbers<[1], [1], [0], [0], [0, 0, 1, 0], [], []>, transpose_lhs_hint = false} : vector<64x512xbf16>, vector<512x512xbf16>, vector<64x512xf32> -> vector<64x512xf32>
    %add3A_1488 = arith.addf %convert_element_type3A_1482, %dot_general3A_1487 : vector<64x512xf32>
    %logistic3A_1489 = arith.negf %add3A_1488 : vector<64x512xf32>
    %logistic3A_1490 = math.exp %logistic3A_1489 : vector<64x512xf32>
    %logistic3A_1491 = arith.constant 1.000000e+00 : f32
    %logistic3A_1492 = vector.broadcast %logistic3A_1491 : f32 to vector<64x512xf32>
    %logistic3A_1493 = arith.addf %logistic3A_1492, %logistic3A_1490 : vector<64x512xf32>
    %logistic3A_1494 = arith.divf %logistic3A_1492, %logistic3A_1493 : vector<64x512xf32>
    %get3A_1495 = arith.constant 128 : i32
    %get3A_1496 = arith.constant 0 : i32
    %get3A_1497 = tpu.memref_slice %arg12[%get3A_1495, %get3A_1496] : memref<640x2048xbf16, #tpu.memory_space<vmem>> -> memref<64x2048xbf16, #tpu.memory_space<vmem>>
    %get3A_1498 = arith.constant 0 : index
    %get3A_1499 = arith.constant 512 : index
    %get3A_1500 = vector.load %get3A_1497[%get3A_1498, %get3A_1499] : memref<64x2048xbf16, #tpu.memory_space<vmem>>, vector<64x512xbf16>
    %convert_element_type3A_1501 = arith.extf %get3A_1500 : vector<64x512xbf16> to vector<64x512xf32>
    %get3A_1502 = arith.constant 512 : index
    %get3A_1503 = arith.constant 0 : index
    %get3A_1504 = vector.load %arg6[%get3A_1502, %get3A_1503] : memref<2048x512xbf16, #tpu.memory_space<vmem>>, vector<512x512xbf16>
    %dot_general3A_1505 = arith.constant dense<0.000000e+00> : vector<64x512xf32>
    %dot_general3A_1506 = tpu.matmul %convert_element_type3A_1475, %get3A_1504, %dot_general3A_1505 {dimension_numbers = #tpu.dot_dimension_numbers<[1], [1], [0], [0], [0, 0, 1, 0], [], []>, transpose_lhs_hint = false} : vector<64x512xbf16>, vector<512x512xbf16>, vector<64x512xf32> -> vector<64x512xf32>
    %add3A_1507 = arith.addf %convert_element_type3A_1501, %dot_general3A_1506 : vector<64x512xf32>
    %logistic3A_1508 = arith.negf %add3A_1507 : vector<64x512xf32>
    %logistic3A_1509 = math.exp %logistic3A_1508 : vector<64x512xf32>
    %logistic3A_1510 = arith.constant 1.000000e+00 : f32
    %logistic3A_1511 = vector.broadcast %logistic3A_1510 : f32 to vector<64x512xf32>
    %logistic3A_1512 = arith.addf %logistic3A_1511, %logistic3A_1509 : vector<64x512xf32>
    %logistic3A_1513 = arith.divf %logistic3A_1511, %logistic3A_1512 : vector<64x512xf32>
    %get3A_1514 = arith.constant 128 : i32
    %get3A_1515 = arith.constant 0 : i32
    %get3A_1516 = tpu.memref_slice %arg12[%get3A_1514, %get3A_1515] : memref<640x2048xbf16, #tpu.memory_space<vmem>> -> memref<64x2048xbf16, #tpu.memory_space<vmem>>
    %get3A_1517 = arith.constant 0 : index
    %get3A_1518 = arith.constant 1024 : index
    %get3A_1519 = vector.load %get3A_1516[%get3A_1517, %get3A_1518] : memref<64x2048xbf16, #tpu.memory_space<vmem>>, vector<64x512xbf16>
    %convert_element_type3A_1520 = arith.extf %get3A_1519 : vector<64x512xbf16> to vector<64x512xf32>
    %get3A_1521 = arith.constant 1024 : index
    %get3A_1522 = arith.constant 0 : index
    %get3A_1523 = vector.load %arg6[%get3A_1521, %get3A_1522] : memref<2048x512xbf16, #tpu.memory_space<vmem>>, vector<512x512xbf16>
    %dot_general3A_1524 = arith.constant dense<0.000000e+00> : vector<64x512xf32>
    %dot_general3A_1525 = tpu.matmul %convert_element_type3A_1475, %get3A_1523, %dot_general3A_1524 {dimension_numbers = #tpu.dot_dimension_numbers<[1], [1], [0], [0], [0, 0, 1, 0], [], []>, transpose_lhs_hint = false} : vector<64x512xbf16>, vector<512x512xbf16>, vector<64x512xf32> -> vector<64x512xf32>
    %add3A_1526 = arith.addf %convert_element_type3A_1520, %dot_general3A_1525 : vector<64x512xf32>
    %tanh3A_1527 = math.tanh %add3A_1526 : vector<64x512xf32>
    %get3A_1528 = arith.constant 128 : i32
    %get3A_1529 = arith.constant 0 : i32
    %get3A_1530 = tpu.memref_slice %arg12[%get3A_1528, %get3A_1529] : memref<640x2048xbf16, #tpu.memory_space<vmem>> -> memref<64x2048xbf16, #tpu.memory_space<vmem>>
    %get3A_1531 = arith.constant 0 : index
    %get3A_1532 = arith.constant 1536 : index
    %get3A_1533 = vector.load %get3A_1530[%get3A_1531, %get3A_1532] : memref<64x2048xbf16, #tpu.memory_space<vmem>>, vector<64x512xbf16>
    %convert_element_type3A_1534 = arith.extf %get3A_1533 : vector<64x512xbf16> to vector<64x512xf32>
    %get3A_1535 = arith.constant 1536 : index
    %get3A_1536 = arith.constant 0 : index
    %get3A_1537 = vector.load %arg6[%get3A_1535, %get3A_1536] : memref<2048x512xbf16, #tpu.memory_space<vmem>>, vector<512x512xbf16>
    %dot_general3A_1538 = arith.constant dense<0.000000e+00> : vector<64x512xf32>
    %dot_general3A_1539 = tpu.matmul %convert_element_type3A_1475, %get3A_1537, %dot_general3A_1538 {dimension_numbers = #tpu.dot_dimension_numbers<[1], [1], [0], [0], [0, 0, 1, 0], [], []>, transpose_lhs_hint = false} : vector<64x512xbf16>, vector<512x512xbf16>, vector<64x512xf32> -> vector<64x512xf32>
    %add3A_1540 = arith.addf %convert_element_type3A_1534, %dot_general3A_1539 : vector<64x512xf32>
    %logistic3A_1541 = arith.negf %add3A_1540 : vector<64x512xf32>
    %logistic3A_1542 = math.exp %logistic3A_1541 : vector<64x512xf32>
    %logistic3A_1543 = arith.constant 1.000000e+00 : f32
    %logistic3A_1544 = vector.broadcast %logistic3A_1543 : f32 to vector<64x512xf32>
    %logistic3A_1545 = arith.addf %logistic3A_1544, %logistic3A_1542 : vector<64x512xf32>
    %logistic3A_1546 = arith.divf %logistic3A_1544, %logistic3A_1545 : vector<64x512xf32>
    %get3A_1547 = arith.constant 0 : index
    %get3A_1548 = arith.constant 0 : index
    %get3A_1549 = vector.load %arg16[%get3A_1547, %get3A_1548] : memref<64x512xf32, #tpu.memory_space<vmem>>, vector<64x512xf32>
    %mul3A_1550 = arith.mulf %logistic3A_1513, %get3A_1549 : vector<64x512xf32>
    %mul3A_1551 = arith.mulf %logistic3A_1494, %tanh3A_1527 : vector<64x512xf32>
    %add3A_1552 = arith.addf %mul3A_1550, %mul3A_1551 : vector<64x512xf32>
    %tanh3A_1553 = math.tanh %add3A_1552 : vector<64x512xf32>
    %mul3A_1554 = arith.mulf %logistic3A_1546, %tanh3A_1553 : vector<64x512xf32>
    %swap3A_1555 = arith.constant 0 : index
    %swap3A_1556 = arith.constant 0 : index
    %swap3A_1557 = vector.load %arg16[%swap3A_1555, %swap3A_1556] : memref<64x512xf32, #tpu.memory_space<vmem>>, vector<64x512xf32>
    tpu.vector_store %arg16[%swap3A_1555, %swap3A_1556], %add3A_1552 {strides = array<i32>} : memref<64x512xf32, #tpu.memory_space<vmem>>, vector<64x512xf32>,
    %swap3A_1558 = arith.constant 0 : index
    %swap3A_1559 = arith.constant 0 : index
    %swap3A_1560 = vector.load %arg15[%swap3A_1558, %swap3A_1559] : memref<64x512xf32, #tpu.memory_space<vmem>>, vector<64x512xf32>
    tpu.vector_store %arg15[%swap3A_1558, %swap3A_1559], %mul3A_1554 {strides = array<i32>} : memref<64x512xf32, #tpu.memory_space<vmem>>, vector<64x512xf32>,
    %convert_element_type3A_1561 = arith.truncf %mul3A_1554 : vector<64x512xf32> to vector<64x512xbf16>
    %swap3A_1562 = arith.constant 2 : index
    %swap3A_1563 = arith.constant 0 : index
    %swap3A_1564 = arith.constant 0 : index
    %swap3A_1565 = vector.load %arg10[%swap3A_1562, %swap3A_1563, %swap3A_1564] : memref<10x64x512xbf16, #tpu.memory_space<vmem>>, vector<1x64x512xbf16>
    %swap3A_1566 = vector.shape_cast %swap3A_1565 : vector<1x64x512xbf16> to vector<64x512xbf16>
    %swap3A_1567 = vector.shape_cast %convert_element_type3A_1561 : vector<64x512xbf16> to vector<1x64x512xbf16>
    tpu.vector_store %arg10[%swap3A_1562, %swap3A_1563, %swap3A_1564], %swap3A_1567 {strides = array<i32>} : memref<10x64x512xbf16, #tpu.memory_space<vmem>>, vector<1x64x512xbf16>,
    %get3A_1568 = arith.constant 0 : index
    %get3A_1569 = arith.constant 0 : index
    %get3A_1570 = vector.load %arg13[%get3A_1568, %get3A_1569] : memref<64x512xf32, #tpu.memory_space<vmem>>, vector<64x512xf32>
    %convert_element_type3A_1571 = arith.truncf %get3A_1570 : vector<64x512xf32> to vector<64x512xbf16>
    %get3A_1572 = arith.constant 512 : i32
    %get3A_1573 = arith.constant 0 : i32
    %get3A_1574 = tpu.memref_slice %arg11[%get3A_1572, %get3A_1573] : memref<640x2048xbf16, #tpu.memory_space<vmem>> -> memref<64x2048xbf16, #tpu.memory_space<vmem>>
    %get3A_1575 = arith.constant 0 : index
    %get3A_1576 = arith.constant 0 : index
    %get3A_1577 = vector.load %get3A_1574[%get3A_1575, %get3A_1576] : memref<64x2048xbf16, #tpu.memory_space<vmem>>, vector<64x512xbf16>
    %convert_element_type3A_1578 = arith.extf %get3A_1577 : vector<64x512xbf16> to vector<64x512xf32>
    %get3A_1579 = arith.constant 0 : index
    %get3A_1580 = arith.constant 0 : index
    %get3A_1581 = vector.load %arg5[%get3A_1579, %get3A_1580] : memref<2048x512xbf16, #tpu.memory_space<vmem>>, vector<512x512xbf16>
    %dot_general3A_1582 = arith.constant dense<0.000000e+00> : vector<64x512xf32>
    %dot_general3A_1583 = tpu.matmul %convert_element_type3A_1571, %get3A_1581, %dot_general3A_1582 {dimension_numbers = #tpu.dot_dimension_numbers<[1], [1], [0], [0], [0, 0, 1, 0], [], []>, transpose_lhs_hint = false} : vector<64x512xbf16>, vector<512x512xbf16>, vector<64x512xf32> -> vector<64x512xf32>
    %add3A_1584 = arith.addf %convert_element_type3A_1578, %dot_general3A_1583 : vector<64x512xf32>
    %logistic3A_1585 = arith.negf %add3A_1584 : vector<64x512xf32>
    %logistic3A_1586 = math.exp %logistic3A_1585 : vector<64x512xf32>
    %logistic3A_1587 = arith.constant 1.000000e+00 : f32
    %logistic3A_1588 = vector.broadcast %logistic3A_1587 : f32 to vector<64x512xf32>
    %logistic3A_1589 = arith.addf %logistic3A_1588, %logistic3A_1586 : vector<64x512xf32>
    %logistic3A_1590 = arith.divf %logistic3A_1588, %logistic3A_1589 : vector<64x512xf32>
    %get3A_1591 = arith.constant 512 : i32
    %get3A_1592 = arith.constant 0 : i32
    %get3A_1593 = tpu.memref_slice %arg11[%get3A_1591, %get3A_1592] : memref<640x2048xbf16, #tpu.memory_space<vmem>> -> memref<64x2048xbf16, #tpu.memory_space<vmem>>
    %get3A_1594 = arith.constant 0 : index
    %get3A_1595 = arith.constant 512 : index
    %get3A_1596 = vector.load %get3A_1593[%get3A_1594, %get3A_1595] : memref<64x2048xbf16, #tpu.memory_space<vmem>>, vector<64x512xbf16>
    %convert_element_type3A_1597 = arith.extf %get3A_1596 : vector<64x512xbf16> to vector<64x512xf32>
    %get3A_1598 = arith.constant 512 : index
    %get3A_1599 = arith.constant 0 : index
    %get3A_1600 = vector.load %arg5[%get3A_1598, %get3A_1599] : memref<2048x512xbf16, #tpu.memory_space<vmem>>, vector<512x512xbf16>
    %dot_general3A_1601 = arith.constant dense<0.000000e+00> : vector<64x512xf32>
    %dot_general3A_1602 = tpu.matmul %convert_element_type3A_1571, %get3A_1600, %dot_general3A_1601 {dimension_numbers = #tpu.dot_dimension_numbers<[1], [1], [0], [0], [0, 0, 1, 0], [], []>, transpose_lhs_hint = false} : vector<64x512xbf16>, vector<512x512xbf16>, vector<64x512xf32> -> vector<64x512xf32>
    %add3A_1603 = arith.addf %convert_element_type3A_1597, %dot_general3A_1602 : vector<64x512xf32>
    %logistic3A_1604 = arith.negf %add3A_1603 : vector<64x512xf32>
    %logistic3A_1605 = math.exp %logistic3A_1604 : vector<64x512xf32>
    %logistic3A_1606 = arith.constant 1.000000e+00 : f32
    %logistic3A_1607 = vector.broadcast %logistic3A_1606 : f32 to vector<64x512xf32>
    %logistic3A_1608 = arith.addf %logistic3A_1607, %logistic3A_1605 : vector<64x512xf32>
    %logistic3A_1609 = arith.divf %logistic3A_1607, %logistic3A_1608 : vector<64x512xf32>
    %get3A_1610 = arith.constant 512 : i32
    %get3A_1611 = arith.constant 0 : i32
    %get3A_1612 = tpu.memref_slice %arg11[%get3A_1610, %get3A_1611] : memref<640x2048xbf16, #tpu.memory_space<vmem>> -> memref<64x2048xbf16, #tpu.memory_space<vmem>>
    %get3A_1613 = arith.constant 0 : index
    %get3A_1614 = arith.constant 1024 : index
    %get3A_1615 = vector.load %get3A_1612[%get3A_1613, %get3A_1614] : memref<64x2048xbf16, #tpu.memory_space<vmem>>, vector<64x512xbf16>
    %convert_element_type3A_1616 = arith.extf %get3A_1615 : vector<64x512xbf16> to vector<64x512xf32>
    %get3A_1617 = arith.constant 1024 : index
    %get3A_1618 = arith.constant 0 : index
    %get3A_1619 = vector.load %arg5[%get3A_1617, %get3A_1618] : memref<2048x512xbf16, #tpu.memory_space<vmem>>, vector<512x512xbf16>
    %dot_general3A_1620 = arith.constant dense<0.000000e+00> : vector<64x512xf32>
    %dot_general3A_1621 = tpu.matmul %convert_element_type3A_1571, %get3A_1619, %dot_general3A_1620 {dimension_numbers = #tpu.dot_dimension_numbers<[1], [1], [0], [0], [0, 0, 1, 0], [], []>, transpose_lhs_hint = false} : vector<64x512xbf16>, vector<512x512xbf16>, vector<64x512xf32> -> vector<64x512xf32>
    %add3A_1622 = arith.addf %convert_element_type3A_1616, %dot_general3A_1621 : vector<64x512xf32>
    %tanh3A_1623 = math.tanh %add3A_1622 : vector<64x512xf32>
    %get3A_1624 = arith.constant 512 : i32
    %get3A_1625 = arith.constant 0 : i32
    %get3A_1626 = tpu.memref_slice %arg11[%get3A_1624, %get3A_1625] : memref<640x2048xbf16, #tpu.memory_space<vmem>> -> memref<64x2048xbf16, #tpu.memory_space<vmem>>
    %get3A_1627 = arith.constant 0 : index
    %get3A_1628 = arith.constant 1536 : index
    %get3A_1629 = vector.load %get3A_1626[%get3A_1627, %get3A_1628] : memref<64x2048xbf16, #tpu.memory_space<vmem>>, vector<64x512xbf16>
    %convert_element_type3A_1630 = arith.extf %get3A_1629 : vector<64x512xbf16> to vector<64x512xf32>
    %get3A_1631 = arith.constant 1536 : index
    %get3A_1632 = arith.constant 0 : index
    %get3A_1633 = vector.load %arg5[%get3A_1631, %get3A_1632] : memref<2048x512xbf16, #tpu.memory_space<vmem>>, vector<512x512xbf16>
    %dot_general3A_1634 = arith.constant dense<0.000000e+00> : vector<64x512xf32>
    %dot_general3A_1635 = tpu.matmul %convert_element_type3A_1571, %get3A_1633, %dot_general3A_1634 {dimension_numbers = #tpu.dot_dimension_numbers<[1], [1], [0], [0], [0, 0, 1, 0], [], []>, transpose_lhs_hint = false} : vector<64x512xbf16>, vector<512x512xbf16>, vector<64x512xf32> -> vector<64x512xf32>
    %add3A_1636 = arith.addf %convert_element_type3A_1630, %dot_general3A_1635 : vector<64x512xf32>
    %logistic3A_1637 = arith.negf %add3A_1636 : vector<64x512xf32>
    %logistic3A_1638 = math.exp %logistic3A_1637 : vector<64x512xf32>
    %logistic3A_1639 = arith.constant 1.000000e+00 : f32
    %logistic3A_1640 = vector.broadcast %logistic3A_1639 : f32 to vector<64x512xf32>
    %logistic3A_1641 = arith.addf %logistic3A_1640, %logistic3A_1638 : vector<64x512xf32>
    %logistic3A_1642 = arith.divf %logistic3A_1640, %logistic3A_1641 : vector<64x512xf32>
    %get3A_1643 = arith.constant 0 : index
    %get3A_1644 = arith.constant 0 : index
    %get3A_1645 = vector.load %arg14[%get3A_1643, %get3A_1644] : memref<64x512xf32, #tpu.memory_space<vmem>>, vector<64x512xf32>
    %mul3A_1646 = arith.mulf %logistic3A_1609, %get3A_1645 : vector<64x512xf32>
    %mul3A_1647 = arith.mulf %logistic3A_1590, %tanh3A_1623 : vector<64x512xf32>
    %add3A_1648 = arith.addf %mul3A_1646, %mul3A_1647 : vector<64x512xf32>
    %tanh3A_1649 = math.tanh %add3A_1648 : vector<64x512xf32>
    %mul3A_1650 = arith.mulf %logistic3A_1642, %tanh3A_1649 : vector<64x512xf32>
    %swap3A_1651 = arith.constant 0 : index
    %swap3A_1652 = arith.constant 0 : index
    %swap3A_1653 = vector.load %arg14[%swap3A_1651, %swap3A_1652] : memref<64x512xf32, #tpu.memory_space<vmem>>, vector<64x512xf32>
    tpu.vector_store %arg14[%swap3A_1651, %swap3A_1652], %add3A_1648 {strides = array<i32>} : memref<64x512xf32, #tpu.memory_space<vmem>>, vector<64x512xf32>,
    %swap3A_1654 = arith.constant 0 : index
    %swap3A_1655 = arith.constant 0 : index
    %swap3A_1656 = vector.load %arg13[%swap3A_1654, %swap3A_1655] : memref<64x512xf32, #tpu.memory_space<vmem>>, vector<64x512xf32>
    tpu.vector_store %arg13[%swap3A_1654, %swap3A_1655], %mul3A_1650 {strides = array<i32>} : memref<64x512xf32, #tpu.memory_space<vmem>>, vector<64x512xf32>,
    %convert_element_type3A_1657 = arith.truncf %mul3A_1650 : vector<64x512xf32> to vector<64x512xbf16>
    %swap3A_1658 = arith.constant 8 : index
    %swap3A_1659 = arith.constant 0 : index
    %swap3A_1660 = arith.constant 0 : index
    %swap3A_1661 = vector.load %arg9[%swap3A_1658, %swap3A_1659, %swap3A_1660] : memref<10x64x512xbf16, #tpu.memory_space<vmem>>, vector<1x64x512xbf16>
    %swap3A_1662 = vector.shape_cast %swap3A_1661 : vector<1x64x512xbf16> to vector<64x512xbf16>
    %swap3A_1663 = vector.shape_cast %convert_element_type3A_1657 : vector<64x512xbf16> to vector<1x64x512xbf16>
    tpu.vector_store %arg9[%swap3A_1658, %swap3A_1659, %swap3A_1660], %swap3A_1663 {strides = array<i32>} : memref<10x64x512xbf16, #tpu.memory_space<vmem>>, vector<1x64x512xbf16>,
    %get3A_1664 = arith.constant 0 : index
    %get3A_1665 = arith.constant 0 : index
    %get3A_1666 = vector.load %arg15[%get3A_1664, %get3A_1665] : memref<64x512xf32, #tpu.memory_space<vmem>>, vector<64x512xf32>
    %convert_element_type3A_1667 = arith.truncf %get3A_1666 : vector<64x512xf32> to vector<64x512xbf16>
    %get3A_1668 = arith.constant 64 : i32
    %get3A_1669 = arith.constant 0 : i32
    %get3A_1670 = tpu.memref_slice %arg12[%get3A_1668, %get3A_1669] : memref<640x2048xbf16, #tpu.memory_space<vmem>> -> memref<64x2048xbf16, #tpu.memory_space<vmem>>
    %get3A_1671 = arith.constant 0 : index
    %get3A_1672 = arith.constant 0 : index
    %get3A_1673 = vector.load %get3A_1670[%get3A_1671, %get3A_1672] : memref<64x2048xbf16, #tpu.memory_space<vmem>>, vector<64x512xbf16>
    %convert_element_type3A_1674 = arith.extf %get3A_1673 : vector<64x512xbf16> to vector<64x512xf32>
    %get3A_1675 = arith.constant 0 : index
    %get3A_1676 = arith.constant 0 : index
    %get3A_1677 = vector.load %arg6[%get3A_1675, %get3A_1676] : memref<2048x512xbf16, #tpu.memory_space<vmem>>, vector<512x512xbf16>
    %dot_general3A_1678 = arith.constant dense<0.000000e+00> : vector<64x512xf32>
    %dot_general3A_1679 = tpu.matmul %convert_element_type3A_1667, %get3A_1677, %dot_general3A_1678 {dimension_numbers = #tpu.dot_dimension_numbers<[1], [1], [0], [0], [0, 0, 1, 0], [], []>, transpose_lhs_hint = false} : vector<64x512xbf16>, vector<512x512xbf16>, vector<64x512xf32> -> vector<64x512xf32>
    %add3A_1680 = arith.addf %convert_element_type3A_1674, %dot_general3A_1679 : vector<64x512xf32>
    %logistic3A_1681 = arith.negf %add3A_1680 : vector<64x512xf32>
    %logistic3A_1682 = math.exp %logistic3A_1681 : vector<64x512xf32>
    %logistic3A_1683 = arith.constant 1.000000e+00 : f32
    %logistic3A_1684 = vector.broadcast %logistic3A_1683 : f32 to vector<64x512xf32>
    %logistic3A_1685 = arith.addf %logistic3A_1684, %logistic3A_1682 : vector<64x512xf32>
    %logistic3A_1686 = arith.divf %logistic3A_1684, %logistic3A_1685 : vector<64x512xf32>
    %get3A_1687 = arith.constant 64 : i32
    %get3A_1688 = arith.constant 0 : i32
    %get3A_1689 = tpu.memref_slice %arg12[%get3A_1687, %get3A_1688] : memref<640x2048xbf16, #tpu.memory_space<vmem>> -> memref<64x2048xbf16, #tpu.memory_space<vmem>>
    %get3A_1690 = arith.constant 0 : index
    %get3A_1691 = arith.constant 512 : index
    %get3A_1692 = vector.load %get3A_1689[%get3A_1690, %get3A_1691] : memref<64x2048xbf16, #tpu.memory_space<vmem>>, vector<64x512xbf16>
    %convert_element_type3A_1693 = arith.extf %get3A_1692 : vector<64x512xbf16> to vector<64x512xf32>
    %get3A_1694 = arith.constant 512 : index
    %get3A_1695 = arith.constant 0 : index
    %get3A_1696 = vector.load %arg6[%get3A_1694, %get3A_1695] : memref<2048x512xbf16, #tpu.memory_space<vmem>>, vector<512x512xbf16>
    %dot_general3A_1697 = arith.constant dense<0.000000e+00> : vector<64x512xf32>
    %dot_general3A_1698 = tpu.matmul %convert_element_type3A_1667, %get3A_1696, %dot_general3A_1697 {dimension_numbers = #tpu.dot_dimension_numbers<[1], [1], [0], [0], [0, 0, 1, 0], [], []>, transpose_lhs_hint = false} : vector<64x512xbf16>, vector<512x512xbf16>, vector<64x512xf32> -> vector<64x512xf32>
    %add3A_1699 = arith.addf %convert_element_type3A_1693, %dot_general3A_1698 : vector<64x512xf32>
    %logistic3A_1700 = arith.negf %add3A_1699 : vector<64x512xf32>
    %logistic3A_1701 = math.exp %logistic3A_1700 : vector<64x512xf32>
    %logistic3A_1702 = arith.constant 1.000000e+00 : f32
    %logistic3A_1703 = vector.broadcast %logistic3A_1702 : f32 to vector<64x512xf32>
    %logistic3A_1704 = arith.addf %logistic3A_1703, %logistic3A_1701 : vector<64x512xf32>
    %logistic3A_1705 = arith.divf %logistic3A_1703, %logistic3A_1704 : vector<64x512xf32>
    %get3A_1706 = arith.constant 64 : i32
    %get3A_1707 = arith.constant 0 : i32
    %get3A_1708 = tpu.memref_slice %arg12[%get3A_1706, %get3A_1707] : memref<640x2048xbf16, #tpu.memory_space<vmem>> -> memref<64x2048xbf16, #tpu.memory_space<vmem>>
    %get3A_1709 = arith.constant 0 : index
    %get3A_1710 = arith.constant 1024 : index
    %get3A_1711 = vector.load %get3A_1708[%get3A_1709, %get3A_1710] : memref<64x2048xbf16, #tpu.memory_space<vmem>>, vector<64x512xbf16>
    %convert_element_type3A_1712 = arith.extf %get3A_1711 : vector<64x512xbf16> to vector<64x512xf32>
    %get3A_1713 = arith.constant 1024 : index
    %get3A_1714 = arith.constant 0 : index
    %get3A_1715 = vector.load %arg6[%get3A_1713, %get3A_1714] : memref<2048x512xbf16, #tpu.memory_space<vmem>>, vector<512x512xbf16>
    %dot_general3A_1716 = arith.constant dense<0.000000e+00> : vector<64x512xf32>
    %dot_general3A_1717 = tpu.matmul %convert_element_type3A_1667, %get3A_1715, %dot_general3A_1716 {dimension_numbers = #tpu.dot_dimension_numbers<[1], [1], [0], [0], [0, 0, 1, 0], [], []>, transpose_lhs_hint = false} : vector<64x512xbf16>, vector<512x512xbf16>, vector<64x512xf32> -> vector<64x512xf32>
    %add3A_1718 = arith.addf %convert_element_type3A_1712, %dot_general3A_1717 : vector<64x512xf32>
    %tanh3A_1719 = math.tanh %add3A_1718 : vector<64x512xf32>
    %get3A_1720 = arith.constant 64 : i32
    %get3A_1721 = arith.constant 0 : i32
    %get3A_1722 = tpu.memref_slice %arg12[%get3A_1720, %get3A_1721] : memref<640x2048xbf16, #tpu.memory_space<vmem>> -> memref<64x2048xbf16, #tpu.memory_space<vmem>>
    %get3A_1723 = arith.constant 0 : index
    %get3A_1724 = arith.constant 1536 : index
    %get3A_1725 = vector.load %get3A_1722[%get3A_1723, %get3A_1724] : memref<64x2048xbf16, #tpu.memory_space<vmem>>, vector<64x512xbf16>
    %convert_element_type3A_1726 = arith.extf %get3A_1725 : vector<64x512xbf16> to vector<64x512xf32>
    %get3A_1727 = arith.constant 1536 : index
    %get3A_1728 = arith.constant 0 : index
    %get3A_1729 = vector.load %arg6[%get3A_1727, %get3A_1728] : memref<2048x512xbf16, #tpu.memory_space<vmem>>, vector<512x512xbf16>
    %dot_general3A_1730 = arith.constant dense<0.000000e+00> : vector<64x512xf32>
    %dot_general3A_1731 = tpu.matmul %convert_element_type3A_1667, %get3A_1729, %dot_general3A_1730 {dimension_numbers = #tpu.dot_dimension_numbers<[1], [1], [0], [0], [0, 0, 1, 0], [], []>, transpose_lhs_hint = false} : vector<64x512xbf16>, vector<512x512xbf16>, vector<64x512xf32> -> vector<64x512xf32>
    %add3A_1732 = arith.addf %convert_element_type3A_1726, %dot_general3A_1731 : vector<64x512xf32>
    %logistic3A_1733 = arith.negf %add3A_1732 : vector<64x512xf32>
    %logistic3A_1734 = math.exp %logistic3A_1733 : vector<64x512xf32>
    %logistic3A_1735 = arith.constant 1.000000e+00 : f32
    %logistic3A_1736 = vector.broadcast %logistic3A_1735 : f32 to vector<64x512xf32>
    %logistic3A_1737 = arith.addf %logistic3A_1736, %logistic3A_1734 : vector<64x512xf32>
    %logistic3A_1738 = arith.divf %logistic3A_1736, %logistic3A_1737 : vector<64x512xf32>
    %get3A_1739 = arith.constant 0 : index
    %get3A_1740 = arith.constant 0 : index
    %get3A_1741 = vector.load %arg16[%get3A_1739, %get3A_1740] : memref<64x512xf32, #tpu.memory_space<vmem>>, vector<64x512xf32>
    %mul3A_1742 = arith.mulf %logistic3A_1705, %get3A_1741 : vector<64x512xf32>
    %mul3A_1743 = arith.mulf %logistic3A_1686, %tanh3A_1719 : vector<64x512xf32>
    %add3A_1744 = arith.addf %mul3A_1742, %mul3A_1743 : vector<64x512xf32>
    %tanh3A_1745 = math.tanh %add3A_1744 : vector<64x512xf32>
    %mul3A_1746 = arith.mulf %logistic3A_1738, %tanh3A_1745 : vector<64x512xf32>
    %swap3A_1747 = arith.constant 0 : index
    %swap3A_1748 = arith.constant 0 : index
    %swap3A_1749 = vector.load %arg16[%swap3A_1747, %swap3A_1748] : memref<64x512xf32, #tpu.memory_space<vmem>>, vector<64x512xf32>
    tpu.vector_store %arg16[%swap3A_1747, %swap3A_1748], %add3A_1744 {strides = array<i32>} : memref<64x512xf32, #tpu.memory_space<vmem>>, vector<64x512xf32>,
    %swap3A_1750 = arith.constant 0 : index
    %swap3A_1751 = arith.constant 0 : index
    %swap3A_1752 = vector.load %arg15[%swap3A_1750, %swap3A_1751] : memref<64x512xf32, #tpu.memory_space<vmem>>, vector<64x512xf32>
    tpu.vector_store %arg15[%swap3A_1750, %swap3A_1751], %mul3A_1746 {strides = array<i32>} : memref<64x512xf32, #tpu.memory_space<vmem>>, vector<64x512xf32>,
    %convert_element_type3A_1753 = arith.truncf %mul3A_1746 : vector<64x512xf32> to vector<64x512xbf16>
    %swap3A_1754 = arith.constant 1 : index
    %swap3A_1755 = arith.constant 0 : index
    %swap3A_1756 = arith.constant 0 : index
    %swap3A_1757 = vector.load %arg10[%swap3A_1754, %swap3A_1755, %swap3A_1756] : memref<10x64x512xbf16, #tpu.memory_space<vmem>>, vector<1x64x512xbf16>
    %swap3A_1758 = vector.shape_cast %swap3A_1757 : vector<1x64x512xbf16> to vector<64x512xbf16>
    %swap3A_1759 = vector.shape_cast %convert_element_type3A_1753 : vector<64x512xbf16> to vector<1x64x512xbf16>
    tpu.vector_store %arg10[%swap3A_1754, %swap3A_1755, %swap3A_1756], %swap3A_1759 {strides = array<i32>} : memref<10x64x512xbf16, #tpu.memory_space<vmem>>, vector<1x64x512xbf16>,
    %get3A_1760 = arith.constant 0 : index
    %get3A_1761 = arith.constant 0 : index
    %get3A_1762 = vector.load %arg13[%get3A_1760, %get3A_1761] : memref<64x512xf32, #tpu.memory_space<vmem>>, vector<64x512xf32>
    %convert_element_type3A_1763 = arith.truncf %get3A_1762 : vector<64x512xf32> to vector<64x512xbf16>
    %get3A_1764 = arith.constant 576 : i32
    %get3A_1765 = arith.constant 0 : i32
    %get3A_1766 = tpu.memref_slice %arg11[%get3A_1764, %get3A_1765] : memref<640x2048xbf16, #tpu.memory_space<vmem>> -> memref<64x2048xbf16, #tpu.memory_space<vmem>>
    %get3A_1767 = arith.constant 0 : index
    %get3A_1768 = arith.constant 0 : index
    %get3A_1769 = vector.load %get3A_1766[%get3A_1767, %get3A_1768] : memref<64x2048xbf16, #tpu.memory_space<vmem>>, vector<64x512xbf16>
    %convert_element_type3A_1770 = arith.extf %get3A_1769 : vector<64x512xbf16> to vector<64x512xf32>
    %get3A_1771 = arith.constant 0 : index
    %get3A_1772 = arith.constant 0 : index
    %get3A_1773 = vector.load %arg5[%get3A_1771, %get3A_1772] : memref<2048x512xbf16, #tpu.memory_space<vmem>>, vector<512x512xbf16>
    %dot_general3A_1774 = arith.constant dense<0.000000e+00> : vector<64x512xf32>
    %dot_general3A_1775 = tpu.matmul %convert_element_type3A_1763, %get3A_1773, %dot_general3A_1774 {dimension_numbers = #tpu.dot_dimension_numbers<[1], [1], [0], [0], [0, 0, 1, 0], [], []>, transpose_lhs_hint = false} : vector<64x512xbf16>, vector<512x512xbf16>, vector<64x512xf32> -> vector<64x512xf32>
    %add3A_1776 = arith.addf %convert_element_type3A_1770, %dot_general3A_1775 : vector<64x512xf32>
    %logistic3A_1777 = arith.negf %add3A_1776 : vector<64x512xf32>
    %logistic3A_1778 = math.exp %logistic3A_1777 : vector<64x512xf32>
    %logistic3A_1779 = arith.constant 1.000000e+00 : f32
    %logistic3A_1780 = vector.broadcast %logistic3A_1779 : f32 to vector<64x512xf32>
    %logistic3A_1781 = arith.addf %logistic3A_1780, %logistic3A_1778 : vector<64x512xf32>
    %logistic3A_1782 = arith.divf %logistic3A_1780, %logistic3A_1781 : vector<64x512xf32>
    %get3A_1783 = arith.constant 576 : i32
    %get3A_1784 = arith.constant 0 : i32
    %get3A_1785 = tpu.memref_slice %arg11[%get3A_1783, %get3A_1784] : memref<640x2048xbf16, #tpu.memory_space<vmem>> -> memref<64x2048xbf16, #tpu.memory_space<vmem>>
    %get3A_1786 = arith.constant 0 : index
    %get3A_1787 = arith.constant 512 : index
    %get3A_1788 = vector.load %get3A_1785[%get3A_1786, %get3A_1787] : memref<64x2048xbf16, #tpu.memory_space<vmem>>, vector<64x512xbf16>
    %convert_element_type3A_1789 = arith.extf %get3A_1788 : vector<64x512xbf16> to vector<64x512xf32>
    %get3A_1790 = arith.constant 512 : index
    %get3A_1791 = arith.constant 0 : index
    %get3A_1792 = vector.load %arg5[%get3A_1790, %get3A_1791] : memref<2048x512xbf16, #tpu.memory_space<vmem>>, vector<512x512xbf16>
    %dot_general3A_1793 = arith.constant dense<0.000000e+00> : vector<64x512xf32>
    %dot_general3A_1794 = tpu.matmul %convert_element_type3A_1763, %get3A_1792, %dot_general3A_1793 {dimension_numbers = #tpu.dot_dimension_numbers<[1], [1], [0], [0], [0, 0, 1, 0], [], []>, transpose_lhs_hint = false} : vector<64x512xbf16>, vector<512x512xbf16>, vector<64x512xf32> -> vector<64x512xf32>
    %add3A_1795 = arith.addf %convert_element_type3A_1789, %dot_general3A_1794 : vector<64x512xf32>
    %logistic3A_1796 = arith.negf %add3A_1795 : vector<64x512xf32>
    %logistic3A_1797 = math.exp %logistic3A_1796 : vector<64x512xf32>
    %logistic3A_1798 = arith.constant 1.000000e+00 : f32
    %logistic3A_1799 = vector.broadcast %logistic3A_1798 : f32 to vector<64x512xf32>
    %logistic3A_1800 = arith.addf %logistic3A_1799, %logistic3A_1797 : vector<64x512xf32>
    %logistic3A_1801 = arith.divf %logistic3A_1799, %logistic3A_1800 : vector<64x512xf32>
    %get3A_1802 = arith.constant 576 : i32
    %get3A_1803 = arith.constant 0 : i32
    %get3A_1804 = tpu.memref_slice %arg11[%get3A_1802, %get3A_1803] : memref<640x2048xbf16, #tpu.memory_space<vmem>> -> memref<64x2048xbf16, #tpu.memory_space<vmem>>
    %get3A_1805 = arith.constant 0 : index
    %get3A_1806 = arith.constant 1024 : index
    %get3A_1807 = vector.load %get3A_1804[%get3A_1805, %get3A_1806] : memref<64x2048xbf16, #tpu.memory_space<vmem>>, vector<64x512xbf16>
    %convert_element_type3A_1808 = arith.extf %get3A_1807 : vector<64x512xbf16> to vector<64x512xf32>
    %get3A_1809 = arith.constant 1024 : index
    %get3A_1810 = arith.constant 0 : index
    %get3A_1811 = vector.load %arg5[%get3A_1809, %get3A_1810] : memref<2048x512xbf16, #tpu.memory_space<vmem>>, vector<512x512xbf16>
    %dot_general3A_1812 = arith.constant dense<0.000000e+00> : vector<64x512xf32>
    %dot_general3A_1813 = tpu.matmul %convert_element_type3A_1763, %get3A_1811, %dot_general3A_1812 {dimension_numbers = #tpu.dot_dimension_numbers<[1], [1], [0], [0], [0, 0, 1, 0], [], []>, transpose_lhs_hint = false} : vector<64x512xbf16>, vector<512x512xbf16>, vector<64x512xf32> -> vector<64x512xf32>
    %add3A_1814 = arith.addf %convert_element_type3A_1808, %dot_general3A_1813 : vector<64x512xf32>
    %tanh3A_1815 = math.tanh %add3A_1814 : vector<64x512xf32>
    %get3A_1816 = arith.constant 576 : i32
    %get3A_1817 = arith.constant 0 : i32
    %get3A_1818 = tpu.memref_slice %arg11[%get3A_1816, %get3A_1817] : memref<640x2048xbf16, #tpu.memory_space<vmem>> -> memref<64x2048xbf16, #tpu.memory_space<vmem>>
    %get3A_1819 = arith.constant 0 : index
    %get3A_1820 = arith.constant 1536 : index
    %get3A_1821 = vector.load %get3A_1818[%get3A_1819, %get3A_1820] : memref<64x2048xbf16, #tpu.memory_space<vmem>>, vector<64x512xbf16>
    %convert_element_type3A_1822 = arith.extf %get3A_1821 : vector<64x512xbf16> to vector<64x512xf32>
    %get3A_1823 = arith.constant 1536 : index
    %get3A_1824 = arith.constant 0 : index
    %get3A_1825 = vector.load %arg5[%get3A_1823, %get3A_1824] : memref<2048x512xbf16, #tpu.memory_space<vmem>>, vector<512x512xbf16>
    %dot_general3A_1826 = arith.constant dense<0.000000e+00> : vector<64x512xf32>
    %dot_general3A_1827 = tpu.matmul %convert_element_type3A_1763, %get3A_1825, %dot_general3A_1826 {dimension_numbers = #tpu.dot_dimension_numbers<[1], [1], [0], [0], [0, 0, 1, 0], [], []>, transpose_lhs_hint = false} : vector<64x512xbf16>, vector<512x512xbf16>, vector<64x512xf32> -> vector<64x512xf32>
    %add3A_1828 = arith.addf %convert_element_type3A_1822, %dot_general3A_1827 : vector<64x512xf32>
    %logistic3A_1829 = arith.negf %add3A_1828 : vector<64x512xf32>
    %logistic3A_1830 = math.exp %logistic3A_1829 : vector<64x512xf32>
    %logistic3A_1831 = arith.constant 1.000000e+00 : f32
    %logistic3A_1832 = vector.broadcast %logistic3A_1831 : f32 to vector<64x512xf32>
    %logistic3A_1833 = arith.addf %logistic3A_1832, %logistic3A_1830 : vector<64x512xf32>
    %logistic3A_1834 = arith.divf %logistic3A_1832, %logistic3A_1833 : vector<64x512xf32>
    %get3A_1835 = arith.constant 0 : index
    %get3A_1836 = arith.constant 0 : index
    %get3A_1837 = vector.load %arg14[%get3A_1835, %get3A_1836] : memref<64x512xf32, #tpu.memory_space<vmem>>, vector<64x512xf32>
    %mul3A_1838 = arith.mulf %logistic3A_1801, %get3A_1837 : vector<64x512xf32>
    %mul3A_1839 = arith.mulf %logistic3A_1782, %tanh3A_1815 : vector<64x512xf32>
    %add3A_1840 = arith.addf %mul3A_1838, %mul3A_1839 : vector<64x512xf32>
    %tanh3A_1841 = math.tanh %add3A_1840 : vector<64x512xf32>
    %mul3A_1842 = arith.mulf %logistic3A_1834, %tanh3A_1841 : vector<64x512xf32>
    %swap3A_1843 = arith.constant 0 : index
    %swap3A_1844 = arith.constant 0 : index
    %swap3A_1845 = vector.load %arg14[%swap3A_1843, %swap3A_1844] : memref<64x512xf32, #tpu.memory_space<vmem>>, vector<64x512xf32>
    tpu.vector_store %arg14[%swap3A_1843, %swap3A_1844], %add3A_1840 {strides = array<i32>} : memref<64x512xf32, #tpu.memory_space<vmem>>, vector<64x512xf32>,
    %swap3A_1846 = arith.constant 0 : index
    %swap3A_1847 = arith.constant 0 : index
    %swap3A_1848 = vector.load %arg13[%swap3A_1846, %swap3A_1847] : memref<64x512xf32, #tpu.memory_space<vmem>>, vector<64x512xf32>
    tpu.vector_store %arg13[%swap3A_1846, %swap3A_1847], %mul3A_1842 {strides = array<i32>} : memref<64x512xf32, #tpu.memory_space<vmem>>, vector<64x512xf32>,
    %convert_element_type3A_1849 = arith.truncf %mul3A_1842 : vector<64x512xf32> to vector<64x512xbf16>
    %swap3A_1850 = arith.constant 9 : index
    %swap3A_1851 = arith.constant 0 : index
    %swap3A_1852 = arith.constant 0 : index
    %swap3A_1853 = vector.load %arg9[%swap3A_1850, %swap3A_1851, %swap3A_1852] : memref<10x64x512xbf16, #tpu.memory_space<vmem>>, vector<1x64x512xbf16>
    %swap3A_1854 = vector.shape_cast %swap3A_1853 : vector<1x64x512xbf16> to vector<64x512xbf16>
    %swap3A_1855 = vector.shape_cast %convert_element_type3A_1849 : vector<64x512xbf16> to vector<1x64x512xbf16>
    tpu.vector_store %arg9[%swap3A_1850, %swap3A_1851, %swap3A_1852], %swap3A_1855 {strides = array<i32>} : memref<10x64x512xbf16, #tpu.memory_space<vmem>>, vector<1x64x512xbf16>,
    %get3A_1856 = arith.constant 0 : index
    %get3A_1857 = arith.constant 0 : index
    %get3A_1858 = vector.load %arg15[%get3A_1856, %get3A_1857] : memref<64x512xf32, #tpu.memory_space<vmem>>, vector<64x512xf32>
    %convert_element_type3A_1859 = arith.truncf %get3A_1858 : vector<64x512xf32> to vector<64x512xbf16>
    %get3A_1860 = arith.constant 0 : i32
    %get3A_1861 = arith.constant 0 : i32
    %get3A_1862 = tpu.memref_slice %arg12[%get3A_1860, %get3A_1861] : memref<640x2048xbf16, #tpu.memory_space<vmem>> -> memref<64x2048xbf16, #tpu.memory_space<vmem>>
    %get3A_1863 = arith.constant 0 : index
    %get3A_1864 = arith.constant 0 : index
    %get3A_1865 = vector.load %get3A_1862[%get3A_1863, %get3A_1864] : memref<64x2048xbf16, #tpu.memory_space<vmem>>, vector<64x512xbf16>
    %convert_element_type3A_1866 = arith.extf %get3A_1865 : vector<64x512xbf16> to vector<64x512xf32>
    %get3A_1867 = arith.constant 0 : index
    %get3A_1868 = arith.constant 0 : index
    %get3A_1869 = vector.load %arg6[%get3A_1867, %get3A_1868] : memref<2048x512xbf16, #tpu.memory_space<vmem>>, vector<512x512xbf16>
    %dot_general3A_1870 = arith.constant dense<0.000000e+00> : vector<64x512xf32>
    %dot_general3A_1871 = tpu.matmul %convert_element_type3A_1859, %get3A_1869, %dot_general3A_1870 {dimension_numbers = #tpu.dot_dimension_numbers<[1], [1], [0], [0], [0, 0, 1, 0], [], []>, transpose_lhs_hint = false} : vector<64x512xbf16>, vector<512x512xbf16>, vector<64x512xf32> -> vector<64x512xf32>
    %add3A_1872 = arith.addf %convert_element_type3A_1866, %dot_general3A_1871 : vector<64x512xf32>
    %logistic3A_1873 = arith.negf %add3A_1872 : vector<64x512xf32>
    %logistic3A_1874 = math.exp %logistic3A_1873 : vector<64x512xf32>
    %logistic3A_1875 = arith.constant 1.000000e+00 : f32
    %logistic3A_1876 = vector.broadcast %logistic3A_1875 : f32 to vector<64x512xf32>
    %logistic3A_1877 = arith.addf %logistic3A_1876, %logistic3A_1874 : vector<64x512xf32>
    %logistic3A_1878 = arith.divf %logistic3A_1876, %logistic3A_1877 : vector<64x512xf32>
    %get3A_1879 = arith.constant 0 : i32
    %get3A_1880 = arith.constant 0 : i32
    %get3A_1881 = tpu.memref_slice %arg12[%get3A_1879, %get3A_1880] : memref<640x2048xbf16, #tpu.memory_space<vmem>> -> memref<64x2048xbf16, #tpu.memory_space<vmem>>
    %get3A_1882 = arith.constant 0 : index
    %get3A_1883 = arith.constant 512 : index
    %get3A_1884 = vector.load %get3A_1881[%get3A_1882, %get3A_1883] : memref<64x2048xbf16, #tpu.memory_space<vmem>>, vector<64x512xbf16>
    %convert_element_type3A_1885 = arith.extf %get3A_1884 : vector<64x512xbf16> to vector<64x512xf32>
    %get3A_1886 = arith.constant 512 : index
    %get3A_1887 = arith.constant 0 : index
    %get3A_1888 = vector.load %arg6[%get3A_1886, %get3A_1887] : memref<2048x512xbf16, #tpu.memory_space<vmem>>, vector<512x512xbf16>
    %dot_general3A_1889 = arith.constant dense<0.000000e+00> : vector<64x512xf32>
    %dot_general3A_1890 = tpu.matmul %convert_element_type3A_1859, %get3A_1888, %dot_general3A_1889 {dimension_numbers = #tpu.dot_dimension_numbers<[1], [1], [0], [0], [0, 0, 1, 0], [], []>, transpose_lhs_hint = false} : vector<64x512xbf16>, vector<512x512xbf16>, vector<64x512xf32> -> vector<64x512xf32>
    %add3A_1891 = arith.addf %convert_element_type3A_1885, %dot_general3A_1890 : vector<64x512xf32>
    %logistic3A_1892 = arith.negf %add3A_1891 : vector<64x512xf32>
    %logistic3A_1893 = math.exp %logistic3A_1892 : vector<64x512xf32>
    %logistic3A_1894 = arith.constant 1.000000e+00 : f32
    %logistic3A_1895 = vector.broadcast %logistic3A_1894 : f32 to vector<64x512xf32>
    %logistic3A_1896 = arith.addf %logistic3A_1895, %logistic3A_1893 : vector<64x512xf32>
    %logistic3A_1897 = arith.divf %logistic3A_1895, %logistic3A_1896 : vector<64x512xf32>
    %get3A_1898 = arith.constant 0 : i32
    %get3A_1899 = arith.constant 0 : i32
    %get3A_1900 = tpu.memref_slice %arg12[%get3A_1898, %get3A_1899] : memref<640x2048xbf16, #tpu.memory_space<vmem>> -> memref<64x2048xbf16, #tpu.memory_space<vmem>>
    %get3A_1901 = arith.constant 0 : index
    %get3A_1902 = arith.constant 1024 : index
    %get3A_1903 = vector.load %get3A_1900[%get3A_1901, %get3A_1902] : memref<64x2048xbf16, #tpu.memory_space<vmem>>, vector<64x512xbf16>
    %convert_element_type3A_1904 = arith.extf %get3A_1903 : vector<64x512xbf16> to vector<64x512xf32>
    %get3A_1905 = arith.constant 1024 : index
    %get3A_1906 = arith.constant 0 : index
    %get3A_1907 = vector.load %arg6[%get3A_1905, %get3A_1906] : memref<2048x512xbf16, #tpu.memory_space<vmem>>, vector<512x512xbf16>
    %dot_general3A_1908 = arith.constant dense<0.000000e+00> : vector<64x512xf32>
    %dot_general3A_1909 = tpu.matmul %convert_element_type3A_1859, %get3A_1907, %dot_general3A_1908 {dimension_numbers = #tpu.dot_dimension_numbers<[1], [1], [0], [0], [0, 0, 1, 0], [], []>, transpose_lhs_hint = false} : vector<64x512xbf16>, vector<512x512xbf16>, vector<64x512xf32> -> vector<64x512xf32>
    %add3A_1910 = arith.addf %convert_element_type3A_1904, %dot_general3A_1909 : vector<64x512xf32>
    %tanh3A_1911 = math.tanh %add3A_1910 : vector<64x512xf32>
    %get3A_1912 = arith.constant 0 : i32
    %get3A_1913 = arith.constant 0 : i32
    %get3A_1914 = tpu.memref_slice %arg12[%get3A_1912, %get3A_1913] : memref<640x2048xbf16, #tpu.memory_space<vmem>> -> memref<64x2048xbf16, #tpu.memory_space<vmem>>
    %get3A_1915 = arith.constant 0 : index
    %get3A_1916 = arith.constant 1536 : index
    %get3A_1917 = vector.load %get3A_1914[%get3A_1915, %get3A_1916] : memref<64x2048xbf16, #tpu.memory_space<vmem>>, vector<64x512xbf16>
    %convert_element_type3A_1918 = arith.extf %get3A_1917 : vector<64x512xbf16> to vector<64x512xf32>
    %get3A_1919 = arith.constant 1536 : index
    %get3A_1920 = arith.constant 0 : index
    %get3A_1921 = vector.load %arg6[%get3A_1919, %get3A_1920] : memref<2048x512xbf16, #tpu.memory_space<vmem>>, vector<512x512xbf16>
    %dot_general3A_1922 = arith.constant dense<0.000000e+00> : vector<64x512xf32>
    %dot_general3A_1923 = tpu.matmul %convert_element_type3A_1859, %get3A_1921, %dot_general3A_1922 {dimension_numbers = #tpu.dot_dimension_numbers<[1], [1], [0], [0], [0, 0, 1, 0], [], []>, transpose_lhs_hint = false} : vector<64x512xbf16>, vector<512x512xbf16>, vector<64x512xf32> -> vector<64x512xf32>
    %add3A_1924 = arith.addf %convert_element_type3A_1918, %dot_general3A_1923 : vector<64x512xf32>
    %logistic3A_1925 = arith.negf %add3A_1924 : vector<64x512xf32>
    %logistic3A_1926 = math.exp %logistic3A_1925 : vector<64x512xf32>
    %logistic3A_1927 = arith.constant 1.000000e+00 : f32
    %logistic3A_1928 = vector.broadcast %logistic3A_1927 : f32 to vector<64x512xf32>
    %logistic3A_1929 = arith.addf %logistic3A_1928, %logistic3A_1926 : vector<64x512xf32>
    %logistic3A_1930 = arith.divf %logistic3A_1928, %logistic3A_1929 : vector<64x512xf32>
    %get3A_1931 = arith.constant 0 : index
    %get3A_1932 = arith.constant 0 : index
    %get3A_1933 = vector.load %arg16[%get3A_1931, %get3A_1932] : memref<64x512xf32, #tpu.memory_space<vmem>>, vector<64x512xf32>
    %mul3A_1934 = arith.mulf %logistic3A_1897, %get3A_1933 : vector<64x512xf32>
    %mul3A_1935 = arith.mulf %logistic3A_1878, %tanh3A_1911 : vector<64x512xf32>
    %add3A_1936 = arith.addf %mul3A_1934, %mul3A_1935 : vector<64x512xf32>
    %tanh3A_1937 = math.tanh %add3A_1936 : vector<64x512xf32>
    %mul3A_1938 = arith.mulf %logistic3A_1930, %tanh3A_1937 : vector<64x512xf32>
    %swap3A_1939 = arith.constant 0 : index
    %swap3A_1940 = arith.constant 0 : index
    %swap3A_1941 = vector.load %arg16[%swap3A_1939, %swap3A_1940] : memref<64x512xf32, #tpu.memory_space<vmem>>, vector<64x512xf32>
    tpu.vector_store %arg16[%swap3A_1939, %swap3A_1940], %add3A_1936 {strides = array<i32>} : memref<64x512xf32, #tpu.memory_space<vmem>>, vector<64x512xf32>,
    %swap3A_1942 = arith.constant 0 : index
    %swap3A_1943 = arith.constant 0 : index
    %swap3A_1944 = vector.load %arg15[%swap3A_1942, %swap3A_1943] : memref<64x512xf32, #tpu.memory_space<vmem>>, vector<64x512xf32>
    tpu.vector_store %arg15[%swap3A_1942, %swap3A_1943], %mul3A_1938 {strides = array<i32>} : memref<64x512xf32, #tpu.memory_space<vmem>>, vector<64x512xf32>,
    %convert_element_type3A_1945 = arith.truncf %mul3A_1938 : vector<64x512xf32> to vector<64x512xbf16>
    %swap3A_1946 = arith.constant 0 : index
    %swap3A_1947 = arith.constant 0 : index
    %swap3A_1948 = arith.constant 0 : index
    %swap3A_1949 = vector.load %arg10[%swap3A_1946, %swap3A_1947, %swap3A_1948] : memref<10x64x512xbf16, #tpu.memory_space<vmem>>, vector<1x64x512xbf16>
    %swap3A_1950 = vector.shape_cast %swap3A_1949 : vector<1x64x512xbf16> to vector<64x512xbf16>
    %swap3A_1951 = vector.shape_cast %convert_element_type3A_1945 : vector<64x512xbf16> to vector<1x64x512xbf16>
    tpu.vector_store %arg10[%swap3A_1946, %swap3A_1947, %swap3A_1948], %swap3A_1951 {strides = array<i32>} : memref<10x64x512xbf16, #tpu.memory_space<vmem>>, vector<1x64x512xbf16>,
    return
  }
  func.func @transform_0(%arg0: i32) -> (i32, i32, i32) {
    %c0_i32 = arith.constant 0 : i32
    %c0_i32_0 = arith.constant 0 : i32
    %c0_i32_1 = arith.constant 0 : i32
    return %arg0, %c0_i32, %c0_i32_0 : i32, i32, i32
  }
  func.func @transform_1(%arg0: i32) -> (i32, i32, i32) {
    %sub3A = arith.constant 19 : i32
    %sub3A_0 = arith.subi %sub3A, %arg0 : i32
    %c0_i32 = arith.constant 0 : i32
    %c0_i32_1 = arith.constant 0 : i32
    %c0_i32_2 = arith.constant 0 : i32
    return %sub3A_0, %c0_i32, %c0_i32_1 : i32, i32, i32
  }
  func.func @transform_2(%arg0: i32) -> (i32, i32) {
    %c0_i32 = arith.constant 0 : i32
    %c0_i32_0 = arith.constant 0 : i32
    %c0_i32_1 = arith.constant 0 : i32
    return %c0_i32, %c0_i32_0 : i32, i32
  }
  func.func @transform_3(%arg0: i32) -> (i32, i32) {
    %c0_i32 = arith.constant 0 : i32
    %c0_i32_0 = arith.constant 0 : i32
    %c0_i32_1 = arith.constant 0 : i32
    return %c0_i32, %c0_i32_0 : i32, i32
  }
  func.func @transform_4(%arg0: i32) -> (i32, i32) {
    %c0_i32 = arith.constant 0 : i32
    %c0_i32_0 = arith.constant 0 : i32
    %c0_i32_1 = arith.constant 0 : i32
    return %c0_i32, %c0_i32_0 : i32, i32
  }
  func.func @transform_5(%arg0: i32) -> (i32, i32) {
    %c0_i32 = arith.constant 0 : i32
    %c0_i32_0 = arith.constant 0 : i32
    %c0_i32_1 = arith.constant 0 : i32
    return %c0_i32, %c0_i32_0 : i32, i32
  }
  func.func @transform_6(%arg0: i32) -> (i32, i32) {
    %c0_i32 = arith.constant 0 : i32
    %c0_i32_0 = arith.constant 0 : i32
    %c0_i32_1 = arith.constant 0 : i32
    return %c0_i32, %c0_i32_0 : i32, i32
  }
  func.func @transform_7(%arg0: i32) -> (i32, i32) {
    %c0_i32 = arith.constant 0 : i32
    %c0_i32_0 = arith.constant 0 : i32
    %c0_i32_1 = arith.constant 0 : i32
    return %c0_i32, %c0_i32_0 : i32, i32
  }
  func.func @transform_8(%arg0: i32) -> (i32, i32, i32) {
    %c0_i32 = arith.constant 0 : i32
    %c0_i32_0 = arith.constant 0 : i32
    %c0_i32_1 = arith.constant 0 : i32
    return %arg0, %c0_i32, %c0_i32_0 : i32, i32, i32
  }
  func.func @transform_9(%arg0: i32) -> (i32, i32, i32) {
    %sub3A = arith.constant 19 : i32
    %sub3A_0 = arith.subi %sub3A, %arg0 : i32
    %c0_i32 = arith.constant 0 : i32
    %c0_i32_1 = arith.constant 0 : i32
    %c0_i32_2 = arith.constant 0 : i32
    return %sub3A_0, %c0_i32, %c0_i32_1 : i32, i32, i32
  }
}

module attributes {stable_mosaic.version = 14 : i64} {
  func.func @_rec1_body(%arg0: i32, %arg1: memref<10x64x512xbf16, #tpu.memory_space<vmem>>, %arg2: memref<10x64x512xbf16, #tpu.memory_space<vmem>>, %arg3: memref<10x64x512xbf16, #tpu.memory_space<vmem>>, %arg4: memref<10x64x512xbf16, #tpu.memory_space<vmem>>, %arg5: memref<512x2048xbf16, #tpu.memory_space<vmem>>, %arg6: memref<512x2048xbf16, #tpu.memory_space<vmem>>, %arg7: memref<512x2048xbf16, #tpu.memory_space<vmem>>, %arg8: memref<512x2048xbf16, #tpu.memory_space<vmem>>, %arg9: memref<2048x512xbf16, #tpu.memory_space<vmem>>, %arg10: memref<2048x512xbf16, #tpu.memory_space<vmem>>, %arg11: memref<1x2048xf32, #tpu.memory_space<vmem>>, %arg12: memref<1x2048xf32, #tpu.memory_space<vmem>>, %arg13: memref<10x64x512xbf16, #tpu.memory_space<vmem>>, %arg14: memref<10x64x512xbf16, #tpu.memory_space<vmem>>, %arg15: memref<640x2048xbf16, #tpu.memory_space<vmem>>, %arg16: memref<640x2048xbf16, #tpu.memory_space<vmem>>, %arg17: memref<64x512xf32, #tpu.memory_space<vmem>>, %arg18: memref<64x512xf32, #tpu.memory_space<vmem>>, %arg19: memref<64x512xf32, #tpu.memory_space<vmem>>, %arg20: memref<64x512xf32, #tpu.memory_space<vmem>>) attributes {dimension_semantics = [#tpu.dimension_semantics<arbitrary>], iteration_bounds = array<i64: 20>, scalar_prefetch = 0 : i64, scratch_operands = 6 : i64, tpu.core_type = #tpu.core_type<tc>, window_params = [{transform_indices = @transform_0, window_bounds = array<i64: 10, 64, 512>}, {transform_indices = @transform_1, window_bounds = array<i64: 10, 64, 512>}, {transform_indices = @transform_2, window_bounds = array<i64: 10, 64, 512>}, {transform_indices = @transform_3, window_bounds = array<i64: 10, 64, 512>}, {pipeline_mode = #tpu.pipeline_mode<synchronous>, transform_indices = @transform_4, window_bounds = array<i64: 512, 2048>}, {pipeline_mode = #tpu.pipeline_mode<synchronous>, transform_indices = @transform_5, window_bounds = array<i64: 512, 2048>}, {pipeline_mode = #tpu.pipeline_mode<synchronous>, transform_indices = @transform_6, window_bounds = array<i64: 512, 2048>}, {pipeline_mode = #tpu.pipeline_mode<synchronous>, transform_indices = @transform_7, window_bounds = array<i64: 512, 2048>}, {pipeline_mode = #tpu.pipeline_mode<synchronous>, transform_indices = @transform_8, window_bounds = array<i64: 2048, 512>}, {pipeline_mode = #tpu.pipeline_mode<synchronous>, transform_indices = @transform_9, window_bounds = array<i64: 2048, 512>}, {pipeline_mode = #tpu.pipeline_mode<synchronous>, transform_indices = @transform_10, window_bounds = array<i64: 1, 2048>}, {pipeline_mode = #tpu.pipeline_mode<synchronous>, transform_indices = @transform_11, window_bounds = array<i64: 1, 2048>}, {transform_indices = @transform_12, window_bounds = array<i64: 10, 64, 512>}, {transform_indices = @transform_13, window_bounds = array<i64: 10, 64, 512>}]} {
    %eq3A = arith.constant 0 : i32
    %eq3A_0 = arith.cmpi eq, %arg0, %eq3A : i32
    %convert_element_type3A = arith.extui %eq3A_0 : i1 to i32
    %cond3A = arith.constant 0 : i32
    %cond3A_1 = arith.cmpi ne, %convert_element_type3A, %cond3A : i32
    scf.if %cond3A_1 {
      %broadcast_in_dim3A = arith.constant 0.000000e+00 : f32
      %broadcast_in_dim3A_1974 = vector.broadcast %broadcast_in_dim3A : f32 to vector<64x512xf32>
      %swap3A_1975 = arith.constant 0 : index
      %swap3A_1976 = arith.constant 0 : index
      %swap3A_1977 = vector.load %arg17[%swap3A_1975, %swap3A_1976] : memref<64x512xf32, #tpu.memory_space<vmem>>, vector<64x512xf32>
      tpu.vector_store %arg17[%swap3A_1975, %swap3A_1976], %broadcast_in_dim3A_1974 {strides = array<i32>} : memref<64x512xf32, #tpu.memory_space<vmem>>, vector<64x512xf32>,
      %broadcast_in_dim3A_1978 = arith.constant 0.000000e+00 : f32
      %broadcast_in_dim3A_1979 = vector.broadcast %broadcast_in_dim3A_1978 : f32 to vector<64x512xf32>
      %swap3A_1980 = arith.constant 0 : index
      %swap3A_1981 = arith.constant 0 : index
      %swap3A_1982 = vector.load %arg18[%swap3A_1980, %swap3A_1981] : memref<64x512xf32, #tpu.memory_space<vmem>>, vector<64x512xf32>
      tpu.vector_store %arg18[%swap3A_1980, %swap3A_1981], %broadcast_in_dim3A_1979 {strides = array<i32>} : memref<64x512xf32, #tpu.memory_space<vmem>>, vector<64x512xf32>,
      %broadcast_in_dim3A_1983 = arith.constant 0.000000e+00 : f32
      %broadcast_in_dim3A_1984 = vector.broadcast %broadcast_in_dim3A_1983 : f32 to vector<64x512xf32>
      %swap3A_1985 = arith.constant 0 : index
      %swap3A_1986 = arith.constant 0 : index
      %swap3A_1987 = vector.load %arg19[%swap3A_1985, %swap3A_1986] : memref<64x512xf32, #tpu.memory_space<vmem>>, vector<64x512xf32>
      tpu.vector_store %arg19[%swap3A_1985, %swap3A_1986], %broadcast_in_dim3A_1984 {strides = array<i32>} : memref<64x512xf32, #tpu.memory_space<vmem>>, vector<64x512xf32>,
      %broadcast_in_dim3A_1988 = arith.constant 0.000000e+00 : f32
      %broadcast_in_dim3A_1989 = vector.broadcast %broadcast_in_dim3A_1988 : f32 to vector<64x512xf32>
      %swap3A_1990 = arith.constant 0 : index
      %swap3A_1991 = arith.constant 0 : index
      %swap3A_1992 = vector.load %arg20[%swap3A_1990, %swap3A_1991] : memref<64x512xf32, #tpu.memory_space<vmem>>, vector<64x512xf32>
      tpu.vector_store %arg20[%swap3A_1990, %swap3A_1991], %broadcast_in_dim3A_1989 {strides = array<i32>} : memref<64x512xf32, #tpu.memory_space<vmem>>, vector<64x512xf32>,
    } else {
    }
    %get3A = arith.constant 0 : index
    %get3A_2 = arith.constant 0 : index
    %get3A_3 = arith.constant 0 : index
    %get3A_4 = vector.load %arg1[%get3A, %get3A_2, %get3A_3] : memref<10x64x512xbf16, #tpu.memory_space<vmem>>, vector<10x64x512xbf16>
    %reshape3A = vector.shape_cast %get3A_4 : vector<10x64x512xbf16> to vector<640x512xbf16>
    %get3A_5 = arith.constant 0 : index
    %get3A_6 = arith.constant 0 : index
    %get3A_7 = vector.load %arg5[%get3A_5, %get3A_6] : memref<512x2048xbf16, #tpu.memory_space<vmem>>, vector<512x2048xbf16>
    %dot_general3A = arith.constant dense<0.000000e+00> : vector<640x2048xf32>
    %dot_general3A_8 = tpu.matmul %reshape3A, %get3A_7, %dot_general3A {dimension_numbers = #tpu.dot_dimension_numbers<[1], [0], [0], [1], [0, 0, 1, 1], [], []>, transpose_lhs_hint = false} : vector<640x512xbf16>, vector<512x2048xbf16>, vector<640x2048xf32> -> vector<640x2048xf32>
    %get3A_9 = arith.constant 0 : index
    %get3A_10 = arith.constant 0 : index
    %get3A_11 = arith.constant 0 : index
    %get3A_12 = vector.load %arg2[%get3A_9, %get3A_10, %get3A_11] : memref<10x64x512xbf16, #tpu.memory_space<vmem>>, vector<10x64x512xbf16>
    %reshape3A_13 = vector.shape_cast %get3A_12 : vector<10x64x512xbf16> to vector<640x512xbf16>
    %get3A_14 = arith.constant 0 : index
    %get3A_15 = arith.constant 0 : index
    %get3A_16 = vector.load %arg6[%get3A_14, %get3A_15] : memref<512x2048xbf16, #tpu.memory_space<vmem>>, vector<512x2048xbf16>
    %dot_general3A_17 = arith.constant dense<0.000000e+00> : vector<640x2048xf32>
    %dot_general3A_18 = tpu.matmul %reshape3A_13, %get3A_16, %dot_general3A_17 {dimension_numbers = #tpu.dot_dimension_numbers<[1], [0], [0], [1], [0, 0, 1, 1], [], []>, transpose_lhs_hint = false} : vector<640x512xbf16>, vector<512x2048xbf16>, vector<640x2048xf32> -> vector<640x2048xf32>
    %add3A = arith.addf %dot_general3A_8, %dot_general3A_18 : vector<640x2048xf32>
    %get3A_19 = arith.constant 0 : index
    %get3A_20 = arith.constant 0 : index
    %get3A_21 = vector.load %arg11[%get3A_19, %get3A_20] : memref<1x2048xf32, #tpu.memory_space<vmem>>, vector<1x2048xf32>
    %add3A_22 = vector.broadcast %get3A_21 : vector<1x2048xf32> to vector<640x2048xf32>
    %add3A_23 = arith.addf %add3A, %add3A_22 : vector<640x2048xf32>
    %convert_element_type3A_24 = arith.truncf %add3A_23 : vector<640x2048xf32> to vector<640x2048xbf16>
    %swap3A = arith.constant 0 : index
    %swap3A_25 = arith.constant 0 : index
    %swap3A_26 = vector.load %arg15[%swap3A, %swap3A_25] : memref<640x2048xbf16, #tpu.memory_space<vmem>>, vector<640x2048xbf16>
    tpu.vector_store %arg15[%swap3A, %swap3A_25], %convert_element_type3A_24 {strides = array<i32>} : memref<640x2048xbf16, #tpu.memory_space<vmem>>, vector<640x2048xbf16>,
    %get3A_27 = arith.constant 0 : index
    %get3A_28 = arith.constant 0 : index
    %get3A_29 = arith.constant 0 : index
    %get3A_30 = vector.load %arg3[%get3A_27, %get3A_28, %get3A_29] : memref<10x64x512xbf16, #tpu.memory_space<vmem>>, vector<10x64x512xbf16>
    %reshape3A_31 = vector.shape_cast %get3A_30 : vector<10x64x512xbf16> to vector<640x512xbf16>
    %get3A_32 = arith.constant 0 : index
    %get3A_33 = arith.constant 0 : index
    %get3A_34 = vector.load %arg7[%get3A_32, %get3A_33] : memref<512x2048xbf16, #tpu.memory_space<vmem>>, vector<512x2048xbf16>
    %dot_general3A_35 = arith.constant dense<0.000000e+00> : vector<640x2048xf32>
    %dot_general3A_36 = tpu.matmul %reshape3A_31, %get3A_34, %dot_general3A_35 {dimension_numbers = #tpu.dot_dimension_numbers<[1], [0], [0], [1], [0, 0, 1, 1], [], []>, transpose_lhs_hint = false} : vector<640x512xbf16>, vector<512x2048xbf16>, vector<640x2048xf32> -> vector<640x2048xf32>
    %get3A_37 = arith.constant 0 : index
    %get3A_38 = arith.constant 0 : index
    %get3A_39 = arith.constant 0 : index
    %get3A_40 = vector.load %arg4[%get3A_37, %get3A_38, %get3A_39] : memref<10x64x512xbf16, #tpu.memory_space<vmem>>, vector<10x64x512xbf16>
    %reshape3A_41 = vector.shape_cast %get3A_40 : vector<10x64x512xbf16> to vector<640x512xbf16>
    %get3A_42 = arith.constant 0 : index
    %get3A_43 = arith.constant 0 : index
    %get3A_44 = vector.load %arg8[%get3A_42, %get3A_43] : memref<512x2048xbf16, #tpu.memory_space<vmem>>, vector<512x2048xbf16>
    %dot_general3A_45 = arith.constant dense<0.000000e+00> : vector<640x2048xf32>
    %dot_general3A_46 = tpu.matmul %reshape3A_41, %get3A_44, %dot_general3A_45 {dimension_numbers = #tpu.dot_dimension_numbers<[1], [0], [0], [1], [0, 0, 1, 1], [], []>, transpose_lhs_hint = false} : vector<640x512xbf16>, vector<512x2048xbf16>, vector<640x2048xf32> -> vector<640x2048xf32>
    %add3A_47 = arith.addf %dot_general3A_36, %dot_general3A_46 : vector<640x2048xf32>
    %get3A_48 = arith.constant 0 : index
    %get3A_49 = arith.constant 0 : index
    %get3A_50 = vector.load %arg12[%get3A_48, %get3A_49] : memref<1x2048xf32, #tpu.memory_space<vmem>>, vector<1x2048xf32>
    %add3A_51 = vector.broadcast %get3A_50 : vector<1x2048xf32> to vector<640x2048xf32>
    %add3A_52 = arith.addf %add3A_47, %add3A_51 : vector<640x2048xf32>
    %convert_element_type3A_53 = arith.truncf %add3A_52 : vector<640x2048xf32> to vector<640x2048xbf16>
    %swap3A_54 = arith.constant 0 : index
    %swap3A_55 = arith.constant 0 : index
    %swap3A_56 = vector.load %arg16[%swap3A_54, %swap3A_55] : memref<640x2048xbf16, #tpu.memory_space<vmem>>, vector<640x2048xbf16>
    tpu.vector_store %arg16[%swap3A_54, %swap3A_55], %convert_element_type3A_53 {strides = array<i32>} : memref<640x2048xbf16, #tpu.memory_space<vmem>>, vector<640x2048xbf16>,
    %get3A_57 = arith.constant 0 : index
    %get3A_58 = arith.constant 0 : index
    %get3A_59 = vector.load %arg17[%get3A_57, %get3A_58] : memref<64x512xf32, #tpu.memory_space<vmem>>, vector<64x512xf32>
    %convert_element_type3A_60 = arith.truncf %get3A_59 : vector<64x512xf32> to vector<64x512xbf16>
    %get3A_61 = arith.constant 0 : i32
    %get3A_62 = arith.constant 0 : i32
    %get3A_63 = tpu.memref_slice %arg15[%get3A_61, %get3A_62] : memref<640x2048xbf16, #tpu.memory_space<vmem>> -> memref<64x2048xbf16, #tpu.memory_space<vmem>>
    %get3A_64 = arith.constant 0 : index
    %get3A_65 = arith.constant 0 : index
    %get3A_66 = vector.load %get3A_63[%get3A_64, %get3A_65] : memref<64x2048xbf16, #tpu.memory_space<vmem>>, vector<64x512xbf16>
    %convert_element_type3A_67 = arith.extf %get3A_66 : vector<64x512xbf16> to vector<64x512xf32>
    %get3A_68 = arith.constant 0 : index
    %get3A_69 = arith.constant 0 : index
    %get3A_70 = vector.load %arg9[%get3A_68, %get3A_69] : memref<2048x512xbf16, #tpu.memory_space<vmem>>, vector<512x512xbf16>
    %dot_general3A_71 = arith.constant dense<0.000000e+00> : vector<64x512xf32>
    %dot_general3A_72 = tpu.matmul %convert_element_type3A_60, %get3A_70, %dot_general3A_71 {dimension_numbers = #tpu.dot_dimension_numbers<[1], [1], [0], [0], [0, 0, 1, 0], [], []>, transpose_lhs_hint = false} : vector<64x512xbf16>, vector<512x512xbf16>, vector<64x512xf32> -> vector<64x512xf32>
    %add3A_73 = arith.addf %convert_element_type3A_67, %dot_general3A_72 : vector<64x512xf32>
    %logistic3A = arith.negf %add3A_73 : vector<64x512xf32>
    %logistic3A_74 = math.exp %logistic3A : vector<64x512xf32>
    %logistic3A_75 = arith.constant 1.000000e+00 : f32
    %logistic3A_76 = vector.broadcast %logistic3A_75 : f32 to vector<64x512xf32>
    %logistic3A_77 = arith.addf %logistic3A_76, %logistic3A_74 : vector<64x512xf32>
    %logistic3A_78 = arith.divf %logistic3A_76, %logistic3A_77 : vector<64x512xf32>
    %get3A_79 = arith.constant 0 : i32
    %get3A_80 = arith.constant 0 : i32
    %get3A_81 = tpu.memref_slice %arg15[%get3A_79, %get3A_80] : memref<640x2048xbf16, #tpu.memory_space<vmem>> -> memref<64x2048xbf16, #tpu.memory_space<vmem>>
    %get3A_82 = arith.constant 0 : index
    %get3A_83 = arith.constant 512 : index
    %get3A_84 = vector.load %get3A_81[%get3A_82, %get3A_83] : memref<64x2048xbf16, #tpu.memory_space<vmem>>, vector<64x512xbf16>
    %convert_element_type3A_85 = arith.extf %get3A_84 : vector<64x512xbf16> to vector<64x512xf32>
    %get3A_86 = arith.constant 512 : index
    %get3A_87 = arith.constant 0 : index
    %get3A_88 = vector.load %arg9[%get3A_86, %get3A_87] : memref<2048x512xbf16, #tpu.memory_space<vmem>>, vector<512x512xbf16>
    %dot_general3A_89 = arith.constant dense<0.000000e+00> : vector<64x512xf32>
    %dot_general3A_90 = tpu.matmul %convert_element_type3A_60, %get3A_88, %dot_general3A_89 {dimension_numbers = #tpu.dot_dimension_numbers<[1], [1], [0], [0], [0, 0, 1, 0], [], []>, transpose_lhs_hint = false} : vector<64x512xbf16>, vector<512x512xbf16>, vector<64x512xf32> -> vector<64x512xf32>
    %add3A_91 = arith.addf %convert_element_type3A_85, %dot_general3A_90 : vector<64x512xf32>
    %logistic3A_92 = arith.negf %add3A_91 : vector<64x512xf32>
    %logistic3A_93 = math.exp %logistic3A_92 : vector<64x512xf32>
    %logistic3A_94 = arith.constant 1.000000e+00 : f32
    %logistic3A_95 = vector.broadcast %logistic3A_94 : f32 to vector<64x512xf32>
    %logistic3A_96 = arith.addf %logistic3A_95, %logistic3A_93 : vector<64x512xf32>
    %logistic3A_97 = arith.divf %logistic3A_95, %logistic3A_96 : vector<64x512xf32>
    %get3A_98 = arith.constant 0 : i32
    %get3A_99 = arith.constant 0 : i32
    %get3A_100 = tpu.memref_slice %arg15[%get3A_98, %get3A_99] : memref<640x2048xbf16, #tpu.memory_space<vmem>> -> memref<64x2048xbf16, #tpu.memory_space<vmem>>
    %get3A_101 = arith.constant 0 : index
    %get3A_102 = arith.constant 1024 : index
    %get3A_103 = vector.load %get3A_100[%get3A_101, %get3A_102] : memref<64x2048xbf16, #tpu.memory_space<vmem>>, vector<64x512xbf16>
    %convert_element_type3A_104 = arith.extf %get3A_103 : vector<64x512xbf16> to vector<64x512xf32>
    %get3A_105 = arith.constant 1024 : index
    %get3A_106 = arith.constant 0 : index
    %get3A_107 = vector.load %arg9[%get3A_105, %get3A_106] : memref<2048x512xbf16, #tpu.memory_space<vmem>>, vector<512x512xbf16>
    %dot_general3A_108 = arith.constant dense<0.000000e+00> : vector<64x512xf32>
    %dot_general3A_109 = tpu.matmul %convert_element_type3A_60, %get3A_107, %dot_general3A_108 {dimension_numbers = #tpu.dot_dimension_numbers<[1], [1], [0], [0], [0, 0, 1, 0], [], []>, transpose_lhs_hint = false} : vector<64x512xbf16>, vector<512x512xbf16>, vector<64x512xf32> -> vector<64x512xf32>
    %add3A_110 = arith.addf %convert_element_type3A_104, %dot_general3A_109 : vector<64x512xf32>
    %tanh3A = math.tanh %add3A_110 : vector<64x512xf32>
    %get3A_111 = arith.constant 0 : i32
    %get3A_112 = arith.constant 0 : i32
    %get3A_113 = tpu.memref_slice %arg15[%get3A_111, %get3A_112] : memref<640x2048xbf16, #tpu.memory_space<vmem>> -> memref<64x2048xbf16, #tpu.memory_space<vmem>>
    %get3A_114 = arith.constant 0 : index
    %get3A_115 = arith.constant 1536 : index
    %get3A_116 = vector.load %get3A_113[%get3A_114, %get3A_115] : memref<64x2048xbf16, #tpu.memory_space<vmem>>, vector<64x512xbf16>
    %convert_element_type3A_117 = arith.extf %get3A_116 : vector<64x512xbf16> to vector<64x512xf32>
    %get3A_118 = arith.constant 1536 : index
    %get3A_119 = arith.constant 0 : index
    %get3A_120 = vector.load %arg9[%get3A_118, %get3A_119] : memref<2048x512xbf16, #tpu.memory_space<vmem>>, vector<512x512xbf16>
    %dot_general3A_121 = arith.constant dense<0.000000e+00> : vector<64x512xf32>
    %dot_general3A_122 = tpu.matmul %convert_element_type3A_60, %get3A_120, %dot_general3A_121 {dimension_numbers = #tpu.dot_dimension_numbers<[1], [1], [0], [0], [0, 0, 1, 0], [], []>, transpose_lhs_hint = false} : vector<64x512xbf16>, vector<512x512xbf16>, vector<64x512xf32> -> vector<64x512xf32>
    %add3A_123 = arith.addf %convert_element_type3A_117, %dot_general3A_122 : vector<64x512xf32>
    %logistic3A_124 = arith.negf %add3A_123 : vector<64x512xf32>
    %logistic3A_125 = math.exp %logistic3A_124 : vector<64x512xf32>
    %logistic3A_126 = arith.constant 1.000000e+00 : f32
    %logistic3A_127 = vector.broadcast %logistic3A_126 : f32 to vector<64x512xf32>
    %logistic3A_128 = arith.addf %logistic3A_127, %logistic3A_125 : vector<64x512xf32>
    %logistic3A_129 = arith.divf %logistic3A_127, %logistic3A_128 : vector<64x512xf32>
    %get3A_130 = arith.constant 0 : index
    %get3A_131 = arith.constant 0 : index
    %get3A_132 = vector.load %arg18[%get3A_130, %get3A_131] : memref<64x512xf32, #tpu.memory_space<vmem>>, vector<64x512xf32>
    %mul3A = arith.mulf %logistic3A_97, %get3A_132 : vector<64x512xf32>
    %mul3A_133 = arith.mulf %logistic3A_78, %tanh3A : vector<64x512xf32>
    %add3A_134 = arith.addf %mul3A, %mul3A_133 : vector<64x512xf32>
    %tanh3A_135 = math.tanh %add3A_134 : vector<64x512xf32>
    %mul3A_136 = arith.mulf %logistic3A_129, %tanh3A_135 : vector<64x512xf32>
    %swap3A_137 = arith.constant 0 : index
    %swap3A_138 = arith.constant 0 : index
    %swap3A_139 = vector.load %arg18[%swap3A_137, %swap3A_138] : memref<64x512xf32, #tpu.memory_space<vmem>>, vector<64x512xf32>
    tpu.vector_store %arg18[%swap3A_137, %swap3A_138], %add3A_134 {strides = array<i32>} : memref<64x512xf32, #tpu.memory_space<vmem>>, vector<64x512xf32>,
    %swap3A_140 = arith.constant 0 : index
    %swap3A_141 = arith.constant 0 : index
    %swap3A_142 = vector.load %arg17[%swap3A_140, %swap3A_141] : memref<64x512xf32, #tpu.memory_space<vmem>>, vector<64x512xf32>
    tpu.vector_store %arg17[%swap3A_140, %swap3A_141], %mul3A_136 {strides = array<i32>} : memref<64x512xf32, #tpu.memory_space<vmem>>, vector<64x512xf32>,
    %convert_element_type3A_143 = arith.truncf %mul3A_136 : vector<64x512xf32> to vector<64x512xbf16>
    %swap3A_144 = arith.constant 0 : index
    %swap3A_145 = arith.constant 0 : index
    %swap3A_146 = arith.constant 0 : index
    %swap3A_147 = vector.load %arg13[%swap3A_144, %swap3A_145, %swap3A_146] : memref<10x64x512xbf16, #tpu.memory_space<vmem>>, vector<1x64x512xbf16>
    %swap3A_148 = vector.shape_cast %swap3A_147 : vector<1x64x512xbf16> to vector<64x512xbf16>
    %swap3A_149 = vector.shape_cast %convert_element_type3A_143 : vector<64x512xbf16> to vector<1x64x512xbf16>
    tpu.vector_store %arg13[%swap3A_144, %swap3A_145, %swap3A_146], %swap3A_149 {strides = array<i32>} : memref<10x64x512xbf16, #tpu.memory_space<vmem>>, vector<1x64x512xbf16>,
    %get3A_150 = arith.constant 0 : index
    %get3A_151 = arith.constant 0 : index
    %get3A_152 = vector.load %arg19[%get3A_150, %get3A_151] : memref<64x512xf32, #tpu.memory_space<vmem>>, vector<64x512xf32>
    %convert_element_type3A_153 = arith.truncf %get3A_152 : vector<64x512xf32> to vector<64x512xbf16>
    %get3A_154 = arith.constant 576 : i32
    %get3A_155 = arith.constant 0 : i32
    %get3A_156 = tpu.memref_slice %arg16[%get3A_154, %get3A_155] : memref<640x2048xbf16, #tpu.memory_space<vmem>> -> memref<64x2048xbf16, #tpu.memory_space<vmem>>
    %get3A_157 = arith.constant 0 : index
    %get3A_158 = arith.constant 0 : index
    %get3A_159 = vector.load %get3A_156[%get3A_157, %get3A_158] : memref<64x2048xbf16, #tpu.memory_space<vmem>>, vector<64x512xbf16>
    %convert_element_type3A_160 = arith.extf %get3A_159 : vector<64x512xbf16> to vector<64x512xf32>
    %get3A_161 = arith.constant 0 : index
    %get3A_162 = arith.constant 0 : index
    %get3A_163 = vector.load %arg10[%get3A_161, %get3A_162] : memref<2048x512xbf16, #tpu.memory_space<vmem>>, vector<512x512xbf16>
    %dot_general3A_164 = arith.constant dense<0.000000e+00> : vector<64x512xf32>
    %dot_general3A_165 = tpu.matmul %convert_element_type3A_153, %get3A_163, %dot_general3A_164 {dimension_numbers = #tpu.dot_dimension_numbers<[1], [1], [0], [0], [0, 0, 1, 0], [], []>, transpose_lhs_hint = false} : vector<64x512xbf16>, vector<512x512xbf16>, vector<64x512xf32> -> vector<64x512xf32>
    %add3A_166 = arith.addf %convert_element_type3A_160, %dot_general3A_165 : vector<64x512xf32>
    %logistic3A_167 = arith.negf %add3A_166 : vector<64x512xf32>
    %logistic3A_168 = math.exp %logistic3A_167 : vector<64x512xf32>
    %logistic3A_169 = arith.constant 1.000000e+00 : f32
    %logistic3A_170 = vector.broadcast %logistic3A_169 : f32 to vector<64x512xf32>
    %logistic3A_171 = arith.addf %logistic3A_170, %logistic3A_168 : vector<64x512xf32>
    %logistic3A_172 = arith.divf %logistic3A_170, %logistic3A_171 : vector<64x512xf32>
    %get3A_173 = arith.constant 576 : i32
    %get3A_174 = arith.constant 0 : i32
    %get3A_175 = tpu.memref_slice %arg16[%get3A_173, %get3A_174] : memref<640x2048xbf16, #tpu.memory_space<vmem>> -> memref<64x2048xbf16, #tpu.memory_space<vmem>>
    %get3A_176 = arith.constant 0 : index
    %get3A_177 = arith.constant 512 : index
    %get3A_178 = vector.load %get3A_175[%get3A_176, %get3A_177] : memref<64x2048xbf16, #tpu.memory_space<vmem>>, vector<64x512xbf16>
    %convert_element_type3A_179 = arith.extf %get3A_178 : vector<64x512xbf16> to vector<64x512xf32>
    %get3A_180 = arith.constant 512 : index
    %get3A_181 = arith.constant 0 : index
    %get3A_182 = vector.load %arg10[%get3A_180, %get3A_181] : memref<2048x512xbf16, #tpu.memory_space<vmem>>, vector<512x512xbf16>
    %dot_general3A_183 = arith.constant dense<0.000000e+00> : vector<64x512xf32>
    %dot_general3A_184 = tpu.matmul %convert_element_type3A_153, %get3A_182, %dot_general3A_183 {dimension_numbers = #tpu.dot_dimension_numbers<[1], [1], [0], [0], [0, 0, 1, 0], [], []>, transpose_lhs_hint = false} : vector<64x512xbf16>, vector<512x512xbf16>, vector<64x512xf32> -> vector<64x512xf32>
    %add3A_185 = arith.addf %convert_element_type3A_179, %dot_general3A_184 : vector<64x512xf32>
    %logistic3A_186 = arith.negf %add3A_185 : vector<64x512xf32>
    %logistic3A_187 = math.exp %logistic3A_186 : vector<64x512xf32>
    %logistic3A_188 = arith.constant 1.000000e+00 : f32
    %logistic3A_189 = vector.broadcast %logistic3A_188 : f32 to vector<64x512xf32>
    %logistic3A_190 = arith.addf %logistic3A_189, %logistic3A_187 : vector<64x512xf32>
    %logistic3A_191 = arith.divf %logistic3A_189, %logistic3A_190 : vector<64x512xf32>
    %get3A_192 = arith.constant 576 : i32
    %get3A_193 = arith.constant 0 : i32
    %get3A_194 = tpu.memref_slice %arg16[%get3A_192, %get3A_193] : memref<640x2048xbf16, #tpu.memory_space<vmem>> -> memref<64x2048xbf16, #tpu.memory_space<vmem>>
    %get3A_195 = arith.constant 0 : index
    %get3A_196 = arith.constant 1024 : index
    %get3A_197 = vector.load %get3A_194[%get3A_195, %get3A_196] : memref<64x2048xbf16, #tpu.memory_space<vmem>>, vector<64x512xbf16>
    %convert_element_type3A_198 = arith.extf %get3A_197 : vector<64x512xbf16> to vector<64x512xf32>
    %get3A_199 = arith.constant 1024 : index
    %get3A_200 = arith.constant 0 : index
    %get3A_201 = vector.load %arg10[%get3A_199, %get3A_200] : memref<2048x512xbf16, #tpu.memory_space<vmem>>, vector<512x512xbf16>
    %dot_general3A_202 = arith.constant dense<0.000000e+00> : vector<64x512xf32>
    %dot_general3A_203 = tpu.matmul %convert_element_type3A_153, %get3A_201, %dot_general3A_202 {dimension_numbers = #tpu.dot_dimension_numbers<[1], [1], [0], [0], [0, 0, 1, 0], [], []>, transpose_lhs_hint = false} : vector<64x512xbf16>, vector<512x512xbf16>, vector<64x512xf32> -> vector<64x512xf32>
    %add3A_204 = arith.addf %convert_element_type3A_198, %dot_general3A_203 : vector<64x512xf32>
    %tanh3A_205 = math.tanh %add3A_204 : vector<64x512xf32>
    %get3A_206 = arith.constant 576 : i32
    %get3A_207 = arith.constant 0 : i32
    %get3A_208 = tpu.memref_slice %arg16[%get3A_206, %get3A_207] : memref<640x2048xbf16, #tpu.memory_space<vmem>> -> memref<64x2048xbf16, #tpu.memory_space<vmem>>
    %get3A_209 = arith.constant 0 : index
    %get3A_210 = arith.constant 1536 : index
    %get3A_211 = vector.load %get3A_208[%get3A_209, %get3A_210] : memref<64x2048xbf16, #tpu.memory_space<vmem>>, vector<64x512xbf16>
    %convert_element_type3A_212 = arith.extf %get3A_211 : vector<64x512xbf16> to vector<64x512xf32>
    %get3A_213 = arith.constant 1536 : index
    %get3A_214 = arith.constant 0 : index
    %get3A_215 = vector.load %arg10[%get3A_213, %get3A_214] : memref<2048x512xbf16, #tpu.memory_space<vmem>>, vector<512x512xbf16>
    %dot_general3A_216 = arith.constant dense<0.000000e+00> : vector<64x512xf32>
    %dot_general3A_217 = tpu.matmul %convert_element_type3A_153, %get3A_215, %dot_general3A_216 {dimension_numbers = #tpu.dot_dimension_numbers<[1], [1], [0], [0], [0, 0, 1, 0], [], []>, transpose_lhs_hint = false} : vector<64x512xbf16>, vector<512x512xbf16>, vector<64x512xf32> -> vector<64x512xf32>
    %add3A_218 = arith.addf %convert_element_type3A_212, %dot_general3A_217 : vector<64x512xf32>
    %logistic3A_219 = arith.negf %add3A_218 : vector<64x512xf32>
    %logistic3A_220 = math.exp %logistic3A_219 : vector<64x512xf32>
    %logistic3A_221 = arith.constant 1.000000e+00 : f32
    %logistic3A_222 = vector.broadcast %logistic3A_221 : f32 to vector<64x512xf32>
    %logistic3A_223 = arith.addf %logistic3A_222, %logistic3A_220 : vector<64x512xf32>
    %logistic3A_224 = arith.divf %logistic3A_222, %logistic3A_223 : vector<64x512xf32>
    %get3A_225 = arith.constant 0 : index
    %get3A_226 = arith.constant 0 : index
    %get3A_227 = vector.load %arg20[%get3A_225, %get3A_226] : memref<64x512xf32, #tpu.memory_space<vmem>>, vector<64x512xf32>
    %mul3A_228 = arith.mulf %logistic3A_191, %get3A_227 : vector<64x512xf32>
    %mul3A_229 = arith.mulf %logistic3A_172, %tanh3A_205 : vector<64x512xf32>
    %add3A_230 = arith.addf %mul3A_228, %mul3A_229 : vector<64x512xf32>
    %tanh3A_231 = math.tanh %add3A_230 : vector<64x512xf32>
    %mul3A_232 = arith.mulf %logistic3A_224, %tanh3A_231 : vector<64x512xf32>
    %swap3A_233 = arith.constant 0 : index
    %swap3A_234 = arith.constant 0 : index
    %swap3A_235 = vector.load %arg20[%swap3A_233, %swap3A_234] : memref<64x512xf32, #tpu.memory_space<vmem>>, vector<64x512xf32>
    tpu.vector_store %arg20[%swap3A_233, %swap3A_234], %add3A_230 {strides = array<i32>} : memref<64x512xf32, #tpu.memory_space<vmem>>, vector<64x512xf32>,
    %swap3A_236 = arith.constant 0 : index
    %swap3A_237 = arith.constant 0 : index
    %swap3A_238 = vector.load %arg19[%swap3A_236, %swap3A_237] : memref<64x512xf32, #tpu.memory_space<vmem>>, vector<64x512xf32>
    tpu.vector_store %arg19[%swap3A_236, %swap3A_237], %mul3A_232 {strides = array<i32>} : memref<64x512xf32, #tpu.memory_space<vmem>>, vector<64x512xf32>,
    %convert_element_type3A_239 = arith.truncf %mul3A_232 : vector<64x512xf32> to vector<64x512xbf16>
    %swap3A_240 = arith.constant 9 : index
    %swap3A_241 = arith.constant 0 : index
    %swap3A_242 = arith.constant 0 : index
    %swap3A_243 = vector.load %arg14[%swap3A_240, %swap3A_241, %swap3A_242] : memref<10x64x512xbf16, #tpu.memory_space<vmem>>, vector<1x64x512xbf16>
    %swap3A_244 = vector.shape_cast %swap3A_243 : vector<1x64x512xbf16> to vector<64x512xbf16>
    %swap3A_245 = vector.shape_cast %convert_element_type3A_239 : vector<64x512xbf16> to vector<1x64x512xbf16>
    tpu.vector_store %arg14[%swap3A_240, %swap3A_241, %swap3A_242], %swap3A_245 {strides = array<i32>} : memref<10x64x512xbf16, #tpu.memory_space<vmem>>, vector<1x64x512xbf16>,
    %get3A_246 = arith.constant 0 : index
    %get3A_247 = arith.constant 0 : index
    %get3A_248 = vector.load %arg17[%get3A_246, %get3A_247] : memref<64x512xf32, #tpu.memory_space<vmem>>, vector<64x512xf32>
    %convert_element_type3A_249 = arith.truncf %get3A_248 : vector<64x512xf32> to vector<64x512xbf16>
    %get3A_250 = arith.constant 64 : i32
    %get3A_251 = arith.constant 0 : i32
    %get3A_252 = tpu.memref_slice %arg15[%get3A_250, %get3A_251] : memref<640x2048xbf16, #tpu.memory_space<vmem>> -> memref<64x2048xbf16, #tpu.memory_space<vmem>>
    %get3A_253 = arith.constant 0 : index
    %get3A_254 = arith.constant 0 : index
    %get3A_255 = vector.load %get3A_252[%get3A_253, %get3A_254] : memref<64x2048xbf16, #tpu.memory_space<vmem>>, vector<64x512xbf16>
    %convert_element_type3A_256 = arith.extf %get3A_255 : vector<64x512xbf16> to vector<64x512xf32>
    %get3A_257 = arith.constant 0 : index
    %get3A_258 = arith.constant 0 : index
    %get3A_259 = vector.load %arg9[%get3A_257, %get3A_258] : memref<2048x512xbf16, #tpu.memory_space<vmem>>, vector<512x512xbf16>
    %dot_general3A_260 = arith.constant dense<0.000000e+00> : vector<64x512xf32>
    %dot_general3A_261 = tpu.matmul %convert_element_type3A_249, %get3A_259, %dot_general3A_260 {dimension_numbers = #tpu.dot_dimension_numbers<[1], [1], [0], [0], [0, 0, 1, 0], [], []>, transpose_lhs_hint = false} : vector<64x512xbf16>, vector<512x512xbf16>, vector<64x512xf32> -> vector<64x512xf32>
    %add3A_262 = arith.addf %convert_element_type3A_256, %dot_general3A_261 : vector<64x512xf32>
    %logistic3A_263 = arith.negf %add3A_262 : vector<64x512xf32>
    %logistic3A_264 = math.exp %logistic3A_263 : vector<64x512xf32>
    %logistic3A_265 = arith.constant 1.000000e+00 : f32
    %logistic3A_266 = vector.broadcast %logistic3A_265 : f32 to vector<64x512xf32>
    %logistic3A_267 = arith.addf %logistic3A_266, %logistic3A_264 : vector<64x512xf32>
    %logistic3A_268 = arith.divf %logistic3A_266, %logistic3A_267 : vector<64x512xf32>
    %get3A_269 = arith.constant 64 : i32
    %get3A_270 = arith.constant 0 : i32
    %get3A_271 = tpu.memref_slice %arg15[%get3A_269, %get3A_270] : memref<640x2048xbf16, #tpu.memory_space<vmem>> -> memref<64x2048xbf16, #tpu.memory_space<vmem>>
    %get3A_272 = arith.constant 0 : index
    %get3A_273 = arith.constant 512 : index
    %get3A_274 = vector.load %get3A_271[%get3A_272, %get3A_273] : memref<64x2048xbf16, #tpu.memory_space<vmem>>, vector<64x512xbf16>
    %convert_element_type3A_275 = arith.extf %get3A_274 : vector<64x512xbf16> to vector<64x512xf32>
    %get3A_276 = arith.constant 512 : index
    %get3A_277 = arith.constant 0 : index
    %get3A_278 = vector.load %arg9[%get3A_276, %get3A_277] : memref<2048x512xbf16, #tpu.memory_space<vmem>>, vector<512x512xbf16>
    %dot_general3A_279 = arith.constant dense<0.000000e+00> : vector<64x512xf32>
    %dot_general3A_280 = tpu.matmul %convert_element_type3A_249, %get3A_278, %dot_general3A_279 {dimension_numbers = #tpu.dot_dimension_numbers<[1], [1], [0], [0], [0, 0, 1, 0], [], []>, transpose_lhs_hint = false} : vector<64x512xbf16>, vector<512x512xbf16>, vector<64x512xf32> -> vector<64x512xf32>
    %add3A_281 = arith.addf %convert_element_type3A_275, %dot_general3A_280 : vector<64x512xf32>
    %logistic3A_282 = arith.negf %add3A_281 : vector<64x512xf32>
    %logistic3A_283 = math.exp %logistic3A_282 : vector<64x512xf32>
    %logistic3A_284 = arith.constant 1.000000e+00 : f32
    %logistic3A_285 = vector.broadcast %logistic3A_284 : f32 to vector<64x512xf32>
    %logistic3A_286 = arith.addf %logistic3A_285, %logistic3A_283 : vector<64x512xf32>
    %logistic3A_287 = arith.divf %logistic3A_285, %logistic3A_286 : vector<64x512xf32>
    %get3A_288 = arith.constant 64 : i32
    %get3A_289 = arith.constant 0 : i32
    %get3A_290 = tpu.memref_slice %arg15[%get3A_288, %get3A_289] : memref<640x2048xbf16, #tpu.memory_space<vmem>> -> memref<64x2048xbf16, #tpu.memory_space<vmem>>
    %get3A_291 = arith.constant 0 : index
    %get3A_292 = arith.constant 1024 : index
    %get3A_293 = vector.load %get3A_290[%get3A_291, %get3A_292] : memref<64x2048xbf16, #tpu.memory_space<vmem>>, vector<64x512xbf16>
    %convert_element_type3A_294 = arith.extf %get3A_293 : vector<64x512xbf16> to vector<64x512xf32>
    %get3A_295 = arith.constant 1024 : index
    %get3A_296 = arith.constant 0 : index
    %get3A_297 = vector.load %arg9[%get3A_295, %get3A_296] : memref<2048x512xbf16, #tpu.memory_space<vmem>>, vector<512x512xbf16>
    %dot_general3A_298 = arith.constant dense<0.000000e+00> : vector<64x512xf32>
    %dot_general3A_299 = tpu.matmul %convert_element_type3A_249, %get3A_297, %dot_general3A_298 {dimension_numbers = #tpu.dot_dimension_numbers<[1], [1], [0], [0], [0, 0, 1, 0], [], []>, transpose_lhs_hint = false} : vector<64x512xbf16>, vector<512x512xbf16>, vector<64x512xf32> -> vector<64x512xf32>
    %add3A_300 = arith.addf %convert_element_type3A_294, %dot_general3A_299 : vector<64x512xf32>
    %tanh3A_301 = math.tanh %add3A_300 : vector<64x512xf32>
    %get3A_302 = arith.constant 64 : i32
    %get3A_303 = arith.constant 0 : i32
    %get3A_304 = tpu.memref_slice %arg15[%get3A_302, %get3A_303] : memref<640x2048xbf16, #tpu.memory_space<vmem>> -> memref<64x2048xbf16, #tpu.memory_space<vmem>>
    %get3A_305 = arith.constant 0 : index
    %get3A_306 = arith.constant 1536 : index
    %get3A_307 = vector.load %get3A_304[%get3A_305, %get3A_306] : memref<64x2048xbf16, #tpu.memory_space<vmem>>, vector<64x512xbf16>
    %convert_element_type3A_308 = arith.extf %get3A_307 : vector<64x512xbf16> to vector<64x512xf32>
    %get3A_309 = arith.constant 1536 : index
    %get3A_310 = arith.constant 0 : index
    %get3A_311 = vector.load %arg9[%get3A_309, %get3A_310] : memref<2048x512xbf16, #tpu.memory_space<vmem>>, vector<512x512xbf16>
    %dot_general3A_312 = arith.constant dense<0.000000e+00> : vector<64x512xf32>
    %dot_general3A_313 = tpu.matmul %convert_element_type3A_249, %get3A_311, %dot_general3A_312 {dimension_numbers = #tpu.dot_dimension_numbers<[1], [1], [0], [0], [0, 0, 1, 0], [], []>, transpose_lhs_hint = false} : vector<64x512xbf16>, vector<512x512xbf16>, vector<64x512xf32> -> vector<64x512xf32>
    %add3A_314 = arith.addf %convert_element_type3A_308, %dot_general3A_313 : vector<64x512xf32>
    %logistic3A_315 = arith.negf %add3A_314 : vector<64x512xf32>
    %logistic3A_316 = math.exp %logistic3A_315 : vector<64x512xf32>
    %logistic3A_317 = arith.constant 1.000000e+00 : f32
    %logistic3A_318 = vector.broadcast %logistic3A_317 : f32 to vector<64x512xf32>
    %logistic3A_319 = arith.addf %logistic3A_318, %logistic3A_316 : vector<64x512xf32>
    %logistic3A_320 = arith.divf %logistic3A_318, %logistic3A_319 : vector<64x512xf32>
    %get3A_321 = arith.constant 0 : index
    %get3A_322 = arith.constant 0 : index
    %get3A_323 = vector.load %arg18[%get3A_321, %get3A_322] : memref<64x512xf32, #tpu.memory_space<vmem>>, vector<64x512xf32>
    %mul3A_324 = arith.mulf %logistic3A_287, %get3A_323 : vector<64x512xf32>
    %mul3A_325 = arith.mulf %logistic3A_268, %tanh3A_301 : vector<64x512xf32>
    %add3A_326 = arith.addf %mul3A_324, %mul3A_325 : vector<64x512xf32>
    %tanh3A_327 = math.tanh %add3A_326 : vector<64x512xf32>
    %mul3A_328 = arith.mulf %logistic3A_320, %tanh3A_327 : vector<64x512xf32>
    %swap3A_329 = arith.constant 0 : index
    %swap3A_330 = arith.constant 0 : index
    %swap3A_331 = vector.load %arg18[%swap3A_329, %swap3A_330] : memref<64x512xf32, #tpu.memory_space<vmem>>, vector<64x512xf32>
    tpu.vector_store %arg18[%swap3A_329, %swap3A_330], %add3A_326 {strides = array<i32>} : memref<64x512xf32, #tpu.memory_space<vmem>>, vector<64x512xf32>,
    %swap3A_332 = arith.constant 0 : index
    %swap3A_333 = arith.constant 0 : index
    %swap3A_334 = vector.load %arg17[%swap3A_332, %swap3A_333] : memref<64x512xf32, #tpu.memory_space<vmem>>, vector<64x512xf32>
    tpu.vector_store %arg17[%swap3A_332, %swap3A_333], %mul3A_328 {strides = array<i32>} : memref<64x512xf32, #tpu.memory_space<vmem>>, vector<64x512xf32>,
    %convert_element_type3A_335 = arith.truncf %mul3A_328 : vector<64x512xf32> to vector<64x512xbf16>
    %swap3A_336 = arith.constant 1 : index
    %swap3A_337 = arith.constant 0 : index
    %swap3A_338 = arith.constant 0 : index
    %swap3A_339 = vector.load %arg13[%swap3A_336, %swap3A_337, %swap3A_338] : memref<10x64x512xbf16, #tpu.memory_space<vmem>>, vector<1x64x512xbf16>
    %swap3A_340 = vector.shape_cast %swap3A_339 : vector<1x64x512xbf16> to vector<64x512xbf16>
    %swap3A_341 = vector.shape_cast %convert_element_type3A_335 : vector<64x512xbf16> to vector<1x64x512xbf16>
    tpu.vector_store %arg13[%swap3A_336, %swap3A_337, %swap3A_338], %swap3A_341 {strides = array<i32>} : memref<10x64x512xbf16, #tpu.memory_space<vmem>>, vector<1x64x512xbf16>,
    %get3A_342 = arith.constant 0 : index
    %get3A_343 = arith.constant 0 : index
    %get3A_344 = vector.load %arg19[%get3A_342, %get3A_343] : memref<64x512xf32, #tpu.memory_space<vmem>>, vector<64x512xf32>
    %convert_element_type3A_345 = arith.truncf %get3A_344 : vector<64x512xf32> to vector<64x512xbf16>
    %get3A_346 = arith.constant 512 : i32
    %get3A_347 = arith.constant 0 : i32
    %get3A_348 = tpu.memref_slice %arg16[%get3A_346, %get3A_347] : memref<640x2048xbf16, #tpu.memory_space<vmem>> -> memref<64x2048xbf16, #tpu.memory_space<vmem>>
    %get3A_349 = arith.constant 0 : index
    %get3A_350 = arith.constant 0 : index
    %get3A_351 = vector.load %get3A_348[%get3A_349, %get3A_350] : memref<64x2048xbf16, #tpu.memory_space<vmem>>, vector<64x512xbf16>
    %convert_element_type3A_352 = arith.extf %get3A_351 : vector<64x512xbf16> to vector<64x512xf32>
    %get3A_353 = arith.constant 0 : index
    %get3A_354 = arith.constant 0 : index
    %get3A_355 = vector.load %arg10[%get3A_353, %get3A_354] : memref<2048x512xbf16, #tpu.memory_space<vmem>>, vector<512x512xbf16>
    %dot_general3A_356 = arith.constant dense<0.000000e+00> : vector<64x512xf32>
    %dot_general3A_357 = tpu.matmul %convert_element_type3A_345, %get3A_355, %dot_general3A_356 {dimension_numbers = #tpu.dot_dimension_numbers<[1], [1], [0], [0], [0, 0, 1, 0], [], []>, transpose_lhs_hint = false} : vector<64x512xbf16>, vector<512x512xbf16>, vector<64x512xf32> -> vector<64x512xf32>
    %add3A_358 = arith.addf %convert_element_type3A_352, %dot_general3A_357 : vector<64x512xf32>
    %logistic3A_359 = arith.negf %add3A_358 : vector<64x512xf32>
    %logistic3A_360 = math.exp %logistic3A_359 : vector<64x512xf32>
    %logistic3A_361 = arith.constant 1.000000e+00 : f32
    %logistic3A_362 = vector.broadcast %logistic3A_361 : f32 to vector<64x512xf32>
    %logistic3A_363 = arith.addf %logistic3A_362, %logistic3A_360 : vector<64x512xf32>
    %logistic3A_364 = arith.divf %logistic3A_362, %logistic3A_363 : vector<64x512xf32>
    %get3A_365 = arith.constant 512 : i32
    %get3A_366 = arith.constant 0 : i32
    %get3A_367 = tpu.memref_slice %arg16[%get3A_365, %get3A_366] : memref<640x2048xbf16, #tpu.memory_space<vmem>> -> memref<64x2048xbf16, #tpu.memory_space<vmem>>
    %get3A_368 = arith.constant 0 : index
    %get3A_369 = arith.constant 512 : index
    %get3A_370 = vector.load %get3A_367[%get3A_368, %get3A_369] : memref<64x2048xbf16, #tpu.memory_space<vmem>>, vector<64x512xbf16>
    %convert_element_type3A_371 = arith.extf %get3A_370 : vector<64x512xbf16> to vector<64x512xf32>
    %get3A_372 = arith.constant 512 : index
    %get3A_373 = arith.constant 0 : index
    %get3A_374 = vector.load %arg10[%get3A_372, %get3A_373] : memref<2048x512xbf16, #tpu.memory_space<vmem>>, vector<512x512xbf16>
    %dot_general3A_375 = arith.constant dense<0.000000e+00> : vector<64x512xf32>
    %dot_general3A_376 = tpu.matmul %convert_element_type3A_345, %get3A_374, %dot_general3A_375 {dimension_numbers = #tpu.dot_dimension_numbers<[1], [1], [0], [0], [0, 0, 1, 0], [], []>, transpose_lhs_hint = false} : vector<64x512xbf16>, vector<512x512xbf16>, vector<64x512xf32> -> vector<64x512xf32>
    %add3A_377 = arith.addf %convert_element_type3A_371, %dot_general3A_376 : vector<64x512xf32>
    %logistic3A_378 = arith.negf %add3A_377 : vector<64x512xf32>
    %logistic3A_379 = math.exp %logistic3A_378 : vector<64x512xf32>
    %logistic3A_380 = arith.constant 1.000000e+00 : f32
    %logistic3A_381 = vector.broadcast %logistic3A_380 : f32 to vector<64x512xf32>
    %logistic3A_382 = arith.addf %logistic3A_381, %logistic3A_379 : vector<64x512xf32>
    %logistic3A_383 = arith.divf %logistic3A_381, %logistic3A_382 : vector<64x512xf32>
    %get3A_384 = arith.constant 512 : i32
    %get3A_385 = arith.constant 0 : i32
    %get3A_386 = tpu.memref_slice %arg16[%get3A_384, %get3A_385] : memref<640x2048xbf16, #tpu.memory_space<vmem>> -> memref<64x2048xbf16, #tpu.memory_space<vmem>>
    %get3A_387 = arith.constant 0 : index
    %get3A_388 = arith.constant 1024 : index
    %get3A_389 = vector.load %get3A_386[%get3A_387, %get3A_388] : memref<64x2048xbf16, #tpu.memory_space<vmem>>, vector<64x512xbf16>
    %convert_element_type3A_390 = arith.extf %get3A_389 : vector<64x512xbf16> to vector<64x512xf32>
    %get3A_391 = arith.constant 1024 : index
    %get3A_392 = arith.constant 0 : index
    %get3A_393 = vector.load %arg10[%get3A_391, %get3A_392] : memref<2048x512xbf16, #tpu.memory_space<vmem>>, vector<512x512xbf16>
    %dot_general3A_394 = arith.constant dense<0.000000e+00> : vector<64x512xf32>
    %dot_general3A_395 = tpu.matmul %convert_element_type3A_345, %get3A_393, %dot_general3A_394 {dimension_numbers = #tpu.dot_dimension_numbers<[1], [1], [0], [0], [0, 0, 1, 0], [], []>, transpose_lhs_hint = false} : vector<64x512xbf16>, vector<512x512xbf16>, vector<64x512xf32> -> vector<64x512xf32>
    %add3A_396 = arith.addf %convert_element_type3A_390, %dot_general3A_395 : vector<64x512xf32>
    %tanh3A_397 = math.tanh %add3A_396 : vector<64x512xf32>
    %get3A_398 = arith.constant 512 : i32
    %get3A_399 = arith.constant 0 : i32
    %get3A_400 = tpu.memref_slice %arg16[%get3A_398, %get3A_399] : memref<640x2048xbf16, #tpu.memory_space<vmem>> -> memref<64x2048xbf16, #tpu.memory_space<vmem>>
    %get3A_401 = arith.constant 0 : index
    %get3A_402 = arith.constant 1536 : index
    %get3A_403 = vector.load %get3A_400[%get3A_401, %get3A_402] : memref<64x2048xbf16, #tpu.memory_space<vmem>>, vector<64x512xbf16>
    %convert_element_type3A_404 = arith.extf %get3A_403 : vector<64x512xbf16> to vector<64x512xf32>
    %get3A_405 = arith.constant 1536 : index
    %get3A_406 = arith.constant 0 : index
    %get3A_407 = vector.load %arg10[%get3A_405, %get3A_406] : memref<2048x512xbf16, #tpu.memory_space<vmem>>, vector<512x512xbf16>
    %dot_general3A_408 = arith.constant dense<0.000000e+00> : vector<64x512xf32>
    %dot_general3A_409 = tpu.matmul %convert_element_type3A_345, %get3A_407, %dot_general3A_408 {dimension_numbers = #tpu.dot_dimension_numbers<[1], [1], [0], [0], [0, 0, 1, 0], [], []>, transpose_lhs_hint = false} : vector<64x512xbf16>, vector<512x512xbf16>, vector<64x512xf32> -> vector<64x512xf32>
    %add3A_410 = arith.addf %convert_element_type3A_404, %dot_general3A_409 : vector<64x512xf32>
    %logistic3A_411 = arith.negf %add3A_410 : vector<64x512xf32>
    %logistic3A_412 = math.exp %logistic3A_411 : vector<64x512xf32>
    %logistic3A_413 = arith.constant 1.000000e+00 : f32
    %logistic3A_414 = vector.broadcast %logistic3A_413 : f32 to vector<64x512xf32>
    %logistic3A_415 = arith.addf %logistic3A_414, %logistic3A_412 : vector<64x512xf32>
    %logistic3A_416 = arith.divf %logistic3A_414, %logistic3A_415 : vector<64x512xf32>
    %get3A_417 = arith.constant 0 : index
    %get3A_418 = arith.constant 0 : index
    %get3A_419 = vector.load %arg20[%get3A_417, %get3A_418] : memref<64x512xf32, #tpu.memory_space<vmem>>, vector<64x512xf32>
    %mul3A_420 = arith.mulf %logistic3A_383, %get3A_419 : vector<64x512xf32>
    %mul3A_421 = arith.mulf %logistic3A_364, %tanh3A_397 : vector<64x512xf32>
    %add3A_422 = arith.addf %mul3A_420, %mul3A_421 : vector<64x512xf32>
    %tanh3A_423 = math.tanh %add3A_422 : vector<64x512xf32>
    %mul3A_424 = arith.mulf %logistic3A_416, %tanh3A_423 : vector<64x512xf32>
    %swap3A_425 = arith.constant 0 : index
    %swap3A_426 = arith.constant 0 : index
    %swap3A_427 = vector.load %arg20[%swap3A_425, %swap3A_426] : memref<64x512xf32, #tpu.memory_space<vmem>>, vector<64x512xf32>
    tpu.vector_store %arg20[%swap3A_425, %swap3A_426], %add3A_422 {strides = array<i32>} : memref<64x512xf32, #tpu.memory_space<vmem>>, vector<64x512xf32>,
    %swap3A_428 = arith.constant 0 : index
    %swap3A_429 = arith.constant 0 : index
    %swap3A_430 = vector.load %arg19[%swap3A_428, %swap3A_429] : memref<64x512xf32, #tpu.memory_space<vmem>>, vector<64x512xf32>
    tpu.vector_store %arg19[%swap3A_428, %swap3A_429], %mul3A_424 {strides = array<i32>} : memref<64x512xf32, #tpu.memory_space<vmem>>, vector<64x512xf32>,
    %convert_element_type3A_431 = arith.truncf %mul3A_424 : vector<64x512xf32> to vector<64x512xbf16>
    %swap3A_432 = arith.constant 8 : index
    %swap3A_433 = arith.constant 0 : index
    %swap3A_434 = arith.constant 0 : index
    %swap3A_435 = vector.load %arg14[%swap3A_432, %swap3A_433, %swap3A_434] : memref<10x64x512xbf16, #tpu.memory_space<vmem>>, vector<1x64x512xbf16>
    %swap3A_436 = vector.shape_cast %swap3A_435 : vector<1x64x512xbf16> to vector<64x512xbf16>
    %swap3A_437 = vector.shape_cast %convert_element_type3A_431 : vector<64x512xbf16> to vector<1x64x512xbf16>
    tpu.vector_store %arg14[%swap3A_432, %swap3A_433, %swap3A_434], %swap3A_437 {strides = array<i32>} : memref<10x64x512xbf16, #tpu.memory_space<vmem>>, vector<1x64x512xbf16>,
    %get3A_438 = arith.constant 0 : index
    %get3A_439 = arith.constant 0 : index
    %get3A_440 = vector.load %arg17[%get3A_438, %get3A_439] : memref<64x512xf32, #tpu.memory_space<vmem>>, vector<64x512xf32>
    %convert_element_type3A_441 = arith.truncf %get3A_440 : vector<64x512xf32> to vector<64x512xbf16>
    %get3A_442 = arith.constant 128 : i32
    %get3A_443 = arith.constant 0 : i32
    %get3A_444 = tpu.memref_slice %arg15[%get3A_442, %get3A_443] : memref<640x2048xbf16, #tpu.memory_space<vmem>> -> memref<64x2048xbf16, #tpu.memory_space<vmem>>
    %get3A_445 = arith.constant 0 : index
    %get3A_446 = arith.constant 0 : index
    %get3A_447 = vector.load %get3A_444[%get3A_445, %get3A_446] : memref<64x2048xbf16, #tpu.memory_space<vmem>>, vector<64x512xbf16>
    %convert_element_type3A_448 = arith.extf %get3A_447 : vector<64x512xbf16> to vector<64x512xf32>
    %get3A_449 = arith.constant 0 : index
    %get3A_450 = arith.constant 0 : index
    %get3A_451 = vector.load %arg9[%get3A_449, %get3A_450] : memref<2048x512xbf16, #tpu.memory_space<vmem>>, vector<512x512xbf16>
    %dot_general3A_452 = arith.constant dense<0.000000e+00> : vector<64x512xf32>
    %dot_general3A_453 = tpu.matmul %convert_element_type3A_441, %get3A_451, %dot_general3A_452 {dimension_numbers = #tpu.dot_dimension_numbers<[1], [1], [0], [0], [0, 0, 1, 0], [], []>, transpose_lhs_hint = false} : vector<64x512xbf16>, vector<512x512xbf16>, vector<64x512xf32> -> vector<64x512xf32>
    %add3A_454 = arith.addf %convert_element_type3A_448, %dot_general3A_453 : vector<64x512xf32>
    %logistic3A_455 = arith.negf %add3A_454 : vector<64x512xf32>
    %logistic3A_456 = math.exp %logistic3A_455 : vector<64x512xf32>
    %logistic3A_457 = arith.constant 1.000000e+00 : f32
    %logistic3A_458 = vector.broadcast %logistic3A_457 : f32 to vector<64x512xf32>
    %logistic3A_459 = arith.addf %logistic3A_458, %logistic3A_456 : vector<64x512xf32>
    %logistic3A_460 = arith.divf %logistic3A_458, %logistic3A_459 : vector<64x512xf32>
    %get3A_461 = arith.constant 128 : i32
    %get3A_462 = arith.constant 0 : i32
    %get3A_463 = tpu.memref_slice %arg15[%get3A_461, %get3A_462] : memref<640x2048xbf16, #tpu.memory_space<vmem>> -> memref<64x2048xbf16, #tpu.memory_space<vmem>>
    %get3A_464 = arith.constant 0 : index
    %get3A_465 = arith.constant 512 : index
    %get3A_466 = vector.load %get3A_463[%get3A_464, %get3A_465] : memref<64x2048xbf16, #tpu.memory_space<vmem>>, vector<64x512xbf16>
    %convert_element_type3A_467 = arith.extf %get3A_466 : vector<64x512xbf16> to vector<64x512xf32>
    %get3A_468 = arith.constant 512 : index
    %get3A_469 = arith.constant 0 : index
    %get3A_470 = vector.load %arg9[%get3A_468, %get3A_469] : memref<2048x512xbf16, #tpu.memory_space<vmem>>, vector<512x512xbf16>
    %dot_general3A_471 = arith.constant dense<0.000000e+00> : vector<64x512xf32>
    %dot_general3A_472 = tpu.matmul %convert_element_type3A_441, %get3A_470, %dot_general3A_471 {dimension_numbers = #tpu.dot_dimension_numbers<[1], [1], [0], [0], [0, 0, 1, 0], [], []>, transpose_lhs_hint = false} : vector<64x512xbf16>, vector<512x512xbf16>, vector<64x512xf32> -> vector<64x512xf32>
    %add3A_473 = arith.addf %convert_element_type3A_467, %dot_general3A_472 : vector<64x512xf32>
    %logistic3A_474 = arith.negf %add3A_473 : vector<64x512xf32>
    %logistic3A_475 = math.exp %logistic3A_474 : vector<64x512xf32>
    %logistic3A_476 = arith.constant 1.000000e+00 : f32
    %logistic3A_477 = vector.broadcast %logistic3A_476 : f32 to vector<64x512xf32>
    %logistic3A_478 = arith.addf %logistic3A_477, %logistic3A_475 : vector<64x512xf32>
    %logistic3A_479 = arith.divf %logistic3A_477, %logistic3A_478 : vector<64x512xf32>
    %get3A_480 = arith.constant 128 : i32
    %get3A_481 = arith.constant 0 : i32
    %get3A_482 = tpu.memref_slice %arg15[%get3A_480, %get3A_481] : memref<640x2048xbf16, #tpu.memory_space<vmem>> -> memref<64x2048xbf16, #tpu.memory_space<vmem>>
    %get3A_483 = arith.constant 0 : index
    %get3A_484 = arith.constant 1024 : index
    %get3A_485 = vector.load %get3A_482[%get3A_483, %get3A_484] : memref<64x2048xbf16, #tpu.memory_space<vmem>>, vector<64x512xbf16>
    %convert_element_type3A_486 = arith.extf %get3A_485 : vector<64x512xbf16> to vector<64x512xf32>
    %get3A_487 = arith.constant 1024 : index
    %get3A_488 = arith.constant 0 : index
    %get3A_489 = vector.load %arg9[%get3A_487, %get3A_488] : memref<2048x512xbf16, #tpu.memory_space<vmem>>, vector<512x512xbf16>
    %dot_general3A_490 = arith.constant dense<0.000000e+00> : vector<64x512xf32>
    %dot_general3A_491 = tpu.matmul %convert_element_type3A_441, %get3A_489, %dot_general3A_490 {dimension_numbers = #tpu.dot_dimension_numbers<[1], [1], [0], [0], [0, 0, 1, 0], [], []>, transpose_lhs_hint = false} : vector<64x512xbf16>, vector<512x512xbf16>, vector<64x512xf32> -> vector<64x512xf32>
    %add3A_492 = arith.addf %convert_element_type3A_486, %dot_general3A_491 : vector<64x512xf32>
    %tanh3A_493 = math.tanh %add3A_492 : vector<64x512xf32>
    %get3A_494 = arith.constant 128 : i32
    %get3A_495 = arith.constant 0 : i32
    %get3A_496 = tpu.memref_slice %arg15[%get3A_494, %get3A_495] : memref<640x2048xbf16, #tpu.memory_space<vmem>> -> memref<64x2048xbf16, #tpu.memory_space<vmem>>
    %get3A_497 = arith.constant 0 : index
    %get3A_498 = arith.constant 1536 : index
    %get3A_499 = vector.load %get3A_496[%get3A_497, %get3A_498] : memref<64x2048xbf16, #tpu.memory_space<vmem>>, vector<64x512xbf16>
    %convert_element_type3A_500 = arith.extf %get3A_499 : vector<64x512xbf16> to vector<64x512xf32>
    %get3A_501 = arith.constant 1536 : index
    %get3A_502 = arith.constant 0 : index
    %get3A_503 = vector.load %arg9[%get3A_501, %get3A_502] : memref<2048x512xbf16, #tpu.memory_space<vmem>>, vector<512x512xbf16>
    %dot_general3A_504 = arith.constant dense<0.000000e+00> : vector<64x512xf32>
    %dot_general3A_505 = tpu.matmul %convert_element_type3A_441, %get3A_503, %dot_general3A_504 {dimension_numbers = #tpu.dot_dimension_numbers<[1], [1], [0], [0], [0, 0, 1, 0], [], []>, transpose_lhs_hint = false} : vector<64x512xbf16>, vector<512x512xbf16>, vector<64x512xf32> -> vector<64x512xf32>
    %add3A_506 = arith.addf %convert_element_type3A_500, %dot_general3A_505 : vector<64x512xf32>
    %logistic3A_507 = arith.negf %add3A_506 : vector<64x512xf32>
    %logistic3A_508 = math.exp %logistic3A_507 : vector<64x512xf32>
    %logistic3A_509 = arith.constant 1.000000e+00 : f32
    %logistic3A_510 = vector.broadcast %logistic3A_509 : f32 to vector<64x512xf32>
    %logistic3A_511 = arith.addf %logistic3A_510, %logistic3A_508 : vector<64x512xf32>
    %logistic3A_512 = arith.divf %logistic3A_510, %logistic3A_511 : vector<64x512xf32>
    %get3A_513 = arith.constant 0 : index
    %get3A_514 = arith.constant 0 : index
    %get3A_515 = vector.load %arg18[%get3A_513, %get3A_514] : memref<64x512xf32, #tpu.memory_space<vmem>>, vector<64x512xf32>
    %mul3A_516 = arith.mulf %logistic3A_479, %get3A_515 : vector<64x512xf32>
    %mul3A_517 = arith.mulf %logistic3A_460, %tanh3A_493 : vector<64x512xf32>
    %add3A_518 = arith.addf %mul3A_516, %mul3A_517 : vector<64x512xf32>
    %tanh3A_519 = math.tanh %add3A_518 : vector<64x512xf32>
    %mul3A_520 = arith.mulf %logistic3A_512, %tanh3A_519 : vector<64x512xf32>
    %swap3A_521 = arith.constant 0 : index
    %swap3A_522 = arith.constant 0 : index
    %swap3A_523 = vector.load %arg18[%swap3A_521, %swap3A_522] : memref<64x512xf32, #tpu.memory_space<vmem>>, vector<64x512xf32>
    tpu.vector_store %arg18[%swap3A_521, %swap3A_522], %add3A_518 {strides = array<i32>} : memref<64x512xf32, #tpu.memory_space<vmem>>, vector<64x512xf32>,
    %swap3A_524 = arith.constant 0 : index
    %swap3A_525 = arith.constant 0 : index
    %swap3A_526 = vector.load %arg17[%swap3A_524, %swap3A_525] : memref<64x512xf32, #tpu.memory_space<vmem>>, vector<64x512xf32>
    tpu.vector_store %arg17[%swap3A_524, %swap3A_525], %mul3A_520 {strides = array<i32>} : memref<64x512xf32, #tpu.memory_space<vmem>>, vector<64x512xf32>,
    %convert_element_type3A_527 = arith.truncf %mul3A_520 : vector<64x512xf32> to vector<64x512xbf16>
    %swap3A_528 = arith.constant 2 : index
    %swap3A_529 = arith.constant 0 : index
    %swap3A_530 = arith.constant 0 : index
    %swap3A_531 = vector.load %arg13[%swap3A_528, %swap3A_529, %swap3A_530] : memref<10x64x512xbf16, #tpu.memory_space<vmem>>, vector<1x64x512xbf16>
    %swap3A_532 = vector.shape_cast %swap3A_531 : vector<1x64x512xbf16> to vector<64x512xbf16>
    %swap3A_533 = vector.shape_cast %convert_element_type3A_527 : vector<64x512xbf16> to vector<1x64x512xbf16>
    tpu.vector_store %arg13[%swap3A_528, %swap3A_529, %swap3A_530], %swap3A_533 {strides = array<i32>} : memref<10x64x512xbf16, #tpu.memory_space<vmem>>, vector<1x64x512xbf16>,
    %get3A_534 = arith.constant 0 : index
    %get3A_535 = arith.constant 0 : index
    %get3A_536 = vector.load %arg19[%get3A_534, %get3A_535] : memref<64x512xf32, #tpu.memory_space<vmem>>, vector<64x512xf32>
    %convert_element_type3A_537 = arith.truncf %get3A_536 : vector<64x512xf32> to vector<64x512xbf16>
    %get3A_538 = arith.constant 448 : i32
    %get3A_539 = arith.constant 0 : i32
    %get3A_540 = tpu.memref_slice %arg16[%get3A_538, %get3A_539] : memref<640x2048xbf16, #tpu.memory_space<vmem>> -> memref<64x2048xbf16, #tpu.memory_space<vmem>>
    %get3A_541 = arith.constant 0 : index
    %get3A_542 = arith.constant 0 : index
    %get3A_543 = vector.load %get3A_540[%get3A_541, %get3A_542] : memref<64x2048xbf16, #tpu.memory_space<vmem>>, vector<64x512xbf16>
    %convert_element_type3A_544 = arith.extf %get3A_543 : vector<64x512xbf16> to vector<64x512xf32>
    %get3A_545 = arith.constant 0 : index
    %get3A_546 = arith.constant 0 : index
    %get3A_547 = vector.load %arg10[%get3A_545, %get3A_546] : memref<2048x512xbf16, #tpu.memory_space<vmem>>, vector<512x512xbf16>
    %dot_general3A_548 = arith.constant dense<0.000000e+00> : vector<64x512xf32>
    %dot_general3A_549 = tpu.matmul %convert_element_type3A_537, %get3A_547, %dot_general3A_548 {dimension_numbers = #tpu.dot_dimension_numbers<[1], [1], [0], [0], [0, 0, 1, 0], [], []>, transpose_lhs_hint = false} : vector<64x512xbf16>, vector<512x512xbf16>, vector<64x512xf32> -> vector<64x512xf32>
    %add3A_550 = arith.addf %convert_element_type3A_544, %dot_general3A_549 : vector<64x512xf32>
    %logistic3A_551 = arith.negf %add3A_550 : vector<64x512xf32>
    %logistic3A_552 = math.exp %logistic3A_551 : vector<64x512xf32>
    %logistic3A_553 = arith.constant 1.000000e+00 : f32
    %logistic3A_554 = vector.broadcast %logistic3A_553 : f32 to vector<64x512xf32>
    %logistic3A_555 = arith.addf %logistic3A_554, %logistic3A_552 : vector<64x512xf32>
    %logistic3A_556 = arith.divf %logistic3A_554, %logistic3A_555 : vector<64x512xf32>
    %get3A_557 = arith.constant 448 : i32
    %get3A_558 = arith.constant 0 : i32
    %get3A_559 = tpu.memref_slice %arg16[%get3A_557, %get3A_558] : memref<640x2048xbf16, #tpu.memory_space<vmem>> -> memref<64x2048xbf16, #tpu.memory_space<vmem>>
    %get3A_560 = arith.constant 0 : index
    %get3A_561 = arith.constant 512 : index
    %get3A_562 = vector.load %get3A_559[%get3A_560, %get3A_561] : memref<64x2048xbf16, #tpu.memory_space<vmem>>, vector<64x512xbf16>
    %convert_element_type3A_563 = arith.extf %get3A_562 : vector<64x512xbf16> to vector<64x512xf32>
    %get3A_564 = arith.constant 512 : index
    %get3A_565 = arith.constant 0 : index
    %get3A_566 = vector.load %arg10[%get3A_564, %get3A_565] : memref<2048x512xbf16, #tpu.memory_space<vmem>>, vector<512x512xbf16>
    %dot_general3A_567 = arith.constant dense<0.000000e+00> : vector<64x512xf32>
    %dot_general3A_568 = tpu.matmul %convert_element_type3A_537, %get3A_566, %dot_general3A_567 {dimension_numbers = #tpu.dot_dimension_numbers<[1], [1], [0], [0], [0, 0, 1, 0], [], []>, transpose_lhs_hint = false} : vector<64x512xbf16>, vector<512x512xbf16>, vector<64x512xf32> -> vector<64x512xf32>
    %add3A_569 = arith.addf %convert_element_type3A_563, %dot_general3A_568 : vector<64x512xf32>
    %logistic3A_570 = arith.negf %add3A_569 : vector<64x512xf32>
    %logistic3A_571 = math.exp %logistic3A_570 : vector<64x512xf32>
    %logistic3A_572 = arith.constant 1.000000e+00 : f32
    %logistic3A_573 = vector.broadcast %logistic3A_572 : f32 to vector<64x512xf32>
    %logistic3A_574 = arith.addf %logistic3A_573, %logistic3A_571 : vector<64x512xf32>
    %logistic3A_575 = arith.divf %logistic3A_573, %logistic3A_574 : vector<64x512xf32>
    %get3A_576 = arith.constant 448 : i32
    %get3A_577 = arith.constant 0 : i32
    %get3A_578 = tpu.memref_slice %arg16[%get3A_576, %get3A_577] : memref<640x2048xbf16, #tpu.memory_space<vmem>> -> memref<64x2048xbf16, #tpu.memory_space<vmem>>
    %get3A_579 = arith.constant 0 : index
    %get3A_580 = arith.constant 1024 : index
    %get3A_581 = vector.load %get3A_578[%get3A_579, %get3A_580] : memref<64x2048xbf16, #tpu.memory_space<vmem>>, vector<64x512xbf16>
    %convert_element_type3A_582 = arith.extf %get3A_581 : vector<64x512xbf16> to vector<64x512xf32>
    %get3A_583 = arith.constant 1024 : index
    %get3A_584 = arith.constant 0 : index
    %get3A_585 = vector.load %arg10[%get3A_583, %get3A_584] : memref<2048x512xbf16, #tpu.memory_space<vmem>>, vector<512x512xbf16>
    %dot_general3A_586 = arith.constant dense<0.000000e+00> : vector<64x512xf32>
    %dot_general3A_587 = tpu.matmul %convert_element_type3A_537, %get3A_585, %dot_general3A_586 {dimension_numbers = #tpu.dot_dimension_numbers<[1], [1], [0], [0], [0, 0, 1, 0], [], []>, transpose_lhs_hint = false} : vector<64x512xbf16>, vector<512x512xbf16>, vector<64x512xf32> -> vector<64x512xf32>
    %add3A_588 = arith.addf %convert_element_type3A_582, %dot_general3A_587 : vector<64x512xf32>
    %tanh3A_589 = math.tanh %add3A_588 : vector<64x512xf32>
    %get3A_590 = arith.constant 448 : i32
    %get3A_591 = arith.constant 0 : i32
    %get3A_592 = tpu.memref_slice %arg16[%get3A_590, %get3A_591] : memref<640x2048xbf16, #tpu.memory_space<vmem>> -> memref<64x2048xbf16, #tpu.memory_space<vmem>>
    %get3A_593 = arith.constant 0 : index
    %get3A_594 = arith.constant 1536 : index
    %get3A_595 = vector.load %get3A_592[%get3A_593, %get3A_594] : memref<64x2048xbf16, #tpu.memory_space<vmem>>, vector<64x512xbf16>
    %convert_element_type3A_596 = arith.extf %get3A_595 : vector<64x512xbf16> to vector<64x512xf32>
    %get3A_597 = arith.constant 1536 : index
    %get3A_598 = arith.constant 0 : index
    %get3A_599 = vector.load %arg10[%get3A_597, %get3A_598] : memref<2048x512xbf16, #tpu.memory_space<vmem>>, vector<512x512xbf16>
    %dot_general3A_600 = arith.constant dense<0.000000e+00> : vector<64x512xf32>
    %dot_general3A_601 = tpu.matmul %convert_element_type3A_537, %get3A_599, %dot_general3A_600 {dimension_numbers = #tpu.dot_dimension_numbers<[1], [1], [0], [0], [0, 0, 1, 0], [], []>, transpose_lhs_hint = false} : vector<64x512xbf16>, vector<512x512xbf16>, vector<64x512xf32> -> vector<64x512xf32>
    %add3A_602 = arith.addf %convert_element_type3A_596, %dot_general3A_601 : vector<64x512xf32>
    %logistic3A_603 = arith.negf %add3A_602 : vector<64x512xf32>
    %logistic3A_604 = math.exp %logistic3A_603 : vector<64x512xf32>
    %logistic3A_605 = arith.constant 1.000000e+00 : f32
    %logistic3A_606 = vector.broadcast %logistic3A_605 : f32 to vector<64x512xf32>
    %logistic3A_607 = arith.addf %logistic3A_606, %logistic3A_604 : vector<64x512xf32>
    %logistic3A_608 = arith.divf %logistic3A_606, %logistic3A_607 : vector<64x512xf32>
    %get3A_609 = arith.constant 0 : index
    %get3A_610 = arith.constant 0 : index
    %get3A_611 = vector.load %arg20[%get3A_609, %get3A_610] : memref<64x512xf32, #tpu.memory_space<vmem>>, vector<64x512xf32>
    %mul3A_612 = arith.mulf %logistic3A_575, %get3A_611 : vector<64x512xf32>
    %mul3A_613 = arith.mulf %logistic3A_556, %tanh3A_589 : vector<64x512xf32>
    %add3A_614 = arith.addf %mul3A_612, %mul3A_613 : vector<64x512xf32>
    %tanh3A_615 = math.tanh %add3A_614 : vector<64x512xf32>
    %mul3A_616 = arith.mulf %logistic3A_608, %tanh3A_615 : vector<64x512xf32>
    %swap3A_617 = arith.constant 0 : index
    %swap3A_618 = arith.constant 0 : index
    %swap3A_619 = vector.load %arg20[%swap3A_617, %swap3A_618] : memref<64x512xf32, #tpu.memory_space<vmem>>, vector<64x512xf32>
    tpu.vector_store %arg20[%swap3A_617, %swap3A_618], %add3A_614 {strides = array<i32>} : memref<64x512xf32, #tpu.memory_space<vmem>>, vector<64x512xf32>,
    %swap3A_620 = arith.constant 0 : index
    %swap3A_621 = arith.constant 0 : index
    %swap3A_622 = vector.load %arg19[%swap3A_620, %swap3A_621] : memref<64x512xf32, #tpu.memory_space<vmem>>, vector<64x512xf32>
    tpu.vector_store %arg19[%swap3A_620, %swap3A_621], %mul3A_616 {strides = array<i32>} : memref<64x512xf32, #tpu.memory_space<vmem>>, vector<64x512xf32>,
    %convert_element_type3A_623 = arith.truncf %mul3A_616 : vector<64x512xf32> to vector<64x512xbf16>
    %swap3A_624 = arith.constant 7 : index
    %swap3A_625 = arith.constant 0 : index
    %swap3A_626 = arith.constant 0 : index
    %swap3A_627 = vector.load %arg14[%swap3A_624, %swap3A_625, %swap3A_626] : memref<10x64x512xbf16, #tpu.memory_space<vmem>>, vector<1x64x512xbf16>
    %swap3A_628 = vector.shape_cast %swap3A_627 : vector<1x64x512xbf16> to vector<64x512xbf16>
    %swap3A_629 = vector.shape_cast %convert_element_type3A_623 : vector<64x512xbf16> to vector<1x64x512xbf16>
    tpu.vector_store %arg14[%swap3A_624, %swap3A_625, %swap3A_626], %swap3A_629 {strides = array<i32>} : memref<10x64x512xbf16, #tpu.memory_space<vmem>>, vector<1x64x512xbf16>,
    %get3A_630 = arith.constant 0 : index
    %get3A_631 = arith.constant 0 : index
    %get3A_632 = vector.load %arg17[%get3A_630, %get3A_631] : memref<64x512xf32, #tpu.memory_space<vmem>>, vector<64x512xf32>
    %convert_element_type3A_633 = arith.truncf %get3A_632 : vector<64x512xf32> to vector<64x512xbf16>
    %get3A_634 = arith.constant 192 : i32
    %get3A_635 = arith.constant 0 : i32
    %get3A_636 = tpu.memref_slice %arg15[%get3A_634, %get3A_635] : memref<640x2048xbf16, #tpu.memory_space<vmem>> -> memref<64x2048xbf16, #tpu.memory_space<vmem>>
    %get3A_637 = arith.constant 0 : index
    %get3A_638 = arith.constant 0 : index
    %get3A_639 = vector.load %get3A_636[%get3A_637, %get3A_638] : memref<64x2048xbf16, #tpu.memory_space<vmem>>, vector<64x512xbf16>
    %convert_element_type3A_640 = arith.extf %get3A_639 : vector<64x512xbf16> to vector<64x512xf32>
    %get3A_641 = arith.constant 0 : index
    %get3A_642 = arith.constant 0 : index
    %get3A_643 = vector.load %arg9[%get3A_641, %get3A_642] : memref<2048x512xbf16, #tpu.memory_space<vmem>>, vector<512x512xbf16>
    %dot_general3A_644 = arith.constant dense<0.000000e+00> : vector<64x512xf32>
    %dot_general3A_645 = tpu.matmul %convert_element_type3A_633, %get3A_643, %dot_general3A_644 {dimension_numbers = #tpu.dot_dimension_numbers<[1], [1], [0], [0], [0, 0, 1, 0], [], []>, transpose_lhs_hint = false} : vector<64x512xbf16>, vector<512x512xbf16>, vector<64x512xf32> -> vector<64x512xf32>
    %add3A_646 = arith.addf %convert_element_type3A_640, %dot_general3A_645 : vector<64x512xf32>
    %logistic3A_647 = arith.negf %add3A_646 : vector<64x512xf32>
    %logistic3A_648 = math.exp %logistic3A_647 : vector<64x512xf32>
    %logistic3A_649 = arith.constant 1.000000e+00 : f32
    %logistic3A_650 = vector.broadcast %logistic3A_649 : f32 to vector<64x512xf32>
    %logistic3A_651 = arith.addf %logistic3A_650, %logistic3A_648 : vector<64x512xf32>
    %logistic3A_652 = arith.divf %logistic3A_650, %logistic3A_651 : vector<64x512xf32>
    %get3A_653 = arith.constant 192 : i32
    %get3A_654 = arith.constant 0 : i32
    %get3A_655 = tpu.memref_slice %arg15[%get3A_653, %get3A_654] : memref<640x2048xbf16, #tpu.memory_space<vmem>> -> memref<64x2048xbf16, #tpu.memory_space<vmem>>
    %get3A_656 = arith.constant 0 : index
    %get3A_657 = arith.constant 512 : index
    %get3A_658 = vector.load %get3A_655[%get3A_656, %get3A_657] : memref<64x2048xbf16, #tpu.memory_space<vmem>>, vector<64x512xbf16>
    %convert_element_type3A_659 = arith.extf %get3A_658 : vector<64x512xbf16> to vector<64x512xf32>
    %get3A_660 = arith.constant 512 : index
    %get3A_661 = arith.constant 0 : index
    %get3A_662 = vector.load %arg9[%get3A_660, %get3A_661] : memref<2048x512xbf16, #tpu.memory_space<vmem>>, vector<512x512xbf16>
    %dot_general3A_663 = arith.constant dense<0.000000e+00> : vector<64x512xf32>
    %dot_general3A_664 = tpu.matmul %convert_element_type3A_633, %get3A_662, %dot_general3A_663 {dimension_numbers = #tpu.dot_dimension_numbers<[1], [1], [0], [0], [0, 0, 1, 0], [], []>, transpose_lhs_hint = false} : vector<64x512xbf16>, vector<512x512xbf16>, vector<64x512xf32> -> vector<64x512xf32>
    %add3A_665 = arith.addf %convert_element_type3A_659, %dot_general3A_664 : vector<64x512xf32>
    %logistic3A_666 = arith.negf %add3A_665 : vector<64x512xf32>
    %logistic3A_667 = math.exp %logistic3A_666 : vector<64x512xf32>
    %logistic3A_668 = arith.constant 1.000000e+00 : f32
    %logistic3A_669 = vector.broadcast %logistic3A_668 : f32 to vector<64x512xf32>
    %logistic3A_670 = arith.addf %logistic3A_669, %logistic3A_667 : vector<64x512xf32>
    %logistic3A_671 = arith.divf %logistic3A_669, %logistic3A_670 : vector<64x512xf32>
    %get3A_672 = arith.constant 192 : i32
    %get3A_673 = arith.constant 0 : i32
    %get3A_674 = tpu.memref_slice %arg15[%get3A_672, %get3A_673] : memref<640x2048xbf16, #tpu.memory_space<vmem>> -> memref<64x2048xbf16, #tpu.memory_space<vmem>>
    %get3A_675 = arith.constant 0 : index
    %get3A_676 = arith.constant 1024 : index
    %get3A_677 = vector.load %get3A_674[%get3A_675, %get3A_676] : memref<64x2048xbf16, #tpu.memory_space<vmem>>, vector<64x512xbf16>
    %convert_element_type3A_678 = arith.extf %get3A_677 : vector<64x512xbf16> to vector<64x512xf32>
    %get3A_679 = arith.constant 1024 : index
    %get3A_680 = arith.constant 0 : index
    %get3A_681 = vector.load %arg9[%get3A_679, %get3A_680] : memref<2048x512xbf16, #tpu.memory_space<vmem>>, vector<512x512xbf16>
    %dot_general3A_682 = arith.constant dense<0.000000e+00> : vector<64x512xf32>
    %dot_general3A_683 = tpu.matmul %convert_element_type3A_633, %get3A_681, %dot_general3A_682 {dimension_numbers = #tpu.dot_dimension_numbers<[1], [1], [0], [0], [0, 0, 1, 0], [], []>, transpose_lhs_hint = false} : vector<64x512xbf16>, vector<512x512xbf16>, vector<64x512xf32> -> vector<64x512xf32>
    %add3A_684 = arith.addf %convert_element_type3A_678, %dot_general3A_683 : vector<64x512xf32>
    %tanh3A_685 = math.tanh %add3A_684 : vector<64x512xf32>
    %get3A_686 = arith.constant 192 : i32
    %get3A_687 = arith.constant 0 : i32
    %get3A_688 = tpu.memref_slice %arg15[%get3A_686, %get3A_687] : memref<640x2048xbf16, #tpu.memory_space<vmem>> -> memref<64x2048xbf16, #tpu.memory_space<vmem>>
    %get3A_689 = arith.constant 0 : index
    %get3A_690 = arith.constant 1536 : index
    %get3A_691 = vector.load %get3A_688[%get3A_689, %get3A_690] : memref<64x2048xbf16, #tpu.memory_space<vmem>>, vector<64x512xbf16>
    %convert_element_type3A_692 = arith.extf %get3A_691 : vector<64x512xbf16> to vector<64x512xf32>
    %get3A_693 = arith.constant 1536 : index
    %get3A_694 = arith.constant 0 : index
    %get3A_695 = vector.load %arg9[%get3A_693, %get3A_694] : memref<2048x512xbf16, #tpu.memory_space<vmem>>, vector<512x512xbf16>
    %dot_general3A_696 = arith.constant dense<0.000000e+00> : vector<64x512xf32>
    %dot_general3A_697 = tpu.matmul %convert_element_type3A_633, %get3A_695, %dot_general3A_696 {dimension_numbers = #tpu.dot_dimension_numbers<[1], [1], [0], [0], [0, 0, 1, 0], [], []>, transpose_lhs_hint = false} : vector<64x512xbf16>, vector<512x512xbf16>, vector<64x512xf32> -> vector<64x512xf32>
    %add3A_698 = arith.addf %convert_element_type3A_692, %dot_general3A_697 : vector<64x512xf32>
    %logistic3A_699 = arith.negf %add3A_698 : vector<64x512xf32>
    %logistic3A_700 = math.exp %logistic3A_699 : vector<64x512xf32>
    %logistic3A_701 = arith.constant 1.000000e+00 : f32
    %logistic3A_702 = vector.broadcast %logistic3A_701 : f32 to vector<64x512xf32>
    %logistic3A_703 = arith.addf %logistic3A_702, %logistic3A_700 : vector<64x512xf32>
    %logistic3A_704 = arith.divf %logistic3A_702, %logistic3A_703 : vector<64x512xf32>
    %get3A_705 = arith.constant 0 : index
    %get3A_706 = arith.constant 0 : index
    %get3A_707 = vector.load %arg18[%get3A_705, %get3A_706] : memref<64x512xf32, #tpu.memory_space<vmem>>, vector<64x512xf32>
    %mul3A_708 = arith.mulf %logistic3A_671, %get3A_707 : vector<64x512xf32>
    %mul3A_709 = arith.mulf %logistic3A_652, %tanh3A_685 : vector<64x512xf32>
    %add3A_710 = arith.addf %mul3A_708, %mul3A_709 : vector<64x512xf32>
    %tanh3A_711 = math.tanh %add3A_710 : vector<64x512xf32>
    %mul3A_712 = arith.mulf %logistic3A_704, %tanh3A_711 : vector<64x512xf32>
    %swap3A_713 = arith.constant 0 : index
    %swap3A_714 = arith.constant 0 : index
    %swap3A_715 = vector.load %arg18[%swap3A_713, %swap3A_714] : memref<64x512xf32, #tpu.memory_space<vmem>>, vector<64x512xf32>
    tpu.vector_store %arg18[%swap3A_713, %swap3A_714], %add3A_710 {strides = array<i32>} : memref<64x512xf32, #tpu.memory_space<vmem>>, vector<64x512xf32>,
    %swap3A_716 = arith.constant 0 : index
    %swap3A_717 = arith.constant 0 : index
    %swap3A_718 = vector.load %arg17[%swap3A_716, %swap3A_717] : memref<64x512xf32, #tpu.memory_space<vmem>>, vector<64x512xf32>
    tpu.vector_store %arg17[%swap3A_716, %swap3A_717], %mul3A_712 {strides = array<i32>} : memref<64x512xf32, #tpu.memory_space<vmem>>, vector<64x512xf32>,
    %convert_element_type3A_719 = arith.truncf %mul3A_712 : vector<64x512xf32> to vector<64x512xbf16>
    %swap3A_720 = arith.constant 3 : index
    %swap3A_721 = arith.constant 0 : index
    %swap3A_722 = arith.constant 0 : index
    %swap3A_723 = vector.load %arg13[%swap3A_720, %swap3A_721, %swap3A_722] : memref<10x64x512xbf16, #tpu.memory_space<vmem>>, vector<1x64x512xbf16>
    %swap3A_724 = vector.shape_cast %swap3A_723 : vector<1x64x512xbf16> to vector<64x512xbf16>
    %swap3A_725 = vector.shape_cast %convert_element_type3A_719 : vector<64x512xbf16> to vector<1x64x512xbf16>
    tpu.vector_store %arg13[%swap3A_720, %swap3A_721, %swap3A_722], %swap3A_725 {strides = array<i32>} : memref<10x64x512xbf16, #tpu.memory_space<vmem>>, vector<1x64x512xbf16>,
    %get3A_726 = arith.constant 0 : index
    %get3A_727 = arith.constant 0 : index
    %get3A_728 = vector.load %arg19[%get3A_726, %get3A_727] : memref<64x512xf32, #tpu.memory_space<vmem>>, vector<64x512xf32>
    %convert_element_type3A_729 = arith.truncf %get3A_728 : vector<64x512xf32> to vector<64x512xbf16>
    %get3A_730 = arith.constant 384 : i32
    %get3A_731 = arith.constant 0 : i32
    %get3A_732 = tpu.memref_slice %arg16[%get3A_730, %get3A_731] : memref<640x2048xbf16, #tpu.memory_space<vmem>> -> memref<64x2048xbf16, #tpu.memory_space<vmem>>
    %get3A_733 = arith.constant 0 : index
    %get3A_734 = arith.constant 0 : index
    %get3A_735 = vector.load %get3A_732[%get3A_733, %get3A_734] : memref<64x2048xbf16, #tpu.memory_space<vmem>>, vector<64x512xbf16>
    %convert_element_type3A_736 = arith.extf %get3A_735 : vector<64x512xbf16> to vector<64x512xf32>
    %get3A_737 = arith.constant 0 : index
    %get3A_738 = arith.constant 0 : index
    %get3A_739 = vector.load %arg10[%get3A_737, %get3A_738] : memref<2048x512xbf16, #tpu.memory_space<vmem>>, vector<512x512xbf16>
    %dot_general3A_740 = arith.constant dense<0.000000e+00> : vector<64x512xf32>
    %dot_general3A_741 = tpu.matmul %convert_element_type3A_729, %get3A_739, %dot_general3A_740 {dimension_numbers = #tpu.dot_dimension_numbers<[1], [1], [0], [0], [0, 0, 1, 0], [], []>, transpose_lhs_hint = false} : vector<64x512xbf16>, vector<512x512xbf16>, vector<64x512xf32> -> vector<64x512xf32>
    %add3A_742 = arith.addf %convert_element_type3A_736, %dot_general3A_741 : vector<64x512xf32>
    %logistic3A_743 = arith.negf %add3A_742 : vector<64x512xf32>
    %logistic3A_744 = math.exp %logistic3A_743 : vector<64x512xf32>
    %logistic3A_745 = arith.constant 1.000000e+00 : f32
    %logistic3A_746 = vector.broadcast %logistic3A_745 : f32 to vector<64x512xf32>
    %logistic3A_747 = arith.addf %logistic3A_746, %logistic3A_744 : vector<64x512xf32>
    %logistic3A_748 = arith.divf %logistic3A_746, %logistic3A_747 : vector<64x512xf32>
    %get3A_749 = arith.constant 384 : i32
    %get3A_750 = arith.constant 0 : i32
    %get3A_751 = tpu.memref_slice %arg16[%get3A_749, %get3A_750] : memref<640x2048xbf16, #tpu.memory_space<vmem>> -> memref<64x2048xbf16, #tpu.memory_space<vmem>>
    %get3A_752 = arith.constant 0 : index
    %get3A_753 = arith.constant 512 : index
    %get3A_754 = vector.load %get3A_751[%get3A_752, %get3A_753] : memref<64x2048xbf16, #tpu.memory_space<vmem>>, vector<64x512xbf16>
    %convert_element_type3A_755 = arith.extf %get3A_754 : vector<64x512xbf16> to vector<64x512xf32>
    %get3A_756 = arith.constant 512 : index
    %get3A_757 = arith.constant 0 : index
    %get3A_758 = vector.load %arg10[%get3A_756, %get3A_757] : memref<2048x512xbf16, #tpu.memory_space<vmem>>, vector<512x512xbf16>
    %dot_general3A_759 = arith.constant dense<0.000000e+00> : vector<64x512xf32>
    %dot_general3A_760 = tpu.matmul %convert_element_type3A_729, %get3A_758, %dot_general3A_759 {dimension_numbers = #tpu.dot_dimension_numbers<[1], [1], [0], [0], [0, 0, 1, 0], [], []>, transpose_lhs_hint = false} : vector<64x512xbf16>, vector<512x512xbf16>, vector<64x512xf32> -> vector<64x512xf32>
    %add3A_761 = arith.addf %convert_element_type3A_755, %dot_general3A_760 : vector<64x512xf32>
    %logistic3A_762 = arith.negf %add3A_761 : vector<64x512xf32>
    %logistic3A_763 = math.exp %logistic3A_762 : vector<64x512xf32>
    %logistic3A_764 = arith.constant 1.000000e+00 : f32
    %logistic3A_765 = vector.broadcast %logistic3A_764 : f32 to vector<64x512xf32>
    %logistic3A_766 = arith.addf %logistic3A_765, %logistic3A_763 : vector<64x512xf32>
    %logistic3A_767 = arith.divf %logistic3A_765, %logistic3A_766 : vector<64x512xf32>
    %get3A_768 = arith.constant 384 : i32
    %get3A_769 = arith.constant 0 : i32
    %get3A_770 = tpu.memref_slice %arg16[%get3A_768, %get3A_769] : memref<640x2048xbf16, #tpu.memory_space<vmem>> -> memref<64x2048xbf16, #tpu.memory_space<vmem>>
    %get3A_771 = arith.constant 0 : index
    %get3A_772 = arith.constant 1024 : index
    %get3A_773 = vector.load %get3A_770[%get3A_771, %get3A_772] : memref<64x2048xbf16, #tpu.memory_space<vmem>>, vector<64x512xbf16>
    %convert_element_type3A_774 = arith.extf %get3A_773 : vector<64x512xbf16> to vector<64x512xf32>
    %get3A_775 = arith.constant 1024 : index
    %get3A_776 = arith.constant 0 : index
    %get3A_777 = vector.load %arg10[%get3A_775, %get3A_776] : memref<2048x512xbf16, #tpu.memory_space<vmem>>, vector<512x512xbf16>
    %dot_general3A_778 = arith.constant dense<0.000000e+00> : vector<64x512xf32>
    %dot_general3A_779 = tpu.matmul %convert_element_type3A_729, %get3A_777, %dot_general3A_778 {dimension_numbers = #tpu.dot_dimension_numbers<[1], [1], [0], [0], [0, 0, 1, 0], [], []>, transpose_lhs_hint = false} : vector<64x512xbf16>, vector<512x512xbf16>, vector<64x512xf32> -> vector<64x512xf32>
    %add3A_780 = arith.addf %convert_element_type3A_774, %dot_general3A_779 : vector<64x512xf32>
    %tanh3A_781 = math.tanh %add3A_780 : vector<64x512xf32>
    %get3A_782 = arith.constant 384 : i32
    %get3A_783 = arith.constant 0 : i32
    %get3A_784 = tpu.memref_slice %arg16[%get3A_782, %get3A_783] : memref<640x2048xbf16, #tpu.memory_space<vmem>> -> memref<64x2048xbf16, #tpu.memory_space<vmem>>
    %get3A_785 = arith.constant 0 : index
    %get3A_786 = arith.constant 1536 : index
    %get3A_787 = vector.load %get3A_784[%get3A_785, %get3A_786] : memref<64x2048xbf16, #tpu.memory_space<vmem>>, vector<64x512xbf16>
    %convert_element_type3A_788 = arith.extf %get3A_787 : vector<64x512xbf16> to vector<64x512xf32>
    %get3A_789 = arith.constant 1536 : index
    %get3A_790 = arith.constant 0 : index
    %get3A_791 = vector.load %arg10[%get3A_789, %get3A_790] : memref<2048x512xbf16, #tpu.memory_space<vmem>>, vector<512x512xbf16>
    %dot_general3A_792 = arith.constant dense<0.000000e+00> : vector<64x512xf32>
    %dot_general3A_793 = tpu.matmul %convert_element_type3A_729, %get3A_791, %dot_general3A_792 {dimension_numbers = #tpu.dot_dimension_numbers<[1], [1], [0], [0], [0, 0, 1, 0], [], []>, transpose_lhs_hint = false} : vector<64x512xbf16>, vector<512x512xbf16>, vector<64x512xf32> -> vector<64x512xf32>
    %add3A_794 = arith.addf %convert_element_type3A_788, %dot_general3A_793 : vector<64x512xf32>
    %logistic3A_795 = arith.negf %add3A_794 : vector<64x512xf32>
    %logistic3A_796 = math.exp %logistic3A_795 : vector<64x512xf32>
    %logistic3A_797 = arith.constant 1.000000e+00 : f32
    %logistic3A_798 = vector.broadcast %logistic3A_797 : f32 to vector<64x512xf32>
    %logistic3A_799 = arith.addf %logistic3A_798, %logistic3A_796 : vector<64x512xf32>
    %logistic3A_800 = arith.divf %logistic3A_798, %logistic3A_799 : vector<64x512xf32>
    %get3A_801 = arith.constant 0 : index
    %get3A_802 = arith.constant 0 : index
    %get3A_803 = vector.load %arg20[%get3A_801, %get3A_802] : memref<64x512xf32, #tpu.memory_space<vmem>>, vector<64x512xf32>
    %mul3A_804 = arith.mulf %logistic3A_767, %get3A_803 : vector<64x512xf32>
    %mul3A_805 = arith.mulf %logistic3A_748, %tanh3A_781 : vector<64x512xf32>
    %add3A_806 = arith.addf %mul3A_804, %mul3A_805 : vector<64x512xf32>
    %tanh3A_807 = math.tanh %add3A_806 : vector<64x512xf32>
    %mul3A_808 = arith.mulf %logistic3A_800, %tanh3A_807 : vector<64x512xf32>
    %swap3A_809 = arith.constant 0 : index
    %swap3A_810 = arith.constant 0 : index
    %swap3A_811 = vector.load %arg20[%swap3A_809, %swap3A_810] : memref<64x512xf32, #tpu.memory_space<vmem>>, vector<64x512xf32>
    tpu.vector_store %arg20[%swap3A_809, %swap3A_810], %add3A_806 {strides = array<i32>} : memref<64x512xf32, #tpu.memory_space<vmem>>, vector<64x512xf32>,
    %swap3A_812 = arith.constant 0 : index
    %swap3A_813 = arith.constant 0 : index
    %swap3A_814 = vector.load %arg19[%swap3A_812, %swap3A_813] : memref<64x512xf32, #tpu.memory_space<vmem>>, vector<64x512xf32>
    tpu.vector_store %arg19[%swap3A_812, %swap3A_813], %mul3A_808 {strides = array<i32>} : memref<64x512xf32, #tpu.memory_space<vmem>>, vector<64x512xf32>,
    %convert_element_type3A_815 = arith.truncf %mul3A_808 : vector<64x512xf32> to vector<64x512xbf16>
    %swap3A_816 = arith.constant 6 : index
    %swap3A_817 = arith.constant 0 : index
    %swap3A_818 = arith.constant 0 : index
    %swap3A_819 = vector.load %arg14[%swap3A_816, %swap3A_817, %swap3A_818] : memref<10x64x512xbf16, #tpu.memory_space<vmem>>, vector<1x64x512xbf16>
    %swap3A_820 = vector.shape_cast %swap3A_819 : vector<1x64x512xbf16> to vector<64x512xbf16>
    %swap3A_821 = vector.shape_cast %convert_element_type3A_815 : vector<64x512xbf16> to vector<1x64x512xbf16>
    tpu.vector_store %arg14[%swap3A_816, %swap3A_817, %swap3A_818], %swap3A_821 {strides = array<i32>} : memref<10x64x512xbf16, #tpu.memory_space<vmem>>, vector<1x64x512xbf16>,
    %get3A_822 = arith.constant 0 : index
    %get3A_823 = arith.constant 0 : index
    %get3A_824 = vector.load %arg17[%get3A_822, %get3A_823] : memref<64x512xf32, #tpu.memory_space<vmem>>, vector<64x512xf32>
    %convert_element_type3A_825 = arith.truncf %get3A_824 : vector<64x512xf32> to vector<64x512xbf16>
    %get3A_826 = arith.constant 256 : i32
    %get3A_827 = arith.constant 0 : i32
    %get3A_828 = tpu.memref_slice %arg15[%get3A_826, %get3A_827] : memref<640x2048xbf16, #tpu.memory_space<vmem>> -> memref<64x2048xbf16, #tpu.memory_space<vmem>>
    %get3A_829 = arith.constant 0 : index
    %get3A_830 = arith.constant 0 : index
    %get3A_831 = vector.load %get3A_828[%get3A_829, %get3A_830] : memref<64x2048xbf16, #tpu.memory_space<vmem>>, vector<64x512xbf16>
    %convert_element_type3A_832 = arith.extf %get3A_831 : vector<64x512xbf16> to vector<64x512xf32>
    %get3A_833 = arith.constant 0 : index
    %get3A_834 = arith.constant 0 : index
    %get3A_835 = vector.load %arg9[%get3A_833, %get3A_834] : memref<2048x512xbf16, #tpu.memory_space<vmem>>, vector<512x512xbf16>
    %dot_general3A_836 = arith.constant dense<0.000000e+00> : vector<64x512xf32>
    %dot_general3A_837 = tpu.matmul %convert_element_type3A_825, %get3A_835, %dot_general3A_836 {dimension_numbers = #tpu.dot_dimension_numbers<[1], [1], [0], [0], [0, 0, 1, 0], [], []>, transpose_lhs_hint = false} : vector<64x512xbf16>, vector<512x512xbf16>, vector<64x512xf32> -> vector<64x512xf32>
    %add3A_838 = arith.addf %convert_element_type3A_832, %dot_general3A_837 : vector<64x512xf32>
    %logistic3A_839 = arith.negf %add3A_838 : vector<64x512xf32>
    %logistic3A_840 = math.exp %logistic3A_839 : vector<64x512xf32>
    %logistic3A_841 = arith.constant 1.000000e+00 : f32
    %logistic3A_842 = vector.broadcast %logistic3A_841 : f32 to vector<64x512xf32>
    %logistic3A_843 = arith.addf %logistic3A_842, %logistic3A_840 : vector<64x512xf32>
    %logistic3A_844 = arith.divf %logistic3A_842, %logistic3A_843 : vector<64x512xf32>
    %get3A_845 = arith.constant 256 : i32
    %get3A_846 = arith.constant 0 : i32
    %get3A_847 = tpu.memref_slice %arg15[%get3A_845, %get3A_846] : memref<640x2048xbf16, #tpu.memory_space<vmem>> -> memref<64x2048xbf16, #tpu.memory_space<vmem>>
    %get3A_848 = arith.constant 0 : index
    %get3A_849 = arith.constant 512 : index
    %get3A_850 = vector.load %get3A_847[%get3A_848, %get3A_849] : memref<64x2048xbf16, #tpu.memory_space<vmem>>, vector<64x512xbf16>
    %convert_element_type3A_851 = arith.extf %get3A_850 : vector<64x512xbf16> to vector<64x512xf32>
    %get3A_852 = arith.constant 512 : index
    %get3A_853 = arith.constant 0 : index
    %get3A_854 = vector.load %arg9[%get3A_852, %get3A_853] : memref<2048x512xbf16, #tpu.memory_space<vmem>>, vector<512x512xbf16>
    %dot_general3A_855 = arith.constant dense<0.000000e+00> : vector<64x512xf32>
    %dot_general3A_856 = tpu.matmul %convert_element_type3A_825, %get3A_854, %dot_general3A_855 {dimension_numbers = #tpu.dot_dimension_numbers<[1], [1], [0], [0], [0, 0, 1, 0], [], []>, transpose_lhs_hint = false} : vector<64x512xbf16>, vector<512x512xbf16>, vector<64x512xf32> -> vector<64x512xf32>
    %add3A_857 = arith.addf %convert_element_type3A_851, %dot_general3A_856 : vector<64x512xf32>
    %logistic3A_858 = arith.negf %add3A_857 : vector<64x512xf32>
    %logistic3A_859 = math.exp %logistic3A_858 : vector<64x512xf32>
    %logistic3A_860 = arith.constant 1.000000e+00 : f32
    %logistic3A_861 = vector.broadcast %logistic3A_860 : f32 to vector<64x512xf32>
    %logistic3A_862 = arith.addf %logistic3A_861, %logistic3A_859 : vector<64x512xf32>
    %logistic3A_863 = arith.divf %logistic3A_861, %logistic3A_862 : vector<64x512xf32>
    %get3A_864 = arith.constant 256 : i32
    %get3A_865 = arith.constant 0 : i32
    %get3A_866 = tpu.memref_slice %arg15[%get3A_864, %get3A_865] : memref<640x2048xbf16, #tpu.memory_space<vmem>> -> memref<64x2048xbf16, #tpu.memory_space<vmem>>
    %get3A_867 = arith.constant 0 : index
    %get3A_868 = arith.constant 1024 : index
    %get3A_869 = vector.load %get3A_866[%get3A_867, %get3A_868] : memref<64x2048xbf16, #tpu.memory_space<vmem>>, vector<64x512xbf16>
    %convert_element_type3A_870 = arith.extf %get3A_869 : vector<64x512xbf16> to vector<64x512xf32>
    %get3A_871 = arith.constant 1024 : index
    %get3A_872 = arith.constant 0 : index
    %get3A_873 = vector.load %arg9[%get3A_871, %get3A_872] : memref<2048x512xbf16, #tpu.memory_space<vmem>>, vector<512x512xbf16>
    %dot_general3A_874 = arith.constant dense<0.000000e+00> : vector<64x512xf32>
    %dot_general3A_875 = tpu.matmul %convert_element_type3A_825, %get3A_873, %dot_general3A_874 {dimension_numbers = #tpu.dot_dimension_numbers<[1], [1], [0], [0], [0, 0, 1, 0], [], []>, transpose_lhs_hint = false} : vector<64x512xbf16>, vector<512x512xbf16>, vector<64x512xf32> -> vector<64x512xf32>
    %add3A_876 = arith.addf %convert_element_type3A_870, %dot_general3A_875 : vector<64x512xf32>
    %tanh3A_877 = math.tanh %add3A_876 : vector<64x512xf32>
    %get3A_878 = arith.constant 256 : i32
    %get3A_879 = arith.constant 0 : i32
    %get3A_880 = tpu.memref_slice %arg15[%get3A_878, %get3A_879] : memref<640x2048xbf16, #tpu.memory_space<vmem>> -> memref<64x2048xbf16, #tpu.memory_space<vmem>>
    %get3A_881 = arith.constant 0 : index
    %get3A_882 = arith.constant 1536 : index
    %get3A_883 = vector.load %get3A_880[%get3A_881, %get3A_882] : memref<64x2048xbf16, #tpu.memory_space<vmem>>, vector<64x512xbf16>
    %convert_element_type3A_884 = arith.extf %get3A_883 : vector<64x512xbf16> to vector<64x512xf32>
    %get3A_885 = arith.constant 1536 : index
    %get3A_886 = arith.constant 0 : index
    %get3A_887 = vector.load %arg9[%get3A_885, %get3A_886] : memref<2048x512xbf16, #tpu.memory_space<vmem>>, vector<512x512xbf16>
    %dot_general3A_888 = arith.constant dense<0.000000e+00> : vector<64x512xf32>
    %dot_general3A_889 = tpu.matmul %convert_element_type3A_825, %get3A_887, %dot_general3A_888 {dimension_numbers = #tpu.dot_dimension_numbers<[1], [1], [0], [0], [0, 0, 1, 0], [], []>, transpose_lhs_hint = false} : vector<64x512xbf16>, vector<512x512xbf16>, vector<64x512xf32> -> vector<64x512xf32>
    %add3A_890 = arith.addf %convert_element_type3A_884, %dot_general3A_889 : vector<64x512xf32>
    %logistic3A_891 = arith.negf %add3A_890 : vector<64x512xf32>
    %logistic3A_892 = math.exp %logistic3A_891 : vector<64x512xf32>
    %logistic3A_893 = arith.constant 1.000000e+00 : f32
    %logistic3A_894 = vector.broadcast %logistic3A_893 : f32 to vector<64x512xf32>
    %logistic3A_895 = arith.addf %logistic3A_894, %logistic3A_892 : vector<64x512xf32>
    %logistic3A_896 = arith.divf %logistic3A_894, %logistic3A_895 : vector<64x512xf32>
    %get3A_897 = arith.constant 0 : index
    %get3A_898 = arith.constant 0 : index
    %get3A_899 = vector.load %arg18[%get3A_897, %get3A_898] : memref<64x512xf32, #tpu.memory_space<vmem>>, vector<64x512xf32>
    %mul3A_900 = arith.mulf %logistic3A_863, %get3A_899 : vector<64x512xf32>
    %mul3A_901 = arith.mulf %logistic3A_844, %tanh3A_877 : vector<64x512xf32>
    %add3A_902 = arith.addf %mul3A_900, %mul3A_901 : vector<64x512xf32>
    %tanh3A_903 = math.tanh %add3A_902 : vector<64x512xf32>
    %mul3A_904 = arith.mulf %logistic3A_896, %tanh3A_903 : vector<64x512xf32>
    %swap3A_905 = arith.constant 0 : index
    %swap3A_906 = arith.constant 0 : index
    %swap3A_907 = vector.load %arg18[%swap3A_905, %swap3A_906] : memref<64x512xf32, #tpu.memory_space<vmem>>, vector<64x512xf32>
    tpu.vector_store %arg18[%swap3A_905, %swap3A_906], %add3A_902 {strides = array<i32>} : memref<64x512xf32, #tpu.memory_space<vmem>>, vector<64x512xf32>,
    %swap3A_908 = arith.constant 0 : index
    %swap3A_909 = arith.constant 0 : index
    %swap3A_910 = vector.load %arg17[%swap3A_908, %swap3A_909] : memref<64x512xf32, #tpu.memory_space<vmem>>, vector<64x512xf32>
    tpu.vector_store %arg17[%swap3A_908, %swap3A_909], %mul3A_904 {strides = array<i32>} : memref<64x512xf32, #tpu.memory_space<vmem>>, vector<64x512xf32>,
    %convert_element_type3A_911 = arith.truncf %mul3A_904 : vector<64x512xf32> to vector<64x512xbf16>
    %swap3A_912 = arith.constant 4 : index
    %swap3A_913 = arith.constant 0 : index
    %swap3A_914 = arith.constant 0 : index
    %swap3A_915 = vector.load %arg13[%swap3A_912, %swap3A_913, %swap3A_914] : memref<10x64x512xbf16, #tpu.memory_space<vmem>>, vector<1x64x512xbf16>
    %swap3A_916 = vector.shape_cast %swap3A_915 : vector<1x64x512xbf16> to vector<64x512xbf16>
    %swap3A_917 = vector.shape_cast %convert_element_type3A_911 : vector<64x512xbf16> to vector<1x64x512xbf16>
    tpu.vector_store %arg13[%swap3A_912, %swap3A_913, %swap3A_914], %swap3A_917 {strides = array<i32>} : memref<10x64x512xbf16, #tpu.memory_space<vmem>>, vector<1x64x512xbf16>,
    %get3A_918 = arith.constant 0 : index
    %get3A_919 = arith.constant 0 : index
    %get3A_920 = vector.load %arg19[%get3A_918, %get3A_919] : memref<64x512xf32, #tpu.memory_space<vmem>>, vector<64x512xf32>
    %convert_element_type3A_921 = arith.truncf %get3A_920 : vector<64x512xf32> to vector<64x512xbf16>
    %get3A_922 = arith.constant 320 : i32
    %get3A_923 = arith.constant 0 : i32
    %get3A_924 = tpu.memref_slice %arg16[%get3A_922, %get3A_923] : memref<640x2048xbf16, #tpu.memory_space<vmem>> -> memref<64x2048xbf16, #tpu.memory_space<vmem>>
    %get3A_925 = arith.constant 0 : index
    %get3A_926 = arith.constant 0 : index
    %get3A_927 = vector.load %get3A_924[%get3A_925, %get3A_926] : memref<64x2048xbf16, #tpu.memory_space<vmem>>, vector<64x512xbf16>
    %convert_element_type3A_928 = arith.extf %get3A_927 : vector<64x512xbf16> to vector<64x512xf32>
    %get3A_929 = arith.constant 0 : index
    %get3A_930 = arith.constant 0 : index
    %get3A_931 = vector.load %arg10[%get3A_929, %get3A_930] : memref<2048x512xbf16, #tpu.memory_space<vmem>>, vector<512x512xbf16>
    %dot_general3A_932 = arith.constant dense<0.000000e+00> : vector<64x512xf32>
    %dot_general3A_933 = tpu.matmul %convert_element_type3A_921, %get3A_931, %dot_general3A_932 {dimension_numbers = #tpu.dot_dimension_numbers<[1], [1], [0], [0], [0, 0, 1, 0], [], []>, transpose_lhs_hint = false} : vector<64x512xbf16>, vector<512x512xbf16>, vector<64x512xf32> -> vector<64x512xf32>
    %add3A_934 = arith.addf %convert_element_type3A_928, %dot_general3A_933 : vector<64x512xf32>
    %logistic3A_935 = arith.negf %add3A_934 : vector<64x512xf32>
    %logistic3A_936 = math.exp %logistic3A_935 : vector<64x512xf32>
    %logistic3A_937 = arith.constant 1.000000e+00 : f32
    %logistic3A_938 = vector.broadcast %logistic3A_937 : f32 to vector<64x512xf32>
    %logistic3A_939 = arith.addf %logistic3A_938, %logistic3A_936 : vector<64x512xf32>
    %logistic3A_940 = arith.divf %logistic3A_938, %logistic3A_939 : vector<64x512xf32>
    %get3A_941 = arith.constant 320 : i32
    %get3A_942 = arith.constant 0 : i32
    %get3A_943 = tpu.memref_slice %arg16[%get3A_941, %get3A_942] : memref<640x2048xbf16, #tpu.memory_space<vmem>> -> memref<64x2048xbf16, #tpu.memory_space<vmem>>
    %get3A_944 = arith.constant 0 : index
    %get3A_945 = arith.constant 512 : index
    %get3A_946 = vector.load %get3A_943[%get3A_944, %get3A_945] : memref<64x2048xbf16, #tpu.memory_space<vmem>>, vector<64x512xbf16>
    %convert_element_type3A_947 = arith.extf %get3A_946 : vector<64x512xbf16> to vector<64x512xf32>
    %get3A_948 = arith.constant 512 : index
    %get3A_949 = arith.constant 0 : index
    %get3A_950 = vector.load %arg10[%get3A_948, %get3A_949] : memref<2048x512xbf16, #tpu.memory_space<vmem>>, vector<512x512xbf16>
    %dot_general3A_951 = arith.constant dense<0.000000e+00> : vector<64x512xf32>
    %dot_general3A_952 = tpu.matmul %convert_element_type3A_921, %get3A_950, %dot_general3A_951 {dimension_numbers = #tpu.dot_dimension_numbers<[1], [1], [0], [0], [0, 0, 1, 0], [], []>, transpose_lhs_hint = false} : vector<64x512xbf16>, vector<512x512xbf16>, vector<64x512xf32> -> vector<64x512xf32>
    %add3A_953 = arith.addf %convert_element_type3A_947, %dot_general3A_952 : vector<64x512xf32>
    %logistic3A_954 = arith.negf %add3A_953 : vector<64x512xf32>
    %logistic3A_955 = math.exp %logistic3A_954 : vector<64x512xf32>
    %logistic3A_956 = arith.constant 1.000000e+00 : f32
    %logistic3A_957 = vector.broadcast %logistic3A_956 : f32 to vector<64x512xf32>
    %logistic3A_958 = arith.addf %logistic3A_957, %logistic3A_955 : vector<64x512xf32>
    %logistic3A_959 = arith.divf %logistic3A_957, %logistic3A_958 : vector<64x512xf32>
    %get3A_960 = arith.constant 320 : i32
    %get3A_961 = arith.constant 0 : i32
    %get3A_962 = tpu.memref_slice %arg16[%get3A_960, %get3A_961] : memref<640x2048xbf16, #tpu.memory_space<vmem>> -> memref<64x2048xbf16, #tpu.memory_space<vmem>>
    %get3A_963 = arith.constant 0 : index
    %get3A_964 = arith.constant 1024 : index
    %get3A_965 = vector.load %get3A_962[%get3A_963, %get3A_964] : memref<64x2048xbf16, #tpu.memory_space<vmem>>, vector<64x512xbf16>
    %convert_element_type3A_966 = arith.extf %get3A_965 : vector<64x512xbf16> to vector<64x512xf32>
    %get3A_967 = arith.constant 1024 : index
    %get3A_968 = arith.constant 0 : index
    %get3A_969 = vector.load %arg10[%get3A_967, %get3A_968] : memref<2048x512xbf16, #tpu.memory_space<vmem>>, vector<512x512xbf16>
    %dot_general3A_970 = arith.constant dense<0.000000e+00> : vector<64x512xf32>
    %dot_general3A_971 = tpu.matmul %convert_element_type3A_921, %get3A_969, %dot_general3A_970 {dimension_numbers = #tpu.dot_dimension_numbers<[1], [1], [0], [0], [0, 0, 1, 0], [], []>, transpose_lhs_hint = false} : vector<64x512xbf16>, vector<512x512xbf16>, vector<64x512xf32> -> vector<64x512xf32>
    %add3A_972 = arith.addf %convert_element_type3A_966, %dot_general3A_971 : vector<64x512xf32>
    %tanh3A_973 = math.tanh %add3A_972 : vector<64x512xf32>
    %get3A_974 = arith.constant 320 : i32
    %get3A_975 = arith.constant 0 : i32
    %get3A_976 = tpu.memref_slice %arg16[%get3A_974, %get3A_975] : memref<640x2048xbf16, #tpu.memory_space<vmem>> -> memref<64x2048xbf16, #tpu.memory_space<vmem>>
    %get3A_977 = arith.constant 0 : index
    %get3A_978 = arith.constant 1536 : index
    %get3A_979 = vector.load %get3A_976[%get3A_977, %get3A_978] : memref<64x2048xbf16, #tpu.memory_space<vmem>>, vector<64x512xbf16>
    %convert_element_type3A_980 = arith.extf %get3A_979 : vector<64x512xbf16> to vector<64x512xf32>
    %get3A_981 = arith.constant 1536 : index
    %get3A_982 = arith.constant 0 : index
    %get3A_983 = vector.load %arg10[%get3A_981, %get3A_982] : memref<2048x512xbf16, #tpu.memory_space<vmem>>, vector<512x512xbf16>
    %dot_general3A_984 = arith.constant dense<0.000000e+00> : vector<64x512xf32>
    %dot_general3A_985 = tpu.matmul %convert_element_type3A_921, %get3A_983, %dot_general3A_984 {dimension_numbers = #tpu.dot_dimension_numbers<[1], [1], [0], [0], [0, 0, 1, 0], [], []>, transpose_lhs_hint = false} : vector<64x512xbf16>, vector<512x512xbf16>, vector<64x512xf32> -> vector<64x512xf32>
    %add3A_986 = arith.addf %convert_element_type3A_980, %dot_general3A_985 : vector<64x512xf32>
    %logistic3A_987 = arith.negf %add3A_986 : vector<64x512xf32>
    %logistic3A_988 = math.exp %logistic3A_987 : vector<64x512xf32>
    %logistic3A_989 = arith.constant 1.000000e+00 : f32
    %logistic3A_990 = vector.broadcast %logistic3A_989 : f32 to vector<64x512xf32>
    %logistic3A_991 = arith.addf %logistic3A_990, %logistic3A_988 : vector<64x512xf32>
    %logistic3A_992 = arith.divf %logistic3A_990, %logistic3A_991 : vector<64x512xf32>
    %get3A_993 = arith.constant 0 : index
    %get3A_994 = arith.constant 0 : index
    %get3A_995 = vector.load %arg20[%get3A_993, %get3A_994] : memref<64x512xf32, #tpu.memory_space<vmem>>, vector<64x512xf32>
    %mul3A_996 = arith.mulf %logistic3A_959, %get3A_995 : vector<64x512xf32>
    %mul3A_997 = arith.mulf %logistic3A_940, %tanh3A_973 : vector<64x512xf32>
    %add3A_998 = arith.addf %mul3A_996, %mul3A_997 : vector<64x512xf32>
    %tanh3A_999 = math.tanh %add3A_998 : vector<64x512xf32>
    %mul3A_1000 = arith.mulf %logistic3A_992, %tanh3A_999 : vector<64x512xf32>
    %swap3A_1001 = arith.constant 0 : index
    %swap3A_1002 = arith.constant 0 : index
    %swap3A_1003 = vector.load %arg20[%swap3A_1001, %swap3A_1002] : memref<64x512xf32, #tpu.memory_space<vmem>>, vector<64x512xf32>
    tpu.vector_store %arg20[%swap3A_1001, %swap3A_1002], %add3A_998 {strides = array<i32>} : memref<64x512xf32, #tpu.memory_space<vmem>>, vector<64x512xf32>,
    %swap3A_1004 = arith.constant 0 : index
    %swap3A_1005 = arith.constant 0 : index
    %swap3A_1006 = vector.load %arg19[%swap3A_1004, %swap3A_1005] : memref<64x512xf32, #tpu.memory_space<vmem>>, vector<64x512xf32>
    tpu.vector_store %arg19[%swap3A_1004, %swap3A_1005], %mul3A_1000 {strides = array<i32>} : memref<64x512xf32, #tpu.memory_space<vmem>>, vector<64x512xf32>,
    %convert_element_type3A_1007 = arith.truncf %mul3A_1000 : vector<64x512xf32> to vector<64x512xbf16>
    %swap3A_1008 = arith.constant 5 : index
    %swap3A_1009 = arith.constant 0 : index
    %swap3A_1010 = arith.constant 0 : index
    %swap3A_1011 = vector.load %arg14[%swap3A_1008, %swap3A_1009, %swap3A_1010] : memref<10x64x512xbf16, #tpu.memory_space<vmem>>, vector<1x64x512xbf16>
    %swap3A_1012 = vector.shape_cast %swap3A_1011 : vector<1x64x512xbf16> to vector<64x512xbf16>
    %swap3A_1013 = vector.shape_cast %convert_element_type3A_1007 : vector<64x512xbf16> to vector<1x64x512xbf16>
    tpu.vector_store %arg14[%swap3A_1008, %swap3A_1009, %swap3A_1010], %swap3A_1013 {strides = array<i32>} : memref<10x64x512xbf16, #tpu.memory_space<vmem>>, vector<1x64x512xbf16>,
    %get3A_1014 = arith.constant 0 : index
    %get3A_1015 = arith.constant 0 : index
    %get3A_1016 = vector.load %arg17[%get3A_1014, %get3A_1015] : memref<64x512xf32, #tpu.memory_space<vmem>>, vector<64x512xf32>
    %convert_element_type3A_1017 = arith.truncf %get3A_1016 : vector<64x512xf32> to vector<64x512xbf16>
    %get3A_1018 = arith.constant 320 : i32
    %get3A_1019 = arith.constant 0 : i32
    %get3A_1020 = tpu.memref_slice %arg15[%get3A_1018, %get3A_1019] : memref<640x2048xbf16, #tpu.memory_space<vmem>> -> memref<64x2048xbf16, #tpu.memory_space<vmem>>
    %get3A_1021 = arith.constant 0 : index
    %get3A_1022 = arith.constant 0 : index
    %get3A_1023 = vector.load %get3A_1020[%get3A_1021, %get3A_1022] : memref<64x2048xbf16, #tpu.memory_space<vmem>>, vector<64x512xbf16>
    %convert_element_type3A_1024 = arith.extf %get3A_1023 : vector<64x512xbf16> to vector<64x512xf32>
    %get3A_1025 = arith.constant 0 : index
    %get3A_1026 = arith.constant 0 : index
    %get3A_1027 = vector.load %arg9[%get3A_1025, %get3A_1026] : memref<2048x512xbf16, #tpu.memory_space<vmem>>, vector<512x512xbf16>
    %dot_general3A_1028 = arith.constant dense<0.000000e+00> : vector<64x512xf32>
    %dot_general3A_1029 = tpu.matmul %convert_element_type3A_1017, %get3A_1027, %dot_general3A_1028 {dimension_numbers = #tpu.dot_dimension_numbers<[1], [1], [0], [0], [0, 0, 1, 0], [], []>, transpose_lhs_hint = false} : vector<64x512xbf16>, vector<512x512xbf16>, vector<64x512xf32> -> vector<64x512xf32>
    %add3A_1030 = arith.addf %convert_element_type3A_1024, %dot_general3A_1029 : vector<64x512xf32>
    %logistic3A_1031 = arith.negf %add3A_1030 : vector<64x512xf32>
    %logistic3A_1032 = math.exp %logistic3A_1031 : vector<64x512xf32>
    %logistic3A_1033 = arith.constant 1.000000e+00 : f32
    %logistic3A_1034 = vector.broadcast %logistic3A_1033 : f32 to vector<64x512xf32>
    %logistic3A_1035 = arith.addf %logistic3A_1034, %logistic3A_1032 : vector<64x512xf32>
    %logistic3A_1036 = arith.divf %logistic3A_1034, %logistic3A_1035 : vector<64x512xf32>
    %get3A_1037 = arith.constant 320 : i32
    %get3A_1038 = arith.constant 0 : i32
    %get3A_1039 = tpu.memref_slice %arg15[%get3A_1037, %get3A_1038] : memref<640x2048xbf16, #tpu.memory_space<vmem>> -> memref<64x2048xbf16, #tpu.memory_space<vmem>>
    %get3A_1040 = arith.constant 0 : index
    %get3A_1041 = arith.constant 512 : index
    %get3A_1042 = vector.load %get3A_1039[%get3A_1040, %get3A_1041] : memref<64x2048xbf16, #tpu.memory_space<vmem>>, vector<64x512xbf16>
    %convert_element_type3A_1043 = arith.extf %get3A_1042 : vector<64x512xbf16> to vector<64x512xf32>
    %get3A_1044 = arith.constant 512 : index
    %get3A_1045 = arith.constant 0 : index
    %get3A_1046 = vector.load %arg9[%get3A_1044, %get3A_1045] : memref<2048x512xbf16, #tpu.memory_space<vmem>>, vector<512x512xbf16>
    %dot_general3A_1047 = arith.constant dense<0.000000e+00> : vector<64x512xf32>
    %dot_general3A_1048 = tpu.matmul %convert_element_type3A_1017, %get3A_1046, %dot_general3A_1047 {dimension_numbers = #tpu.dot_dimension_numbers<[1], [1], [0], [0], [0, 0, 1, 0], [], []>, transpose_lhs_hint = false} : vector<64x512xbf16>, vector<512x512xbf16>, vector<64x512xf32> -> vector<64x512xf32>
    %add3A_1049 = arith.addf %convert_element_type3A_1043, %dot_general3A_1048 : vector<64x512xf32>
    %logistic3A_1050 = arith.negf %add3A_1049 : vector<64x512xf32>
    %logistic3A_1051 = math.exp %logistic3A_1050 : vector<64x512xf32>
    %logistic3A_1052 = arith.constant 1.000000e+00 : f32
    %logistic3A_1053 = vector.broadcast %logistic3A_1052 : f32 to vector<64x512xf32>
    %logistic3A_1054 = arith.addf %logistic3A_1053, %logistic3A_1051 : vector<64x512xf32>
    %logistic3A_1055 = arith.divf %logistic3A_1053, %logistic3A_1054 : vector<64x512xf32>
    %get3A_1056 = arith.constant 320 : i32
    %get3A_1057 = arith.constant 0 : i32
    %get3A_1058 = tpu.memref_slice %arg15[%get3A_1056, %get3A_1057] : memref<640x2048xbf16, #tpu.memory_space<vmem>> -> memref<64x2048xbf16, #tpu.memory_space<vmem>>
    %get3A_1059 = arith.constant 0 : index
    %get3A_1060 = arith.constant 1024 : index
    %get3A_1061 = vector.load %get3A_1058[%get3A_1059, %get3A_1060] : memref<64x2048xbf16, #tpu.memory_space<vmem>>, vector<64x512xbf16>
    %convert_element_type3A_1062 = arith.extf %get3A_1061 : vector<64x512xbf16> to vector<64x512xf32>
    %get3A_1063 = arith.constant 1024 : index
    %get3A_1064 = arith.constant 0 : index
    %get3A_1065 = vector.load %arg9[%get3A_1063, %get3A_1064] : memref<2048x512xbf16, #tpu.memory_space<vmem>>, vector<512x512xbf16>
    %dot_general3A_1066 = arith.constant dense<0.000000e+00> : vector<64x512xf32>
    %dot_general3A_1067 = tpu.matmul %convert_element_type3A_1017, %get3A_1065, %dot_general3A_1066 {dimension_numbers = #tpu.dot_dimension_numbers<[1], [1], [0], [0], [0, 0, 1, 0], [], []>, transpose_lhs_hint = false} : vector<64x512xbf16>, vector<512x512xbf16>, vector<64x512xf32> -> vector<64x512xf32>
    %add3A_1068 = arith.addf %convert_element_type3A_1062, %dot_general3A_1067 : vector<64x512xf32>
    %tanh3A_1069 = math.tanh %add3A_1068 : vector<64x512xf32>
    %get3A_1070 = arith.constant 320 : i32
    %get3A_1071 = arith.constant 0 : i32
    %get3A_1072 = tpu.memref_slice %arg15[%get3A_1070, %get3A_1071] : memref<640x2048xbf16, #tpu.memory_space<vmem>> -> memref<64x2048xbf16, #tpu.memory_space<vmem>>
    %get3A_1073 = arith.constant 0 : index
    %get3A_1074 = arith.constant 1536 : index
    %get3A_1075 = vector.load %get3A_1072[%get3A_1073, %get3A_1074] : memref<64x2048xbf16, #tpu.memory_space<vmem>>, vector<64x512xbf16>
    %convert_element_type3A_1076 = arith.extf %get3A_1075 : vector<64x512xbf16> to vector<64x512xf32>
    %get3A_1077 = arith.constant 1536 : index
    %get3A_1078 = arith.constant 0 : index
    %get3A_1079 = vector.load %arg9[%get3A_1077, %get3A_1078] : memref<2048x512xbf16, #tpu.memory_space<vmem>>, vector<512x512xbf16>
    %dot_general3A_1080 = arith.constant dense<0.000000e+00> : vector<64x512xf32>
    %dot_general3A_1081 = tpu.matmul %convert_element_type3A_1017, %get3A_1079, %dot_general3A_1080 {dimension_numbers = #tpu.dot_dimension_numbers<[1], [1], [0], [0], [0, 0, 1, 0], [], []>, transpose_lhs_hint = false} : vector<64x512xbf16>, vector<512x512xbf16>, vector<64x512xf32> -> vector<64x512xf32>
    %add3A_1082 = arith.addf %convert_element_type3A_1076, %dot_general3A_1081 : vector<64x512xf32>
    %logistic3A_1083 = arith.negf %add3A_1082 : vector<64x512xf32>
    %logistic3A_1084 = math.exp %logistic3A_1083 : vector<64x512xf32>
    %logistic3A_1085 = arith.constant 1.000000e+00 : f32
    %logistic3A_1086 = vector.broadcast %logistic3A_1085 : f32 to vector<64x512xf32>
    %logistic3A_1087 = arith.addf %logistic3A_1086, %logistic3A_1084 : vector<64x512xf32>
    %logistic3A_1088 = arith.divf %logistic3A_1086, %logistic3A_1087 : vector<64x512xf32>
    %get3A_1089 = arith.constant 0 : index
    %get3A_1090 = arith.constant 0 : index
    %get3A_1091 = vector.load %arg18[%get3A_1089, %get3A_1090] : memref<64x512xf32, #tpu.memory_space<vmem>>, vector<64x512xf32>
    %mul3A_1092 = arith.mulf %logistic3A_1055, %get3A_1091 : vector<64x512xf32>
    %mul3A_1093 = arith.mulf %logistic3A_1036, %tanh3A_1069 : vector<64x512xf32>
    %add3A_1094 = arith.addf %mul3A_1092, %mul3A_1093 : vector<64x512xf32>
    %tanh3A_1095 = math.tanh %add3A_1094 : vector<64x512xf32>
    %mul3A_1096 = arith.mulf %logistic3A_1088, %tanh3A_1095 : vector<64x512xf32>
    %swap3A_1097 = arith.constant 0 : index
    %swap3A_1098 = arith.constant 0 : index
    %swap3A_1099 = vector.load %arg18[%swap3A_1097, %swap3A_1098] : memref<64x512xf32, #tpu.memory_space<vmem>>, vector<64x512xf32>
    tpu.vector_store %arg18[%swap3A_1097, %swap3A_1098], %add3A_1094 {strides = array<i32>} : memref<64x512xf32, #tpu.memory_space<vmem>>, vector<64x512xf32>,
    %swap3A_1100 = arith.constant 0 : index
    %swap3A_1101 = arith.constant 0 : index
    %swap3A_1102 = vector.load %arg17[%swap3A_1100, %swap3A_1101] : memref<64x512xf32, #tpu.memory_space<vmem>>, vector<64x512xf32>
    tpu.vector_store %arg17[%swap3A_1100, %swap3A_1101], %mul3A_1096 {strides = array<i32>} : memref<64x512xf32, #tpu.memory_space<vmem>>, vector<64x512xf32>,
    %convert_element_type3A_1103 = arith.truncf %mul3A_1096 : vector<64x512xf32> to vector<64x512xbf16>
    %swap3A_1104 = arith.constant 5 : index
    %swap3A_1105 = arith.constant 0 : index
    %swap3A_1106 = arith.constant 0 : index
    %swap3A_1107 = vector.load %arg13[%swap3A_1104, %swap3A_1105, %swap3A_1106] : memref<10x64x512xbf16, #tpu.memory_space<vmem>>, vector<1x64x512xbf16>
    %swap3A_1108 = vector.shape_cast %swap3A_1107 : vector<1x64x512xbf16> to vector<64x512xbf16>
    %swap3A_1109 = vector.shape_cast %convert_element_type3A_1103 : vector<64x512xbf16> to vector<1x64x512xbf16>
    tpu.vector_store %arg13[%swap3A_1104, %swap3A_1105, %swap3A_1106], %swap3A_1109 {strides = array<i32>} : memref<10x64x512xbf16, #tpu.memory_space<vmem>>, vector<1x64x512xbf16>,
    %get3A_1110 = arith.constant 0 : index
    %get3A_1111 = arith.constant 0 : index
    %get3A_1112 = vector.load %arg19[%get3A_1110, %get3A_1111] : memref<64x512xf32, #tpu.memory_space<vmem>>, vector<64x512xf32>
    %convert_element_type3A_1113 = arith.truncf %get3A_1112 : vector<64x512xf32> to vector<64x512xbf16>
    %get3A_1114 = arith.constant 256 : i32
    %get3A_1115 = arith.constant 0 : i32
    %get3A_1116 = tpu.memref_slice %arg16[%get3A_1114, %get3A_1115] : memref<640x2048xbf16, #tpu.memory_space<vmem>> -> memref<64x2048xbf16, #tpu.memory_space<vmem>>
    %get3A_1117 = arith.constant 0 : index
    %get3A_1118 = arith.constant 0 : index
    %get3A_1119 = vector.load %get3A_1116[%get3A_1117, %get3A_1118] : memref<64x2048xbf16, #tpu.memory_space<vmem>>, vector<64x512xbf16>
    %convert_element_type3A_1120 = arith.extf %get3A_1119 : vector<64x512xbf16> to vector<64x512xf32>
    %get3A_1121 = arith.constant 0 : index
    %get3A_1122 = arith.constant 0 : index
    %get3A_1123 = vector.load %arg10[%get3A_1121, %get3A_1122] : memref<2048x512xbf16, #tpu.memory_space<vmem>>, vector<512x512xbf16>
    %dot_general3A_1124 = arith.constant dense<0.000000e+00> : vector<64x512xf32>
    %dot_general3A_1125 = tpu.matmul %convert_element_type3A_1113, %get3A_1123, %dot_general3A_1124 {dimension_numbers = #tpu.dot_dimension_numbers<[1], [1], [0], [0], [0, 0, 1, 0], [], []>, transpose_lhs_hint = false} : vector<64x512xbf16>, vector<512x512xbf16>, vector<64x512xf32> -> vector<64x512xf32>
    %add3A_1126 = arith.addf %convert_element_type3A_1120, %dot_general3A_1125 : vector<64x512xf32>
    %logistic3A_1127 = arith.negf %add3A_1126 : vector<64x512xf32>
    %logistic3A_1128 = math.exp %logistic3A_1127 : vector<64x512xf32>
    %logistic3A_1129 = arith.constant 1.000000e+00 : f32
    %logistic3A_1130 = vector.broadcast %logistic3A_1129 : f32 to vector<64x512xf32>
    %logistic3A_1131 = arith.addf %logistic3A_1130, %logistic3A_1128 : vector<64x512xf32>
    %logistic3A_1132 = arith.divf %logistic3A_1130, %logistic3A_1131 : vector<64x512xf32>
    %get3A_1133 = arith.constant 256 : i32
    %get3A_1134 = arith.constant 0 : i32
    %get3A_1135 = tpu.memref_slice %arg16[%get3A_1133, %get3A_1134] : memref<640x2048xbf16, #tpu.memory_space<vmem>> -> memref<64x2048xbf16, #tpu.memory_space<vmem>>
    %get3A_1136 = arith.constant 0 : index
    %get3A_1137 = arith.constant 512 : index
    %get3A_1138 = vector.load %get3A_1135[%get3A_1136, %get3A_1137] : memref<64x2048xbf16, #tpu.memory_space<vmem>>, vector<64x512xbf16>
    %convert_element_type3A_1139 = arith.extf %get3A_1138 : vector<64x512xbf16> to vector<64x512xf32>
    %get3A_1140 = arith.constant 512 : index
    %get3A_1141 = arith.constant 0 : index
    %get3A_1142 = vector.load %arg10[%get3A_1140, %get3A_1141] : memref<2048x512xbf16, #tpu.memory_space<vmem>>, vector<512x512xbf16>
    %dot_general3A_1143 = arith.constant dense<0.000000e+00> : vector<64x512xf32>
    %dot_general3A_1144 = tpu.matmul %convert_element_type3A_1113, %get3A_1142, %dot_general3A_1143 {dimension_numbers = #tpu.dot_dimension_numbers<[1], [1], [0], [0], [0, 0, 1, 0], [], []>, transpose_lhs_hint = false} : vector<64x512xbf16>, vector<512x512xbf16>, vector<64x512xf32> -> vector<64x512xf32>
    %add3A_1145 = arith.addf %convert_element_type3A_1139, %dot_general3A_1144 : vector<64x512xf32>
    %logistic3A_1146 = arith.negf %add3A_1145 : vector<64x512xf32>
    %logistic3A_1147 = math.exp %logistic3A_1146 : vector<64x512xf32>
    %logistic3A_1148 = arith.constant 1.000000e+00 : f32
    %logistic3A_1149 = vector.broadcast %logistic3A_1148 : f32 to vector<64x512xf32>
    %logistic3A_1150 = arith.addf %logistic3A_1149, %logistic3A_1147 : vector<64x512xf32>
    %logistic3A_1151 = arith.divf %logistic3A_1149, %logistic3A_1150 : vector<64x512xf32>
    %get3A_1152 = arith.constant 256 : i32
    %get3A_1153 = arith.constant 0 : i32
    %get3A_1154 = tpu.memref_slice %arg16[%get3A_1152, %get3A_1153] : memref<640x2048xbf16, #tpu.memory_space<vmem>> -> memref<64x2048xbf16, #tpu.memory_space<vmem>>
    %get3A_1155 = arith.constant 0 : index
    %get3A_1156 = arith.constant 1024 : index
    %get3A_1157 = vector.load %get3A_1154[%get3A_1155, %get3A_1156] : memref<64x2048xbf16, #tpu.memory_space<vmem>>, vector<64x512xbf16>
    %convert_element_type3A_1158 = arith.extf %get3A_1157 : vector<64x512xbf16> to vector<64x512xf32>
    %get3A_1159 = arith.constant 1024 : index
    %get3A_1160 = arith.constant 0 : index
    %get3A_1161 = vector.load %arg10[%get3A_1159, %get3A_1160] : memref<2048x512xbf16, #tpu.memory_space<vmem>>, vector<512x512xbf16>
    %dot_general3A_1162 = arith.constant dense<0.000000e+00> : vector<64x512xf32>
    %dot_general3A_1163 = tpu.matmul %convert_element_type3A_1113, %get3A_1161, %dot_general3A_1162 {dimension_numbers = #tpu.dot_dimension_numbers<[1], [1], [0], [0], [0, 0, 1, 0], [], []>, transpose_lhs_hint = false} : vector<64x512xbf16>, vector<512x512xbf16>, vector<64x512xf32> -> vector<64x512xf32>
    %add3A_1164 = arith.addf %convert_element_type3A_1158, %dot_general3A_1163 : vector<64x512xf32>
    %tanh3A_1165 = math.tanh %add3A_1164 : vector<64x512xf32>
    %get3A_1166 = arith.constant 256 : i32
    %get3A_1167 = arith.constant 0 : i32
    %get3A_1168 = tpu.memref_slice %arg16[%get3A_1166, %get3A_1167] : memref<640x2048xbf16, #tpu.memory_space<vmem>> -> memref<64x2048xbf16, #tpu.memory_space<vmem>>
    %get3A_1169 = arith.constant 0 : index
    %get3A_1170 = arith.constant 1536 : index
    %get3A_1171 = vector.load %get3A_1168[%get3A_1169, %get3A_1170] : memref<64x2048xbf16, #tpu.memory_space<vmem>>, vector<64x512xbf16>
    %convert_element_type3A_1172 = arith.extf %get3A_1171 : vector<64x512xbf16> to vector<64x512xf32>
    %get3A_1173 = arith.constant 1536 : index
    %get3A_1174 = arith.constant 0 : index
    %get3A_1175 = vector.load %arg10[%get3A_1173, %get3A_1174] : memref<2048x512xbf16, #tpu.memory_space<vmem>>, vector<512x512xbf16>
    %dot_general3A_1176 = arith.constant dense<0.000000e+00> : vector<64x512xf32>
    %dot_general3A_1177 = tpu.matmul %convert_element_type3A_1113, %get3A_1175, %dot_general3A_1176 {dimension_numbers = #tpu.dot_dimension_numbers<[1], [1], [0], [0], [0, 0, 1, 0], [], []>, transpose_lhs_hint = false} : vector<64x512xbf16>, vector<512x512xbf16>, vector<64x512xf32> -> vector<64x512xf32>
    %add3A_1178 = arith.addf %convert_element_type3A_1172, %dot_general3A_1177 : vector<64x512xf32>
    %logistic3A_1179 = arith.negf %add3A_1178 : vector<64x512xf32>
    %logistic3A_1180 = math.exp %logistic3A_1179 : vector<64x512xf32>
    %logistic3A_1181 = arith.constant 1.000000e+00 : f32
    %logistic3A_1182 = vector.broadcast %logistic3A_1181 : f32 to vector<64x512xf32>
    %logistic3A_1183 = arith.addf %logistic3A_1182, %logistic3A_1180 : vector<64x512xf32>
    %logistic3A_1184 = arith.divf %logistic3A_1182, %logistic3A_1183 : vector<64x512xf32>
    %get3A_1185 = arith.constant 0 : index
    %get3A_1186 = arith.constant 0 : index
    %get3A_1187 = vector.load %arg20[%get3A_1185, %get3A_1186] : memref<64x512xf32, #tpu.memory_space<vmem>>, vector<64x512xf32>
    %mul3A_1188 = arith.mulf %logistic3A_1151, %get3A_1187 : vector<64x512xf32>
    %mul3A_1189 = arith.mulf %logistic3A_1132, %tanh3A_1165 : vector<64x512xf32>
    %add3A_1190 = arith.addf %mul3A_1188, %mul3A_1189 : vector<64x512xf32>
    %tanh3A_1191 = math.tanh %add3A_1190 : vector<64x512xf32>
    %mul3A_1192 = arith.mulf %logistic3A_1184, %tanh3A_1191 : vector<64x512xf32>
    %swap3A_1193 = arith.constant 0 : index
    %swap3A_1194 = arith.constant 0 : index
    %swap3A_1195 = vector.load %arg20[%swap3A_1193, %swap3A_1194] : memref<64x512xf32, #tpu.memory_space<vmem>>, vector<64x512xf32>
    tpu.vector_store %arg20[%swap3A_1193, %swap3A_1194], %add3A_1190 {strides = array<i32>} : memref<64x512xf32, #tpu.memory_space<vmem>>, vector<64x512xf32>,
    %swap3A_1196 = arith.constant 0 : index
    %swap3A_1197 = arith.constant 0 : index
    %swap3A_1198 = vector.load %arg19[%swap3A_1196, %swap3A_1197] : memref<64x512xf32, #tpu.memory_space<vmem>>, vector<64x512xf32>
    tpu.vector_store %arg19[%swap3A_1196, %swap3A_1197], %mul3A_1192 {strides = array<i32>} : memref<64x512xf32, #tpu.memory_space<vmem>>, vector<64x512xf32>,
    %convert_element_type3A_1199 = arith.truncf %mul3A_1192 : vector<64x512xf32> to vector<64x512xbf16>
    %swap3A_1200 = arith.constant 4 : index
    %swap3A_1201 = arith.constant 0 : index
    %swap3A_1202 = arith.constant 0 : index
    %swap3A_1203 = vector.load %arg14[%swap3A_1200, %swap3A_1201, %swap3A_1202] : memref<10x64x512xbf16, #tpu.memory_space<vmem>>, vector<1x64x512xbf16>
    %swap3A_1204 = vector.shape_cast %swap3A_1203 : vector<1x64x512xbf16> to vector<64x512xbf16>
    %swap3A_1205 = vector.shape_cast %convert_element_type3A_1199 : vector<64x512xbf16> to vector<1x64x512xbf16>
    tpu.vector_store %arg14[%swap3A_1200, %swap3A_1201, %swap3A_1202], %swap3A_1205 {strides = array<i32>} : memref<10x64x512xbf16, #tpu.memory_space<vmem>>, vector<1x64x512xbf16>,
    %get3A_1206 = arith.constant 0 : index
    %get3A_1207 = arith.constant 0 : index
    %get3A_1208 = vector.load %arg17[%get3A_1206, %get3A_1207] : memref<64x512xf32, #tpu.memory_space<vmem>>, vector<64x512xf32>
    %convert_element_type3A_1209 = arith.truncf %get3A_1208 : vector<64x512xf32> to vector<64x512xbf16>
    %get3A_1210 = arith.constant 384 : i32
    %get3A_1211 = arith.constant 0 : i32
    %get3A_1212 = tpu.memref_slice %arg15[%get3A_1210, %get3A_1211] : memref<640x2048xbf16, #tpu.memory_space<vmem>> -> memref<64x2048xbf16, #tpu.memory_space<vmem>>
    %get3A_1213 = arith.constant 0 : index
    %get3A_1214 = arith.constant 0 : index
    %get3A_1215 = vector.load %get3A_1212[%get3A_1213, %get3A_1214] : memref<64x2048xbf16, #tpu.memory_space<vmem>>, vector<64x512xbf16>
    %convert_element_type3A_1216 = arith.extf %get3A_1215 : vector<64x512xbf16> to vector<64x512xf32>
    %get3A_1217 = arith.constant 0 : index
    %get3A_1218 = arith.constant 0 : index
    %get3A_1219 = vector.load %arg9[%get3A_1217, %get3A_1218] : memref<2048x512xbf16, #tpu.memory_space<vmem>>, vector<512x512xbf16>
    %dot_general3A_1220 = arith.constant dense<0.000000e+00> : vector<64x512xf32>
    %dot_general3A_1221 = tpu.matmul %convert_element_type3A_1209, %get3A_1219, %dot_general3A_1220 {dimension_numbers = #tpu.dot_dimension_numbers<[1], [1], [0], [0], [0, 0, 1, 0], [], []>, transpose_lhs_hint = false} : vector<64x512xbf16>, vector<512x512xbf16>, vector<64x512xf32> -> vector<64x512xf32>
    %add3A_1222 = arith.addf %convert_element_type3A_1216, %dot_general3A_1221 : vector<64x512xf32>
    %logistic3A_1223 = arith.negf %add3A_1222 : vector<64x512xf32>
    %logistic3A_1224 = math.exp %logistic3A_1223 : vector<64x512xf32>
    %logistic3A_1225 = arith.constant 1.000000e+00 : f32
    %logistic3A_1226 = vector.broadcast %logistic3A_1225 : f32 to vector<64x512xf32>
    %logistic3A_1227 = arith.addf %logistic3A_1226, %logistic3A_1224 : vector<64x512xf32>
    %logistic3A_1228 = arith.divf %logistic3A_1226, %logistic3A_1227 : vector<64x512xf32>
    %get3A_1229 = arith.constant 384 : i32
    %get3A_1230 = arith.constant 0 : i32
    %get3A_1231 = tpu.memref_slice %arg15[%get3A_1229, %get3A_1230] : memref<640x2048xbf16, #tpu.memory_space<vmem>> -> memref<64x2048xbf16, #tpu.memory_space<vmem>>
    %get3A_1232 = arith.constant 0 : index
    %get3A_1233 = arith.constant 512 : index
    %get3A_1234 = vector.load %get3A_1231[%get3A_1232, %get3A_1233] : memref<64x2048xbf16, #tpu.memory_space<vmem>>, vector<64x512xbf16>
    %convert_element_type3A_1235 = arith.extf %get3A_1234 : vector<64x512xbf16> to vector<64x512xf32>
    %get3A_1236 = arith.constant 512 : index
    %get3A_1237 = arith.constant 0 : index
    %get3A_1238 = vector.load %arg9[%get3A_1236, %get3A_1237] : memref<2048x512xbf16, #tpu.memory_space<vmem>>, vector<512x512xbf16>
    %dot_general3A_1239 = arith.constant dense<0.000000e+00> : vector<64x512xf32>
    %dot_general3A_1240 = tpu.matmul %convert_element_type3A_1209, %get3A_1238, %dot_general3A_1239 {dimension_numbers = #tpu.dot_dimension_numbers<[1], [1], [0], [0], [0, 0, 1, 0], [], []>, transpose_lhs_hint = false} : vector<64x512xbf16>, vector<512x512xbf16>, vector<64x512xf32> -> vector<64x512xf32>
    %add3A_1241 = arith.addf %convert_element_type3A_1235, %dot_general3A_1240 : vector<64x512xf32>
    %logistic3A_1242 = arith.negf %add3A_1241 : vector<64x512xf32>
    %logistic3A_1243 = math.exp %logistic3A_1242 : vector<64x512xf32>
    %logistic3A_1244 = arith.constant 1.000000e+00 : f32
    %logistic3A_1245 = vector.broadcast %logistic3A_1244 : f32 to vector<64x512xf32>
    %logistic3A_1246 = arith.addf %logistic3A_1245, %logistic3A_1243 : vector<64x512xf32>
    %logistic3A_1247 = arith.divf %logistic3A_1245, %logistic3A_1246 : vector<64x512xf32>
    %get3A_1248 = arith.constant 384 : i32
    %get3A_1249 = arith.constant 0 : i32
    %get3A_1250 = tpu.memref_slice %arg15[%get3A_1248, %get3A_1249] : memref<640x2048xbf16, #tpu.memory_space<vmem>> -> memref<64x2048xbf16, #tpu.memory_space<vmem>>
    %get3A_1251 = arith.constant 0 : index
    %get3A_1252 = arith.constant 1024 : index
    %get3A_1253 = vector.load %get3A_1250[%get3A_1251, %get3A_1252] : memref<64x2048xbf16, #tpu.memory_space<vmem>>, vector<64x512xbf16>
    %convert_element_type3A_1254 = arith.extf %get3A_1253 : vector<64x512xbf16> to vector<64x512xf32>
    %get3A_1255 = arith.constant 1024 : index
    %get3A_1256 = arith.constant 0 : index
    %get3A_1257 = vector.load %arg9[%get3A_1255, %get3A_1256] : memref<2048x512xbf16, #tpu.memory_space<vmem>>, vector<512x512xbf16>
    %dot_general3A_1258 = arith.constant dense<0.000000e+00> : vector<64x512xf32>
    %dot_general3A_1259 = tpu.matmul %convert_element_type3A_1209, %get3A_1257, %dot_general3A_1258 {dimension_numbers = #tpu.dot_dimension_numbers<[1], [1], [0], [0], [0, 0, 1, 0], [], []>, transpose_lhs_hint = false} : vector<64x512xbf16>, vector<512x512xbf16>, vector<64x512xf32> -> vector<64x512xf32>
    %add3A_1260 = arith.addf %convert_element_type3A_1254, %dot_general3A_1259 : vector<64x512xf32>
    %tanh3A_1261 = math.tanh %add3A_1260 : vector<64x512xf32>
    %get3A_1262 = arith.constant 384 : i32
    %get3A_1263 = arith.constant 0 : i32
    %get3A_1264 = tpu.memref_slice %arg15[%get3A_1262, %get3A_1263] : memref<640x2048xbf16, #tpu.memory_space<vmem>> -> memref<64x2048xbf16, #tpu.memory_space<vmem>>
    %get3A_1265 = arith.constant 0 : index
    %get3A_1266 = arith.constant 1536 : index
    %get3A_1267 = vector.load %get3A_1264[%get3A_1265, %get3A_1266] : memref<64x2048xbf16, #tpu.memory_space<vmem>>, vector<64x512xbf16>
    %convert_element_type3A_1268 = arith.extf %get3A_1267 : vector<64x512xbf16> to vector<64x512xf32>
    %get3A_1269 = arith.constant 1536 : index
    %get3A_1270 = arith.constant 0 : index
    %get3A_1271 = vector.load %arg9[%get3A_1269, %get3A_1270] : memref<2048x512xbf16, #tpu.memory_space<vmem>>, vector<512x512xbf16>
    %dot_general3A_1272 = arith.constant dense<0.000000e+00> : vector<64x512xf32>
    %dot_general3A_1273 = tpu.matmul %convert_element_type3A_1209, %get3A_1271, %dot_general3A_1272 {dimension_numbers = #tpu.dot_dimension_numbers<[1], [1], [0], [0], [0, 0, 1, 0], [], []>, transpose_lhs_hint = false} : vector<64x512xbf16>, vector<512x512xbf16>, vector<64x512xf32> -> vector<64x512xf32>
    %add3A_1274 = arith.addf %convert_element_type3A_1268, %dot_general3A_1273 : vector<64x512xf32>
    %logistic3A_1275 = arith.negf %add3A_1274 : vector<64x512xf32>
    %logistic3A_1276 = math.exp %logistic3A_1275 : vector<64x512xf32>
    %logistic3A_1277 = arith.constant 1.000000e+00 : f32
    %logistic3A_1278 = vector.broadcast %logistic3A_1277 : f32 to vector<64x512xf32>
    %logistic3A_1279 = arith.addf %logistic3A_1278, %logistic3A_1276 : vector<64x512xf32>
    %logistic3A_1280 = arith.divf %logistic3A_1278, %logistic3A_1279 : vector<64x512xf32>
    %get3A_1281 = arith.constant 0 : index
    %get3A_1282 = arith.constant 0 : index
    %get3A_1283 = vector.load %arg18[%get3A_1281, %get3A_1282] : memref<64x512xf32, #tpu.memory_space<vmem>>, vector<64x512xf32>
    %mul3A_1284 = arith.mulf %logistic3A_1247, %get3A_1283 : vector<64x512xf32>
    %mul3A_1285 = arith.mulf %logistic3A_1228, %tanh3A_1261 : vector<64x512xf32>
    %add3A_1286 = arith.addf %mul3A_1284, %mul3A_1285 : vector<64x512xf32>
    %tanh3A_1287 = math.tanh %add3A_1286 : vector<64x512xf32>
    %mul3A_1288 = arith.mulf %logistic3A_1280, %tanh3A_1287 : vector<64x512xf32>
    %swap3A_1289 = arith.constant 0 : index
    %swap3A_1290 = arith.constant 0 : index
    %swap3A_1291 = vector.load %arg18[%swap3A_1289, %swap3A_1290] : memref<64x512xf32, #tpu.memory_space<vmem>>, vector<64x512xf32>
    tpu.vector_store %arg18[%swap3A_1289, %swap3A_1290], %add3A_1286 {strides = array<i32>} : memref<64x512xf32, #tpu.memory_space<vmem>>, vector<64x512xf32>,
    %swap3A_1292 = arith.constant 0 : index
    %swap3A_1293 = arith.constant 0 : index
    %swap3A_1294 = vector.load %arg17[%swap3A_1292, %swap3A_1293] : memref<64x512xf32, #tpu.memory_space<vmem>>, vector<64x512xf32>
    tpu.vector_store %arg17[%swap3A_1292, %swap3A_1293], %mul3A_1288 {strides = array<i32>} : memref<64x512xf32, #tpu.memory_space<vmem>>, vector<64x512xf32>,
    %convert_element_type3A_1295 = arith.truncf %mul3A_1288 : vector<64x512xf32> to vector<64x512xbf16>
    %swap3A_1296 = arith.constant 6 : index
    %swap3A_1297 = arith.constant 0 : index
    %swap3A_1298 = arith.constant 0 : index
    %swap3A_1299 = vector.load %arg13[%swap3A_1296, %swap3A_1297, %swap3A_1298] : memref<10x64x512xbf16, #tpu.memory_space<vmem>>, vector<1x64x512xbf16>
    %swap3A_1300 = vector.shape_cast %swap3A_1299 : vector<1x64x512xbf16> to vector<64x512xbf16>
    %swap3A_1301 = vector.shape_cast %convert_element_type3A_1295 : vector<64x512xbf16> to vector<1x64x512xbf16>
    tpu.vector_store %arg13[%swap3A_1296, %swap3A_1297, %swap3A_1298], %swap3A_1301 {strides = array<i32>} : memref<10x64x512xbf16, #tpu.memory_space<vmem>>, vector<1x64x512xbf16>,
    %get3A_1302 = arith.constant 0 : index
    %get3A_1303 = arith.constant 0 : index
    %get3A_1304 = vector.load %arg19[%get3A_1302, %get3A_1303] : memref<64x512xf32, #tpu.memory_space<vmem>>, vector<64x512xf32>
    %convert_element_type3A_1305 = arith.truncf %get3A_1304 : vector<64x512xf32> to vector<64x512xbf16>
    %get3A_1306 = arith.constant 192 : i32
    %get3A_1307 = arith.constant 0 : i32
    %get3A_1308 = tpu.memref_slice %arg16[%get3A_1306, %get3A_1307] : memref<640x2048xbf16, #tpu.memory_space<vmem>> -> memref<64x2048xbf16, #tpu.memory_space<vmem>>
    %get3A_1309 = arith.constant 0 : index
    %get3A_1310 = arith.constant 0 : index
    %get3A_1311 = vector.load %get3A_1308[%get3A_1309, %get3A_1310] : memref<64x2048xbf16, #tpu.memory_space<vmem>>, vector<64x512xbf16>
    %convert_element_type3A_1312 = arith.extf %get3A_1311 : vector<64x512xbf16> to vector<64x512xf32>
    %get3A_1313 = arith.constant 0 : index
    %get3A_1314 = arith.constant 0 : index
    %get3A_1315 = vector.load %arg10[%get3A_1313, %get3A_1314] : memref<2048x512xbf16, #tpu.memory_space<vmem>>, vector<512x512xbf16>
    %dot_general3A_1316 = arith.constant dense<0.000000e+00> : vector<64x512xf32>
    %dot_general3A_1317 = tpu.matmul %convert_element_type3A_1305, %get3A_1315, %dot_general3A_1316 {dimension_numbers = #tpu.dot_dimension_numbers<[1], [1], [0], [0], [0, 0, 1, 0], [], []>, transpose_lhs_hint = false} : vector<64x512xbf16>, vector<512x512xbf16>, vector<64x512xf32> -> vector<64x512xf32>
    %add3A_1318 = arith.addf %convert_element_type3A_1312, %dot_general3A_1317 : vector<64x512xf32>
    %logistic3A_1319 = arith.negf %add3A_1318 : vector<64x512xf32>
    %logistic3A_1320 = math.exp %logistic3A_1319 : vector<64x512xf32>
    %logistic3A_1321 = arith.constant 1.000000e+00 : f32
    %logistic3A_1322 = vector.broadcast %logistic3A_1321 : f32 to vector<64x512xf32>
    %logistic3A_1323 = arith.addf %logistic3A_1322, %logistic3A_1320 : vector<64x512xf32>
    %logistic3A_1324 = arith.divf %logistic3A_1322, %logistic3A_1323 : vector<64x512xf32>
    %get3A_1325 = arith.constant 192 : i32
    %get3A_1326 = arith.constant 0 : i32
    %get3A_1327 = tpu.memref_slice %arg16[%get3A_1325, %get3A_1326] : memref<640x2048xbf16, #tpu.memory_space<vmem>> -> memref<64x2048xbf16, #tpu.memory_space<vmem>>
    %get3A_1328 = arith.constant 0 : index
    %get3A_1329 = arith.constant 512 : index
    %get3A_1330 = vector.load %get3A_1327[%get3A_1328, %get3A_1329] : memref<64x2048xbf16, #tpu.memory_space<vmem>>, vector<64x512xbf16>
    %convert_element_type3A_1331 = arith.extf %get3A_1330 : vector<64x512xbf16> to vector<64x512xf32>
    %get3A_1332 = arith.constant 512 : index
    %get3A_1333 = arith.constant 0 : index
    %get3A_1334 = vector.load %arg10[%get3A_1332, %get3A_1333] : memref<2048x512xbf16, #tpu.memory_space<vmem>>, vector<512x512xbf16>
    %dot_general3A_1335 = arith.constant dense<0.000000e+00> : vector<64x512xf32>
    %dot_general3A_1336 = tpu.matmul %convert_element_type3A_1305, %get3A_1334, %dot_general3A_1335 {dimension_numbers = #tpu.dot_dimension_numbers<[1], [1], [0], [0], [0, 0, 1, 0], [], []>, transpose_lhs_hint = false} : vector<64x512xbf16>, vector<512x512xbf16>, vector<64x512xf32> -> vector<64x512xf32>
    %add3A_1337 = arith.addf %convert_element_type3A_1331, %dot_general3A_1336 : vector<64x512xf32>
    %logistic3A_1338 = arith.negf %add3A_1337 : vector<64x512xf32>
    %logistic3A_1339 = math.exp %logistic3A_1338 : vector<64x512xf32>
    %logistic3A_1340 = arith.constant 1.000000e+00 : f32
    %logistic3A_1341 = vector.broadcast %logistic3A_1340 : f32 to vector<64x512xf32>
    %logistic3A_1342 = arith.addf %logistic3A_1341, %logistic3A_1339 : vector<64x512xf32>
    %logistic3A_1343 = arith.divf %logistic3A_1341, %logistic3A_1342 : vector<64x512xf32>
    %get3A_1344 = arith.constant 192 : i32
    %get3A_1345 = arith.constant 0 : i32
    %get3A_1346 = tpu.memref_slice %arg16[%get3A_1344, %get3A_1345] : memref<640x2048xbf16, #tpu.memory_space<vmem>> -> memref<64x2048xbf16, #tpu.memory_space<vmem>>
    %get3A_1347 = arith.constant 0 : index
    %get3A_1348 = arith.constant 1024 : index
    %get3A_1349 = vector.load %get3A_1346[%get3A_1347, %get3A_1348] : memref<64x2048xbf16, #tpu.memory_space<vmem>>, vector<64x512xbf16>
    %convert_element_type3A_1350 = arith.extf %get3A_1349 : vector<64x512xbf16> to vector<64x512xf32>
    %get3A_1351 = arith.constant 1024 : index
    %get3A_1352 = arith.constant 0 : index
    %get3A_1353 = vector.load %arg10[%get3A_1351, %get3A_1352] : memref<2048x512xbf16, #tpu.memory_space<vmem>>, vector<512x512xbf16>
    %dot_general3A_1354 = arith.constant dense<0.000000e+00> : vector<64x512xf32>
    %dot_general3A_1355 = tpu.matmul %convert_element_type3A_1305, %get3A_1353, %dot_general3A_1354 {dimension_numbers = #tpu.dot_dimension_numbers<[1], [1], [0], [0], [0, 0, 1, 0], [], []>, transpose_lhs_hint = false} : vector<64x512xbf16>, vector<512x512xbf16>, vector<64x512xf32> -> vector<64x512xf32>
    %add3A_1356 = arith.addf %convert_element_type3A_1350, %dot_general3A_1355 : vector<64x512xf32>
    %tanh3A_1357 = math.tanh %add3A_1356 : vector<64x512xf32>
    %get3A_1358 = arith.constant 192 : i32
    %get3A_1359 = arith.constant 0 : i32
    %get3A_1360 = tpu.memref_slice %arg16[%get3A_1358, %get3A_1359] : memref<640x2048xbf16, #tpu.memory_space<vmem>> -> memref<64x2048xbf16, #tpu.memory_space<vmem>>
    %get3A_1361 = arith.constant 0 : index
    %get3A_1362 = arith.constant 1536 : index
    %get3A_1363 = vector.load %get3A_1360[%get3A_1361, %get3A_1362] : memref<64x2048xbf16, #tpu.memory_space<vmem>>, vector<64x512xbf16>
    %convert_element_type3A_1364 = arith.extf %get3A_1363 : vector<64x512xbf16> to vector<64x512xf32>
    %get3A_1365 = arith.constant 1536 : index
    %get3A_1366 = arith.constant 0 : index
    %get3A_1367 = vector.load %arg10[%get3A_1365, %get3A_1366] : memref<2048x512xbf16, #tpu.memory_space<vmem>>, vector<512x512xbf16>
    %dot_general3A_1368 = arith.constant dense<0.000000e+00> : vector<64x512xf32>
    %dot_general3A_1369 = tpu.matmul %convert_element_type3A_1305, %get3A_1367, %dot_general3A_1368 {dimension_numbers = #tpu.dot_dimension_numbers<[1], [1], [0], [0], [0, 0, 1, 0], [], []>, transpose_lhs_hint = false} : vector<64x512xbf16>, vector<512x512xbf16>, vector<64x512xf32> -> vector<64x512xf32>
    %add3A_1370 = arith.addf %convert_element_type3A_1364, %dot_general3A_1369 : vector<64x512xf32>
    %logistic3A_1371 = arith.negf %add3A_1370 : vector<64x512xf32>
    %logistic3A_1372 = math.exp %logistic3A_1371 : vector<64x512xf32>
    %logistic3A_1373 = arith.constant 1.000000e+00 : f32
    %logistic3A_1374 = vector.broadcast %logistic3A_1373 : f32 to vector<64x512xf32>
    %logistic3A_1375 = arith.addf %logistic3A_1374, %logistic3A_1372 : vector<64x512xf32>
    %logistic3A_1376 = arith.divf %logistic3A_1374, %logistic3A_1375 : vector<64x512xf32>
    %get3A_1377 = arith.constant 0 : index
    %get3A_1378 = arith.constant 0 : index
    %get3A_1379 = vector.load %arg20[%get3A_1377, %get3A_1378] : memref<64x512xf32, #tpu.memory_space<vmem>>, vector<64x512xf32>
    %mul3A_1380 = arith.mulf %logistic3A_1343, %get3A_1379 : vector<64x512xf32>
    %mul3A_1381 = arith.mulf %logistic3A_1324, %tanh3A_1357 : vector<64x512xf32>
    %add3A_1382 = arith.addf %mul3A_1380, %mul3A_1381 : vector<64x512xf32>
    %tanh3A_1383 = math.tanh %add3A_1382 : vector<64x512xf32>
    %mul3A_1384 = arith.mulf %logistic3A_1376, %tanh3A_1383 : vector<64x512xf32>
    %swap3A_1385 = arith.constant 0 : index
    %swap3A_1386 = arith.constant 0 : index
    %swap3A_1387 = vector.load %arg20[%swap3A_1385, %swap3A_1386] : memref<64x512xf32, #tpu.memory_space<vmem>>, vector<64x512xf32>
    tpu.vector_store %arg20[%swap3A_1385, %swap3A_1386], %add3A_1382 {strides = array<i32>} : memref<64x512xf32, #tpu.memory_space<vmem>>, vector<64x512xf32>,
    %swap3A_1388 = arith.constant 0 : index
    %swap3A_1389 = arith.constant 0 : index
    %swap3A_1390 = vector.load %arg19[%swap3A_1388, %swap3A_1389] : memref<64x512xf32, #tpu.memory_space<vmem>>, vector<64x512xf32>
    tpu.vector_store %arg19[%swap3A_1388, %swap3A_1389], %mul3A_1384 {strides = array<i32>} : memref<64x512xf32, #tpu.memory_space<vmem>>, vector<64x512xf32>,
    %convert_element_type3A_1391 = arith.truncf %mul3A_1384 : vector<64x512xf32> to vector<64x512xbf16>
    %swap3A_1392 = arith.constant 3 : index
    %swap3A_1393 = arith.constant 0 : index
    %swap3A_1394 = arith.constant 0 : index
    %swap3A_1395 = vector.load %arg14[%swap3A_1392, %swap3A_1393, %swap3A_1394] : memref<10x64x512xbf16, #tpu.memory_space<vmem>>, vector<1x64x512xbf16>
    %swap3A_1396 = vector.shape_cast %swap3A_1395 : vector<1x64x512xbf16> to vector<64x512xbf16>
    %swap3A_1397 = vector.shape_cast %convert_element_type3A_1391 : vector<64x512xbf16> to vector<1x64x512xbf16>
    tpu.vector_store %arg14[%swap3A_1392, %swap3A_1393, %swap3A_1394], %swap3A_1397 {strides = array<i32>} : memref<10x64x512xbf16, #tpu.memory_space<vmem>>, vector<1x64x512xbf16>,
    %get3A_1398 = arith.constant 0 : index
    %get3A_1399 = arith.constant 0 : index
    %get3A_1400 = vector.load %arg17[%get3A_1398, %get3A_1399] : memref<64x512xf32, #tpu.memory_space<vmem>>, vector<64x512xf32>
    %convert_element_type3A_1401 = arith.truncf %get3A_1400 : vector<64x512xf32> to vector<64x512xbf16>
    %get3A_1402 = arith.constant 448 : i32
    %get3A_1403 = arith.constant 0 : i32
    %get3A_1404 = tpu.memref_slice %arg15[%get3A_1402, %get3A_1403] : memref<640x2048xbf16, #tpu.memory_space<vmem>> -> memref<64x2048xbf16, #tpu.memory_space<vmem>>
    %get3A_1405 = arith.constant 0 : index
    %get3A_1406 = arith.constant 0 : index
    %get3A_1407 = vector.load %get3A_1404[%get3A_1405, %get3A_1406] : memref<64x2048xbf16, #tpu.memory_space<vmem>>, vector<64x512xbf16>
    %convert_element_type3A_1408 = arith.extf %get3A_1407 : vector<64x512xbf16> to vector<64x512xf32>
    %get3A_1409 = arith.constant 0 : index
    %get3A_1410 = arith.constant 0 : index
    %get3A_1411 = vector.load %arg9[%get3A_1409, %get3A_1410] : memref<2048x512xbf16, #tpu.memory_space<vmem>>, vector<512x512xbf16>
    %dot_general3A_1412 = arith.constant dense<0.000000e+00> : vector<64x512xf32>
    %dot_general3A_1413 = tpu.matmul %convert_element_type3A_1401, %get3A_1411, %dot_general3A_1412 {dimension_numbers = #tpu.dot_dimension_numbers<[1], [1], [0], [0], [0, 0, 1, 0], [], []>, transpose_lhs_hint = false} : vector<64x512xbf16>, vector<512x512xbf16>, vector<64x512xf32> -> vector<64x512xf32>
    %add3A_1414 = arith.addf %convert_element_type3A_1408, %dot_general3A_1413 : vector<64x512xf32>
    %logistic3A_1415 = arith.negf %add3A_1414 : vector<64x512xf32>
    %logistic3A_1416 = math.exp %logistic3A_1415 : vector<64x512xf32>
    %logistic3A_1417 = arith.constant 1.000000e+00 : f32
    %logistic3A_1418 = vector.broadcast %logistic3A_1417 : f32 to vector<64x512xf32>
    %logistic3A_1419 = arith.addf %logistic3A_1418, %logistic3A_1416 : vector<64x512xf32>
    %logistic3A_1420 = arith.divf %logistic3A_1418, %logistic3A_1419 : vector<64x512xf32>
    %get3A_1421 = arith.constant 448 : i32
    %get3A_1422 = arith.constant 0 : i32
    %get3A_1423 = tpu.memref_slice %arg15[%get3A_1421, %get3A_1422] : memref<640x2048xbf16, #tpu.memory_space<vmem>> -> memref<64x2048xbf16, #tpu.memory_space<vmem>>
    %get3A_1424 = arith.constant 0 : index
    %get3A_1425 = arith.constant 512 : index
    %get3A_1426 = vector.load %get3A_1423[%get3A_1424, %get3A_1425] : memref<64x2048xbf16, #tpu.memory_space<vmem>>, vector<64x512xbf16>
    %convert_element_type3A_1427 = arith.extf %get3A_1426 : vector<64x512xbf16> to vector<64x512xf32>
    %get3A_1428 = arith.constant 512 : index
    %get3A_1429 = arith.constant 0 : index
    %get3A_1430 = vector.load %arg9[%get3A_1428, %get3A_1429] : memref<2048x512xbf16, #tpu.memory_space<vmem>>, vector<512x512xbf16>
    %dot_general3A_1431 = arith.constant dense<0.000000e+00> : vector<64x512xf32>
    %dot_general3A_1432 = tpu.matmul %convert_element_type3A_1401, %get3A_1430, %dot_general3A_1431 {dimension_numbers = #tpu.dot_dimension_numbers<[1], [1], [0], [0], [0, 0, 1, 0], [], []>, transpose_lhs_hint = false} : vector<64x512xbf16>, vector<512x512xbf16>, vector<64x512xf32> -> vector<64x512xf32>
    %add3A_1433 = arith.addf %convert_element_type3A_1427, %dot_general3A_1432 : vector<64x512xf32>
    %logistic3A_1434 = arith.negf %add3A_1433 : vector<64x512xf32>
    %logistic3A_1435 = math.exp %logistic3A_1434 : vector<64x512xf32>
    %logistic3A_1436 = arith.constant 1.000000e+00 : f32
    %logistic3A_1437 = vector.broadcast %logistic3A_1436 : f32 to vector<64x512xf32>
    %logistic3A_1438 = arith.addf %logistic3A_1437, %logistic3A_1435 : vector<64x512xf32>
    %logistic3A_1439 = arith.divf %logistic3A_1437, %logistic3A_1438 : vector<64x512xf32>
    %get3A_1440 = arith.constant 448 : i32
    %get3A_1441 = arith.constant 0 : i32
    %get3A_1442 = tpu.memref_slice %arg15[%get3A_1440, %get3A_1441] : memref<640x2048xbf16, #tpu.memory_space<vmem>> -> memref<64x2048xbf16, #tpu.memory_space<vmem>>
    %get3A_1443 = arith.constant 0 : index
    %get3A_1444 = arith.constant 1024 : index
    %get3A_1445 = vector.load %get3A_1442[%get3A_1443, %get3A_1444] : memref<64x2048xbf16, #tpu.memory_space<vmem>>, vector<64x512xbf16>
    %convert_element_type3A_1446 = arith.extf %get3A_1445 : vector<64x512xbf16> to vector<64x512xf32>
    %get3A_1447 = arith.constant 1024 : index
    %get3A_1448 = arith.constant 0 : index
    %get3A_1449 = vector.load %arg9[%get3A_1447, %get3A_1448] : memref<2048x512xbf16, #tpu.memory_space<vmem>>, vector<512x512xbf16>
    %dot_general3A_1450 = arith.constant dense<0.000000e+00> : vector<64x512xf32>
    %dot_general3A_1451 = tpu.matmul %convert_element_type3A_1401, %get3A_1449, %dot_general3A_1450 {dimension_numbers = #tpu.dot_dimension_numbers<[1], [1], [0], [0], [0, 0, 1, 0], [], []>, transpose_lhs_hint = false} : vector<64x512xbf16>, vector<512x512xbf16>, vector<64x512xf32> -> vector<64x512xf32>
    %add3A_1452 = arith.addf %convert_element_type3A_1446, %dot_general3A_1451 : vector<64x512xf32>
    %tanh3A_1453 = math.tanh %add3A_1452 : vector<64x512xf32>
    %get3A_1454 = arith.constant 448 : i32
    %get3A_1455 = arith.constant 0 : i32
    %get3A_1456 = tpu.memref_slice %arg15[%get3A_1454, %get3A_1455] : memref<640x2048xbf16, #tpu.memory_space<vmem>> -> memref<64x2048xbf16, #tpu.memory_space<vmem>>
    %get3A_1457 = arith.constant 0 : index
    %get3A_1458 = arith.constant 1536 : index
    %get3A_1459 = vector.load %get3A_1456[%get3A_1457, %get3A_1458] : memref<64x2048xbf16, #tpu.memory_space<vmem>>, vector<64x512xbf16>
    %convert_element_type3A_1460 = arith.extf %get3A_1459 : vector<64x512xbf16> to vector<64x512xf32>
    %get3A_1461 = arith.constant 1536 : index
    %get3A_1462 = arith.constant 0 : index
    %get3A_1463 = vector.load %arg9[%get3A_1461, %get3A_1462] : memref<2048x512xbf16, #tpu.memory_space<vmem>>, vector<512x512xbf16>
    %dot_general3A_1464 = arith.constant dense<0.000000e+00> : vector<64x512xf32>
    %dot_general3A_1465 = tpu.matmul %convert_element_type3A_1401, %get3A_1463, %dot_general3A_1464 {dimension_numbers = #tpu.dot_dimension_numbers<[1], [1], [0], [0], [0, 0, 1, 0], [], []>, transpose_lhs_hint = false} : vector<64x512xbf16>, vector<512x512xbf16>, vector<64x512xf32> -> vector<64x512xf32>
    %add3A_1466 = arith.addf %convert_element_type3A_1460, %dot_general3A_1465 : vector<64x512xf32>
    %logistic3A_1467 = arith.negf %add3A_1466 : vector<64x512xf32>
    %logistic3A_1468 = math.exp %logistic3A_1467 : vector<64x512xf32>
    %logistic3A_1469 = arith.constant 1.000000e+00 : f32
    %logistic3A_1470 = vector.broadcast %logistic3A_1469 : f32 to vector<64x512xf32>
    %logistic3A_1471 = arith.addf %logistic3A_1470, %logistic3A_1468 : vector<64x512xf32>
    %logistic3A_1472 = arith.divf %logistic3A_1470, %logistic3A_1471 : vector<64x512xf32>
    %get3A_1473 = arith.constant 0 : index
    %get3A_1474 = arith.constant 0 : index
    %get3A_1475 = vector.load %arg18[%get3A_1473, %get3A_1474] : memref<64x512xf32, #tpu.memory_space<vmem>>, vector<64x512xf32>
    %mul3A_1476 = arith.mulf %logistic3A_1439, %get3A_1475 : vector<64x512xf32>
    %mul3A_1477 = arith.mulf %logistic3A_1420, %tanh3A_1453 : vector<64x512xf32>
    %add3A_1478 = arith.addf %mul3A_1476, %mul3A_1477 : vector<64x512xf32>
    %tanh3A_1479 = math.tanh %add3A_1478 : vector<64x512xf32>
    %mul3A_1480 = arith.mulf %logistic3A_1472, %tanh3A_1479 : vector<64x512xf32>
    %swap3A_1481 = arith.constant 0 : index
    %swap3A_1482 = arith.constant 0 : index
    %swap3A_1483 = vector.load %arg18[%swap3A_1481, %swap3A_1482] : memref<64x512xf32, #tpu.memory_space<vmem>>, vector<64x512xf32>
    tpu.vector_store %arg18[%swap3A_1481, %swap3A_1482], %add3A_1478 {strides = array<i32>} : memref<64x512xf32, #tpu.memory_space<vmem>>, vector<64x512xf32>,
    %swap3A_1484 = arith.constant 0 : index
    %swap3A_1485 = arith.constant 0 : index
    %swap3A_1486 = vector.load %arg17[%swap3A_1484, %swap3A_1485] : memref<64x512xf32, #tpu.memory_space<vmem>>, vector<64x512xf32>
    tpu.vector_store %arg17[%swap3A_1484, %swap3A_1485], %mul3A_1480 {strides = array<i32>} : memref<64x512xf32, #tpu.memory_space<vmem>>, vector<64x512xf32>,
    %convert_element_type3A_1487 = arith.truncf %mul3A_1480 : vector<64x512xf32> to vector<64x512xbf16>
    %swap3A_1488 = arith.constant 7 : index
    %swap3A_1489 = arith.constant 0 : index
    %swap3A_1490 = arith.constant 0 : index
    %swap3A_1491 = vector.load %arg13[%swap3A_1488, %swap3A_1489, %swap3A_1490] : memref<10x64x512xbf16, #tpu.memory_space<vmem>>, vector<1x64x512xbf16>
    %swap3A_1492 = vector.shape_cast %swap3A_1491 : vector<1x64x512xbf16> to vector<64x512xbf16>
    %swap3A_1493 = vector.shape_cast %convert_element_type3A_1487 : vector<64x512xbf16> to vector<1x64x512xbf16>
    tpu.vector_store %arg13[%swap3A_1488, %swap3A_1489, %swap3A_1490], %swap3A_1493 {strides = array<i32>} : memref<10x64x512xbf16, #tpu.memory_space<vmem>>, vector<1x64x512xbf16>,
    %get3A_1494 = arith.constant 0 : index
    %get3A_1495 = arith.constant 0 : index
    %get3A_1496 = vector.load %arg19[%get3A_1494, %get3A_1495] : memref<64x512xf32, #tpu.memory_space<vmem>>, vector<64x512xf32>
    %convert_element_type3A_1497 = arith.truncf %get3A_1496 : vector<64x512xf32> to vector<64x512xbf16>
    %get3A_1498 = arith.constant 128 : i32
    %get3A_1499 = arith.constant 0 : i32
    %get3A_1500 = tpu.memref_slice %arg16[%get3A_1498, %get3A_1499] : memref<640x2048xbf16, #tpu.memory_space<vmem>> -> memref<64x2048xbf16, #tpu.memory_space<vmem>>
    %get3A_1501 = arith.constant 0 : index
    %get3A_1502 = arith.constant 0 : index
    %get3A_1503 = vector.load %get3A_1500[%get3A_1501, %get3A_1502] : memref<64x2048xbf16, #tpu.memory_space<vmem>>, vector<64x512xbf16>
    %convert_element_type3A_1504 = arith.extf %get3A_1503 : vector<64x512xbf16> to vector<64x512xf32>
    %get3A_1505 = arith.constant 0 : index
    %get3A_1506 = arith.constant 0 : index
    %get3A_1507 = vector.load %arg10[%get3A_1505, %get3A_1506] : memref<2048x512xbf16, #tpu.memory_space<vmem>>, vector<512x512xbf16>
    %dot_general3A_1508 = arith.constant dense<0.000000e+00> : vector<64x512xf32>
    %dot_general3A_1509 = tpu.matmul %convert_element_type3A_1497, %get3A_1507, %dot_general3A_1508 {dimension_numbers = #tpu.dot_dimension_numbers<[1], [1], [0], [0], [0, 0, 1, 0], [], []>, transpose_lhs_hint = false} : vector<64x512xbf16>, vector<512x512xbf16>, vector<64x512xf32> -> vector<64x512xf32>
    %add3A_1510 = arith.addf %convert_element_type3A_1504, %dot_general3A_1509 : vector<64x512xf32>
    %logistic3A_1511 = arith.negf %add3A_1510 : vector<64x512xf32>
    %logistic3A_1512 = math.exp %logistic3A_1511 : vector<64x512xf32>
    %logistic3A_1513 = arith.constant 1.000000e+00 : f32
    %logistic3A_1514 = vector.broadcast %logistic3A_1513 : f32 to vector<64x512xf32>
    %logistic3A_1515 = arith.addf %logistic3A_1514, %logistic3A_1512 : vector<64x512xf32>
    %logistic3A_1516 = arith.divf %logistic3A_1514, %logistic3A_1515 : vector<64x512xf32>
    %get3A_1517 = arith.constant 128 : i32
    %get3A_1518 = arith.constant 0 : i32
    %get3A_1519 = tpu.memref_slice %arg16[%get3A_1517, %get3A_1518] : memref<640x2048xbf16, #tpu.memory_space<vmem>> -> memref<64x2048xbf16, #tpu.memory_space<vmem>>
    %get3A_1520 = arith.constant 0 : index
    %get3A_1521 = arith.constant 512 : index
    %get3A_1522 = vector.load %get3A_1519[%get3A_1520, %get3A_1521] : memref<64x2048xbf16, #tpu.memory_space<vmem>>, vector<64x512xbf16>
    %convert_element_type3A_1523 = arith.extf %get3A_1522 : vector<64x512xbf16> to vector<64x512xf32>
    %get3A_1524 = arith.constant 512 : index
    %get3A_1525 = arith.constant 0 : index
    %get3A_1526 = vector.load %arg10[%get3A_1524, %get3A_1525] : memref<2048x512xbf16, #tpu.memory_space<vmem>>, vector<512x512xbf16>
    %dot_general3A_1527 = arith.constant dense<0.000000e+00> : vector<64x512xf32>
    %dot_general3A_1528 = tpu.matmul %convert_element_type3A_1497, %get3A_1526, %dot_general3A_1527 {dimension_numbers = #tpu.dot_dimension_numbers<[1], [1], [0], [0], [0, 0, 1, 0], [], []>, transpose_lhs_hint = false} : vector<64x512xbf16>, vector<512x512xbf16>, vector<64x512xf32> -> vector<64x512xf32>
    %add3A_1529 = arith.addf %convert_element_type3A_1523, %dot_general3A_1528 : vector<64x512xf32>
    %logistic3A_1530 = arith.negf %add3A_1529 : vector<64x512xf32>
    %logistic3A_1531 = math.exp %logistic3A_1530 : vector<64x512xf32>
    %logistic3A_1532 = arith.constant 1.000000e+00 : f32
    %logistic3A_1533 = vector.broadcast %logistic3A_1532 : f32 to vector<64x512xf32>
    %logistic3A_1534 = arith.addf %logistic3A_1533, %logistic3A_1531 : vector<64x512xf32>
    %logistic3A_1535 = arith.divf %logistic3A_1533, %logistic3A_1534 : vector<64x512xf32>
    %get3A_1536 = arith.constant 128 : i32
    %get3A_1537 = arith.constant 0 : i32
    %get3A_1538 = tpu.memref_slice %arg16[%get3A_1536, %get3A_1537] : memref<640x2048xbf16, #tpu.memory_space<vmem>> -> memref<64x2048xbf16, #tpu.memory_space<vmem>>
    %get3A_1539 = arith.constant 0 : index
    %get3A_1540 = arith.constant 1024 : index
    %get3A_1541 = vector.load %get3A_1538[%get3A_1539, %get3A_1540] : memref<64x2048xbf16, #tpu.memory_space<vmem>>, vector<64x512xbf16>
    %convert_element_type3A_1542 = arith.extf %get3A_1541 : vector<64x512xbf16> to vector<64x512xf32>
    %get3A_1543 = arith.constant 1024 : index
    %get3A_1544 = arith.constant 0 : index
    %get3A_1545 = vector.load %arg10[%get3A_1543, %get3A_1544] : memref<2048x512xbf16, #tpu.memory_space<vmem>>, vector<512x512xbf16>
    %dot_general3A_1546 = arith.constant dense<0.000000e+00> : vector<64x512xf32>
    %dot_general3A_1547 = tpu.matmul %convert_element_type3A_1497, %get3A_1545, %dot_general3A_1546 {dimension_numbers = #tpu.dot_dimension_numbers<[1], [1], [0], [0], [0, 0, 1, 0], [], []>, transpose_lhs_hint = false} : vector<64x512xbf16>, vector<512x512xbf16>, vector<64x512xf32> -> vector<64x512xf32>
    %add3A_1548 = arith.addf %convert_element_type3A_1542, %dot_general3A_1547 : vector<64x512xf32>
    %tanh3A_1549 = math.tanh %add3A_1548 : vector<64x512xf32>
    %get3A_1550 = arith.constant 128 : i32
    %get3A_1551 = arith.constant 0 : i32
    %get3A_1552 = tpu.memref_slice %arg16[%get3A_1550, %get3A_1551] : memref<640x2048xbf16, #tpu.memory_space<vmem>> -> memref<64x2048xbf16, #tpu.memory_space<vmem>>
    %get3A_1553 = arith.constant 0 : index
    %get3A_1554 = arith.constant 1536 : index
    %get3A_1555 = vector.load %get3A_1552[%get3A_1553, %get3A_1554] : memref<64x2048xbf16, #tpu.memory_space<vmem>>, vector<64x512xbf16>
    %convert_element_type3A_1556 = arith.extf %get3A_1555 : vector<64x512xbf16> to vector<64x512xf32>
    %get3A_1557 = arith.constant 1536 : index
    %get3A_1558 = arith.constant 0 : index
    %get3A_1559 = vector.load %arg10[%get3A_1557, %get3A_1558] : memref<2048x512xbf16, #tpu.memory_space<vmem>>, vector<512x512xbf16>
    %dot_general3A_1560 = arith.constant dense<0.000000e+00> : vector<64x512xf32>
    %dot_general3A_1561 = tpu.matmul %convert_element_type3A_1497, %get3A_1559, %dot_general3A_1560 {dimension_numbers = #tpu.dot_dimension_numbers<[1], [1], [0], [0], [0, 0, 1, 0], [], []>, transpose_lhs_hint = false} : vector<64x512xbf16>, vector<512x512xbf16>, vector<64x512xf32> -> vector<64x512xf32>
    %add3A_1562 = arith.addf %convert_element_type3A_1556, %dot_general3A_1561 : vector<64x512xf32>
    %logistic3A_1563 = arith.negf %add3A_1562 : vector<64x512xf32>
    %logistic3A_1564 = math.exp %logistic3A_1563 : vector<64x512xf32>
    %logistic3A_1565 = arith.constant 1.000000e+00 : f32
    %logistic3A_1566 = vector.broadcast %logistic3A_1565 : f32 to vector<64x512xf32>
    %logistic3A_1567 = arith.addf %logistic3A_1566, %logistic3A_1564 : vector<64x512xf32>
    %logistic3A_1568 = arith.divf %logistic3A_1566, %logistic3A_1567 : vector<64x512xf32>
    %get3A_1569 = arith.constant 0 : index
    %get3A_1570 = arith.constant 0 : index
    %get3A_1571 = vector.load %arg20[%get3A_1569, %get3A_1570] : memref<64x512xf32, #tpu.memory_space<vmem>>, vector<64x512xf32>
    %mul3A_1572 = arith.mulf %logistic3A_1535, %get3A_1571 : vector<64x512xf32>
    %mul3A_1573 = arith.mulf %logistic3A_1516, %tanh3A_1549 : vector<64x512xf32>
    %add3A_1574 = arith.addf %mul3A_1572, %mul3A_1573 : vector<64x512xf32>
    %tanh3A_1575 = math.tanh %add3A_1574 : vector<64x512xf32>
    %mul3A_1576 = arith.mulf %logistic3A_1568, %tanh3A_1575 : vector<64x512xf32>
    %swap3A_1577 = arith.constant 0 : index
    %swap3A_1578 = arith.constant 0 : index
    %swap3A_1579 = vector.load %arg20[%swap3A_1577, %swap3A_1578] : memref<64x512xf32, #tpu.memory_space<vmem>>, vector<64x512xf32>
    tpu.vector_store %arg20[%swap3A_1577, %swap3A_1578], %add3A_1574 {strides = array<i32>} : memref<64x512xf32, #tpu.memory_space<vmem>>, vector<64x512xf32>,
    %swap3A_1580 = arith.constant 0 : index
    %swap3A_1581 = arith.constant 0 : index
    %swap3A_1582 = vector.load %arg19[%swap3A_1580, %swap3A_1581] : memref<64x512xf32, #tpu.memory_space<vmem>>, vector<64x512xf32>
    tpu.vector_store %arg19[%swap3A_1580, %swap3A_1581], %mul3A_1576 {strides = array<i32>} : memref<64x512xf32, #tpu.memory_space<vmem>>, vector<64x512xf32>,
    %convert_element_type3A_1583 = arith.truncf %mul3A_1576 : vector<64x512xf32> to vector<64x512xbf16>
    %swap3A_1584 = arith.constant 2 : index
    %swap3A_1585 = arith.constant 0 : index
    %swap3A_1586 = arith.constant 0 : index
    %swap3A_1587 = vector.load %arg14[%swap3A_1584, %swap3A_1585, %swap3A_1586] : memref<10x64x512xbf16, #tpu.memory_space<vmem>>, vector<1x64x512xbf16>
    %swap3A_1588 = vector.shape_cast %swap3A_1587 : vector<1x64x512xbf16> to vector<64x512xbf16>
    %swap3A_1589 = vector.shape_cast %convert_element_type3A_1583 : vector<64x512xbf16> to vector<1x64x512xbf16>
    tpu.vector_store %arg14[%swap3A_1584, %swap3A_1585, %swap3A_1586], %swap3A_1589 {strides = array<i32>} : memref<10x64x512xbf16, #tpu.memory_space<vmem>>, vector<1x64x512xbf16>,
    %get3A_1590 = arith.constant 0 : index
    %get3A_1591 = arith.constant 0 : index
    %get3A_1592 = vector.load %arg17[%get3A_1590, %get3A_1591] : memref<64x512xf32, #tpu.memory_space<vmem>>, vector<64x512xf32>
    %convert_element_type3A_1593 = arith.truncf %get3A_1592 : vector<64x512xf32> to vector<64x512xbf16>
    %get3A_1594 = arith.constant 512 : i32
    %get3A_1595 = arith.constant 0 : i32
    %get3A_1596 = tpu.memref_slice %arg15[%get3A_1594, %get3A_1595] : memref<640x2048xbf16, #tpu.memory_space<vmem>> -> memref<64x2048xbf16, #tpu.memory_space<vmem>>
    %get3A_1597 = arith.constant 0 : index
    %get3A_1598 = arith.constant 0 : index
    %get3A_1599 = vector.load %get3A_1596[%get3A_1597, %get3A_1598] : memref<64x2048xbf16, #tpu.memory_space<vmem>>, vector<64x512xbf16>
    %convert_element_type3A_1600 = arith.extf %get3A_1599 : vector<64x512xbf16> to vector<64x512xf32>
    %get3A_1601 = arith.constant 0 : index
    %get3A_1602 = arith.constant 0 : index
    %get3A_1603 = vector.load %arg9[%get3A_1601, %get3A_1602] : memref<2048x512xbf16, #tpu.memory_space<vmem>>, vector<512x512xbf16>
    %dot_general3A_1604 = arith.constant dense<0.000000e+00> : vector<64x512xf32>
    %dot_general3A_1605 = tpu.matmul %convert_element_type3A_1593, %get3A_1603, %dot_general3A_1604 {dimension_numbers = #tpu.dot_dimension_numbers<[1], [1], [0], [0], [0, 0, 1, 0], [], []>, transpose_lhs_hint = false} : vector<64x512xbf16>, vector<512x512xbf16>, vector<64x512xf32> -> vector<64x512xf32>
    %add3A_1606 = arith.addf %convert_element_type3A_1600, %dot_general3A_1605 : vector<64x512xf32>
    %logistic3A_1607 = arith.negf %add3A_1606 : vector<64x512xf32>
    %logistic3A_1608 = math.exp %logistic3A_1607 : vector<64x512xf32>
    %logistic3A_1609 = arith.constant 1.000000e+00 : f32
    %logistic3A_1610 = vector.broadcast %logistic3A_1609 : f32 to vector<64x512xf32>
    %logistic3A_1611 = arith.addf %logistic3A_1610, %logistic3A_1608 : vector<64x512xf32>
    %logistic3A_1612 = arith.divf %logistic3A_1610, %logistic3A_1611 : vector<64x512xf32>
    %get3A_1613 = arith.constant 512 : i32
    %get3A_1614 = arith.constant 0 : i32
    %get3A_1615 = tpu.memref_slice %arg15[%get3A_1613, %get3A_1614] : memref<640x2048xbf16, #tpu.memory_space<vmem>> -> memref<64x2048xbf16, #tpu.memory_space<vmem>>
    %get3A_1616 = arith.constant 0 : index
    %get3A_1617 = arith.constant 512 : index
    %get3A_1618 = vector.load %get3A_1615[%get3A_1616, %get3A_1617] : memref<64x2048xbf16, #tpu.memory_space<vmem>>, vector<64x512xbf16>
    %convert_element_type3A_1619 = arith.extf %get3A_1618 : vector<64x512xbf16> to vector<64x512xf32>
    %get3A_1620 = arith.constant 512 : index
    %get3A_1621 = arith.constant 0 : index
    %get3A_1622 = vector.load %arg9[%get3A_1620, %get3A_1621] : memref<2048x512xbf16, #tpu.memory_space<vmem>>, vector<512x512xbf16>
    %dot_general3A_1623 = arith.constant dense<0.000000e+00> : vector<64x512xf32>
    %dot_general3A_1624 = tpu.matmul %convert_element_type3A_1593, %get3A_1622, %dot_general3A_1623 {dimension_numbers = #tpu.dot_dimension_numbers<[1], [1], [0], [0], [0, 0, 1, 0], [], []>, transpose_lhs_hint = false} : vector<64x512xbf16>, vector<512x512xbf16>, vector<64x512xf32> -> vector<64x512xf32>
    %add3A_1625 = arith.addf %convert_element_type3A_1619, %dot_general3A_1624 : vector<64x512xf32>
    %logistic3A_1626 = arith.negf %add3A_1625 : vector<64x512xf32>
    %logistic3A_1627 = math.exp %logistic3A_1626 : vector<64x512xf32>
    %logistic3A_1628 = arith.constant 1.000000e+00 : f32
    %logistic3A_1629 = vector.broadcast %logistic3A_1628 : f32 to vector<64x512xf32>
    %logistic3A_1630 = arith.addf %logistic3A_1629, %logistic3A_1627 : vector<64x512xf32>
    %logistic3A_1631 = arith.divf %logistic3A_1629, %logistic3A_1630 : vector<64x512xf32>
    %get3A_1632 = arith.constant 512 : i32
    %get3A_1633 = arith.constant 0 : i32
    %get3A_1634 = tpu.memref_slice %arg15[%get3A_1632, %get3A_1633] : memref<640x2048xbf16, #tpu.memory_space<vmem>> -> memref<64x2048xbf16, #tpu.memory_space<vmem>>
    %get3A_1635 = arith.constant 0 : index
    %get3A_1636 = arith.constant 1024 : index
    %get3A_1637 = vector.load %get3A_1634[%get3A_1635, %get3A_1636] : memref<64x2048xbf16, #tpu.memory_space<vmem>>, vector<64x512xbf16>
    %convert_element_type3A_1638 = arith.extf %get3A_1637 : vector<64x512xbf16> to vector<64x512xf32>
    %get3A_1639 = arith.constant 1024 : index
    %get3A_1640 = arith.constant 0 : index
    %get3A_1641 = vector.load %arg9[%get3A_1639, %get3A_1640] : memref<2048x512xbf16, #tpu.memory_space<vmem>>, vector<512x512xbf16>
    %dot_general3A_1642 = arith.constant dense<0.000000e+00> : vector<64x512xf32>
    %dot_general3A_1643 = tpu.matmul %convert_element_type3A_1593, %get3A_1641, %dot_general3A_1642 {dimension_numbers = #tpu.dot_dimension_numbers<[1], [1], [0], [0], [0, 0, 1, 0], [], []>, transpose_lhs_hint = false} : vector<64x512xbf16>, vector<512x512xbf16>, vector<64x512xf32> -> vector<64x512xf32>
    %add3A_1644 = arith.addf %convert_element_type3A_1638, %dot_general3A_1643 : vector<64x512xf32>
    %tanh3A_1645 = math.tanh %add3A_1644 : vector<64x512xf32>
    %get3A_1646 = arith.constant 512 : i32
    %get3A_1647 = arith.constant 0 : i32
    %get3A_1648 = tpu.memref_slice %arg15[%get3A_1646, %get3A_1647] : memref<640x2048xbf16, #tpu.memory_space<vmem>> -> memref<64x2048xbf16, #tpu.memory_space<vmem>>
    %get3A_1649 = arith.constant 0 : index
    %get3A_1650 = arith.constant 1536 : index
    %get3A_1651 = vector.load %get3A_1648[%get3A_1649, %get3A_1650] : memref<64x2048xbf16, #tpu.memory_space<vmem>>, vector<64x512xbf16>
    %convert_element_type3A_1652 = arith.extf %get3A_1651 : vector<64x512xbf16> to vector<64x512xf32>
    %get3A_1653 = arith.constant 1536 : index
    %get3A_1654 = arith.constant 0 : index
    %get3A_1655 = vector.load %arg9[%get3A_1653, %get3A_1654] : memref<2048x512xbf16, #tpu.memory_space<vmem>>, vector<512x512xbf16>
    %dot_general3A_1656 = arith.constant dense<0.000000e+00> : vector<64x512xf32>
    %dot_general3A_1657 = tpu.matmul %convert_element_type3A_1593, %get3A_1655, %dot_general3A_1656 {dimension_numbers = #tpu.dot_dimension_numbers<[1], [1], [0], [0], [0, 0, 1, 0], [], []>, transpose_lhs_hint = false} : vector<64x512xbf16>, vector<512x512xbf16>, vector<64x512xf32> -> vector<64x512xf32>
    %add3A_1658 = arith.addf %convert_element_type3A_1652, %dot_general3A_1657 : vector<64x512xf32>
    %logistic3A_1659 = arith.negf %add3A_1658 : vector<64x512xf32>
    %logistic3A_1660 = math.exp %logistic3A_1659 : vector<64x512xf32>
    %logistic3A_1661 = arith.constant 1.000000e+00 : f32
    %logistic3A_1662 = vector.broadcast %logistic3A_1661 : f32 to vector<64x512xf32>
    %logistic3A_1663 = arith.addf %logistic3A_1662, %logistic3A_1660 : vector<64x512xf32>
    %logistic3A_1664 = arith.divf %logistic3A_1662, %logistic3A_1663 : vector<64x512xf32>
    %get3A_1665 = arith.constant 0 : index
    %get3A_1666 = arith.constant 0 : index
    %get3A_1667 = vector.load %arg18[%get3A_1665, %get3A_1666] : memref<64x512xf32, #tpu.memory_space<vmem>>, vector<64x512xf32>
    %mul3A_1668 = arith.mulf %logistic3A_1631, %get3A_1667 : vector<64x512xf32>
    %mul3A_1669 = arith.mulf %logistic3A_1612, %tanh3A_1645 : vector<64x512xf32>
    %add3A_1670 = arith.addf %mul3A_1668, %mul3A_1669 : vector<64x512xf32>
    %tanh3A_1671 = math.tanh %add3A_1670 : vector<64x512xf32>
    %mul3A_1672 = arith.mulf %logistic3A_1664, %tanh3A_1671 : vector<64x512xf32>
    %swap3A_1673 = arith.constant 0 : index
    %swap3A_1674 = arith.constant 0 : index
    %swap3A_1675 = vector.load %arg18[%swap3A_1673, %swap3A_1674] : memref<64x512xf32, #tpu.memory_space<vmem>>, vector<64x512xf32>
    tpu.vector_store %arg18[%swap3A_1673, %swap3A_1674], %add3A_1670 {strides = array<i32>} : memref<64x512xf32, #tpu.memory_space<vmem>>, vector<64x512xf32>,
    %swap3A_1676 = arith.constant 0 : index
    %swap3A_1677 = arith.constant 0 : index
    %swap3A_1678 = vector.load %arg17[%swap3A_1676, %swap3A_1677] : memref<64x512xf32, #tpu.memory_space<vmem>>, vector<64x512xf32>
    tpu.vector_store %arg17[%swap3A_1676, %swap3A_1677], %mul3A_1672 {strides = array<i32>} : memref<64x512xf32, #tpu.memory_space<vmem>>, vector<64x512xf32>,
    %convert_element_type3A_1679 = arith.truncf %mul3A_1672 : vector<64x512xf32> to vector<64x512xbf16>
    %swap3A_1680 = arith.constant 8 : index
    %swap3A_1681 = arith.constant 0 : index
    %swap3A_1682 = arith.constant 0 : index
    %swap3A_1683 = vector.load %arg13[%swap3A_1680, %swap3A_1681, %swap3A_1682] : memref<10x64x512xbf16, #tpu.memory_space<vmem>>, vector<1x64x512xbf16>
    %swap3A_1684 = vector.shape_cast %swap3A_1683 : vector<1x64x512xbf16> to vector<64x512xbf16>
    %swap3A_1685 = vector.shape_cast %convert_element_type3A_1679 : vector<64x512xbf16> to vector<1x64x512xbf16>
    tpu.vector_store %arg13[%swap3A_1680, %swap3A_1681, %swap3A_1682], %swap3A_1685 {strides = array<i32>} : memref<10x64x512xbf16, #tpu.memory_space<vmem>>, vector<1x64x512xbf16>,
    %get3A_1686 = arith.constant 0 : index
    %get3A_1687 = arith.constant 0 : index
    %get3A_1688 = vector.load %arg19[%get3A_1686, %get3A_1687] : memref<64x512xf32, #tpu.memory_space<vmem>>, vector<64x512xf32>
    %convert_element_type3A_1689 = arith.truncf %get3A_1688 : vector<64x512xf32> to vector<64x512xbf16>
    %get3A_1690 = arith.constant 64 : i32
    %get3A_1691 = arith.constant 0 : i32
    %get3A_1692 = tpu.memref_slice %arg16[%get3A_1690, %get3A_1691] : memref<640x2048xbf16, #tpu.memory_space<vmem>> -> memref<64x2048xbf16, #tpu.memory_space<vmem>>
    %get3A_1693 = arith.constant 0 : index
    %get3A_1694 = arith.constant 0 : index
    %get3A_1695 = vector.load %get3A_1692[%get3A_1693, %get3A_1694] : memref<64x2048xbf16, #tpu.memory_space<vmem>>, vector<64x512xbf16>
    %convert_element_type3A_1696 = arith.extf %get3A_1695 : vector<64x512xbf16> to vector<64x512xf32>
    %get3A_1697 = arith.constant 0 : index
    %get3A_1698 = arith.constant 0 : index
    %get3A_1699 = vector.load %arg10[%get3A_1697, %get3A_1698] : memref<2048x512xbf16, #tpu.memory_space<vmem>>, vector<512x512xbf16>
    %dot_general3A_1700 = arith.constant dense<0.000000e+00> : vector<64x512xf32>
    %dot_general3A_1701 = tpu.matmul %convert_element_type3A_1689, %get3A_1699, %dot_general3A_1700 {dimension_numbers = #tpu.dot_dimension_numbers<[1], [1], [0], [0], [0, 0, 1, 0], [], []>, transpose_lhs_hint = false} : vector<64x512xbf16>, vector<512x512xbf16>, vector<64x512xf32> -> vector<64x512xf32>
    %add3A_1702 = arith.addf %convert_element_type3A_1696, %dot_general3A_1701 : vector<64x512xf32>
    %logistic3A_1703 = arith.negf %add3A_1702 : vector<64x512xf32>
    %logistic3A_1704 = math.exp %logistic3A_1703 : vector<64x512xf32>
    %logistic3A_1705 = arith.constant 1.000000e+00 : f32
    %logistic3A_1706 = vector.broadcast %logistic3A_1705 : f32 to vector<64x512xf32>
    %logistic3A_1707 = arith.addf %logistic3A_1706, %logistic3A_1704 : vector<64x512xf32>
    %logistic3A_1708 = arith.divf %logistic3A_1706, %logistic3A_1707 : vector<64x512xf32>
    %get3A_1709 = arith.constant 64 : i32
    %get3A_1710 = arith.constant 0 : i32
    %get3A_1711 = tpu.memref_slice %arg16[%get3A_1709, %get3A_1710] : memref<640x2048xbf16, #tpu.memory_space<vmem>> -> memref<64x2048xbf16, #tpu.memory_space<vmem>>
    %get3A_1712 = arith.constant 0 : index
    %get3A_1713 = arith.constant 512 : index
    %get3A_1714 = vector.load %get3A_1711[%get3A_1712, %get3A_1713] : memref<64x2048xbf16, #tpu.memory_space<vmem>>, vector<64x512xbf16>
    %convert_element_type3A_1715 = arith.extf %get3A_1714 : vector<64x512xbf16> to vector<64x512xf32>
    %get3A_1716 = arith.constant 512 : index
    %get3A_1717 = arith.constant 0 : index
    %get3A_1718 = vector.load %arg10[%get3A_1716, %get3A_1717] : memref<2048x512xbf16, #tpu.memory_space<vmem>>, vector<512x512xbf16>
    %dot_general3A_1719 = arith.constant dense<0.000000e+00> : vector<64x512xf32>
    %dot_general3A_1720 = tpu.matmul %convert_element_type3A_1689, %get3A_1718, %dot_general3A_1719 {dimension_numbers = #tpu.dot_dimension_numbers<[1], [1], [0], [0], [0, 0, 1, 0], [], []>, transpose_lhs_hint = false} : vector<64x512xbf16>, vector<512x512xbf16>, vector<64x512xf32> -> vector<64x512xf32>
    %add3A_1721 = arith.addf %convert_element_type3A_1715, %dot_general3A_1720 : vector<64x512xf32>
    %logistic3A_1722 = arith.negf %add3A_1721 : vector<64x512xf32>
    %logistic3A_1723 = math.exp %logistic3A_1722 : vector<64x512xf32>
    %logistic3A_1724 = arith.constant 1.000000e+00 : f32
    %logistic3A_1725 = vector.broadcast %logistic3A_1724 : f32 to vector<64x512xf32>
    %logistic3A_1726 = arith.addf %logistic3A_1725, %logistic3A_1723 : vector<64x512xf32>
    %logistic3A_1727 = arith.divf %logistic3A_1725, %logistic3A_1726 : vector<64x512xf32>
    %get3A_1728 = arith.constant 64 : i32
    %get3A_1729 = arith.constant 0 : i32
    %get3A_1730 = tpu.memref_slice %arg16[%get3A_1728, %get3A_1729] : memref<640x2048xbf16, #tpu.memory_space<vmem>> -> memref<64x2048xbf16, #tpu.memory_space<vmem>>
    %get3A_1731 = arith.constant 0 : index
    %get3A_1732 = arith.constant 1024 : index
    %get3A_1733 = vector.load %get3A_1730[%get3A_1731, %get3A_1732] : memref<64x2048xbf16, #tpu.memory_space<vmem>>, vector<64x512xbf16>
    %convert_element_type3A_1734 = arith.extf %get3A_1733 : vector<64x512xbf16> to vector<64x512xf32>
    %get3A_1735 = arith.constant 1024 : index
    %get3A_1736 = arith.constant 0 : index
    %get3A_1737 = vector.load %arg10[%get3A_1735, %get3A_1736] : memref<2048x512xbf16, #tpu.memory_space<vmem>>, vector<512x512xbf16>
    %dot_general3A_1738 = arith.constant dense<0.000000e+00> : vector<64x512xf32>
    %dot_general3A_1739 = tpu.matmul %convert_element_type3A_1689, %get3A_1737, %dot_general3A_1738 {dimension_numbers = #tpu.dot_dimension_numbers<[1], [1], [0], [0], [0, 0, 1, 0], [], []>, transpose_lhs_hint = false} : vector<64x512xbf16>, vector<512x512xbf16>, vector<64x512xf32> -> vector<64x512xf32>
    %add3A_1740 = arith.addf %convert_element_type3A_1734, %dot_general3A_1739 : vector<64x512xf32>
    %tanh3A_1741 = math.tanh %add3A_1740 : vector<64x512xf32>
    %get3A_1742 = arith.constant 64 : i32
    %get3A_1743 = arith.constant 0 : i32
    %get3A_1744 = tpu.memref_slice %arg16[%get3A_1742, %get3A_1743] : memref<640x2048xbf16, #tpu.memory_space<vmem>> -> memref<64x2048xbf16, #tpu.memory_space<vmem>>
    %get3A_1745 = arith.constant 0 : index
    %get3A_1746 = arith.constant 1536 : index
    %get3A_1747 = vector.load %get3A_1744[%get3A_1745, %get3A_1746] : memref<64x2048xbf16, #tpu.memory_space<vmem>>, vector<64x512xbf16>
    %convert_element_type3A_1748 = arith.extf %get3A_1747 : vector<64x512xbf16> to vector<64x512xf32>
    %get3A_1749 = arith.constant 1536 : index
    %get3A_1750 = arith.constant 0 : index
    %get3A_1751 = vector.load %arg10[%get3A_1749, %get3A_1750] : memref<2048x512xbf16, #tpu.memory_space<vmem>>, vector<512x512xbf16>
    %dot_general3A_1752 = arith.constant dense<0.000000e+00> : vector<64x512xf32>
    %dot_general3A_1753 = tpu.matmul %convert_element_type3A_1689, %get3A_1751, %dot_general3A_1752 {dimension_numbers = #tpu.dot_dimension_numbers<[1], [1], [0], [0], [0, 0, 1, 0], [], []>, transpose_lhs_hint = false} : vector<64x512xbf16>, vector<512x512xbf16>, vector<64x512xf32> -> vector<64x512xf32>
    %add3A_1754 = arith.addf %convert_element_type3A_1748, %dot_general3A_1753 : vector<64x512xf32>
    %logistic3A_1755 = arith.negf %add3A_1754 : vector<64x512xf32>
    %logistic3A_1756 = math.exp %logistic3A_1755 : vector<64x512xf32>
    %logistic3A_1757 = arith.constant 1.000000e+00 : f32
    %logistic3A_1758 = vector.broadcast %logistic3A_1757 : f32 to vector<64x512xf32>
    %logistic3A_1759 = arith.addf %logistic3A_1758, %logistic3A_1756 : vector<64x512xf32>
    %logistic3A_1760 = arith.divf %logistic3A_1758, %logistic3A_1759 : vector<64x512xf32>
    %get3A_1761 = arith.constant 0 : index
    %get3A_1762 = arith.constant 0 : index
    %get3A_1763 = vector.load %arg20[%get3A_1761, %get3A_1762] : memref<64x512xf32, #tpu.memory_space<vmem>>, vector<64x512xf32>
    %mul3A_1764 = arith.mulf %logistic3A_1727, %get3A_1763 : vector<64x512xf32>
    %mul3A_1765 = arith.mulf %logistic3A_1708, %tanh3A_1741 : vector<64x512xf32>
    %add3A_1766 = arith.addf %mul3A_1764, %mul3A_1765 : vector<64x512xf32>
    %tanh3A_1767 = math.tanh %add3A_1766 : vector<64x512xf32>
    %mul3A_1768 = arith.mulf %logistic3A_1760, %tanh3A_1767 : vector<64x512xf32>
    %swap3A_1769 = arith.constant 0 : index
    %swap3A_1770 = arith.constant 0 : index
    %swap3A_1771 = vector.load %arg20[%swap3A_1769, %swap3A_1770] : memref<64x512xf32, #tpu.memory_space<vmem>>, vector<64x512xf32>
    tpu.vector_store %arg20[%swap3A_1769, %swap3A_1770], %add3A_1766 {strides = array<i32>} : memref<64x512xf32, #tpu.memory_space<vmem>>, vector<64x512xf32>,
    %swap3A_1772 = arith.constant 0 : index
    %swap3A_1773 = arith.constant 0 : index
    %swap3A_1774 = vector.load %arg19[%swap3A_1772, %swap3A_1773] : memref<64x512xf32, #tpu.memory_space<vmem>>, vector<64x512xf32>
    tpu.vector_store %arg19[%swap3A_1772, %swap3A_1773], %mul3A_1768 {strides = array<i32>} : memref<64x512xf32, #tpu.memory_space<vmem>>, vector<64x512xf32>,
    %convert_element_type3A_1775 = arith.truncf %mul3A_1768 : vector<64x512xf32> to vector<64x512xbf16>
    %swap3A_1776 = arith.constant 1 : index
    %swap3A_1777 = arith.constant 0 : index
    %swap3A_1778 = arith.constant 0 : index
    %swap3A_1779 = vector.load %arg14[%swap3A_1776, %swap3A_1777, %swap3A_1778] : memref<10x64x512xbf16, #tpu.memory_space<vmem>>, vector<1x64x512xbf16>
    %swap3A_1780 = vector.shape_cast %swap3A_1779 : vector<1x64x512xbf16> to vector<64x512xbf16>
    %swap3A_1781 = vector.shape_cast %convert_element_type3A_1775 : vector<64x512xbf16> to vector<1x64x512xbf16>
    tpu.vector_store %arg14[%swap3A_1776, %swap3A_1777, %swap3A_1778], %swap3A_1781 {strides = array<i32>} : memref<10x64x512xbf16, #tpu.memory_space<vmem>>, vector<1x64x512xbf16>,
    %get3A_1782 = arith.constant 0 : index
    %get3A_1783 = arith.constant 0 : index
    %get3A_1784 = vector.load %arg17[%get3A_1782, %get3A_1783] : memref<64x512xf32, #tpu.memory_space<vmem>>, vector<64x512xf32>
    %convert_element_type3A_1785 = arith.truncf %get3A_1784 : vector<64x512xf32> to vector<64x512xbf16>
    %get3A_1786 = arith.constant 576 : i32
    %get3A_1787 = arith.constant 0 : i32
    %get3A_1788 = tpu.memref_slice %arg15[%get3A_1786, %get3A_1787] : memref<640x2048xbf16, #tpu.memory_space<vmem>> -> memref<64x2048xbf16, #tpu.memory_space<vmem>>
    %get3A_1789 = arith.constant 0 : index
    %get3A_1790 = arith.constant 0 : index
    %get3A_1791 = vector.load %get3A_1788[%get3A_1789, %get3A_1790] : memref<64x2048xbf16, #tpu.memory_space<vmem>>, vector<64x512xbf16>
    %convert_element_type3A_1792 = arith.extf %get3A_1791 : vector<64x512xbf16> to vector<64x512xf32>
    %get3A_1793 = arith.constant 0 : index
    %get3A_1794 = arith.constant 0 : index
    %get3A_1795 = vector.load %arg9[%get3A_1793, %get3A_1794] : memref<2048x512xbf16, #tpu.memory_space<vmem>>, vector<512x512xbf16>
    %dot_general3A_1796 = arith.constant dense<0.000000e+00> : vector<64x512xf32>
    %dot_general3A_1797 = tpu.matmul %convert_element_type3A_1785, %get3A_1795, %dot_general3A_1796 {dimension_numbers = #tpu.dot_dimension_numbers<[1], [1], [0], [0], [0, 0, 1, 0], [], []>, transpose_lhs_hint = false} : vector<64x512xbf16>, vector<512x512xbf16>, vector<64x512xf32> -> vector<64x512xf32>
    %add3A_1798 = arith.addf %convert_element_type3A_1792, %dot_general3A_1797 : vector<64x512xf32>
    %logistic3A_1799 = arith.negf %add3A_1798 : vector<64x512xf32>
    %logistic3A_1800 = math.exp %logistic3A_1799 : vector<64x512xf32>
    %logistic3A_1801 = arith.constant 1.000000e+00 : f32
    %logistic3A_1802 = vector.broadcast %logistic3A_1801 : f32 to vector<64x512xf32>
    %logistic3A_1803 = arith.addf %logistic3A_1802, %logistic3A_1800 : vector<64x512xf32>
    %logistic3A_1804 = arith.divf %logistic3A_1802, %logistic3A_1803 : vector<64x512xf32>
    %get3A_1805 = arith.constant 576 : i32
    %get3A_1806 = arith.constant 0 : i32
    %get3A_1807 = tpu.memref_slice %arg15[%get3A_1805, %get3A_1806] : memref<640x2048xbf16, #tpu.memory_space<vmem>> -> memref<64x2048xbf16, #tpu.memory_space<vmem>>
    %get3A_1808 = arith.constant 0 : index
    %get3A_1809 = arith.constant 512 : index
    %get3A_1810 = vector.load %get3A_1807[%get3A_1808, %get3A_1809] : memref<64x2048xbf16, #tpu.memory_space<vmem>>, vector<64x512xbf16>
    %convert_element_type3A_1811 = arith.extf %get3A_1810 : vector<64x512xbf16> to vector<64x512xf32>
    %get3A_1812 = arith.constant 512 : index
    %get3A_1813 = arith.constant 0 : index
    %get3A_1814 = vector.load %arg9[%get3A_1812, %get3A_1813] : memref<2048x512xbf16, #tpu.memory_space<vmem>>, vector<512x512xbf16>
    %dot_general3A_1815 = arith.constant dense<0.000000e+00> : vector<64x512xf32>
    %dot_general3A_1816 = tpu.matmul %convert_element_type3A_1785, %get3A_1814, %dot_general3A_1815 {dimension_numbers = #tpu.dot_dimension_numbers<[1], [1], [0], [0], [0, 0, 1, 0], [], []>, transpose_lhs_hint = false} : vector<64x512xbf16>, vector<512x512xbf16>, vector<64x512xf32> -> vector<64x512xf32>
    %add3A_1817 = arith.addf %convert_element_type3A_1811, %dot_general3A_1816 : vector<64x512xf32>
    %logistic3A_1818 = arith.negf %add3A_1817 : vector<64x512xf32>
    %logistic3A_1819 = math.exp %logistic3A_1818 : vector<64x512xf32>
    %logistic3A_1820 = arith.constant 1.000000e+00 : f32
    %logistic3A_1821 = vector.broadcast %logistic3A_1820 : f32 to vector<64x512xf32>
    %logistic3A_1822 = arith.addf %logistic3A_1821, %logistic3A_1819 : vector<64x512xf32>
    %logistic3A_1823 = arith.divf %logistic3A_1821, %logistic3A_1822 : vector<64x512xf32>
    %get3A_1824 = arith.constant 576 : i32
    %get3A_1825 = arith.constant 0 : i32
    %get3A_1826 = tpu.memref_slice %arg15[%get3A_1824, %get3A_1825] : memref<640x2048xbf16, #tpu.memory_space<vmem>> -> memref<64x2048xbf16, #tpu.memory_space<vmem>>
    %get3A_1827 = arith.constant 0 : index
    %get3A_1828 = arith.constant 1024 : index
    %get3A_1829 = vector.load %get3A_1826[%get3A_1827, %get3A_1828] : memref<64x2048xbf16, #tpu.memory_space<vmem>>, vector<64x512xbf16>
    %convert_element_type3A_1830 = arith.extf %get3A_1829 : vector<64x512xbf16> to vector<64x512xf32>
    %get3A_1831 = arith.constant 1024 : index
    %get3A_1832 = arith.constant 0 : index
    %get3A_1833 = vector.load %arg9[%get3A_1831, %get3A_1832] : memref<2048x512xbf16, #tpu.memory_space<vmem>>, vector<512x512xbf16>
    %dot_general3A_1834 = arith.constant dense<0.000000e+00> : vector<64x512xf32>
    %dot_general3A_1835 = tpu.matmul %convert_element_type3A_1785, %get3A_1833, %dot_general3A_1834 {dimension_numbers = #tpu.dot_dimension_numbers<[1], [1], [0], [0], [0, 0, 1, 0], [], []>, transpose_lhs_hint = false} : vector<64x512xbf16>, vector<512x512xbf16>, vector<64x512xf32> -> vector<64x512xf32>
    %add3A_1836 = arith.addf %convert_element_type3A_1830, %dot_general3A_1835 : vector<64x512xf32>
    %tanh3A_1837 = math.tanh %add3A_1836 : vector<64x512xf32>
    %get3A_1838 = arith.constant 576 : i32
    %get3A_1839 = arith.constant 0 : i32
    %get3A_1840 = tpu.memref_slice %arg15[%get3A_1838, %get3A_1839] : memref<640x2048xbf16, #tpu.memory_space<vmem>> -> memref<64x2048xbf16, #tpu.memory_space<vmem>>
    %get3A_1841 = arith.constant 0 : index
    %get3A_1842 = arith.constant 1536 : index
    %get3A_1843 = vector.load %get3A_1840[%get3A_1841, %get3A_1842] : memref<64x2048xbf16, #tpu.memory_space<vmem>>, vector<64x512xbf16>
    %convert_element_type3A_1844 = arith.extf %get3A_1843 : vector<64x512xbf16> to vector<64x512xf32>
    %get3A_1845 = arith.constant 1536 : index
    %get3A_1846 = arith.constant 0 : index
    %get3A_1847 = vector.load %arg9[%get3A_1845, %get3A_1846] : memref<2048x512xbf16, #tpu.memory_space<vmem>>, vector<512x512xbf16>
    %dot_general3A_1848 = arith.constant dense<0.000000e+00> : vector<64x512xf32>
    %dot_general3A_1849 = tpu.matmul %convert_element_type3A_1785, %get3A_1847, %dot_general3A_1848 {dimension_numbers = #tpu.dot_dimension_numbers<[1], [1], [0], [0], [0, 0, 1, 0], [], []>, transpose_lhs_hint = false} : vector<64x512xbf16>, vector<512x512xbf16>, vector<64x512xf32> -> vector<64x512xf32>
    %add3A_1850 = arith.addf %convert_element_type3A_1844, %dot_general3A_1849 : vector<64x512xf32>
    %logistic3A_1851 = arith.negf %add3A_1850 : vector<64x512xf32>
    %logistic3A_1852 = math.exp %logistic3A_1851 : vector<64x512xf32>
    %logistic3A_1853 = arith.constant 1.000000e+00 : f32
    %logistic3A_1854 = vector.broadcast %logistic3A_1853 : f32 to vector<64x512xf32>
    %logistic3A_1855 = arith.addf %logistic3A_1854, %logistic3A_1852 : vector<64x512xf32>
    %logistic3A_1856 = arith.divf %logistic3A_1854, %logistic3A_1855 : vector<64x512xf32>
    %get3A_1857 = arith.constant 0 : index
    %get3A_1858 = arith.constant 0 : index
    %get3A_1859 = vector.load %arg18[%get3A_1857, %get3A_1858] : memref<64x512xf32, #tpu.memory_space<vmem>>, vector<64x512xf32>
    %mul3A_1860 = arith.mulf %logistic3A_1823, %get3A_1859 : vector<64x512xf32>
    %mul3A_1861 = arith.mulf %logistic3A_1804, %tanh3A_1837 : vector<64x512xf32>
    %add3A_1862 = arith.addf %mul3A_1860, %mul3A_1861 : vector<64x512xf32>
    %tanh3A_1863 = math.tanh %add3A_1862 : vector<64x512xf32>
    %mul3A_1864 = arith.mulf %logistic3A_1856, %tanh3A_1863 : vector<64x512xf32>
    %swap3A_1865 = arith.constant 0 : index
    %swap3A_1866 = arith.constant 0 : index
    %swap3A_1867 = vector.load %arg18[%swap3A_1865, %swap3A_1866] : memref<64x512xf32, #tpu.memory_space<vmem>>, vector<64x512xf32>
    tpu.vector_store %arg18[%swap3A_1865, %swap3A_1866], %add3A_1862 {strides = array<i32>} : memref<64x512xf32, #tpu.memory_space<vmem>>, vector<64x512xf32>,
    %swap3A_1868 = arith.constant 0 : index
    %swap3A_1869 = arith.constant 0 : index
    %swap3A_1870 = vector.load %arg17[%swap3A_1868, %swap3A_1869] : memref<64x512xf32, #tpu.memory_space<vmem>>, vector<64x512xf32>
    tpu.vector_store %arg17[%swap3A_1868, %swap3A_1869], %mul3A_1864 {strides = array<i32>} : memref<64x512xf32, #tpu.memory_space<vmem>>, vector<64x512xf32>,
    %convert_element_type3A_1871 = arith.truncf %mul3A_1864 : vector<64x512xf32> to vector<64x512xbf16>
    %swap3A_1872 = arith.constant 9 : index
    %swap3A_1873 = arith.constant 0 : index
    %swap3A_1874 = arith.constant 0 : index
    %swap3A_1875 = vector.load %arg13[%swap3A_1872, %swap3A_1873, %swap3A_1874] : memref<10x64x512xbf16, #tpu.memory_space<vmem>>, vector<1x64x512xbf16>
    %swap3A_1876 = vector.shape_cast %swap3A_1875 : vector<1x64x512xbf16> to vector<64x512xbf16>
    %swap3A_1877 = vector.shape_cast %convert_element_type3A_1871 : vector<64x512xbf16> to vector<1x64x512xbf16>
    tpu.vector_store %arg13[%swap3A_1872, %swap3A_1873, %swap3A_1874], %swap3A_1877 {strides = array<i32>} : memref<10x64x512xbf16, #tpu.memory_space<vmem>>, vector<1x64x512xbf16>,
    %get3A_1878 = arith.constant 0 : index
    %get3A_1879 = arith.constant 0 : index
    %get3A_1880 = vector.load %arg19[%get3A_1878, %get3A_1879] : memref<64x512xf32, #tpu.memory_space<vmem>>, vector<64x512xf32>
    %convert_element_type3A_1881 = arith.truncf %get3A_1880 : vector<64x512xf32> to vector<64x512xbf16>
    %get3A_1882 = arith.constant 0 : i32
    %get3A_1883 = arith.constant 0 : i32
    %get3A_1884 = tpu.memref_slice %arg16[%get3A_1882, %get3A_1883] : memref<640x2048xbf16, #tpu.memory_space<vmem>> -> memref<64x2048xbf16, #tpu.memory_space<vmem>>
    %get3A_1885 = arith.constant 0 : index
    %get3A_1886 = arith.constant 0 : index
    %get3A_1887 = vector.load %get3A_1884[%get3A_1885, %get3A_1886] : memref<64x2048xbf16, #tpu.memory_space<vmem>>, vector<64x512xbf16>
    %convert_element_type3A_1888 = arith.extf %get3A_1887 : vector<64x512xbf16> to vector<64x512xf32>
    %get3A_1889 = arith.constant 0 : index
    %get3A_1890 = arith.constant 0 : index
    %get3A_1891 = vector.load %arg10[%get3A_1889, %get3A_1890] : memref<2048x512xbf16, #tpu.memory_space<vmem>>, vector<512x512xbf16>
    %dot_general3A_1892 = arith.constant dense<0.000000e+00> : vector<64x512xf32>
    %dot_general3A_1893 = tpu.matmul %convert_element_type3A_1881, %get3A_1891, %dot_general3A_1892 {dimension_numbers = #tpu.dot_dimension_numbers<[1], [1], [0], [0], [0, 0, 1, 0], [], []>, transpose_lhs_hint = false} : vector<64x512xbf16>, vector<512x512xbf16>, vector<64x512xf32> -> vector<64x512xf32>
    %add3A_1894 = arith.addf %convert_element_type3A_1888, %dot_general3A_1893 : vector<64x512xf32>
    %logistic3A_1895 = arith.negf %add3A_1894 : vector<64x512xf32>
    %logistic3A_1896 = math.exp %logistic3A_1895 : vector<64x512xf32>
    %logistic3A_1897 = arith.constant 1.000000e+00 : f32
    %logistic3A_1898 = vector.broadcast %logistic3A_1897 : f32 to vector<64x512xf32>
    %logistic3A_1899 = arith.addf %logistic3A_1898, %logistic3A_1896 : vector<64x512xf32>
    %logistic3A_1900 = arith.divf %logistic3A_1898, %logistic3A_1899 : vector<64x512xf32>
    %get3A_1901 = arith.constant 0 : i32
    %get3A_1902 = arith.constant 0 : i32
    %get3A_1903 = tpu.memref_slice %arg16[%get3A_1901, %get3A_1902] : memref<640x2048xbf16, #tpu.memory_space<vmem>> -> memref<64x2048xbf16, #tpu.memory_space<vmem>>
    %get3A_1904 = arith.constant 0 : index
    %get3A_1905 = arith.constant 512 : index
    %get3A_1906 = vector.load %get3A_1903[%get3A_1904, %get3A_1905] : memref<64x2048xbf16, #tpu.memory_space<vmem>>, vector<64x512xbf16>
    %convert_element_type3A_1907 = arith.extf %get3A_1906 : vector<64x512xbf16> to vector<64x512xf32>
    %get3A_1908 = arith.constant 512 : index
    %get3A_1909 = arith.constant 0 : index
    %get3A_1910 = vector.load %arg10[%get3A_1908, %get3A_1909] : memref<2048x512xbf16, #tpu.memory_space<vmem>>, vector<512x512xbf16>
    %dot_general3A_1911 = arith.constant dense<0.000000e+00> : vector<64x512xf32>
    %dot_general3A_1912 = tpu.matmul %convert_element_type3A_1881, %get3A_1910, %dot_general3A_1911 {dimension_numbers = #tpu.dot_dimension_numbers<[1], [1], [0], [0], [0, 0, 1, 0], [], []>, transpose_lhs_hint = false} : vector<64x512xbf16>, vector<512x512xbf16>, vector<64x512xf32> -> vector<64x512xf32>
    %add3A_1913 = arith.addf %convert_element_type3A_1907, %dot_general3A_1912 : vector<64x512xf32>
    %logistic3A_1914 = arith.negf %add3A_1913 : vector<64x512xf32>
    %logistic3A_1915 = math.exp %logistic3A_1914 : vector<64x512xf32>
    %logistic3A_1916 = arith.constant 1.000000e+00 : f32
    %logistic3A_1917 = vector.broadcast %logistic3A_1916 : f32 to vector<64x512xf32>
    %logistic3A_1918 = arith.addf %logistic3A_1917, %logistic3A_1915 : vector<64x512xf32>
    %logistic3A_1919 = arith.divf %logistic3A_1917, %logistic3A_1918 : vector<64x512xf32>
    %get3A_1920 = arith.constant 0 : i32
    %get3A_1921 = arith.constant 0 : i32
    %get3A_1922 = tpu.memref_slice %arg16[%get3A_1920, %get3A_1921] : memref<640x2048xbf16, #tpu.memory_space<vmem>> -> memref<64x2048xbf16, #tpu.memory_space<vmem>>
    %get3A_1923 = arith.constant 0 : index
    %get3A_1924 = arith.constant 1024 : index
    %get3A_1925 = vector.load %get3A_1922[%get3A_1923, %get3A_1924] : memref<64x2048xbf16, #tpu.memory_space<vmem>>, vector<64x512xbf16>
    %convert_element_type3A_1926 = arith.extf %get3A_1925 : vector<64x512xbf16> to vector<64x512xf32>
    %get3A_1927 = arith.constant 1024 : index
    %get3A_1928 = arith.constant 0 : index
    %get3A_1929 = vector.load %arg10[%get3A_1927, %get3A_1928] : memref<2048x512xbf16, #tpu.memory_space<vmem>>, vector<512x512xbf16>
    %dot_general3A_1930 = arith.constant dense<0.000000e+00> : vector<64x512xf32>
    %dot_general3A_1931 = tpu.matmul %convert_element_type3A_1881, %get3A_1929, %dot_general3A_1930 {dimension_numbers = #tpu.dot_dimension_numbers<[1], [1], [0], [0], [0, 0, 1, 0], [], []>, transpose_lhs_hint = false} : vector<64x512xbf16>, vector<512x512xbf16>, vector<64x512xf32> -> vector<64x512xf32>
    %add3A_1932 = arith.addf %convert_element_type3A_1926, %dot_general3A_1931 : vector<64x512xf32>
    %tanh3A_1933 = math.tanh %add3A_1932 : vector<64x512xf32>
    %get3A_1934 = arith.constant 0 : i32
    %get3A_1935 = arith.constant 0 : i32
    %get3A_1936 = tpu.memref_slice %arg16[%get3A_1934, %get3A_1935] : memref<640x2048xbf16, #tpu.memory_space<vmem>> -> memref<64x2048xbf16, #tpu.memory_space<vmem>>
    %get3A_1937 = arith.constant 0 : index
    %get3A_1938 = arith.constant 1536 : index
    %get3A_1939 = vector.load %get3A_1936[%get3A_1937, %get3A_1938] : memref<64x2048xbf16, #tpu.memory_space<vmem>>, vector<64x512xbf16>
    %convert_element_type3A_1940 = arith.extf %get3A_1939 : vector<64x512xbf16> to vector<64x512xf32>
    %get3A_1941 = arith.constant 1536 : index
    %get3A_1942 = arith.constant 0 : index
    %get3A_1943 = vector.load %arg10[%get3A_1941, %get3A_1942] : memref<2048x512xbf16, #tpu.memory_space<vmem>>, vector<512x512xbf16>
    %dot_general3A_1944 = arith.constant dense<0.000000e+00> : vector<64x512xf32>
    %dot_general3A_1945 = tpu.matmul %convert_element_type3A_1881, %get3A_1943, %dot_general3A_1944 {dimension_numbers = #tpu.dot_dimension_numbers<[1], [1], [0], [0], [0, 0, 1, 0], [], []>, transpose_lhs_hint = false} : vector<64x512xbf16>, vector<512x512xbf16>, vector<64x512xf32> -> vector<64x512xf32>
    %add3A_1946 = arith.addf %convert_element_type3A_1940, %dot_general3A_1945 : vector<64x512xf32>
    %logistic3A_1947 = arith.negf %add3A_1946 : vector<64x512xf32>
    %logistic3A_1948 = math.exp %logistic3A_1947 : vector<64x512xf32>
    %logistic3A_1949 = arith.constant 1.000000e+00 : f32
    %logistic3A_1950 = vector.broadcast %logistic3A_1949 : f32 to vector<64x512xf32>
    %logistic3A_1951 = arith.addf %logistic3A_1950, %logistic3A_1948 : vector<64x512xf32>
    %logistic3A_1952 = arith.divf %logistic3A_1950, %logistic3A_1951 : vector<64x512xf32>
    %get3A_1953 = arith.constant 0 : index
    %get3A_1954 = arith.constant 0 : index
    %get3A_1955 = vector.load %arg20[%get3A_1953, %get3A_1954] : memref<64x512xf32, #tpu.memory_space<vmem>>, vector<64x512xf32>
    %mul3A_1956 = arith.mulf %logistic3A_1919, %get3A_1955 : vector<64x512xf32>
    %mul3A_1957 = arith.mulf %logistic3A_1900, %tanh3A_1933 : vector<64x512xf32>
    %add3A_1958 = arith.addf %mul3A_1956, %mul3A_1957 : vector<64x512xf32>
    %tanh3A_1959 = math.tanh %add3A_1958 : vector<64x512xf32>
    %mul3A_1960 = arith.mulf %logistic3A_1952, %tanh3A_1959 : vector<64x512xf32>
    %swap3A_1961 = arith.constant 0 : index
    %swap3A_1962 = arith.constant 0 : index
    %swap3A_1963 = vector.load %arg20[%swap3A_1961, %swap3A_1962] : memref<64x512xf32, #tpu.memory_space<vmem>>, vector<64x512xf32>
    tpu.vector_store %arg20[%swap3A_1961, %swap3A_1962], %add3A_1958 {strides = array<i32>} : memref<64x512xf32, #tpu.memory_space<vmem>>, vector<64x512xf32>,
    %swap3A_1964 = arith.constant 0 : index
    %swap3A_1965 = arith.constant 0 : index
    %swap3A_1966 = vector.load %arg19[%swap3A_1964, %swap3A_1965] : memref<64x512xf32, #tpu.memory_space<vmem>>, vector<64x512xf32>
    tpu.vector_store %arg19[%swap3A_1964, %swap3A_1965], %mul3A_1960 {strides = array<i32>} : memref<64x512xf32, #tpu.memory_space<vmem>>, vector<64x512xf32>,
    %convert_element_type3A_1967 = arith.truncf %mul3A_1960 : vector<64x512xf32> to vector<64x512xbf16>
    %swap3A_1968 = arith.constant 0 : index
    %swap3A_1969 = arith.constant 0 : index
    %swap3A_1970 = arith.constant 0 : index
    %swap3A_1971 = vector.load %arg14[%swap3A_1968, %swap3A_1969, %swap3A_1970] : memref<10x64x512xbf16, #tpu.memory_space<vmem>>, vector<1x64x512xbf16>
    %swap3A_1972 = vector.shape_cast %swap3A_1971 : vector<1x64x512xbf16> to vector<64x512xbf16>
    %swap3A_1973 = vector.shape_cast %convert_element_type3A_1967 : vector<64x512xbf16> to vector<1x64x512xbf16>
    tpu.vector_store %arg14[%swap3A_1968, %swap3A_1969, %swap3A_1970], %swap3A_1973 {strides = array<i32>} : memref<10x64x512xbf16, #tpu.memory_space<vmem>>, vector<1x64x512xbf16>,
    return
  }
  func.func @transform_0(%arg0: i32) -> (i32, i32, i32) {
    %c0_i32 = arith.constant 0 : i32
    %c0_i32_0 = arith.constant 0 : i32
    %c0_i32_1 = arith.constant 0 : i32
    return %arg0, %c0_i32, %c0_i32_0 : i32, i32, i32
  }
  func.func @transform_1(%arg0: i32) -> (i32, i32, i32) {
    %c0_i32 = arith.constant 0 : i32
    %c0_i32_0 = arith.constant 0 : i32
    %c0_i32_1 = arith.constant 0 : i32
    return %arg0, %c0_i32, %c0_i32_0 : i32, i32, i32
  }
  func.func @transform_2(%arg0: i32) -> (i32, i32, i32) {
    %sub3A = arith.constant 19 : i32
    %sub3A_0 = arith.subi %sub3A, %arg0 : i32
    %c0_i32 = arith.constant 0 : i32
    %c0_i32_1 = arith.constant 0 : i32
    %c0_i32_2 = arith.constant 0 : i32
    return %sub3A_0, %c0_i32, %c0_i32_1 : i32, i32, i32
  }
  func.func @transform_3(%arg0: i32) -> (i32, i32, i32) {
    %sub3A = arith.constant 19 : i32
    %sub3A_0 = arith.subi %sub3A, %arg0 : i32
    %c0_i32 = arith.constant 0 : i32
    %c0_i32_1 = arith.constant 0 : i32
    %c0_i32_2 = arith.constant 0 : i32
    return %sub3A_0, %c0_i32, %c0_i32_1 : i32, i32, i32
  }
  func.func @transform_4(%arg0: i32) -> (i32, i32) {
    %c0_i32 = arith.constant 0 : i32
    %c0_i32_0 = arith.constant 0 : i32
    %c0_i32_1 = arith.constant 0 : i32
    return %c0_i32, %c0_i32_0 : i32, i32
  }
  func.func @transform_5(%arg0: i32) -> (i32, i32) {
    %c0_i32 = arith.constant 0 : i32
    %c0_i32_0 = arith.constant 0 : i32
    %c0_i32_1 = arith.constant 0 : i32
    return %c0_i32, %c0_i32_0 : i32, i32
  }
  func.func @transform_6(%arg0: i32) -> (i32, i32) {
    %c0_i32 = arith.constant 0 : i32
    %c0_i32_0 = arith.constant 0 : i32
    %c0_i32_1 = arith.constant 0 : i32
    return %c0_i32, %c0_i32_0 : i32, i32
  }
  func.func @transform_7(%arg0: i32) -> (i32, i32) {
    %c0_i32 = arith.constant 0 : i32
    %c0_i32_0 = arith.constant 0 : i32
    %c0_i32_1 = arith.constant 0 : i32
    return %c0_i32, %c0_i32_0 : i32, i32
  }
  func.func @transform_8(%arg0: i32) -> (i32, i32) {
    %c0_i32 = arith.constant 0 : i32
    %c0_i32_0 = arith.constant 0 : i32
    %c0_i32_1 = arith.constant 0 : i32
    return %c0_i32, %c0_i32_0 : i32, i32
  }
  func.func @transform_9(%arg0: i32) -> (i32, i32) {
    %c0_i32 = arith.constant 0 : i32
    %c0_i32_0 = arith.constant 0 : i32
    %c0_i32_1 = arith.constant 0 : i32
    return %c0_i32, %c0_i32_0 : i32, i32
  }
  func.func @transform_10(%arg0: i32) -> (i32, i32) {
    %c0_i32 = arith.constant 0 : i32
    %c0_i32_0 = arith.constant 0 : i32
    %c0_i32_1 = arith.constant 0 : i32
    return %c0_i32, %c0_i32_0 : i32, i32
  }
  func.func @transform_11(%arg0: i32) -> (i32, i32) {
    %c0_i32 = arith.constant 0 : i32
    %c0_i32_0 = arith.constant 0 : i32
    %c0_i32_1 = arith.constant 0 : i32
    return %c0_i32, %c0_i32_0 : i32, i32
  }
  func.func @transform_12(%arg0: i32) -> (i32, i32, i32) {
    %c0_i32 = arith.constant 0 : i32
    %c0_i32_0 = arith.constant 0 : i32
    %c0_i32_1 = arith.constant 0 : i32
    return %arg0, %c0_i32, %c0_i32_0 : i32, i32, i32
  }
  func.func @transform_13(%arg0: i32) -> (i32, i32, i32) {
    %sub3A = arith.constant 19 : i32
    %sub3A_0 = arith.subi %sub3A, %arg0 : i32
    %c0_i32 = arith.constant 0 : i32
    %c0_i32_1 = arith.constant 0 : i32
    %c0_i32_2 = arith.constant 0 : i32
    return %sub3A_0, %c0_i32, %c0_i32_1 : i32, i32, i32
  }
}

module attributes {stable_mosaic.version = 14 : i64} {
  func.func @_attn_body(%arg0: i32, %arg1: memref<200x16x512xbf16, #tpu.memory_space<vmem>>, %arg2: memref<200x16x512xbf16, #tpu.memory_space<vmem>>, %arg3: memref<1x1024xf32, #tpu.memory_space<vmem>>, %arg4: memref<1x1xf32, #tpu.memory_space<vmem>>, %arg5: memref<2x1024xf32, #tpu.memory_space<vmem>>, %arg6: memref<1x2xf32, #tpu.memory_space<vmem>>, %arg7: memref<16x2xf32, #tpu.memory_space<vmem>>, %arg8: memref<16x200xf32, #tpu.memory_space<vmem>>) attributes {dimension_semantics = [#tpu.dimension_semantics<parallel>], iteration_bounds = array<i64: 4>, scalar_prefetch = 0 : i64, scratch_operands = 0 : i64, tpu.core_type = #tpu.core_type<tc>, window_params = [{transform_indices = @transform_0, window_bounds = array<i64: 200, 16, 512>}, {transform_indices = @transform_1, window_bounds = array<i64: 200, 16, 512>}, {pipeline_mode = #tpu.pipeline_mode<synchronous>, transform_indices = @transform_2, window_bounds = array<i64: 1, 1024>}, {pipeline_mode = #tpu.pipeline_mode<synchronous>, transform_indices = @transform_3, window_bounds = array<i64: 1, 1>}, {pipeline_mode = #tpu.pipeline_mode<synchronous>, transform_indices = @transform_4, window_bounds = array<i64: 2, 1024>}, {pipeline_mode = #tpu.pipeline_mode<synchronous>, transform_indices = @transform_5, window_bounds = array<i64: 1, 2>}, {transform_indices = @transform_6, window_bounds = array<i64: 16, 2>}, {transform_indices = @transform_7, window_bounds = array<i64: 16, 200>}]} {
    %get3A = arith.constant 0 : index
    %get3A_0 = arith.constant 0 : index
    %get3A_1 = arith.constant 0 : index
    %get3A_2 = vector.load %arg1[%get3A, %get3A_0, %get3A_1] : memref<200x16x512xbf16, #tpu.memory_space<vmem>>, vector<200x16x512xbf16>
    %convert_element_type3A = arith.extf %get3A_2 : vector<200x16x512xbf16> to vector<200x16x512xf32>
    %get3A_3 = arith.constant 0 : index
    %get3A_4 = arith.constant 0 : index
    %get3A_5 = arith.constant 0 : index
    %get3A_6 = vector.load %arg2[%get3A_3, %get3A_4, %get3A_5] : memref<200x16x512xbf16, #tpu.memory_space<vmem>>, vector<200x16x512xbf16>
    %convert_element_type3A_7 = arith.extf %get3A_6 : vector<200x16x512xbf16> to vector<200x16x512xf32>
    %get3A_8 = arith.constant 0 : index
    %get3A_9 = arith.constant 0 : index
    %get3A_10 = vector.load %arg3[%get3A_8, %get3A_9] : memref<1x1024xf32, #tpu.memory_space<vmem>>, vector<1x1024xf32>
    %reshape3A = vector.shape_cast %convert_element_type3A : vector<200x16x512xf32> to vector<3200x512xf32>
    %slice3A = vector.extract_strided_slice %get3A_10 {offsets = [0, 0], sizes = [1, 512], strides = [1, 1]} : vector<1x1024xf32> to vector<1x512xf32>
    %transpose3A = tpu.transpose %slice3A, [1, 0] : vector<1x512xf32> -> vector<512x1xf32>
    %dot_general3A = arith.constant dense<0.000000e+00> : vector<3200x1xf32>
    %dot_general3A_11 = tpu.matmul %reshape3A, %transpose3A, %dot_general3A {dimension_numbers = #tpu.dot_dimension_numbers<[1], [0], [0], [1], [0, 0, 1, 1], [], []>, transpose_lhs_hint = false} : vector<3200x512xf32>, vector<512x1xf32>, vector<3200x1xf32> -> vector<3200x1xf32>
    %reshape3A_12 = vector.shape_cast %convert_element_type3A_7 : vector<200x16x512xf32> to vector<3200x512xf32>
    %slice3A_13 = vector.extract_strided_slice %get3A_10 {offsets = [0, 512], sizes = [1, 512], strides = [1, 1]} : vector<1x1024xf32> to vector<1x512xf32>
    %transpose3A_14 = tpu.transpose %slice3A_13, [1, 0] : vector<1x512xf32> -> vector<512x1xf32>
    %dot_general3A_15 = arith.constant dense<0.000000e+00> : vector<3200x1xf32>
    %dot_general3A_16 = tpu.matmul %reshape3A_12, %transpose3A_14, %dot_general3A_15 {dimension_numbers = #tpu.dot_dimension_numbers<[1], [0], [0], [1], [0, 0, 1, 1], [], []>, transpose_lhs_hint = false} : vector<3200x512xf32>, vector<512x1xf32>, vector<3200x1xf32> -> vector<3200x1xf32>
    %add3A = arith.addf %dot_general3A_11, %dot_general3A_16 : vector<3200x1xf32>
    %reshape3A_17 = vector.shape_cast %add3A : vector<3200x1xf32> to vector<200x16xf32>
    %get3A_18 = arith.constant 0 : index
    %get3A_19 = arith.constant 0 : index
    %get3A_20 = vector.load %arg4[%get3A_18, %get3A_19] : memref<1x1xf32, #tpu.memory_space<vmem>>, vector<1x1xf32>
    %get3A_21 = vector.extract %get3A_20[0, 0] : f32 from vector<1x1xf32>
    %add3A_22 = vector.broadcast %get3A_21 : f32 to vector<200x16xf32>
    %add3A_23 = arith.addf %reshape3A_17, %add3A_22 : vector<200x16xf32>
    %reduce_max3A = arith.constant dense<0xFF800000> : vector<16xf32>
    %reduce_max3A_24 = vector.multi_reduction <maximumf>, %add3A_23, %reduce_max3A [0] : vector<200x16xf32> to vector<16xf32>
    %broadcast_in_dim3A = vector.shape_cast %reduce_max3A_24 : vector<16xf32> to vector<1x16xf32>
    %sub3A = vector.broadcast %broadcast_in_dim3A : vector<1x16xf32> to vector<200x16xf32>
    %sub3A_25 = arith.subf %add3A_23, %sub3A : vector<200x16xf32>
    %exp3A = math.exp %sub3A_25 : vector<200x16xf32>
    %reduce_sum3A = arith.constant dense<0.000000e+00> : vector<16xf32>
    %reduce_sum3A_26 = vector.multi_reduction <add>, %exp3A, %reduce_sum3A [0] : vector<200x16xf32> to vector<16xf32>
    %broadcast_in_dim3A_27 = vector.shape_cast %reduce_sum3A_26 : vector<16xf32> to vector<1x16xf32>
    %div3A = vector.broadcast %broadcast_in_dim3A_27 : vector<1x16xf32> to vector<200x16xf32>
    %div3A_28 = arith.divf %exp3A, %div3A : vector<200x16xf32>
    %transpose3A_29 = tpu.transpose %div3A_28, [1, 0] : vector<200x16xf32> -> vector<16x200xf32>
    %swap3A = arith.constant 0 : index
    %swap3A_30 = arith.constant 0 : index
    %swap3A_31 = vector.load %arg8[%swap3A, %swap3A_30] : memref<16x200xf32, #tpu.memory_space<vmem>>, vector<16x200xf32>
    tpu.vector_store %arg8[%swap3A, %swap3A_30], %transpose3A_29 {strides = array<i32>} : memref<16x200xf32, #tpu.memory_space<vmem>>, vector<16x200xf32>,
    %broadcast_in_dim3A_32 = vector.shape_cast %div3A_28 : vector<200x16xf32> to vector<200x16x1xf32>
    %mul3A = vector.broadcast %broadcast_in_dim3A_32 : vector<200x16x1xf32> to vector<200x16x512xf32>
    %mul3A_33 = arith.mulf %mul3A, %convert_element_type3A : vector<200x16x512xf32>
    %reduce_sum3A_34 = arith.constant dense<0.000000e+00> : vector<16x512xf32>
    %reduce_sum3A_35 = vector.multi_reduction <add>, %mul3A_33, %reduce_sum3A_34 [0] : vector<200x16x512xf32> to vector<16x512xf32>
    %broadcast_in_dim3A_36 = vector.shape_cast %div3A_28 : vector<200x16xf32> to vector<200x16x1xf32>
    %mul3A_37 = vector.broadcast %broadcast_in_dim3A_36 : vector<200x16x1xf32> to vector<200x16x512xf32>
    %mul3A_38 = arith.mulf %mul3A_37, %convert_element_type3A_7 : vector<200x16x512xf32>
    %reduce_sum3A_39 = arith.constant dense<0.000000e+00> : vector<16x512xf32>
    %reduce_sum3A_40 = vector.multi_reduction <add>, %mul3A_38, %reduce_sum3A_39 [0] : vector<200x16x512xf32> to vector<16x512xf32>
    %get3A_41 = arith.constant 0 : index
    %get3A_42 = arith.constant 0 : index
    %get3A_43 = vector.load %arg5[%get3A_41, %get3A_42] : memref<2x1024xf32, #tpu.memory_space<vmem>>, vector<2x1024xf32>
    %slice3A_44 = vector.extract_strided_slice %get3A_43 {offsets = [0, 0], sizes = [2, 512], strides = [1, 1]} : vector<2x1024xf32> to vector<2x512xf32>
    %transpose3A_45 = tpu.transpose %slice3A_44, [1, 0] : vector<2x512xf32> -> vector<512x2xf32>
    %dot_general3A_46 = arith.constant dense<0.000000e+00> : vector<16x2xf32>
    %dot_general3A_47 = tpu.matmul %reduce_sum3A_35, %transpose3A_45, %dot_general3A_46 {dimension_numbers = #tpu.dot_dimension_numbers<[1], [0], [0], [1], [0, 0, 1, 1], [], []>, transpose_lhs_hint = false} : vector<16x512xf32>, vector<512x2xf32>, vector<16x2xf32> -> vector<16x2xf32>
    %slice3A_48 = vector.extract_strided_slice %get3A_43 {offsets = [0, 512], sizes = [2, 512], strides = [1, 1]} : vector<2x1024xf32> to vector<2x512xf32>
    %transpose3A_49 = tpu.transpose %slice3A_48, [1, 0] : vector<2x512xf32> -> vector<512x2xf32>
    %dot_general3A_50 = arith.constant dense<0.000000e+00> : vector<16x2xf32>
    %dot_general3A_51 = tpu.matmul %reduce_sum3A_40, %transpose3A_49, %dot_general3A_50 {dimension_numbers = #tpu.dot_dimension_numbers<[1], [0], [0], [1], [0, 0, 1, 1], [], []>, transpose_lhs_hint = false} : vector<16x512xf32>, vector<512x2xf32>, vector<16x2xf32> -> vector<16x2xf32>
    %add3A_52 = arith.addf %dot_general3A_47, %dot_general3A_51 : vector<16x2xf32>
    %get3A_53 = arith.constant 0 : index
    %get3A_54 = arith.constant 0 : index
    %get3A_55 = vector.load %arg6[%get3A_53, %get3A_54] : memref<1x2xf32, #tpu.memory_space<vmem>>, vector<1x2xf32>
    %add3A_56 = vector.broadcast %get3A_55 : vector<1x2xf32> to vector<16x2xf32>
    %add3A_57 = arith.addf %add3A_52, %add3A_56 : vector<16x2xf32>
    %swap3A_58 = arith.constant 0 : index
    %swap3A_59 = arith.constant 0 : index
    %swap3A_60 = vector.load %arg7[%swap3A_58, %swap3A_59] : memref<16x2xf32, #tpu.memory_space<vmem>>, vector<16x2xf32>
    tpu.vector_store %arg7[%swap3A_58, %swap3A_59], %add3A_57 {strides = array<i32>} : memref<16x2xf32, #tpu.memory_space<vmem>>, vector<16x2xf32>,
    return
  }
  func.func @transform_0(%arg0: i32) -> (i32, i32, i32) {
    %c0_i32 = arith.constant 0 : i32
    %c0_i32_0 = arith.constant 0 : i32
    %c0_i32_1 = arith.constant 0 : i32
    return %c0_i32, %arg0, %c0_i32_0 : i32, i32, i32
  }
  func.func @transform_1(%arg0: i32) -> (i32, i32, i32) {
    %c0_i32 = arith.constant 0 : i32
    %c0_i32_0 = arith.constant 0 : i32
    %c0_i32_1 = arith.constant 0 : i32
    return %c0_i32, %arg0, %c0_i32_0 : i32, i32, i32
  }
  func.func @transform_2(%arg0: i32) -> (i32, i32) {
    %c0_i32 = arith.constant 0 : i32
    %c0_i32_0 = arith.constant 0 : i32
    %c0_i32_1 = arith.constant 0 : i32
    return %c0_i32, %c0_i32_0 : i32, i32
  }
  func.func @transform_3(%arg0: i32) -> (i32, i32) {
    %c0_i32 = arith.constant 0 : i32
    %c0_i32_0 = arith.constant 0 : i32
    %c0_i32_1 = arith.constant 0 : i32
    return %c0_i32, %c0_i32_0 : i32, i32
  }
  func.func @transform_4(%arg0: i32) -> (i32, i32) {
    %c0_i32 = arith.constant 0 : i32
    %c0_i32_0 = arith.constant 0 : i32
    %c0_i32_1 = arith.constant 0 : i32
    return %c0_i32, %c0_i32_0 : i32, i32
  }
  func.func @transform_5(%arg0: i32) -> (i32, i32) {
    %c0_i32 = arith.constant 0 : i32
    %c0_i32_0 = arith.constant 0 : i32
    %c0_i32_1 = arith.constant 0 : i32
    return %c0_i32, %c0_i32_0 : i32, i32
  }
  func.func @transform_6(%arg0: i32) -> (i32, i32) {
    %c0_i32 = arith.constant 0 : i32
    %c0_i32_0 = arith.constant 0 : i32
    return %arg0, %c0_i32 : i32, i32
  }
  func.func @transform_7(%arg0: i32) -> (i32, i32) {
    %c0_i32 = arith.constant 0 : i32
    %c0_i32_0 = arith.constant 0 : i32
    return %arg0, %c0_i32 : i32, i32
  }
}

</mosaic_0001>

<sc_bundles>
// kernel: kernel.6.cloned.1.call-start
scs
__scs_entry_jumppad:
0x0: {  	(pc) =	sbr.rel $0x88, $3  }
0x1: {  	(tag) =	ssettag $0x0;
	lr =	simm.s32 $0x1  }
0x2: {  	[smem:$0x3F8B] =	sst lr;
	_ =	strace $0xD0000000  }
0x3: {  	_ = 	snop  }
0x4: {  	_ = 	snop  }
0x5: {  	_ = 	snop  }
0x6: {  	_ = 	snop  }
0x7: {  	_ = 	snop  }
__scs_overlays_trampoline_lowered:
0x8: {  	[smem:$0x3F9A] =	sst s0  }
0x9: {  	[smem:$0x3F9B] =	sst s1  }
0xa: {  	[smem:$0x3F9C] =	sst s2  }
0xb: {  	[smem:$0x3F9D] =	sst s3  }
0xc: {  	[smem:$0x3F9E] =	sst s4  }
0xd: {  	[smem:$0x3F9F] =	sst s5  }
0xe: {  	[smem:$0x3FA0] =	sst s6  }
0xf: {  	[smem:$0x3FA1] =	sst s7  }
0x10: {  	[smem:$0x3FA2] =	sst s8  }
0x11: {  	[smem:$0x3FA3] =	sst s9;
	s0 =	simm.s32 @!p0 $0x0  }
0x12: {  	s1 =	sld [smem:$0x3F89];
	s0 =	simm.s32 @p0 $0x1  }
0x13: {  	[smem:$0x3FA4] =	sst s0;
	s0 =	simm.s32 @!p1 $0x0  }
0x14: {  	s2 =	sld [smem:$0x3F88];
	s0 =	simm.s32 @p1 $0x1  }
0x15: {  	[smem:$0x3FA5] =	sst s0;
	s0 =	simm.s32 @!p2 $0x0  }
0x16: {  	s3 =	sld [smem:$0x3FDB];
	s0 =	simm.s32 @p2 $0x1  }
0x17: {  	s4 =	simm.s32 $0x1BF5;
	[smem:$0x3FA7] =	sst s0  }
0x18: {  	s0 =	sld [smem:$0x3F8A];
	_ =	swait.ge [sflag:s4], $0x0  }
0x19: {  	s7 =	sld [smem:$0x3F8B]  }
0x1a: {  	s8 =	sadd.s32 $0xFFFFE003, lr  }
0x1b: {  	s9 =	sadd.s32 $0xFFFFFEF7, lr;
	s5 =	simm.s32 $0xFFFFFFFF;
	p2 =	slt.u32 s8, $0xFFFFF086  }
0x1c: {  	p1 =	slt.u32 s9, $0xF7A;
	s5 =	simm.s32 @!p2 $0x0  }
0x1d: {  	s5 =	simm.s32 @p1 $0x1;
	p0 =	seq.s32 s7, s2  }
0x1e: {  	s7 =	smul.u32 @!p0 $0xF7A, s2;
	p2 =	seq.s32 @!p0 s5, $0x0  }
0x1f: {  	s9 =	smul.u32 $0xF7A, s1;
	s8 =	simm.s32 @!p0 $0x1BF5;
	p2 =	por !p2, p0  }
0x20: {  	[sflag:s8] =	ssyncset.s32 @!p0 $0xFFFFF086;
	s6 =	sadd.s32 @!p0 s3, s7;
	s7 =	simm.s32 @!p0 $0x108  }
0x21: {  	s3 =	sadd.s32 s3, s9;
	s6 =	sadd.s32 @!p0 $0x88, s6;
	s7 =	simm.s32 @p2 $0x1082  }
0x22: {  	[simem:s7], [sflag:s8] =	dma.local @!p0 [hbm:s6], $0xF7A  }
0x23: {  	s9 =	sor.u32 $0xD0000000, s2;
	s6 =	simm.s32 $0x108;
	_ =	swait.ge @!p0 [sflag:s8], $0x0  }
0x24: {  	s3 =	sadd.s32 $0x88, s3;
	s6 =	simm.s32 @!p1 $0x1082;
	[sflag:s4] =	ssyncset.s32 $0xFFFFF086  }
0x25: {  	[simem:s6], [sflag:s4] =	dma.local [hbm:s3], $0xF7A  }
0x26: {  	[smem:$0x3F8B] =	sst s1;
	(tag) =	ssettag s2;
	_ =	strace s9  }
0x27: {  	s1 =	sld [smem:$0x3F9B]  }
0x28: {  	s2 =	sld [smem:$0x3F9C]  }
0x29: {  	s4 =	sld [smem:$0x3F9E]  }
0x2a: {  	p0 =	seq.s32 s5, $0x0;
	s5 =	sld [smem:$0x3F9F]  }
0x2b: {  	s6 =	sld [smem:$0x3FA0]  }
0x2c: {  	s7 =	sld [smem:$0x3FA1]  }
0x2d: {  	s3 =	simm.s32 $0x108;
	s8 =	sld [smem:$0x3FA2]  }
0x2e: {  	s3 =	simm.s32 @!p0 $0x1082;
	s9 =	sld [smem:$0x3FA3]  }
0x2f: {  	lr =	sadd.s32 s0, s3;
	s0 =	sld [smem:$0x3F9A]  }
0x30: {  	s3 =	sld [smem:$0x3F9D]  }
0x31: {  	[smem:$0x3FA6] =	sst s10  }
0x32: {  	s10 =	sld [smem:$0x3FA4];
	_ =	sdelay $0x3  }
0x33: {  	p0 =	seq.s32 s10, $0x1;
	s10 =	sld [smem:$0x3FA6];
	_ =	sdelay $0x3  }
0x34: {  	[smem:$0x3FA6] =	sst s10  }
0x35: {  	s10 =	sld [smem:$0x3FA5];
	_ =	sdelay $0x3  }
0x36: {  	p1 =	seq.s32 s10, $0x1;
	s10 =	sld [smem:$0x3FA6];
	_ =	sdelay $0x3  }
0x37: {  	[smem:$0x3FA6] =	sst s10  }
0x38: {  	s10 =	sld [smem:$0x3FA7]  }
0x39: {  	_ = 	snop;
	(pc) =	sbr.ind lr, $3  }
0x3a: {  	_ = 	snop  }
0x3b: {  	_ = 	snop  }
0x3c: {  	p2 =	seq.s32 s10, $0x1;
	s10 =	sld [smem:$0x3FA6]  }
0x3d: {  	_ =	shalt  }
0x3e: {  	_ =	shalt  }
0x3f: {  	_ =	shalt  }
0x40: {  	_ =	shalt  }
0x41: {  	_ =	shalt  }
0x42: {  	_ =	shalt  }
0x43: {  	_ =	shalt  }
0x44: {  	_ =	shalt  }
0x45: {  	_ =	shalt  }
0x46: {  	_ =	shalt  }
0x47: {  	_ =	shalt  }
0x48: {  	_ =	shalt  }
0x49: {  	_ =	shalt  }
0x4a: {  	_ =	shalt  }
0x4b: {  	_ =	shalt  }
0x4c: {  	_ =	shalt  }
0x4d: {  	_ =	shalt  }
0x4e: {  	_ =	shalt  }
0x4f: {  	_ =	shalt  }
0x50: {  	_ =	shalt  }
0x51: {  	_ =	shalt  }
0x52: {  	_ =	shalt  }
0x53: {  	_ =	shalt  }
0x54: {  	_ =	shalt  }
0x55: {  	_ =	shalt  }
0x56: {  	_ =	shalt  }
0x57: {  	_ =	shalt  }
0x58: {  	_ =	shalt  }
0x59: {  	_ =	shalt  }
0x5a: {  	_ =	shalt  }
0x5b: {  	_ =	shalt  }
0x5c: {  	_ =	shalt  }
0x5d: {  	_ =	shalt  }
0x5e: {  	_ =	shalt  }
0x5f: {  	_ =	shalt  }
0x60: {  	_ =	shalt  }
0x61: {  	_ =	shalt  }
0x62: {  	_ =	shalt  }
0x63: {  	_ =	shalt  }
0x64: {  	_ =	shalt  }
0x65: {  	_ =	shalt  }
0x66: {  	_ =	shalt  }
0x67: {  	_ =	shalt  }
0x68: {  	_ =	shalt  }
0x69: {  	_ =	shalt  }
0x6a: {  	_ =	shalt  }
0x6b: {  	_ =	shalt  }
0x6c: {  	_ =	shalt  }
0x6d: {  	_ =	shalt  }
0x6e: {  	_ =	shalt  }
0x6f: {  	_ =	shalt  }
0x70: {  	_ =	shalt  }
0x71: {  	_ =	shalt  }
0x72: {  	_ =	shalt  }
0x73: {  	_ =	shalt  }
0x74: {  	_ =	shalt  }
0x75: {  	_ =	shalt  }
0x76: {  	_ =	shalt  }
0x77: {  	_ =	shalt  }
0x78: {  	_ =	shalt  }
0x79: {  	_ =	shalt  }
0x7a: {  	_ =	shalt  }
0x7b: {  	_ =	shalt  }
0x7c: {  	_ =	shalt  }
0x7d: {  	_ =	shalt  }
0x7e: {  	_ =	shalt  }
0x7f: {  	_ =	shalt  }
0x80: {  	_ =	shalt  }
0x81: {  	_ =	shalt  }
0x82: {  	_ =	shalt  }
0x83: {  	_ =	shalt  }
0x84: {  	_ =	shalt  }
0x85: {  	_ =	shalt  }
0x86: {  	_ =	shalt  }
0x87: {  	_ =	shalt  }
.Lfunc_end0:
.L_simem_size_0:
called_computation_lowered:
.L_overlay_start_0:
0x88: {  	s2 =	sld [smem:$0x3FD9]  }
0x89: {  	s3 =	sld [smem:$0x3FFE];
	_ =	sdelay $0x1  }
0x8a: {  	s1 =	srdreg.scid  }
0x8b: {  	s0 =	sand.u32 $0x1, s1  }
0x8c: {  	s14 =	sshll.u32 s0, $0xA;
	s2 =	sadd.s32 s3, s2  }
0x8d: {  	s2 =	sadd.s32 s2, s14  }
0x8e: {  	[smem:$0x3FB2] =	sst s2  }
0x8f: {  	_ = 	snop  }
0x90: {  	s2 =	sld [smem:$0x3FD0];
	_ =	sdelay $0x2  }
0x91: {  	s4 =	simm.s32 $0xA;
	s5 =	simm.s32 $0x10;
	s15 =	sld [smem:$0x3FB8]  }
0x92: {  	[smem:s5], [sflag:s4] =	dma.local [hbm:s2], $0x1  }
0x93: {  	_ =	swait.eq [sflag:s4], $0x1  }
0x94: {  	[sflag:s4] =	ssyncset.done $0x0  }
0x95: {  	[sflag:s4] =	ssyncadd.s32 $0xFFFFFFFF  }
0x96: {  	s16 =	sld [smem:$0x11];
	(tm) =	ssettm $0x1  }
0x97: {  	s17 =	sld [smem:$0x3FFB];
	_ =	sdelay $0x3  }
0x98: {  	_ =	strace s17  }
0x99: {  	s4 =	sld [smem:$0x3FFC];
	_ =	sdelay $0x3  }
0x9a: {  	_ =	strace s4  }
0x9b: {  	s4 =	sld [smem:$0x3FFD];
	_ =	sdelay $0x3  }
0x9c: {  	_ =	strace s4  }
0x9d: {  	_ =	strace $0x8FFFFFFF  }
0x9e: {  	s18 =	sld [smem:$0x3FDB];
	_ =	sdelay $0x1  }
0x9f: {  	s19 =	simm.s32 $_scs_section_size  }
0xa0: {  	s6 =	simm.s32 $_size__tile_overlayer_lowered;
	s7 =	simm.s32 $_tile_overlayer_lowered  }
0xa1: {  	s22 =	simm.s32 $0x1BFF;
	s21 =	sshll.u32 s7, $0x1;
	s4 =	sadd.s32 s19, s18  }
0xa2: {  	s8 =	simm.s32 $0x0;
	s20 =	sshll.u32 s6, $0x1;
	s6 =	sadd.s32 s21, s4  }
0xa3: {  	[timem:s8], [sflag:s22] =	dma.local [hbm:s6], s20  }
0xa4: {  	_ =	swait.ge [sflag:s22], s20  }
0xa5: {  	s5 =	ssub.s32 $0x0, s20;
	[sflag:s22] =	ssyncset.done $0x0  }
0xa6: {  	[sflag:s22] =	ssyncadd.s32 s5;
	_ =	sdelay $0x1  }
0xa7: {  	s23 =	simm.s32 $0x1B8B  }
0xa8: {  	_ =	swait.ge [sflag:s23], $0x1  }
0xa9: {  	[sflag:s23] =	ssyncset.done $0x0  }
0xaa: {  	s25 =	simm.s32 $0x1B8E;
	s24 =	sld [smem:$0x3FFE];
	[sflag:s23] =	ssyncadd.s32 $0xFFFFFFFF  }
0xab: {  	s26 =	simm.s32 $execute0_lowered;
	[smem:$0x3FD2] =	sst s25  }
0xac: {  	s6 =	sshll.u32 s26, $0x1;
	_ =	strace $0x80000046;
	[dreg:$0x1] =	wrdreg $0xFFFFFFFF  }
0xad: {  	s28 =	simm.s32 $_size_execute0_lowered;
	s4 =	sadd.s32 s4, s6;
	[dreg:$0x0] =	wrdreg $0x0  }
0xae: {  	s6 =	sshll.u32 s28, $0x1;
	[dreg:$0x2] =	wrdreg s4  }
0xaf: {  	[dreg:$0x3] =	wrdreg s6  }
0xb0: {  	[dreg:$0x4] =	wrdreg $0xC0  }
0xb1: {  	_ =	task [dreg:s8], $0x5FFFF  }
0xb2: {  	[dreg:$0x1] =	wrdreg $0xFFFFFFFF  }
0xb3: {  	[dreg:$0x0] =	wrdreg $0x60  }
0xb4: {  	[dreg:$0x2] =	wrdreg s15  }
0xb5: {  	[dreg:$0x3] =	wrdreg s16  }
0xb6: {  	[dreg:$0x4] =	wrdreg s24  }
0xb7: {  	[dreg:$0x5] =	wrdreg $0x9  }
0xb8: {  	_ =	task.clear_ibuf [dreg:s8], $0x6FFFF;
	_ =	strace $0x90000046  }
0xb9: {  	s29 =	simm.s32 $0x9;
	_ =	strace $0x80000048  }
0xba: {  	_ =	swait.ge [sflag:s29], $0x1  }
0xbb: {  	[sflag:s29] =	ssyncadd.s32 $0xFFFFFFFF  }
0xbc: {  	_ =	strace $0x90000048  }
0xbd: {  	_ =	sfence  }
0xbe: {  	s30 =	sld [smem:$0x0];
	_ =	sdelay $0x2  }
0xbf: {  	s31 =	sshll.u32 s1, $0xD;
	s1 =	sshrl.u32 s1, $0x2  }
0xc0: {  	s3 =	sand.u32 $0x4000, s31;
	s1 =	sadd.s32 s1, s30  }
0xc1: {  	s0 =	sor.u32 s3, s0;
	s1 =	sshll.u32 s1, $0x11  }
0xc2: {  	s0 =	sor.u32 s1, s0  }
0xc3: {  	s0 =	sadd.s32 $0x8F2B, s0  }
0xc4: {  	[sflag:s0] =	ssyncadd.remote.s32 $0x1  }
0xc5: {  	_ =	sfence.sel $0xFFFF  }
0xc6: {  	[dreg:$0x0] =	wrdreg $0xFFFFFFFF;
	(pc) =	sbr.abs _section_cstart, $3  }
0xc7: {  	[dreg:$0x1] =	wrdreg $0xFFFFFFFF  }
0xc8: {  	_ =	task.clear_ibuf [dreg:s8], $0x2FFFF;
	_ =	strace $0x9FFFFFFF  }
0xc9: {  	(tm) =	ssettm $0x7FFFFFFF  }
tec
execute0_lowered:
.L_overlay_start_1:
0x0: {  	(tag) =	ssettag $0x1  }
0x1: {  	s1 =	rddreg [dreg:$0x0]  }
0x2: {  	s2 =	srdreg.scid;
	s0 =	stileid.u32  }
0x3: {  	s4 =	rddreg [dreg:$0x1];
	s6 =	sand.u32 $0x1, s2;
	s30 =	sshll.u32 s0, $0x1  }
0x4: {  	s9 =	rddreg [dreg:$0x2];
	s3 =	simm.s32 $0x0;
	s7 =	sor.u32 s6, s30  }
0x5: {  	s8 =	simm.s32 $0x1;
	[smem:$0x7FF] =	sst s3;
	s5 =	smul.u32 $0x32, s7  }
0x6: {  	s2 =	rddreg [dreg:$0x3];
	_ =	strace $0x80000047;
	s11 =	ssub.s32 $0x2, s6  }
0x7: {  	s6 =	simm.s32 $0x190;
	s5 =	sadd.s32 s4, s5;
	s4 =	simm.s32 $0x2  }
0x8: {  	[tilespmem:s3], [sflag:$0x2] =	stream.linear.gather [hbm4b:s5+s3], $0x190, $0x38;
	[tilespmem:$0xCA00] =	vst v63  }
0x9: {  	s10 =	smul.u32 $0x1900, s7;
	s12 =	sshrl.u32 s11, $0x1;
	_ =	swait.ge [sflag:s4], $0x190  }
0xa: {  	s7 =	simm.s32 $0x200;
	s31 =	ssub.s32 s11, s12;
	[sflag:s4] =	ssyncset.done $0x0  }
0xb: {  	s9 =	sadd.s32 s10, s9;
	s10 =	smax.u32 s31, $0x1;
	[sflag:s4] =	ssyncadd.s32 $0xFFFFFE70  }
0xc: {  	[tilespmem:s7], [sflag:$0x1] =	stream.indirect.gather [hbm4b:s1+s6], $0x80, s3, s6, $0xb8;
	[tilespmem:$0xCA00] =	vst v63  }
0xd: {  	p0 =	sne.s32 s10, $0x1;
	_ =	swait.ge [sflag:s8], $0xC800  }
.Ltmp0:
0xe: {  	[sflag:s8] =	ssyncset.done $0x0;
	(pc) =	sbr.rel @!p0 .LBB2_2-.Ltmp0, $4  }
0xf: {  	s9 =	sadd.s32 $0x3800, s9;
	[sflag:s8] =	ssyncadd.s32 $0xFFFF3800  }
0x10: {  	[hbm4b:s9+s3] =	stream.linear.scatter [tilespmem:s7], [sflag:$0x2], $0xC800, $0x38;
	[tilespmem:$0xCA00] =	vst v63  }
0x11: {  	_ =	swait.ge [sflag:s4], $0xC800  }
0x12: {  	s10 =	sadd.s32 $0xFFFFFFFF, s10;
	[sflag:s4] =	ssyncset.done $0x0  }
.LBB2_1:
0x13: {  	p0 =	sne.s32 s10, $0x1;
	s10 =	sadd.s32 $0xFFFFFFFF, s10;
	[sflag:s4] =	ssyncadd.s32 $0xFFFF3800  }
0x14: {  	[tilespmem:s3], [sflag:$0x2] =	stream.linear.gather [hbm4b:s5+s3], $0x190, $0x38;
	[tilespmem:$0xCA00] =	vst v63  }
0x15: {  	_ =	swait.ge [sflag:s4], $0x190  }
0x16: {  	[sflag:s4] =	ssyncset.done $0x0  }
0x17: {  	[sflag:s4] =	ssyncadd.s32 $0xFFFFFE70  }
0x18: {  	[tilespmem:s7], [sflag:$0x1] =	stream.indirect.gather [hbm4b:s1+s6], $0x80, s3, s6, $0xb8;
	[tilespmem:$0xCA00] =	vst v63  }
0x19: {  	_ =	swait.ge [sflag:s8], $0xC800  }
.Ltmp1:
0x1a: {  	[sflag:s8] =	ssyncset.done $0x0;
	(pc) =	sbr.rel @p0 .LBB2_1-.Ltmp1, $4  }
0x1b: {  	[sflag:s8] =	ssyncadd.s32 $0xFFFF3800  }
0x1c: {  	[hbm4b:s9+s3] =	stream.linear.scatter [tilespmem:s7], [sflag:$0x2], $0xC800, $0x38;
	[tilespmem:$0xCA00] =	vst v63  }
0x1d: {  	_ =	swait.ge [sflag:s4], $0xC800  }
0x1e: {  	[sflag:s4] =	ssyncset.done $0x0  }
.LBB2_2:
0x1f: {  	[sflag:s4] =	ssyncadd.s32 $0xFFFF3800  }
0x20: {  	_ =	sfence.sel $0x180000  }
0x21: {  	[bflag:$0x0] =	sbarrier.arrive $0xFFFF  }
0x22: {  	p0 =	sne.s32 s0, $0x0;
	_ =	strace $0x90000047  }
0x23: {  	s0 =	sadd.s32 @!p0 $0x100000, s2;
	[bflag:$0x2] =	sbarrier.arrive $0xFFFF  }
0x24: {  	[sflag:s0] =	ssyncadd.tile.s32 @!p0 $0x1;
	_ =	shalt  }
.Lfunc_end2:
_tile_overlayer_lowered:
.L_overlay_start_2:
0x25: {  	(tag) =	ssettag $0x2  }
0x26: {  	s0 =	rddreg [dreg:$0x0];
	s2 =	stileid.u32  }
0x27: {  	s1 =	rddreg [dreg:$0x1];
	p0 =	sne.s32 s2, $0x0  }
0x28: {  	s3 =	rddreg [dreg:$0x2];
	[bflag:$0x3] =	sbarrier.arrive $0xFFFF;
	s2 =	simm.s32 @!p0 $0x1C02  }
0x29: {  	[timem:s3], [sflag:s2] =	dma.local @!p0 [hbm:s0], s1  }
0x2a: {  	s0 =	simm.s32 @!p0 $0x2  }
0x2b: {  	_ =	swait.ge @!p0 [sflag:s0], s1  }
0x2c: {  	s1 =	ssub.s32 @!p0 $0x0, s1;
	[sflag:s0] =	ssyncset.done @!p0 $0x0  }
0x2d: {  	[sflag:s0] =	ssyncadd.s32 @!p0 s1  }
0x2e: {  	[bflag:$0x3] =	sbarrier.arrive $0xFFFF  }
0x2f: {  	_ =	shalt  }

</sc_bundles>
